<compile_context>
chip_gen: v7x
topology: tpu7x:2x2x1
jax: 0.10.2.dev20260603
libtpu: 0.0.44.dev20260713+nightly
codegen_flags: <defaults>
</compile_context>

<pallas_src>
import functools

import jax
import jax.numpy as jnp
from jax import lax
from jax.experimental import pallas as pl
from jax.experimental.pallas import tpu as pltpu
from jax.experimental.pallas import tpu_sc as plsc

N = 10000
E = 160000
F = 256
HF = 128
NCLS = 64
NC = 2
NS = 16
ROWS_PER_TILE = N // NS
K = 40
EDGES_PER_TILE = E // NS
DEG_EDGES_PER_TILE = E // (NC * NS)
KD = 40
NCH = EDGES_PER_TILE // K
NCHD = DEG_EDGES_PER_TILE // KD
NBUF = 5
RB = 2000

_mesh = plsc.VectorSubcoreMesh(core_axis_name="c", subcore_axis_name="s")
_sc_params = pltpu.CompilerParams(use_tc_tiling_on_sc=False)



@functools.partial(
    pl.kernel,
    out_type=jax.ShapeDtypeStruct((NC, N, 16), jnp.float32),
    mesh=_mesh,
    compiler_params=_sc_params,
    scratch_types=[
        pltpu.VMEM_SHARED((N, 16), jnp.float32),
        pltpu.VMEM((25, 16), jnp.float32),
        pltpu.VMEM((KD, 16), jnp.float32),
        pltpu.VMEM((NCHD, KD), jnp.int32),
        pltpu.SemaphoreType.DMA,
    ],
)
def _deg_kernel(dst_hbm, out_hbm, cnt_sh, zbuf, ones_v, didx2, dsem):
    c = lax.axis_index("c")
    s = lax.axis_index("s")
    w = c * NS + s

    def fill_zero(i, carry):
        zbuf[i, :] = jnp.zeros((16,), jnp.float32)
        return carry

    lax.fori_loop(0, 25, fill_zero, 0)

    def fill_one(i, carry):
        ones_v[i, :] = jnp.ones((16,), jnp.float32)
        return carry

    lax.fori_loop(0, KD, fill_one, 0)

    row0 = s * ROWS_PER_TILE

    def zero_out(i, carry):
        pltpu.sync_copy(zbuf, cnt_sh.at[pl.ds(row0 + i * 25, 25)])
        return carry

    lax.fori_loop(0, ROWS_PER_TILE // 25, zero_out, 0)
    plsc.subcore_barrier()

    base = w * DEG_EDGES_PER_TILE

    def ldx(i, carry):
        pltpu.async_copy(dst_hbm.at[pl.ds(base + i * KD, KD)],
                         didx2.at[i], dsem)
        return carry

    lax.fori_loop(0, NCHD, ldx, 0)

    def ldx_drain(i, carry):
        pltpu.make_async_copy(dst_hbm.at[pl.ds(base, KD)],
                              didx2.at[0], dsem).wait()
        return carry

    lax.fori_loop(0, NCHD, ldx_drain, 0)

    def fire(i, carry):
        pltpu.async_copy(ones_v, cnt_sh.at[didx2.at[i]], dsem, add=True)
        return carry

    lax.fori_loop(0, NCHD, fire, 0)

    def drain(i, carry):
        pltpu.make_async_copy(ones_v, cnt_sh.at[didx2.at[0]], dsem).wait()
        return carry

    lax.fori_loop(0, NCHD, drain, 0)
    plsc.subcore_barrier()

    pltpu.sync_copy(cnt_sh.at[pl.ds(row0, ROWS_PER_TILE)],
                    out_hbm.at[c, pl.ds(row0, ROWS_PER_TILE)])


@functools.partial(
    pl.kernel,
    out_type=jax.ShapeDtypeStruct((2 * N, HF), jnp.float32),
    mesh=_mesh,
    compiler_params=_sc_params,
    scratch_types=[
        pltpu.VMEM_SHARED((N, HF), jnp.float32),
        *([pltpu.VMEM((2, K), jnp.int32)] * (2 * NBUF)),
        *([pltpu.VMEM((K,), jnp.int32)] * (2 * NBUF)),
        *([pltpu.VMEM((K, HF), jnp.float32)] * NBUF),
        *([pltpu.SemaphoreType.DMA] * (4 * NBUF)),
    ],
)
def _scatter_kernel(hs_hbm, ei_hbm, out_hbm, acc_sh, *ring):
    IB = 2 * NBUF
    sds = ring[:IB]
    gis = ring[IB:2 * IB]
    gbufs = ring[2 * IB:2 * IB + NBUF]
    isems = ring[2 * IB + NBUF:3 * IB + NBUF]
    gsems = ring[3 * IB + NBUF:3 * IB + 2 * NBUF]
    ssems = ring[3 * IB + 2 * NBUF:]
    c = lax.axis_index("c")
    s = lax.axis_index("s")
    row0 = s * ROWS_PER_TILE
    half = c * N

    init_cp = pltpu.async_copy(hs_hbm.at[pl.ds(half + row0, ROWS_PER_TILE)],
                               acc_sh.at[pl.ds(row0, ROWS_PER_TILE)],
                               isems[0])
    ebase = s * EDGES_PER_TILE
    windows = sorted({min(j * 16, K - 16) for j in range((K + 15) // 16)})

    def ld_idx(chunk, q):
        nb = ebase + chunk * K
        pltpu.async_copy(ei_hbm.at[:, pl.ds(nb, K)], sds[q], isems[q])

    def wait_idx(q):
        pltpu.make_async_copy(ei_hbm.at[:, pl.ds(ebase, K)],
                              sds[q], isems[q]).wait()

    def wait_scatter(b, q):
        pltpu.make_async_copy(gbufs[b], acc_sh.at[sds[q].at[1]],
                              ssems[b]).wait()

    for q in range(1, IB):
        ld_idx(q, q)
    init_cp.wait()
    ld_idx(0, 0)
    plsc.subcore_barrier()

    def outer(t, carry):
        for p in (0, 1):
            gd = []
            for b in range(NBUF):
                q = p * NBUF + b
                wait_idx(q)
                for w0 in windows:
                    gis[q][pl.ds(w0, 16)] = sds[q][0, pl.ds(w0, 16)] + half
                pq = (1 - p) * NBUF + b
                if p == 1:
                    wait_scatter(b, pq)
                else:
                    @pl.when(t > 0)
                    def _():
                        wait_scatter(b, pq)
                gd.append(pltpu.async_copy(hs_hbm.at[gis[q]], gbufs[b],
                                           gsems[b]))
            for b in range(NBUF):
                q = p * NBUF + b
                gd[b].wait()
                pltpu.async_copy(gbufs[b], acc_sh.at[sds[q].at[1]], ssems[b],
                                 add=True)
                pq = (1 - p) * NBUF + b
                nxt = (2 * t + p + 1) * NBUF + b
                if p == 0:
                    @pl.when(jnp.logical_and(t > 0, nxt < NCH))
                    def _():
                        ld_idx(nxt, pq)
                else:
                    @pl.when(nxt < NCH)
                    def _():
                        ld_idx(nxt, pq)
        return carry

    lax.fori_loop(0, NCH // (2 * NBUF), outer, 0)
    for b in range(NBUF):
        wait_scatter(b, NBUF + b)
    plsc.subcore_barrier()

    pltpu.sync_copy(acc_sh.at[pl.ds(row0, ROWS_PER_TILE)],
                    out_hbm.at[pl.ds(half + row0, ROWS_PER_TILE)])



def _dinv_of(dw_ref):
    return lax.rsqrt(dw_ref[0][:, 0:1] + dw_ref[1][:, 0:1] + 1.0)


_dw_spec = pl.BlockSpec((NC, RB, 16), lambda i: (0, i, 0))


def _mm1_body(x_ref, w_ref, dw_ref, o_ref):
    y = jnp.dot(x_ref[...], w_ref[...], preferred_element_type=jnp.float32)
    y = y * _dinv_of(dw_ref)
    o_ref[0] = y[:, :HF]
    o_ref[1] = y[:, HF:]


_mm1_call = pl.pallas_call(
    _mm1_body,
    grid=(N // RB,),
    in_specs=[
        pl.BlockSpec((RB, F), lambda i: (i, 0)),
        pl.BlockSpec((F, F), lambda i: (0, 0)),
        _dw_spec,
    ],
    out_specs=pl.BlockSpec((NC, RB, HF), lambda i: (0, i, 0)),
    out_shape=jax.ShapeDtypeStruct((NC, N, HF), jnp.float32),
)


def _mid_body(agg_ref, dw_ref, b_ref, w_ref, o_ref):
    dinv = _dinv_of(dw_ref)
    h = jnp.concatenate([agg_ref[0], agg_ref[1]], axis=1) * dinv + b_ref[...]
    y = jnp.dot(h, w_ref[...], preferred_element_type=jnp.float32) * dinv
    o_ref[0] = y[:, :HF]
    o_ref[1] = y[:, HF:]


_mid_call = pl.pallas_call(
    _mid_body,
    grid=(N // RB,),
    in_specs=[
        pl.BlockSpec((NC, RB, HF), lambda i: (0, i, 0)),
        _dw_spec,
        pl.BlockSpec((1, F), lambda i: (0, 0)),
        pl.BlockSpec((F, F), lambda i: (0, 0)),
    ],
    out_specs=pl.BlockSpec((NC, RB, HF), lambda i: (0, i, 0)),
    out_shape=jax.ShapeDtypeStruct((NC, N, HF), jnp.float32),
)


def _fin_body(agg_ref, dw_ref, b_ref, fcw_ref, fcb_ref, h_ref, o_ref):
    h = (jnp.concatenate([agg_ref[0], agg_ref[1]], axis=1) * _dinv_of(dw_ref)
         + b_ref[...])
    h_ref[...] = h
    o_ref[...] = lax.dot_general(
        h, fcw_ref[...], (((1,), (1,)), ((), ())),
        preferred_element_type=jnp.float32) + fcb_ref[...]


_fin_call = pl.pallas_call(
    _fin_body,
    grid=(N // RB,),
    in_specs=[
        pl.BlockSpec((NC, RB, HF), lambda i: (0, i, 0)),
        _dw_spec,
        pl.BlockSpec((1, F), lambda i: (0, 0)),
        pl.BlockSpec((NCLS, F), lambda i: (0, 0)),
        pl.BlockSpec((1, NCLS), lambda i: (0, 0)),
    ],
    out_specs=[
        pl.BlockSpec((RB, F), lambda i: (i, 0)),
        pl.BlockSpec((RB, NCLS), lambda i: (i, 0)),
    ],
    out_shape=[
        jax.ShapeDtypeStruct((N, F), jnp.float32),
        jax.ShapeDtypeStruct((N, NCLS), jnp.float32),
    ],
)


def kernel(x, edge_index, W1, b1, W2, b2, W3, b3, fcW, fcb):
    dst = edge_index[1]
    dw = _deg_kernel(dst)
    hs = _mm1_call(x, W1, dw).reshape(2 * N, HF)
    agg1 = _scatter_kernel(hs, edge_index).reshape(NC, N, HF)
    hs2 = _mid_call(agg1, dw, b1.reshape(1, F), W2).reshape(2 * N, HF)
    agg2 = _scatter_kernel(hs2, edge_index).reshape(NC, N, HF)
    hs3 = _mid_call(agg2, dw, b2.reshape(1, F), W3).reshape(2 * N, HF)
    agg3 = _scatter_kernel(hs3, edge_index).reshape(NC, N, HF)
    h, out = _fin_call(agg3, dw, b3.reshape(1, F), fcW, fcb.reshape(1, NCLS))
    return (out, h)

# --- scband reference (transcript-rebuilt; emitter-appended) ---
"""Pipeline reference for scband-gcn-84275848282319 (READ-ONLY COPY).

The authoritative reference and input builder live on the scoring server;
editing this copy changes nothing except your own understanding.
"""

import jax, jax.numpy as jnp
import numpy as np

N = 10000
E = 160000
NFEAT = 256
NHID = 256
NCLASS = 64


def _glorot(key, shape):
    fan_in, fan_out = shape[0], shape[1]
    limit = float(np.sqrt(6.0 / (fan_in + fan_out)))
    return jax.random.uniform(key, shape, dtype=jnp.float32, minval=-limit, maxval=limit)


def setup_inputs(seed: int = 0) -> dict:
    key = jax.random.key(seed)
    ks = jax.random.split(key, 10)
    x = jax.random.normal(ks[0], (N, NFEAT), dtype=jnp.float32)
    edge_index = jax.random.randint(ks[1], (2, E), 0, N, dtype=jnp.int32)
    W1 = _glorot(ks[2], (NFEAT, NHID))
    b1 = jnp.zeros((NHID,), dtype=jnp.float32)
    W2 = _glorot(ks[3], (NHID, NHID))
    b2 = jnp.zeros((NHID,), dtype=jnp.float32)
    W3 = _glorot(ks[4], (NHID, NHID))
    b3 = jnp.zeros((NHID,), dtype=jnp.float32)
    fcW = _glorot(ks[5], (NCLASS, NHID))
    fcb = jnp.zeros((NCLASS,), dtype=jnp.float32)
    return {"x": x, "edge_index": edge_index, "W1": W1, "b1": b1, "W2": W2, "b2": b2, "W3": W3, "b3": b3, "fcW": fcW, "fcb": fcb}


def _gcn_conv(x, W, b, src, dst, num_nodes):
    # GCNConv with symmetric normalization and self-loops (self-loops already appended to src/dst)
    h = x @ W
    deg = jnp.zeros((num_nodes,), dtype=x.dtype).at[dst].add(jnp.ones((dst.shape[0],), dtype=x.dtype))
    dinv = jax.lax.rsqrt(jnp.maximum(deg, 1e-12))
    norm = dinv[src] * dinv[dst]
    msg = h[src] * norm[:, None]
    out = jnp.zeros((num_nodes, h.shape[1]), dtype=h.dtype).at[dst].add(msg)
    return out + b


def reference(x, edge_index, W1, b1, W2, b2, W3, b3, fcW, fcb):
    n = x.shape[0]
    loop = jnp.arange(n, dtype=edge_index.dtype)
    src = jnp.concatenate([edge_index[0], loop])
    dst = jnp.concatenate([edge_index[1], loop])
    h = _gcn_conv(x, W1, b1, src, dst, n)
    h = _gcn_conv(h, W2, b2, src, dst, n)
    h = _gcn_conv(h, W3, b3, src, dst, n)
    out = h @ fcW.T + fcb
    return (out, h)

if __name__ == "__main__":
    import jax
    _d = setup_inputs()
    print(jax.jit(kernel)(*tuple(_d.values())))

</pallas_src>

<mosaic_0001>
#map = affine_map<(d0, d1) -> (0, 0)>
module attributes {stable_mosaic.version = 14 : i64} {
  func.func @_scatter_kernel(%arg0: i32, %arg1: i32, %arg2: memref<20000x128xf32, #tpu.memory_space<hbm>>, %arg3: memref<2x160000xi32, #tpu.memory_space<hbm>>, %arg4: memref<20000x128xf32, #tpu.memory_space<hbm>>, %arg5: memref<10000x128xf32, #tpu.memory_space<vmem_shared>>, %arg6: memref<2x40xi32, #tpu.memory_space<vmem>>, %arg7: memref<2x40xi32, #tpu.memory_space<vmem>>, %arg8: memref<2x40xi32, #tpu.memory_space<vmem>>, %arg9: memref<2x40xi32, #tpu.memory_space<vmem>>, %arg10: memref<2x40xi32, #tpu.memory_space<vmem>>, %arg11: memref<2x40xi32, #tpu.memory_space<vmem>>, %arg12: memref<2x40xi32, #tpu.memory_space<vmem>>, %arg13: memref<2x40xi32, #tpu.memory_space<vmem>>, %arg14: memref<2x40xi32, #tpu.memory_space<vmem>>, %arg15: memref<2x40xi32, #tpu.memory_space<vmem>>, %arg16: memref<40xi32, #tpu.memory_space<vmem>>, %arg17: memref<40xi32, #tpu.memory_space<vmem>>, %arg18: memref<40xi32, #tpu.memory_space<vmem>>, %arg19: memref<40xi32, #tpu.memory_space<vmem>>, %arg20: memref<40xi32, #tpu.memory_space<vmem>>, %arg21: memref<40xi32, #tpu.memory_space<vmem>>, %arg22: memref<40xi32, #tpu.memory_space<vmem>>, %arg23: memref<40xi32, #tpu.memory_space<vmem>>, %arg24: memref<40xi32, #tpu.memory_space<vmem>>, %arg25: memref<40xi32, #tpu.memory_space<vmem>>, %arg26: memref<40x128xf32, #tpu.memory_space<vmem>>, %arg27: memref<40x128xf32, #tpu.memory_space<vmem>>, %arg28: memref<40x128xf32, #tpu.memory_space<vmem>>, %arg29: memref<40x128xf32, #tpu.memory_space<vmem>>, %arg30: memref<40x128xf32, #tpu.memory_space<vmem>>, %arg31: memref<!tpu.dma_semaphore, #tpu.memory_space<semaphore_mem>>, %arg32: memref<!tpu.dma_semaphore, #tpu.memory_space<semaphore_mem>>, %arg33: memref<!tpu.dma_semaphore, #tpu.memory_space<semaphore_mem>>, %arg34: memref<!tpu.dma_semaphore, #tpu.memory_space<semaphore_mem>>, %arg35: memref<!tpu.dma_semaphore, #tpu.memory_space<semaphore_mem>>, %arg36: memref<!tpu.dma_semaphore, #tpu.memory_space<semaphore_mem>>, %arg37: memref<!tpu.dma_semaphore, #tpu.memory_space<semaphore_mem>>, %arg38: memref<!tpu.dma_semaphore, #tpu.memory_space<semaphore_mem>>, %arg39: memref<!tpu.dma_semaphore, #tpu.memory_space<semaphore_mem>>, %arg40: memref<!tpu.dma_semaphore, #tpu.memory_space<semaphore_mem>>, %arg41: memref<!tpu.dma_semaphore, #tpu.memory_space<semaphore_mem>>, %arg42: memref<!tpu.dma_semaphore, #tpu.memory_space<semaphore_mem>>, %arg43: memref<!tpu.dma_semaphore, #tpu.memory_space<semaphore_mem>>, %arg44: memref<!tpu.dma_semaphore, #tpu.memory_space<semaphore_mem>>, %arg45: memref<!tpu.dma_semaphore, #tpu.memory_space<semaphore_mem>>, %arg46: memref<!tpu.dma_semaphore, #tpu.memory_space<semaphore_mem>>, %arg47: memref<!tpu.dma_semaphore, #tpu.memory_space<semaphore_mem>>, %arg48: memref<!tpu.dma_semaphore, #tpu.memory_space<semaphore_mem>>, %arg49: memref<!tpu.dma_semaphore, #tpu.memory_space<semaphore_mem>>, %arg50: memref<!tpu.dma_semaphore, #tpu.memory_space<semaphore_mem>>) attributes {dimension_semantics = [#tpu.dimension_semantics<core_parallel>, #tpu.dimension_semantics<subcore_parallel>], iteration_bounds = array<i64: 2, 16>, scalar_prefetch = 0 : i64, scratch_operands = 46 : i64, tpu.core_type = #tpu.core_type<sc_vector_subcore>, window_params = [{transform_indices = #map}, {transform_indices = #map}, {transform_indices = #map}]} {
    %mul3A = arith.constant 625 : i32
    %mul3A_0 = arith.muli %arg1, %mul3A : i32
    %mul3A_1 = arith.constant 10000 : i32
    %mul3A_2 = arith.muli %arg0, %mul3A_1 : i32
    %add3A = arith.addi %mul3A_2, %mul3A_0 : i32
    %dma_start3A = arith.constant 0 : i32
    %dma_start3A_3 = tpu.memref_slice %arg5[%mul3A_0, %dma_start3A] : memref<10000x128xf32, #tpu.memory_space<vmem_shared>> -> memref<625x128xf32, #tpu.memory_space<vmem_shared>>
    %dma_start3A_4 = arith.constant 0 : i32
    %dma_start3A_5 = tpu.memref_slice %arg2[%add3A, %dma_start3A_4] : memref<20000x128xf32, #tpu.memory_space<hbm>> -> memref<625x128xf32, #tpu.memory_space<hbm>>
    tpu.enqueue_dma source(%dma_start3A_5 : memref<625x128xf32, #tpu.memory_space<hbm>>) target(%dma_start3A_3 : memref<625x128xf32, #tpu.memory_space<vmem_shared>>) target_semaphore(%arg31 : memref<!tpu.dma_semaphore, #tpu.memory_space<semaphore_mem>>)
    %mul3A_6 = arith.constant 10000 : i32
    %mul3A_7 = arith.muli %arg1, %mul3A_6 : i32
    %add3A_8 = arith.constant 40 : i32
    %add3A_9 = arith.addi %mul3A_7, %add3A_8 : i32
    %dma_start3A_10 = arith.constant 0 : i32
    %dma_start3A_11 = tpu.memref_slice %arg3[%dma_start3A_10, %add3A_9] : memref<2x160000xi32, #tpu.memory_space<hbm>> -> memref<2x40xi32, #tpu.memory_space<hbm>>
    %dma_start3A_12 = arith.constant 0 : i32
    %dma_start3A_13 = tpu.memref_slice %arg3[%dma_start3A_12, %add3A_9] : memref<2x160000xi32, #tpu.memory_space<hbm>> -> memref<2x40xi32, #tpu.memory_space<hbm>>
    tpu.enqueue_dma source(%dma_start3A_13 : memref<2x40xi32, #tpu.memory_space<hbm>>) target(%arg7 : memref<2x40xi32, #tpu.memory_space<vmem>>) target_semaphore(%arg32 : memref<!tpu.dma_semaphore, #tpu.memory_space<semaphore_mem>>)
    %add3A_14 = arith.constant 80 : i32
    %add3A_15 = arith.addi %mul3A_7, %add3A_14 : i32
    %dma_start3A_16 = arith.constant 0 : i32
    %dma_start3A_17 = tpu.memref_slice %arg3[%dma_start3A_16, %add3A_15] : memref<2x160000xi32, #tpu.memory_space<hbm>> -> memref<2x40xi32, #tpu.memory_space<hbm>>
    %dma_start3A_18 = arith.constant 0 : i32
    %dma_start3A_19 = tpu.memref_slice %arg3[%dma_start3A_18, %add3A_15] : memref<2x160000xi32, #tpu.memory_space<hbm>> -> memref<2x40xi32, #tpu.memory_space<hbm>>
    tpu.enqueue_dma source(%dma_start3A_19 : memref<2x40xi32, #tpu.memory_space<hbm>>) target(%arg8 : memref<2x40xi32, #tpu.memory_space<vmem>>) target_semaphore(%arg33 : memref<!tpu.dma_semaphore, #tpu.memory_space<semaphore_mem>>)
    %add3A_20 = arith.constant 120 : i32
    %add3A_21 = arith.addi %mul3A_7, %add3A_20 : i32
    %dma_start3A_22 = arith.constant 0 : i32
    %dma_start3A_23 = tpu.memref_slice %arg3[%dma_start3A_22, %add3A_21] : memref<2x160000xi32, #tpu.memory_space<hbm>> -> memref<2x40xi32, #tpu.memory_space<hbm>>
    %dma_start3A_24 = arith.constant 0 : i32
    %dma_start3A_25 = tpu.memref_slice %arg3[%dma_start3A_24, %add3A_21] : memref<2x160000xi32, #tpu.memory_space<hbm>> -> memref<2x40xi32, #tpu.memory_space<hbm>>
    tpu.enqueue_dma source(%dma_start3A_25 : memref<2x40xi32, #tpu.memory_space<hbm>>) target(%arg9 : memref<2x40xi32, #tpu.memory_space<vmem>>) target_semaphore(%arg34 : memref<!tpu.dma_semaphore, #tpu.memory_space<semaphore_mem>>)
    %add3A_26 = arith.constant 160 : i32
    %add3A_27 = arith.addi %mul3A_7, %add3A_26 : i32
    %dma_start3A_28 = arith.constant 0 : i32
    %dma_start3A_29 = tpu.memref_slice %arg3[%dma_start3A_28, %add3A_27] : memref<2x160000xi32, #tpu.memory_space<hbm>> -> memref<2x40xi32, #tpu.memory_space<hbm>>
    %dma_start3A_30 = arith.constant 0 : i32
    %dma_start3A_31 = tpu.memref_slice %arg3[%dma_start3A_30, %add3A_27] : memref<2x160000xi32, #tpu.memory_space<hbm>> -> memref<2x40xi32, #tpu.memory_space<hbm>>
    tpu.enqueue_dma source(%dma_start3A_31 : memref<2x40xi32, #tpu.memory_space<hbm>>) target(%arg10 : memref<2x40xi32, #tpu.memory_space<vmem>>) target_semaphore(%arg35 : memref<!tpu.dma_semaphore, #tpu.memory_space<semaphore_mem>>)
    %add3A_32 = arith.constant 200 : i32
    %add3A_33 = arith.addi %mul3A_7, %add3A_32 : i32
    %dma_start3A_34 = arith.constant 0 : i32
    %dma_start3A_35 = tpu.memref_slice %arg3[%dma_start3A_34, %add3A_33] : memref<2x160000xi32, #tpu.memory_space<hbm>> -> memref<2x40xi32, #tpu.memory_space<hbm>>
    %dma_start3A_36 = arith.constant 0 : i32
    %dma_start3A_37 = tpu.memref_slice %arg3[%dma_start3A_36, %add3A_33] : memref<2x160000xi32, #tpu.memory_space<hbm>> -> memref<2x40xi32, #tpu.memory_space<hbm>>
    tpu.enqueue_dma source(%dma_start3A_37 : memref<2x40xi32, #tpu.memory_space<hbm>>) target(%arg11 : memref<2x40xi32, #tpu.memory_space<vmem>>) target_semaphore(%arg36 : memref<!tpu.dma_semaphore, #tpu.memory_space<semaphore_mem>>)
    %add3A_38 = arith.constant 240 : i32
    %add3A_39 = arith.addi %mul3A_7, %add3A_38 : i32
    %dma_start3A_40 = arith.constant 0 : i32
    %dma_start3A_41 = tpu.memref_slice %arg3[%dma_start3A_40, %add3A_39] : memref<2x160000xi32, #tpu.memory_space<hbm>> -> memref<2x40xi32, #tpu.memory_space<hbm>>
    %dma_start3A_42 = arith.constant 0 : i32
    %dma_start3A_43 = tpu.memref_slice %arg3[%dma_start3A_42, %add3A_39] : memref<2x160000xi32, #tpu.memory_space<hbm>> -> memref<2x40xi32, #tpu.memory_space<hbm>>
    tpu.enqueue_dma source(%dma_start3A_43 : memref<2x40xi32, #tpu.memory_space<hbm>>) target(%arg12 : memref<2x40xi32, #tpu.memory_space<vmem>>) target_semaphore(%arg37 : memref<!tpu.dma_semaphore, #tpu.memory_space<semaphore_mem>>)
    %add3A_44 = arith.constant 280 : i32
    %add3A_45 = arith.addi %mul3A_7, %add3A_44 : i32
    %dma_start3A_46 = arith.constant 0 : i32
    %dma_start3A_47 = tpu.memref_slice %arg3[%dma_start3A_46, %add3A_45] : memref<2x160000xi32, #tpu.memory_space<hbm>> -> memref<2x40xi32, #tpu.memory_space<hbm>>
    %dma_start3A_48 = arith.constant 0 : i32
    %dma_start3A_49 = tpu.memref_slice %arg3[%dma_start3A_48, %add3A_45] : memref<2x160000xi32, #tpu.memory_space<hbm>> -> memref<2x40xi32, #tpu.memory_space<hbm>>
    tpu.enqueue_dma source(%dma_start3A_49 : memref<2x40xi32, #tpu.memory_space<hbm>>) target(%arg13 : memref<2x40xi32, #tpu.memory_space<vmem>>) target_semaphore(%arg38 : memref<!tpu.dma_semaphore, #tpu.memory_space<semaphore_mem>>)
    %add3A_50 = arith.constant 320 : i32
    %add3A_51 = arith.addi %mul3A_7, %add3A_50 : i32
    %dma_start3A_52 = arith.constant 0 : i32
    %dma_start3A_53 = tpu.memref_slice %arg3[%dma_start3A_52, %add3A_51] : memref<2x160000xi32, #tpu.memory_space<hbm>> -> memref<2x40xi32, #tpu.memory_space<hbm>>
    %dma_start3A_54 = arith.constant 0 : i32
    %dma_start3A_55 = tpu.memref_slice %arg3[%dma_start3A_54, %add3A_51] : memref<2x160000xi32, #tpu.memory_space<hbm>> -> memref<2x40xi32, #tpu.memory_space<hbm>>
    tpu.enqueue_dma source(%dma_start3A_55 : memref<2x40xi32, #tpu.memory_space<hbm>>) target(%arg14 : memref<2x40xi32, #tpu.memory_space<vmem>>) target_semaphore(%arg39 : memref<!tpu.dma_semaphore, #tpu.memory_space<semaphore_mem>>)
    %add3A_56 = arith.constant 360 : i32
    %add3A_57 = arith.addi %mul3A_7, %add3A_56 : i32
    %dma_start3A_58 = arith.constant 0 : i32
    %dma_start3A_59 = tpu.memref_slice %arg3[%dma_start3A_58, %add3A_57] : memref<2x160000xi32, #tpu.memory_space<hbm>> -> memref<2x40xi32, #tpu.memory_space<hbm>>
    %dma_start3A_60 = arith.constant 0 : i32
    %dma_start3A_61 = tpu.memref_slice %arg3[%dma_start3A_60, %add3A_57] : memref<2x160000xi32, #tpu.memory_space<hbm>> -> memref<2x40xi32, #tpu.memory_space<hbm>>
    tpu.enqueue_dma source(%dma_start3A_61 : memref<2x40xi32, #tpu.memory_space<hbm>>) target(%arg15 : memref<2x40xi32, #tpu.memory_space<vmem>>) target_semaphore(%arg40 : memref<!tpu.dma_semaphore, #tpu.memory_space<semaphore_mem>>)
    %dma_wait3A = arith.constant 0 : i32
    %dma_wait3A_62 = tpu.memref_slice %arg5[%mul3A_0, %dma_wait3A] : memref<10000x128xf32, #tpu.memory_space<vmem_shared>> -> memref<625x128xf32, #tpu.memory_space<vmem_shared>>
    %dma_wait3A_63 = arith.constant 0 : i32
    %dma_wait3A_64 = tpu.memref_slice %arg2[%add3A, %dma_wait3A_63] : memref<20000x128xf32, #tpu.memory_space<hbm>> -> memref<625x128xf32, #tpu.memory_space<hbm>>
    tpu.wait_dma2 semaphore(%arg31 : memref<!tpu.dma_semaphore, #tpu.memory_space<semaphore_mem>>) src(%dma_wait3A_64 : memref<625x128xf32, #tpu.memory_space<hbm>>) dst(%dma_wait3A_62 : memref<625x128xf32, #tpu.memory_space<vmem_shared>>)
    %add3A_65 = arith.constant 0 : i32
    %add3A_66 = arith.addi %mul3A_7, %add3A_65 : i32
    %dma_start3A_67 = arith.constant 0 : i32
    %dma_start3A_68 = tpu.memref_slice %arg3[%dma_start3A_67, %add3A_66] : memref<2x160000xi32, #tpu.memory_space<hbm>> -> memref<2x40xi32, #tpu.memory_space<hbm>>
    %dma_start3A_69 = arith.constant 0 : i32
    %dma_start3A_70 = tpu.memref_slice %arg3[%dma_start3A_69, %add3A_66] : memref<2x160000xi32, #tpu.memory_space<hbm>> -> memref<2x40xi32, #tpu.memory_space<hbm>>
    tpu.enqueue_dma source(%dma_start3A_70 : memref<2x40xi32, #tpu.memory_space<hbm>>) target(%arg6 : memref<2x40xi32, #tpu.memory_space<vmem>>) target_semaphore(%arg31 : memref<!tpu.dma_semaphore, #tpu.memory_space<semaphore_mem>>)
    %barrier3A = arith.constant 0 : index
    tpu.barrier barrier_id(%barrier3A)
    %scan3A = arith.constant 0 : i32
    %scan3A_71 = arith.constant 0 : i32
    %scan3A_72 = arith.constant 25 : i32
    %scan3A_73 = arith.addi %scan3A_71, %scan3A_72 : i32
    %scan3A_74 = arith.constant 1 : i32
    scf.for %scan3A_113 = %scan3A_71 to %scan3A_73 step %scan3A_74  : i32 {
      %dma_wait3A_114 = arith.constant 0 : i32
      %dma_wait3A_115 = tpu.memref_slice %arg3[%dma_wait3A_114, %mul3A_7] : memref<2x160000xi32, #tpu.memory_space<hbm>> -> memref<2x40xi32, #tpu.memory_space<hbm>>
      %dma_wait3A_116 = arith.constant 0 : i32
      %dma_wait3A_117 = tpu.memref_slice %arg3[%dma_wait3A_116, %mul3A_7] : memref<2x160000xi32, #tpu.memory_space<hbm>> -> memref<2x40xi32, #tpu.memory_space<hbm>>
      tpu.wait_dma2 semaphore(%arg31 : memref<!tpu.dma_semaphore, #tpu.memory_space<semaphore_mem>>) src(%dma_wait3A_117 : memref<2x40xi32, #tpu.memory_space<hbm>>) dst(%arg6 : memref<2x40xi32, #tpu.memory_space<vmem>>)
      %get3A = arith.constant 0 : i32
      %get3A_118 = arith.index_cast %get3A : i32 to index
      %get3A_119 = arith.constant 0 : index
      %get3A_120 = tpu.vector_load %arg6[%get3A_118, %get3A_119] {strides = array<i32>} : memref<2x40xi32, #tpu.memory_space<vmem>>, vector<1x16xi32>,
      %get3A_121 = vector.shape_cast %get3A_120 : vector<1x16xi32> to vector<16xi32>
      %add3A_122 = vector.broadcast %mul3A_2 : i32 to vector<16xi32>
      %add3A_123 = arith.addi %get3A_121, %add3A_122 : vector<16xi32>
      %swap3A = arith.constant 0 : index
      %swap3A_124 = tpu.vector_load %arg16[%swap3A] {strides = array<i32>} : memref<40xi32, #tpu.memory_space<vmem>>, vector<16xi32>,
      %swap3A_125 = vector.shape_cast %swap3A_124 : vector<16xi32> to vector<16xi32>
      %swap3A_126 = vector.shape_cast %add3A_123 : vector<16xi32> to vector<16xi32>
      tpu.vector_store %arg16[%swap3A], %swap3A_126 {strides = array<i32>} : memref<40xi32, #tpu.memory_space<vmem>>, vector<16xi32>,
      %get3A_127 = arith.constant 0 : i32
      %get3A_128 = arith.index_cast %get3A_127 : i32 to index
      %get3A_129 = arith.constant 16 : index
      %get3A_130 = tpu.vector_load %arg6[%get3A_128, %get3A_129] {strides = array<i32>} : memref<2x40xi32, #tpu.memory_space<vmem>>, vector<1x16xi32>,
      %get3A_131 = vector.shape_cast %get3A_130 : vector<1x16xi32> to vector<16xi32>
      %add3A_132 = vector.broadcast %mul3A_2 : i32 to vector<16xi32>
      %add3A_133 = arith.addi %get3A_131, %add3A_132 : vector<16xi32>
      %swap3A_134 = arith.constant 16 : index
      %swap3A_135 = tpu.vector_load %arg16[%swap3A_134] {strides = array<i32>} : memref<40xi32, #tpu.memory_space<vmem>>, vector<16xi32>,
      %swap3A_136 = vector.shape_cast %swap3A_135 : vector<16xi32> to vector<16xi32>
      %swap3A_137 = vector.shape_cast %add3A_133 : vector<16xi32> to vector<16xi32>
      tpu.vector_store %arg16[%swap3A_134], %swap3A_137 {strides = array<i32>} : memref<40xi32, #tpu.memory_space<vmem>>, vector<16xi32>,
      %get3A_138 = arith.constant 0 : i32
      %get3A_139 = arith.index_cast %get3A_138 : i32 to index
      %get3A_140 = arith.constant 24 : index
      %get3A_141 = tpu.vector_load %arg6[%get3A_139, %get3A_140] {strides = array<i32>} : memref<2x40xi32, #tpu.memory_space<vmem>>, vector<1x16xi32>,
      %get3A_142 = vector.shape_cast %get3A_141 : vector<1x16xi32> to vector<16xi32>
      %add3A_143 = vector.broadcast %mul3A_2 : i32 to vector<16xi32>
      %add3A_144 = arith.addi %get3A_142, %add3A_143 : vector<16xi32>
      %swap3A_145 = arith.constant 24 : index
      %swap3A_146 = tpu.vector_load %arg16[%swap3A_145] {strides = array<i32>} : memref<40xi32, #tpu.memory_space<vmem>>, vector<16xi32>,
      %swap3A_147 = vector.shape_cast %swap3A_146 : vector<16xi32> to vector<16xi32>
      %swap3A_148 = vector.shape_cast %add3A_144 : vector<16xi32> to vector<16xi32>
      tpu.vector_store %arg16[%swap3A_145], %swap3A_148 {strides = array<i32>} : memref<40xi32, #tpu.memory_space<vmem>>, vector<16xi32>,
      %gt3A = arith.constant 0 : i32
      %gt3A_149 = arith.cmpi sgt, %scan3A_113, %gt3A : i32
      %convert_element_type3A = arith.extui %gt3A_149 : i1 to i32
      %cond3A = arith.constant 0 : i32
      %cond3A_150 = arith.cmpi ne, %convert_element_type3A, %cond3A : i32
      scf.if %cond3A_150 {
        %dma_wait3A_832 = arith.constant 1 : i32
        %dma_wait3A_833 = arith.constant 0 : i32
        %dma_wait3A_834 = tpu.memref_slice %arg11[%dma_wait3A_832, %dma_wait3A_833] : memref<2x40xi32, #tpu.memory_space<vmem>> -> memref<1x40xi32, #tpu.memory_space<vmem>>
        %dma_wait3A_835 = tpu.memref_squeeze %dma_wait3A_834 : memref<1x40xi32, #tpu.memory_space<vmem>> -> memref<40xi32, #tpu.memory_space<vmem>>
        %dma_wait3A_836 = arith.constant 0 : i32
        %dma_wait3A_837 = arith.constant 0 : i32
        %dma_wait3A_838 = tpu.memref_slice %arg5[%dma_wait3A_836, %dma_wait3A_837] : memref<10000x128xf32, #tpu.memory_space<vmem_shared>> -> memref<10000x128xf32, #tpu.memory_space<vmem_shared>>
        tpu.wait_indirect_dma semaphore(%arg46 : memref<!tpu.dma_semaphore, #tpu.memory_space<semaphore_mem>>) src(%arg26 : memref<40x128xf32, #tpu.memory_space<vmem>>) dst(%dma_wait3A_838 : memref<10000x128xf32, #tpu.memory_space<vmem_shared>>)
      } else {
      }
      %dma_start3A_151 = arith.constant 0 : i32
      %dma_start3A_152 = arith.constant 0 : i32
      %dma_start3A_153 = tpu.memref_slice %arg2[%dma_start3A_151, %dma_start3A_152] : memref<20000x128xf32, #tpu.memory_space<hbm>> -> memref<20000x128xf32, #tpu.memory_space<hbm>>
      tpu.enqueue_indirect_dma source(%dma_start3A_153 : memref<20000x128xf32, #tpu.memory_space<hbm>>) target(%arg26 : memref<40x128xf32, #tpu.memory_space<vmem>>) offsets(%arg16 : memref<40xi32, #tpu.memory_space<vmem>>) semaphore(%arg41 : memref<!tpu.dma_semaphore, #tpu.memory_space<semaphore_mem>>)
      %dma_wait3A_154 = arith.constant 0 : i32
      %dma_wait3A_155 = tpu.memref_slice %arg3[%dma_wait3A_154, %mul3A_7] : memref<2x160000xi32, #tpu.memory_space<hbm>> -> memref<2x40xi32, #tpu.memory_space<hbm>>
      %dma_wait3A_156 = arith.constant 0 : i32
      %dma_wait3A_157 = tpu.memref_slice %arg3[%dma_wait3A_156, %mul3A_7] : memref<2x160000xi32, #tpu.memory_space<hbm>> -> memref<2x40xi32, #tpu.memory_space<hbm>>
      tpu.wait_dma2 semaphore(%arg32 : memref<!tpu.dma_semaphore, #tpu.memory_space<semaphore_mem>>) src(%dma_wait3A_157 : memref<2x40xi32, #tpu.memory_space<hbm>>) dst(%arg7 : memref<2x40xi32, #tpu.memory_space<vmem>>)
      %get3A_158 = arith.constant 0 : i32
      %get3A_159 = arith.index_cast %get3A_158 : i32 to index
      %get3A_160 = arith.constant 0 : index
      %get3A_161 = tpu.vector_load %arg7[%get3A_159, %get3A_160] {strides = array<i32>} : memref<2x40xi32, #tpu.memory_space<vmem>>, vector<1x16xi32>,
      %get3A_162 = vector.shape_cast %get3A_161 : vector<1x16xi32> to vector<16xi32>
      %add3A_163 = vector.broadcast %mul3A_2 : i32 to vector<16xi32>
      %add3A_164 = arith.addi %get3A_162, %add3A_163 : vector<16xi32>
      %swap3A_165 = arith.constant 0 : index
      %swap3A_166 = tpu.vector_load %arg17[%swap3A_165] {strides = array<i32>} : memref<40xi32, #tpu.memory_space<vmem>>, vector<16xi32>,
      %swap3A_167 = vector.shape_cast %swap3A_166 : vector<16xi32> to vector<16xi32>
      %swap3A_168 = vector.shape_cast %add3A_164 : vector<16xi32> to vector<16xi32>
      tpu.vector_store %arg17[%swap3A_165], %swap3A_168 {strides = array<i32>} : memref<40xi32, #tpu.memory_space<vmem>>, vector<16xi32>,
      %get3A_169 = arith.constant 0 : i32
      %get3A_170 = arith.index_cast %get3A_169 : i32 to index
      %get3A_171 = arith.constant 16 : index
      %get3A_172 = tpu.vector_load %arg7[%get3A_170, %get3A_171] {strides = array<i32>} : memref<2x40xi32, #tpu.memory_space<vmem>>, vector<1x16xi32>,
      %get3A_173 = vector.shape_cast %get3A_172 : vector<1x16xi32> to vector<16xi32>
      %add3A_174 = vector.broadcast %mul3A_2 : i32 to vector<16xi32>
      %add3A_175 = arith.addi %get3A_173, %add3A_174 : vector<16xi32>
      %swap3A_176 = arith.constant 16 : index
      %swap3A_177 = tpu.vector_load %arg17[%swap3A_176] {strides = array<i32>} : memref<40xi32, #tpu.memory_space<vmem>>, vector<16xi32>,
      %swap3A_178 = vector.shape_cast %swap3A_177 : vector<16xi32> to vector<16xi32>
      %swap3A_179 = vector.shape_cast %add3A_175 : vector<16xi32> to vector<16xi32>
      tpu.vector_store %arg17[%swap3A_176], %swap3A_179 {strides = array<i32>} : memref<40xi32, #tpu.memory_space<vmem>>, vector<16xi32>,
      %get3A_180 = arith.constant 0 : i32
      %get3A_181 = arith.index_cast %get3A_180 : i32 to index
      %get3A_182 = arith.constant 24 : index
      %get3A_183 = tpu.vector_load %arg7[%get3A_181, %get3A_182] {strides = array<i32>} : memref<2x40xi32, #tpu.memory_space<vmem>>, vector<1x16xi32>,
      %get3A_184 = vector.shape_cast %get3A_183 : vector<1x16xi32> to vector<16xi32>
      %add3A_185 = vector.broadcast %mul3A_2 : i32 to vector<16xi32>
      %add3A_186 = arith.addi %get3A_184, %add3A_185 : vector<16xi32>
      %swap3A_187 = arith.constant 24 : index
      %swap3A_188 = tpu.vector_load %arg17[%swap3A_187] {strides = array<i32>} : memref<40xi32, #tpu.memory_space<vmem>>, vector<16xi32>,
      %swap3A_189 = vector.shape_cast %swap3A_188 : vector<16xi32> to vector<16xi32>
      %swap3A_190 = vector.shape_cast %add3A_186 : vector<16xi32> to vector<16xi32>
      tpu.vector_store %arg17[%swap3A_187], %swap3A_190 {strides = array<i32>} : memref<40xi32, #tpu.memory_space<vmem>>, vector<16xi32>,
      %gt3A_191 = arith.constant 0 : i32
      %gt3A_192 = arith.cmpi sgt, %scan3A_113, %gt3A_191 : i32
      %convert_element_type3A_193 = arith.extui %gt3A_192 : i1 to i32
      %cond3A_194 = arith.constant 0 : i32
      %cond3A_195 = arith.cmpi ne, %convert_element_type3A_193, %cond3A_194 : i32
      scf.if %cond3A_195 {
        %dma_wait3A_832 = arith.constant 1 : i32
        %dma_wait3A_833 = arith.constant 0 : i32
        %dma_wait3A_834 = tpu.memref_slice %arg12[%dma_wait3A_832, %dma_wait3A_833] : memref<2x40xi32, #tpu.memory_space<vmem>> -> memref<1x40xi32, #tpu.memory_space<vmem>>
        %dma_wait3A_835 = tpu.memref_squeeze %dma_wait3A_834 : memref<1x40xi32, #tpu.memory_space<vmem>> -> memref<40xi32, #tpu.memory_space<vmem>>
        %dma_wait3A_836 = arith.constant 0 : i32
        %dma_wait3A_837 = arith.constant 0 : i32
        %dma_wait3A_838 = tpu.memref_slice %arg5[%dma_wait3A_836, %dma_wait3A_837] : memref<10000x128xf32, #tpu.memory_space<vmem_shared>> -> memref<10000x128xf32, #tpu.memory_space<vmem_shared>>
        tpu.wait_indirect_dma semaphore(%arg47 : memref<!tpu.dma_semaphore, #tpu.memory_space<semaphore_mem>>) src(%arg27 : memref<40x128xf32, #tpu.memory_space<vmem>>) dst(%dma_wait3A_838 : memref<10000x128xf32, #tpu.memory_space<vmem_shared>>)
      } else {
      }
      %dma_start3A_196 = arith.constant 0 : i32
      %dma_start3A_197 = arith.constant 0 : i32
      %dma_start3A_198 = tpu.memref_slice %arg2[%dma_start3A_196, %dma_start3A_197] : memref<20000x128xf32, #tpu.memory_space<hbm>> -> memref<20000x128xf32, #tpu.memory_space<hbm>>
      tpu.enqueue_indirect_dma source(%dma_start3A_198 : memref<20000x128xf32, #tpu.memory_space<hbm>>) target(%arg27 : memref<40x128xf32, #tpu.memory_space<vmem>>) offsets(%arg17 : memref<40xi32, #tpu.memory_space<vmem>>) semaphore(%arg42 : memref<!tpu.dma_semaphore, #tpu.memory_space<semaphore_mem>>)
      %dma_wait3A_199 = arith.constant 0 : i32
      %dma_wait3A_200 = tpu.memref_slice %arg3[%dma_wait3A_199, %mul3A_7] : memref<2x160000xi32, #tpu.memory_space<hbm>> -> memref<2x40xi32, #tpu.memory_space<hbm>>
      %dma_wait3A_201 = arith.constant 0 : i32
      %dma_wait3A_202 = tpu.memref_slice %arg3[%dma_wait3A_201, %mul3A_7] : memref<2x160000xi32, #tpu.memory_space<hbm>> -> memref<2x40xi32, #tpu.memory_space<hbm>>
      tpu.wait_dma2 semaphore(%arg33 : memref<!tpu.dma_semaphore, #tpu.memory_space<semaphore_mem>>) src(%dma_wait3A_202 : memref<2x40xi32, #tpu.memory_space<hbm>>) dst(%arg8 : memref<2x40xi32, #tpu.memory_space<vmem>>)
      %get3A_203 = arith.constant 0 : i32
      %get3A_204 = arith.index_cast %get3A_203 : i32 to index
      %get3A_205 = arith.constant 0 : index
      %get3A_206 = tpu.vector_load %arg8[%get3A_204, %get3A_205] {strides = array<i32>} : memref<2x40xi32, #tpu.memory_space<vmem>>, vector<1x16xi32>,
      %get3A_207 = vector.shape_cast %get3A_206 : vector<1x16xi32> to vector<16xi32>
      %add3A_208 = vector.broadcast %mul3A_2 : i32 to vector<16xi32>
      %add3A_209 = arith.addi %get3A_207, %add3A_208 : vector<16xi32>
      %swap3A_210 = arith.constant 0 : index
      %swap3A_211 = tpu.vector_load %arg18[%swap3A_210] {strides = array<i32>} : memref<40xi32, #tpu.memory_space<vmem>>, vector<16xi32>,
      %swap3A_212 = vector.shape_cast %swap3A_211 : vector<16xi32> to vector<16xi32>
      %swap3A_213 = vector.shape_cast %add3A_209 : vector<16xi32> to vector<16xi32>
      tpu.vector_store %arg18[%swap3A_210], %swap3A_213 {strides = array<i32>} : memref<40xi32, #tpu.memory_space<vmem>>, vector<16xi32>,
      %get3A_214 = arith.constant 0 : i32
      %get3A_215 = arith.index_cast %get3A_214 : i32 to index
      %get3A_216 = arith.constant 16 : index
      %get3A_217 = tpu.vector_load %arg8[%get3A_215, %get3A_216] {strides = array<i32>} : memref<2x40xi32, #tpu.memory_space<vmem>>, vector<1x16xi32>,
      %get3A_218 = vector.shape_cast %get3A_217 : vector<1x16xi32> to vector<16xi32>
      %add3A_219 = vector.broadcast %mul3A_2 : i32 to vector<16xi32>
      %add3A_220 = arith.addi %get3A_218, %add3A_219 : vector<16xi32>
      %swap3A_221 = arith.constant 16 : index
      %swap3A_222 = tpu.vector_load %arg18[%swap3A_221] {strides = array<i32>} : memref<40xi32, #tpu.memory_space<vmem>>, vector<16xi32>,
      %swap3A_223 = vector.shape_cast %swap3A_222 : vector<16xi32> to vector<16xi32>
      %swap3A_224 = vector.shape_cast %add3A_220 : vector<16xi32> to vector<16xi32>
      tpu.vector_store %arg18[%swap3A_221], %swap3A_224 {strides = array<i32>} : memref<40xi32, #tpu.memory_space<vmem>>, vector<16xi32>,
      %get3A_225 = arith.constant 0 : i32
      %get3A_226 = arith.index_cast %get3A_225 : i32 to index
      %get3A_227 = arith.constant 24 : index
      %get3A_228 = tpu.vector_load %arg8[%get3A_226, %get3A_227] {strides = array<i32>} : memref<2x40xi32, #tpu.memory_space<vmem>>, vector<1x16xi32>,
      %get3A_229 = vector.shape_cast %get3A_228 : vector<1x16xi32> to vector<16xi32>
      %add3A_230 = vector.broadcast %mul3A_2 : i32 to vector<16xi32>
      %add3A_231 = arith.addi %get3A_229, %add3A_230 : vector<16xi32>
      %swap3A_232 = arith.constant 24 : index
      %swap3A_233 = tpu.vector_load %arg18[%swap3A_232] {strides = array<i32>} : memref<40xi32, #tpu.memory_space<vmem>>, vector<16xi32>,
      %swap3A_234 = vector.shape_cast %swap3A_233 : vector<16xi32> to vector<16xi32>
      %swap3A_235 = vector.shape_cast %add3A_231 : vector<16xi32> to vector<16xi32>
      tpu.vector_store %arg18[%swap3A_232], %swap3A_235 {strides = array<i32>} : memref<40xi32, #tpu.memory_space<vmem>>, vector<16xi32>,
      %gt3A_236 = arith.constant 0 : i32
      %gt3A_237 = arith.cmpi sgt, %scan3A_113, %gt3A_236 : i32
      %convert_element_type3A_238 = arith.extui %gt3A_237 : i1 to i32
      %cond3A_239 = arith.constant 0 : i32
      %cond3A_240 = arith.cmpi ne, %convert_element_type3A_238, %cond3A_239 : i32
      scf.if %cond3A_240 {
        %dma_wait3A_832 = arith.constant 1 : i32
        %dma_wait3A_833 = arith.constant 0 : i32
        %dma_wait3A_834 = tpu.memref_slice %arg13[%dma_wait3A_832, %dma_wait3A_833] : memref<2x40xi32, #tpu.memory_space<vmem>> -> memref<1x40xi32, #tpu.memory_space<vmem>>
        %dma_wait3A_835 = tpu.memref_squeeze %dma_wait3A_834 : memref<1x40xi32, #tpu.memory_space<vmem>> -> memref<40xi32, #tpu.memory_space<vmem>>
        %dma_wait3A_836 = arith.constant 0 : i32
        %dma_wait3A_837 = arith.constant 0 : i32
        %dma_wait3A_838 = tpu.memref_slice %arg5[%dma_wait3A_836, %dma_wait3A_837] : memref<10000x128xf32, #tpu.memory_space<vmem_shared>> -> memref<10000x128xf32, #tpu.memory_space<vmem_shared>>
        tpu.wait_indirect_dma semaphore(%arg48 : memref<!tpu.dma_semaphore, #tpu.memory_space<semaphore_mem>>) src(%arg28 : memref<40x128xf32, #tpu.memory_space<vmem>>) dst(%dma_wait3A_838 : memref<10000x128xf32, #tpu.memory_space<vmem_shared>>)
      } else {
      }
      %dma_start3A_241 = arith.constant 0 : i32
      %dma_start3A_242 = arith.constant 0 : i32
      %dma_start3A_243 = tpu.memref_slice %arg2[%dma_start3A_241, %dma_start3A_242] : memref<20000x128xf32, #tpu.memory_space<hbm>> -> memref<20000x128xf32, #tpu.memory_space<hbm>>
      tpu.enqueue_indirect_dma source(%dma_start3A_243 : memref<20000x128xf32, #tpu.memory_space<hbm>>) target(%arg28 : memref<40x128xf32, #tpu.memory_space<vmem>>) offsets(%arg18 : memref<40xi32, #tpu.memory_space<vmem>>) semaphore(%arg43 : memref<!tpu.dma_semaphore, #tpu.memory_space<semaphore_mem>>)
      %dma_wait3A_244 = arith.constant 0 : i32
      %dma_wait3A_245 = tpu.memref_slice %arg3[%dma_wait3A_244, %mul3A_7] : memref<2x160000xi32, #tpu.memory_space<hbm>> -> memref<2x40xi32, #tpu.memory_space<hbm>>
      %dma_wait3A_246 = arith.constant 0 : i32
      %dma_wait3A_247 = tpu.memref_slice %arg3[%dma_wait3A_246, %mul3A_7] : memref<2x160000xi32, #tpu.memory_space<hbm>> -> memref<2x40xi32, #tpu.memory_space<hbm>>
      tpu.wait_dma2 semaphore(%arg34 : memref<!tpu.dma_semaphore, #tpu.memory_space<semaphore_mem>>) src(%dma_wait3A_247 : memref<2x40xi32, #tpu.memory_space<hbm>>) dst(%arg9 : memref<2x40xi32, #tpu.memory_space<vmem>>)
      %get3A_248 = arith.constant 0 : i32
      %get3A_249 = arith.index_cast %get3A_248 : i32 to index
      %get3A_250 = arith.constant 0 : index
      %get3A_251 = tpu.vector_load %arg9[%get3A_249, %get3A_250] {strides = array<i32>} : memref<2x40xi32, #tpu.memory_space<vmem>>, vector<1x16xi32>,
      %get3A_252 = vector.shape_cast %get3A_251 : vector<1x16xi32> to vector<16xi32>
      %add3A_253 = vector.broadcast %mul3A_2 : i32 to vector<16xi32>
      %add3A_254 = arith.addi %get3A_252, %add3A_253 : vector<16xi32>
      %swap3A_255 = arith.constant 0 : index
      %swap3A_256 = tpu.vector_load %arg19[%swap3A_255] {strides = array<i32>} : memref<40xi32, #tpu.memory_space<vmem>>, vector<16xi32>,
      %swap3A_257 = vector.shape_cast %swap3A_256 : vector<16xi32> to vector<16xi32>
      %swap3A_258 = vector.shape_cast %add3A_254 : vector<16xi32> to vector<16xi32>
      tpu.vector_store %arg19[%swap3A_255], %swap3A_258 {strides = array<i32>} : memref<40xi32, #tpu.memory_space<vmem>>, vector<16xi32>,
      %get3A_259 = arith.constant 0 : i32
      %get3A_260 = arith.index_cast %get3A_259 : i32 to index
      %get3A_261 = arith.constant 16 : index
      %get3A_262 = tpu.vector_load %arg9[%get3A_260, %get3A_261] {strides = array<i32>} : memref<2x40xi32, #tpu.memory_space<vmem>>, vector<1x16xi32>,
      %get3A_263 = vector.shape_cast %get3A_262 : vector<1x16xi32> to vector<16xi32>
      %add3A_264 = vector.broadcast %mul3A_2 : i32 to vector<16xi32>
      %add3A_265 = arith.addi %get3A_263, %add3A_264 : vector<16xi32>
      %swap3A_266 = arith.constant 16 : index
      %swap3A_267 = tpu.vector_load %arg19[%swap3A_266] {strides = array<i32>} : memref<40xi32, #tpu.memory_space<vmem>>, vector<16xi32>,
      %swap3A_268 = vector.shape_cast %swap3A_267 : vector<16xi32> to vector<16xi32>
      %swap3A_269 = vector.shape_cast %add3A_265 : vector<16xi32> to vector<16xi32>
      tpu.vector_store %arg19[%swap3A_266], %swap3A_269 {strides = array<i32>} : memref<40xi32, #tpu.memory_space<vmem>>, vector<16xi32>,
      %get3A_270 = arith.constant 0 : i32
      %get3A_271 = arith.index_cast %get3A_270 : i32 to index
      %get3A_272 = arith.constant 24 : index
      %get3A_273 = tpu.vector_load %arg9[%get3A_271, %get3A_272] {strides = array<i32>} : memref<2x40xi32, #tpu.memory_space<vmem>>, vector<1x16xi32>,
      %get3A_274 = vector.shape_cast %get3A_273 : vector<1x16xi32> to vector<16xi32>
      %add3A_275 = vector.broadcast %mul3A_2 : i32 to vector<16xi32>
      %add3A_276 = arith.addi %get3A_274, %add3A_275 : vector<16xi32>
      %swap3A_277 = arith.constant 24 : index
      %swap3A_278 = tpu.vector_load %arg19[%swap3A_277] {strides = array<i32>} : memref<40xi32, #tpu.memory_space<vmem>>, vector<16xi32>,
      %swap3A_279 = vector.shape_cast %swap3A_278 : vector<16xi32> to vector<16xi32>
      %swap3A_280 = vector.shape_cast %add3A_276 : vector<16xi32> to vector<16xi32>
      tpu.vector_store %arg19[%swap3A_277], %swap3A_280 {strides = array<i32>} : memref<40xi32, #tpu.memory_space<vmem>>, vector<16xi32>,
      %gt3A_281 = arith.constant 0 : i32
      %gt3A_282 = arith.cmpi sgt, %scan3A_113, %gt3A_281 : i32
      %convert_element_type3A_283 = arith.extui %gt3A_282 : i1 to i32
      %cond3A_284 = arith.constant 0 : i32
      %cond3A_285 = arith.cmpi ne, %convert_element_type3A_283, %cond3A_284 : i32
      scf.if %cond3A_285 {
        %dma_wait3A_832 = arith.constant 1 : i32
        %dma_wait3A_833 = arith.constant 0 : i32
        %dma_wait3A_834 = tpu.memref_slice %arg14[%dma_wait3A_832, %dma_wait3A_833] : memref<2x40xi32, #tpu.memory_space<vmem>> -> memref<1x40xi32, #tpu.memory_space<vmem>>
        %dma_wait3A_835 = tpu.memref_squeeze %dma_wait3A_834 : memref<1x40xi32, #tpu.memory_space<vmem>> -> memref<40xi32, #tpu.memory_space<vmem>>
        %dma_wait3A_836 = arith.constant 0 : i32
        %dma_wait3A_837 = arith.constant 0 : i32
        %dma_wait3A_838 = tpu.memref_slice %arg5[%dma_wait3A_836, %dma_wait3A_837] : memref<10000x128xf32, #tpu.memory_space<vmem_shared>> -> memref<10000x128xf32, #tpu.memory_space<vmem_shared>>
        tpu.wait_indirect_dma semaphore(%arg49 : memref<!tpu.dma_semaphore, #tpu.memory_space<semaphore_mem>>) src(%arg29 : memref<40x128xf32, #tpu.memory_space<vmem>>) dst(%dma_wait3A_838 : memref<10000x128xf32, #tpu.memory_space<vmem_shared>>)
      } else {
      }
      %dma_start3A_286 = arith.constant 0 : i32
      %dma_start3A_287 = arith.constant 0 : i32
      %dma_start3A_288 = tpu.memref_slice %arg2[%dma_start3A_286, %dma_start3A_287] : memref<20000x128xf32, #tpu.memory_space<hbm>> -> memref<20000x128xf32, #tpu.memory_space<hbm>>
      tpu.enqueue_indirect_dma source(%dma_start3A_288 : memref<20000x128xf32, #tpu.memory_space<hbm>>) target(%arg29 : memref<40x128xf32, #tpu.memory_space<vmem>>) offsets(%arg19 : memref<40xi32, #tpu.memory_space<vmem>>) semaphore(%arg44 : memref<!tpu.dma_semaphore, #tpu.memory_space<semaphore_mem>>)
      %dma_wait3A_289 = arith.constant 0 : i32
      %dma_wait3A_290 = tpu.memref_slice %arg3[%dma_wait3A_289, %mul3A_7] : memref<2x160000xi32, #tpu.memory_space<hbm>> -> memref<2x40xi32, #tpu.memory_space<hbm>>
      %dma_wait3A_291 = arith.constant 0 : i32
      %dma_wait3A_292 = tpu.memref_slice %arg3[%dma_wait3A_291, %mul3A_7] : memref<2x160000xi32, #tpu.memory_space<hbm>> -> memref<2x40xi32, #tpu.memory_space<hbm>>
      tpu.wait_dma2 semaphore(%arg35 : memref<!tpu.dma_semaphore, #tpu.memory_space<semaphore_mem>>) src(%dma_wait3A_292 : memref<2x40xi32, #tpu.memory_space<hbm>>) dst(%arg10 : memref<2x40xi32, #tpu.memory_space<vmem>>)
      %get3A_293 = arith.constant 0 : i32
      %get3A_294 = arith.index_cast %get3A_293 : i32 to index
      %get3A_295 = arith.constant 0 : index
      %get3A_296 = tpu.vector_load %arg10[%get3A_294, %get3A_295] {strides = array<i32>} : memref<2x40xi32, #tpu.memory_space<vmem>>, vector<1x16xi32>,
      %get3A_297 = vector.shape_cast %get3A_296 : vector<1x16xi32> to vector<16xi32>
      %add3A_298 = vector.broadcast %mul3A_2 : i32 to vector<16xi32>
      %add3A_299 = arith.addi %get3A_297, %add3A_298 : vector<16xi32>
      %swap3A_300 = arith.constant 0 : index
      %swap3A_301 = tpu.vector_load %arg20[%swap3A_300] {strides = array<i32>} : memref<40xi32, #tpu.memory_space<vmem>>, vector<16xi32>,
      %swap3A_302 = vector.shape_cast %swap3A_301 : vector<16xi32> to vector<16xi32>
      %swap3A_303 = vector.shape_cast %add3A_299 : vector<16xi32> to vector<16xi32>
      tpu.vector_store %arg20[%swap3A_300], %swap3A_303 {strides = array<i32>} : memref<40xi32, #tpu.memory_space<vmem>>, vector<16xi32>,
      %get3A_304 = arith.constant 0 : i32
      %get3A_305 = arith.index_cast %get3A_304 : i32 to index
      %get3A_306 = arith.constant 16 : index
      %get3A_307 = tpu.vector_load %arg10[%get3A_305, %get3A_306] {strides = array<i32>} : memref<2x40xi32, #tpu.memory_space<vmem>>, vector<1x16xi32>,
      %get3A_308 = vector.shape_cast %get3A_307 : vector<1x16xi32> to vector<16xi32>
      %add3A_309 = vector.broadcast %mul3A_2 : i32 to vector<16xi32>
      %add3A_310 = arith.addi %get3A_308, %add3A_309 : vector<16xi32>
      %swap3A_311 = arith.constant 16 : index
      %swap3A_312 = tpu.vector_load %arg20[%swap3A_311] {strides = array<i32>} : memref<40xi32, #tpu.memory_space<vmem>>, vector<16xi32>,
      %swap3A_313 = vector.shape_cast %swap3A_312 : vector<16xi32> to vector<16xi32>
      %swap3A_314 = vector.shape_cast %add3A_310 : vector<16xi32> to vector<16xi32>
      tpu.vector_store %arg20[%swap3A_311], %swap3A_314 {strides = array<i32>} : memref<40xi32, #tpu.memory_space<vmem>>, vector<16xi32>,
      %get3A_315 = arith.constant 0 : i32
      %get3A_316 = arith.index_cast %get3A_315 : i32 to index
      %get3A_317 = arith.constant 24 : index
      %get3A_318 = tpu.vector_load %arg10[%get3A_316, %get3A_317] {strides = array<i32>} : memref<2x40xi32, #tpu.memory_space<vmem>>, vector<1x16xi32>,
      %get3A_319 = vector.shape_cast %get3A_318 : vector<1x16xi32> to vector<16xi32>
      %add3A_320 = vector.broadcast %mul3A_2 : i32 to vector<16xi32>
      %add3A_321 = arith.addi %get3A_319, %add3A_320 : vector<16xi32>
      %swap3A_322 = arith.constant 24 : index
      %swap3A_323 = tpu.vector_load %arg20[%swap3A_322] {strides = array<i32>} : memref<40xi32, #tpu.memory_space<vmem>>, vector<16xi32>,
      %swap3A_324 = vector.shape_cast %swap3A_323 : vector<16xi32> to vector<16xi32>
      %swap3A_325 = vector.shape_cast %add3A_321 : vector<16xi32> to vector<16xi32>
      tpu.vector_store %arg20[%swap3A_322], %swap3A_325 {strides = array<i32>} : memref<40xi32, #tpu.memory_space<vmem>>, vector<16xi32>,
      %gt3A_326 = arith.constant 0 : i32
      %gt3A_327 = arith.cmpi sgt, %scan3A_113, %gt3A_326 : i32
      %convert_element_type3A_328 = arith.extui %gt3A_327 : i1 to i32
      %cond3A_329 = arith.constant 0 : i32
      %cond3A_330 = arith.cmpi ne, %convert_element_type3A_328, %cond3A_329 : i32
      scf.if %cond3A_330 {
        %dma_wait3A_832 = arith.constant 1 : i32
        %dma_wait3A_833 = arith.constant 0 : i32
        %dma_wait3A_834 = tpu.memref_slice %arg15[%dma_wait3A_832, %dma_wait3A_833] : memref<2x40xi32, #tpu.memory_space<vmem>> -> memref<1x40xi32, #tpu.memory_space<vmem>>
        %dma_wait3A_835 = tpu.memref_squeeze %dma_wait3A_834 : memref<1x40xi32, #tpu.memory_space<vmem>> -> memref<40xi32, #tpu.memory_space<vmem>>
        %dma_wait3A_836 = arith.constant 0 : i32
        %dma_wait3A_837 = arith.constant 0 : i32
        %dma_wait3A_838 = tpu.memref_slice %arg5[%dma_wait3A_836, %dma_wait3A_837] : memref<10000x128xf32, #tpu.memory_space<vmem_shared>> -> memref<10000x128xf32, #tpu.memory_space<vmem_shared>>
        tpu.wait_indirect_dma semaphore(%arg50 : memref<!tpu.dma_semaphore, #tpu.memory_space<semaphore_mem>>) src(%arg30 : memref<40x128xf32, #tpu.memory_space<vmem>>) dst(%dma_wait3A_838 : memref<10000x128xf32, #tpu.memory_space<vmem_shared>>)
      } else {
      }
      %dma_start3A_331 = arith.constant 0 : i32
      %dma_start3A_332 = arith.constant 0 : i32
      %dma_start3A_333 = tpu.memref_slice %arg2[%dma_start3A_331, %dma_start3A_332] : memref<20000x128xf32, #tpu.memory_space<hbm>> -> memref<20000x128xf32, #tpu.memory_space<hbm>>
      tpu.enqueue_indirect_dma source(%dma_start3A_333 : memref<20000x128xf32, #tpu.memory_space<hbm>>) target(%arg30 : memref<40x128xf32, #tpu.memory_space<vmem>>) offsets(%arg20 : memref<40xi32, #tpu.memory_space<vmem>>) semaphore(%arg45 : memref<!tpu.dma_semaphore, #tpu.memory_space<semaphore_mem>>)
      %dma_wait3A_334 = arith.constant 0 : i32
      %dma_wait3A_335 = arith.constant 0 : i32
      %dma_wait3A_336 = tpu.memref_slice %arg2[%dma_wait3A_334, %dma_wait3A_335] : memref<20000x128xf32, #tpu.memory_space<hbm>> -> memref<20000x128xf32, #tpu.memory_space<hbm>>
      tpu.wait_indirect_dma semaphore(%arg41 : memref<!tpu.dma_semaphore, #tpu.memory_space<semaphore_mem>>) src(%dma_wait3A_336 : memref<20000x128xf32, #tpu.memory_space<hbm>>) dst(%arg26 : memref<40x128xf32, #tpu.memory_space<vmem>>)
      %dma_start3A_337 = arith.constant 1 : i32
      %dma_start3A_338 = arith.constant 0 : i32
      %dma_start3A_339 = tpu.memref_slice %arg6[%dma_start3A_337, %dma_start3A_338] : memref<2x40xi32, #tpu.memory_space<vmem>> -> memref<1x40xi32, #tpu.memory_space<vmem>>
      %dma_start3A_340 = tpu.memref_squeeze %dma_start3A_339 : memref<1x40xi32, #tpu.memory_space<vmem>> -> memref<40xi32, #tpu.memory_space<vmem>>
      %dma_start3A_341 = arith.constant 0 : i32
      %dma_start3A_342 = arith.constant 0 : i32
      %dma_start3A_343 = tpu.memref_slice %arg5[%dma_start3A_341, %dma_start3A_342] : memref<10000x128xf32, #tpu.memory_space<vmem_shared>> -> memref<10000x128xf32, #tpu.memory_space<vmem_shared>>
      tpu.enqueue_indirect_dma source(%arg26 : memref<40x128xf32, #tpu.memory_space<vmem>>) target(%dma_start3A_343 : memref<10000x128xf32, #tpu.memory_space<vmem_shared>>) offsets(%dma_start3A_340 : memref<40xi32, #tpu.memory_space<vmem>>) semaphore(%arg46 : memref<!tpu.dma_semaphore, #tpu.memory_space<semaphore_mem>>) {add = true}
      %mul3A_344 = arith.constant 2 : i32
      %mul3A_345 = arith.muli %mul3A_344, %scan3A_113 : i32
      %add3A_346 = arith.constant 0 : i32
      %add3A_347 = arith.addi %mul3A_345, %add3A_346 : i32
      %add3A_348 = arith.constant 1 : i32
      %add3A_349 = arith.addi %add3A_347, %add3A_348 : i32
      %mul3A_350 = arith.constant 5 : i32
      %mul3A_351 = arith.muli %add3A_349, %mul3A_350 : i32
      %add3A_352 = arith.constant 0 : i32
      %add3A_353 = arith.addi %mul3A_351, %add3A_352 : i32
      %gt3A_354 = arith.constant 0 : i32
      %gt3A_355 = arith.cmpi sgt, %scan3A_113, %gt3A_354 : i32
      %lt3A = arith.constant 250 : i32
      %lt3A_356 = arith.cmpi slt, %add3A_353, %lt3A : i32
      %and3A = arith.andi %gt3A_355, %lt3A_356 : i1
      %convert_element_type3A_357 = arith.extui %and3A : i1 to i32
      %cond3A_358 = arith.constant 0 : i32
      %cond3A_359 = arith.cmpi ne, %convert_element_type3A_357, %cond3A_358 : i32
      scf.if %cond3A_359 {
        %mul3A_832 = arith.constant 40 : i32
        %mul3A_833 = arith.muli %add3A_353, %mul3A_832 : i32
        %add3A_834 = arith.addi %mul3A_7, %mul3A_833 : i32
        %dma_start3A_835 = arith.constant 0 : i32
        %dma_start3A_836 = tpu.memref_slice %arg3[%dma_start3A_835, %add3A_834] : memref<2x160000xi32, #tpu.memory_space<hbm>> -> memref<2x40xi32, #tpu.memory_space<hbm>>
        %dma_start3A_837 = arith.constant 0 : i32
        %dma_start3A_838 = tpu.memref_slice %arg3[%dma_start3A_837, %add3A_834] : memref<2x160000xi32, #tpu.memory_space<hbm>> -> memref<2x40xi32, #tpu.memory_space<hbm>>
        tpu.enqueue_dma source(%dma_start3A_838 : memref<2x40xi32, #tpu.memory_space<hbm>>) target(%arg11 : memref<2x40xi32, #tpu.memory_space<vmem>>) target_semaphore(%arg36 : memref<!tpu.dma_semaphore, #tpu.memory_space<semaphore_mem>>)
      } else {
      }
      %dma_wait3A_360 = arith.constant 0 : i32
      %dma_wait3A_361 = arith.constant 0 : i32
      %dma_wait3A_362 = tpu.memref_slice %arg2[%dma_wait3A_360, %dma_wait3A_361] : memref<20000x128xf32, #tpu.memory_space<hbm>> -> memref<20000x128xf32, #tpu.memory_space<hbm>>
      tpu.wait_indirect_dma semaphore(%arg42 : memref<!tpu.dma_semaphore, #tpu.memory_space<semaphore_mem>>) src(%dma_wait3A_362 : memref<20000x128xf32, #tpu.memory_space<hbm>>) dst(%arg27 : memref<40x128xf32, #tpu.memory_space<vmem>>)
      %dma_start3A_363 = arith.constant 1 : i32
      %dma_start3A_364 = arith.constant 0 : i32
      %dma_start3A_365 = tpu.memref_slice %arg7[%dma_start3A_363, %dma_start3A_364] : memref<2x40xi32, #tpu.memory_space<vmem>> -> memref<1x40xi32, #tpu.memory_space<vmem>>
      %dma_start3A_366 = tpu.memref_squeeze %dma_start3A_365 : memref<1x40xi32, #tpu.memory_space<vmem>> -> memref<40xi32, #tpu.memory_space<vmem>>
      %dma_start3A_367 = arith.constant 0 : i32
      %dma_start3A_368 = arith.constant 0 : i32
      %dma_start3A_369 = tpu.memref_slice %arg5[%dma_start3A_367, %dma_start3A_368] : memref<10000x128xf32, #tpu.memory_space<vmem_shared>> -> memref<10000x128xf32, #tpu.memory_space<vmem_shared>>
      tpu.enqueue_indirect_dma source(%arg27 : memref<40x128xf32, #tpu.memory_space<vmem>>) target(%dma_start3A_369 : memref<10000x128xf32, #tpu.memory_space<vmem_shared>>) offsets(%dma_start3A_366 : memref<40xi32, #tpu.memory_space<vmem>>) semaphore(%arg47 : memref<!tpu.dma_semaphore, #tpu.memory_space<semaphore_mem>>) {add = true}
      %mul3A_370 = arith.constant 2 : i32
      %mul3A_371 = arith.muli %mul3A_370, %scan3A_113 : i32
      %add3A_372 = arith.constant 0 : i32
      %add3A_373 = arith.addi %mul3A_371, %add3A_372 : i32
      %add3A_374 = arith.constant 1 : i32
      %add3A_375 = arith.addi %add3A_373, %add3A_374 : i32
      %mul3A_376 = arith.constant 5 : i32
      %mul3A_377 = arith.muli %add3A_375, %mul3A_376 : i32
      %add3A_378 = arith.constant 1 : i32
      %add3A_379 = arith.addi %mul3A_377, %add3A_378 : i32
      %gt3A_380 = arith.constant 0 : i32
      %gt3A_381 = arith.cmpi sgt, %scan3A_113, %gt3A_380 : i32
      %lt3A_382 = arith.constant 250 : i32
      %lt3A_383 = arith.cmpi slt, %add3A_379, %lt3A_382 : i32
      %and3A_384 = arith.andi %gt3A_381, %lt3A_383 : i1
      %convert_element_type3A_385 = arith.extui %and3A_384 : i1 to i32
      %cond3A_386 = arith.constant 0 : i32
      %cond3A_387 = arith.cmpi ne, %convert_element_type3A_385, %cond3A_386 : i32
      scf.if %cond3A_387 {
        %mul3A_832 = arith.constant 40 : i32
        %mul3A_833 = arith.muli %add3A_379, %mul3A_832 : i32
        %add3A_834 = arith.addi %mul3A_7, %mul3A_833 : i32
        %dma_start3A_835 = arith.constant 0 : i32
        %dma_start3A_836 = tpu.memref_slice %arg3[%dma_start3A_835, %add3A_834] : memref<2x160000xi32, #tpu.memory_space<hbm>> -> memref<2x40xi32, #tpu.memory_space<hbm>>
        %dma_start3A_837 = arith.constant 0 : i32
        %dma_start3A_838 = tpu.memref_slice %arg3[%dma_start3A_837, %add3A_834] : memref<2x160000xi32, #tpu.memory_space<hbm>> -> memref<2x40xi32, #tpu.memory_space<hbm>>
        tpu.enqueue_dma source(%dma_start3A_838 : memref<2x40xi32, #tpu.memory_space<hbm>>) target(%arg12 : memref<2x40xi32, #tpu.memory_space<vmem>>) target_semaphore(%arg37 : memref<!tpu.dma_semaphore, #tpu.memory_space<semaphore_mem>>)
      } else {
      }
      %dma_wait3A_388 = arith.constant 0 : i32
      %dma_wait3A_389 = arith.constant 0 : i32
      %dma_wait3A_390 = tpu.memref_slice %arg2[%dma_wait3A_388, %dma_wait3A_389] : memref<20000x128xf32, #tpu.memory_space<hbm>> -> memref<20000x128xf32, #tpu.memory_space<hbm>>
      tpu.wait_indirect_dma semaphore(%arg43 : memref<!tpu.dma_semaphore, #tpu.memory_space<semaphore_mem>>) src(%dma_wait3A_390 : memref<20000x128xf32, #tpu.memory_space<hbm>>) dst(%arg28 : memref<40x128xf32, #tpu.memory_space<vmem>>)
      %dma_start3A_391 = arith.constant 1 : i32
      %dma_start3A_392 = arith.constant 0 : i32
      %dma_start3A_393 = tpu.memref_slice %arg8[%dma_start3A_391, %dma_start3A_392] : memref<2x40xi32, #tpu.memory_space<vmem>> -> memref<1x40xi32, #tpu.memory_space<vmem>>
      %dma_start3A_394 = tpu.memref_squeeze %dma_start3A_393 : memref<1x40xi32, #tpu.memory_space<vmem>> -> memref<40xi32, #tpu.memory_space<vmem>>
      %dma_start3A_395 = arith.constant 0 : i32
      %dma_start3A_396 = arith.constant 0 : i32
      %dma_start3A_397 = tpu.memref_slice %arg5[%dma_start3A_395, %dma_start3A_396] : memref<10000x128xf32, #tpu.memory_space<vmem_shared>> -> memref<10000x128xf32, #tpu.memory_space<vmem_shared>>
      tpu.enqueue_indirect_dma source(%arg28 : memref<40x128xf32, #tpu.memory_space<vmem>>) target(%dma_start3A_397 : memref<10000x128xf32, #tpu.memory_space<vmem_shared>>) offsets(%dma_start3A_394 : memref<40xi32, #tpu.memory_space<vmem>>) semaphore(%arg48 : memref<!tpu.dma_semaphore, #tpu.memory_space<semaphore_mem>>) {add = true}
      %mul3A_398 = arith.constant 2 : i32
      %mul3A_399 = arith.muli %mul3A_398, %scan3A_113 : i32
      %add3A_400 = arith.constant 0 : i32
      %add3A_401 = arith.addi %mul3A_399, %add3A_400 : i32
      %add3A_402 = arith.constant 1 : i32
      %add3A_403 = arith.addi %add3A_401, %add3A_402 : i32
      %mul3A_404 = arith.constant 5 : i32
      %mul3A_405 = arith.muli %add3A_403, %mul3A_404 : i32
      %add3A_406 = arith.constant 2 : i32
      %add3A_407 = arith.addi %mul3A_405, %add3A_406 : i32
      %gt3A_408 = arith.constant 0 : i32
      %gt3A_409 = arith.cmpi sgt, %scan3A_113, %gt3A_408 : i32
      %lt3A_410 = arith.constant 250 : i32
      %lt3A_411 = arith.cmpi slt, %add3A_407, %lt3A_410 : i32
      %and3A_412 = arith.andi %gt3A_409, %lt3A_411 : i1
      %convert_element_type3A_413 = arith.extui %and3A_412 : i1 to i32
      %cond3A_414 = arith.constant 0 : i32
      %cond3A_415 = arith.cmpi ne, %convert_element_type3A_413, %cond3A_414 : i32
      scf.if %cond3A_415 {
        %mul3A_832 = arith.constant 40 : i32
        %mul3A_833 = arith.muli %add3A_407, %mul3A_832 : i32
        %add3A_834 = arith.addi %mul3A_7, %mul3A_833 : i32
        %dma_start3A_835 = arith.constant 0 : i32
        %dma_start3A_836 = tpu.memref_slice %arg3[%dma_start3A_835, %add3A_834] : memref<2x160000xi32, #tpu.memory_space<hbm>> -> memref<2x40xi32, #tpu.memory_space<hbm>>
        %dma_start3A_837 = arith.constant 0 : i32
        %dma_start3A_838 = tpu.memref_slice %arg3[%dma_start3A_837, %add3A_834] : memref<2x160000xi32, #tpu.memory_space<hbm>> -> memref<2x40xi32, #tpu.memory_space<hbm>>
        tpu.enqueue_dma source(%dma_start3A_838 : memref<2x40xi32, #tpu.memory_space<hbm>>) target(%arg13 : memref<2x40xi32, #tpu.memory_space<vmem>>) target_semaphore(%arg38 : memref<!tpu.dma_semaphore, #tpu.memory_space<semaphore_mem>>)
      } else {
      }
      %dma_wait3A_416 = arith.constant 0 : i32
      %dma_wait3A_417 = arith.constant 0 : i32
      %dma_wait3A_418 = tpu.memref_slice %arg2[%dma_wait3A_416, %dma_wait3A_417] : memref<20000x128xf32, #tpu.memory_space<hbm>> -> memref<20000x128xf32, #tpu.memory_space<hbm>>
      tpu.wait_indirect_dma semaphore(%arg44 : memref<!tpu.dma_semaphore, #tpu.memory_space<semaphore_mem>>) src(%dma_wait3A_418 : memref<20000x128xf32, #tpu.memory_space<hbm>>) dst(%arg29 : memref<40x128xf32, #tpu.memory_space<vmem>>)
      %dma_start3A_419 = arith.constant 1 : i32
      %dma_start3A_420 = arith.constant 0 : i32
      %dma_start3A_421 = tpu.memref_slice %arg9[%dma_start3A_419, %dma_start3A_420] : memref<2x40xi32, #tpu.memory_space<vmem>> -> memref<1x40xi32, #tpu.memory_space<vmem>>
      %dma_start3A_422 = tpu.memref_squeeze %dma_start3A_421 : memref<1x40xi32, #tpu.memory_space<vmem>> -> memref<40xi32, #tpu.memory_space<vmem>>
      %dma_start3A_423 = arith.constant 0 : i32
      %dma_start3A_424 = arith.constant 0 : i32
      %dma_start3A_425 = tpu.memref_slice %arg5[%dma_start3A_423, %dma_start3A_424] : memref<10000x128xf32, #tpu.memory_space<vmem_shared>> -> memref<10000x128xf32, #tpu.memory_space<vmem_shared>>
      tpu.enqueue_indirect_dma source(%arg29 : memref<40x128xf32, #tpu.memory_space<vmem>>) target(%dma_start3A_425 : memref<10000x128xf32, #tpu.memory_space<vmem_shared>>) offsets(%dma_start3A_422 : memref<40xi32, #tpu.memory_space<vmem>>) semaphore(%arg49 : memref<!tpu.dma_semaphore, #tpu.memory_space<semaphore_mem>>) {add = true}
      %mul3A_426 = arith.constant 2 : i32
      %mul3A_427 = arith.muli %mul3A_426, %scan3A_113 : i32
      %add3A_428 = arith.constant 0 : i32
      %add3A_429 = arith.addi %mul3A_427, %add3A_428 : i32
      %add3A_430 = arith.constant 1 : i32
      %add3A_431 = arith.addi %add3A_429, %add3A_430 : i32
      %mul3A_432 = arith.constant 5 : i32
      %mul3A_433 = arith.muli %add3A_431, %mul3A_432 : i32
      %add3A_434 = arith.constant 3 : i32
      %add3A_435 = arith.addi %mul3A_433, %add3A_434 : i32
      %gt3A_436 = arith.constant 0 : i32
      %gt3A_437 = arith.cmpi sgt, %scan3A_113, %gt3A_436 : i32
      %lt3A_438 = arith.constant 250 : i32
      %lt3A_439 = arith.cmpi slt, %add3A_435, %lt3A_438 : i32
      %and3A_440 = arith.andi %gt3A_437, %lt3A_439 : i1
      %convert_element_type3A_441 = arith.extui %and3A_440 : i1 to i32
      %cond3A_442 = arith.constant 0 : i32
      %cond3A_443 = arith.cmpi ne, %convert_element_type3A_441, %cond3A_442 : i32
      scf.if %cond3A_443 {
        %mul3A_832 = arith.constant 40 : i32
        %mul3A_833 = arith.muli %add3A_435, %mul3A_832 : i32
        %add3A_834 = arith.addi %mul3A_7, %mul3A_833 : i32
        %dma_start3A_835 = arith.constant 0 : i32
        %dma_start3A_836 = tpu.memref_slice %arg3[%dma_start3A_835, %add3A_834] : memref<2x160000xi32, #tpu.memory_space<hbm>> -> memref<2x40xi32, #tpu.memory_space<hbm>>
        %dma_start3A_837 = arith.constant 0 : i32
        %dma_start3A_838 = tpu.memref_slice %arg3[%dma_start3A_837, %add3A_834] : memref<2x160000xi32, #tpu.memory_space<hbm>> -> memref<2x40xi32, #tpu.memory_space<hbm>>
        tpu.enqueue_dma source(%dma_start3A_838 : memref<2x40xi32, #tpu.memory_space<hbm>>) target(%arg14 : memref<2x40xi32, #tpu.memory_space<vmem>>) target_semaphore(%arg39 : memref<!tpu.dma_semaphore, #tpu.memory_space<semaphore_mem>>)
      } else {
      }
      %dma_wait3A_444 = arith.constant 0 : i32
      %dma_wait3A_445 = arith.constant 0 : i32
      %dma_wait3A_446 = tpu.memref_slice %arg2[%dma_wait3A_444, %dma_wait3A_445] : memref<20000x128xf32, #tpu.memory_space<hbm>> -> memref<20000x128xf32, #tpu.memory_space<hbm>>
      tpu.wait_indirect_dma semaphore(%arg45 : memref<!tpu.dma_semaphore, #tpu.memory_space<semaphore_mem>>) src(%dma_wait3A_446 : memref<20000x128xf32, #tpu.memory_space<hbm>>) dst(%arg30 : memref<40x128xf32, #tpu.memory_space<vmem>>)
      %dma_start3A_447 = arith.constant 1 : i32
      %dma_start3A_448 = arith.constant 0 : i32
      %dma_start3A_449 = tpu.memref_slice %arg10[%dma_start3A_447, %dma_start3A_448] : memref<2x40xi32, #tpu.memory_space<vmem>> -> memref<1x40xi32, #tpu.memory_space<vmem>>
      %dma_start3A_450 = tpu.memref_squeeze %dma_start3A_449 : memref<1x40xi32, #tpu.memory_space<vmem>> -> memref<40xi32, #tpu.memory_space<vmem>>
      %dma_start3A_451 = arith.constant 0 : i32
      %dma_start3A_452 = arith.constant 0 : i32
      %dma_start3A_453 = tpu.memref_slice %arg5[%dma_start3A_451, %dma_start3A_452] : memref<10000x128xf32, #tpu.memory_space<vmem_shared>> -> memref<10000x128xf32, #tpu.memory_space<vmem_shared>>
      tpu.enqueue_indirect_dma source(%arg30 : memref<40x128xf32, #tpu.memory_space<vmem>>) target(%dma_start3A_453 : memref<10000x128xf32, #tpu.memory_space<vmem_shared>>) offsets(%dma_start3A_450 : memref<40xi32, #tpu.memory_space<vmem>>) semaphore(%arg50 : memref<!tpu.dma_semaphore, #tpu.memory_space<semaphore_mem>>) {add = true}
      %mul3A_454 = arith.constant 2 : i32
      %mul3A_455 = arith.muli %mul3A_454, %scan3A_113 : i32
      %add3A_456 = arith.constant 0 : i32
      %add3A_457 = arith.addi %mul3A_455, %add3A_456 : i32
      %add3A_458 = arith.constant 1 : i32
      %add3A_459 = arith.addi %add3A_457, %add3A_458 : i32
      %mul3A_460 = arith.constant 5 : i32
      %mul3A_461 = arith.muli %add3A_459, %mul3A_460 : i32
      %add3A_462 = arith.constant 4 : i32
      %add3A_463 = arith.addi %mul3A_461, %add3A_462 : i32
      %gt3A_464 = arith.constant 0 : i32
      %gt3A_465 = arith.cmpi sgt, %scan3A_113, %gt3A_464 : i32
      %lt3A_466 = arith.constant 250 : i32
      %lt3A_467 = arith.cmpi slt, %add3A_463, %lt3A_466 : i32
      %and3A_468 = arith.andi %gt3A_465, %lt3A_467 : i1
      %convert_element_type3A_469 = arith.extui %and3A_468 : i1 to i32
      %cond3A_470 = arith.constant 0 : i32
      %cond3A_471 = arith.cmpi ne, %convert_element_type3A_469, %cond3A_470 : i32
      scf.if %cond3A_471 {
        %mul3A_832 = arith.constant 40 : i32
        %mul3A_833 = arith.muli %add3A_463, %mul3A_832 : i32
        %add3A_834 = arith.addi %mul3A_7, %mul3A_833 : i32
        %dma_start3A_835 = arith.constant 0 : i32
        %dma_start3A_836 = tpu.memref_slice %arg3[%dma_start3A_835, %add3A_834] : memref<2x160000xi32, #tpu.memory_space<hbm>> -> memref<2x40xi32, #tpu.memory_space<hbm>>
        %dma_start3A_837 = arith.constant 0 : i32
        %dma_start3A_838 = tpu.memref_slice %arg3[%dma_start3A_837, %add3A_834] : memref<2x160000xi32, #tpu.memory_space<hbm>> -> memref<2x40xi32, #tpu.memory_space<hbm>>
        tpu.enqueue_dma source(%dma_start3A_838 : memref<2x40xi32, #tpu.memory_space<hbm>>) target(%arg15 : memref<2x40xi32, #tpu.memory_space<vmem>>) target_semaphore(%arg40 : memref<!tpu.dma_semaphore, #tpu.memory_space<semaphore_mem>>)
      } else {
      }
      %dma_wait3A_472 = arith.constant 0 : i32
      %dma_wait3A_473 = tpu.memref_slice %arg3[%dma_wait3A_472, %mul3A_7] : memref<2x160000xi32, #tpu.memory_space<hbm>> -> memref<2x40xi32, #tpu.memory_space<hbm>>
      %dma_wait3A_474 = arith.constant 0 : i32
      %dma_wait3A_475 = tpu.memref_slice %arg3[%dma_wait3A_474, %mul3A_7] : memref<2x160000xi32, #tpu.memory_space<hbm>> -> memref<2x40xi32, #tpu.memory_space<hbm>>
      tpu.wait_dma2 semaphore(%arg36 : memref<!tpu.dma_semaphore, #tpu.memory_space<semaphore_mem>>) src(%dma_wait3A_475 : memref<2x40xi32, #tpu.memory_space<hbm>>) dst(%arg11 : memref<2x40xi32, #tpu.memory_space<vmem>>)
      %get3A_476 = arith.constant 0 : i32
      %get3A_477 = arith.index_cast %get3A_476 : i32 to index
      %get3A_478 = arith.constant 0 : index
      %get3A_479 = tpu.vector_load %arg11[%get3A_477, %get3A_478] {strides = array<i32>} : memref<2x40xi32, #tpu.memory_space<vmem>>, vector<1x16xi32>,
      %get3A_480 = vector.shape_cast %get3A_479 : vector<1x16xi32> to vector<16xi32>
      %add3A_481 = vector.broadcast %mul3A_2 : i32 to vector<16xi32>
      %add3A_482 = arith.addi %get3A_480, %add3A_481 : vector<16xi32>
      %swap3A_483 = arith.constant 0 : index
      %swap3A_484 = tpu.vector_load %arg21[%swap3A_483] {strides = array<i32>} : memref<40xi32, #tpu.memory_space<vmem>>, vector<16xi32>,
      %swap3A_485 = vector.shape_cast %swap3A_484 : vector<16xi32> to vector<16xi32>
      %swap3A_486 = vector.shape_cast %add3A_482 : vector<16xi32> to vector<16xi32>
      tpu.vector_store %arg21[%swap3A_483], %swap3A_486 {strides = array<i32>} : memref<40xi32, #tpu.memory_space<vmem>>, vector<16xi32>,
      %get3A_487 = arith.constant 0 : i32
      %get3A_488 = arith.index_cast %get3A_487 : i32 to index
      %get3A_489 = arith.constant 16 : index
      %get3A_490 = tpu.vector_load %arg11[%get3A_488, %get3A_489] {strides = array<i32>} : memref<2x40xi32, #tpu.memory_space<vmem>>, vector<1x16xi32>,
      %get3A_491 = vector.shape_cast %get3A_490 : vector<1x16xi32> to vector<16xi32>
      %add3A_492 = vector.broadcast %mul3A_2 : i32 to vector<16xi32>
      %add3A_493 = arith.addi %get3A_491, %add3A_492 : vector<16xi32>
      %swap3A_494 = arith.constant 16 : index
      %swap3A_495 = tpu.vector_load %arg21[%swap3A_494] {strides = array<i32>} : memref<40xi32, #tpu.memory_space<vmem>>, vector<16xi32>,
      %swap3A_496 = vector.shape_cast %swap3A_495 : vector<16xi32> to vector<16xi32>
      %swap3A_497 = vector.shape_cast %add3A_493 : vector<16xi32> to vector<16xi32>
      tpu.vector_store %arg21[%swap3A_494], %swap3A_497 {strides = array<i32>} : memref<40xi32, #tpu.memory_space<vmem>>, vector<16xi32>,
      %get3A_498 = arith.constant 0 : i32
      %get3A_499 = arith.index_cast %get3A_498 : i32 to index
      %get3A_500 = arith.constant 24 : index
      %get3A_501 = tpu.vector_load %arg11[%get3A_499, %get3A_500] {strides = array<i32>} : memref<2x40xi32, #tpu.memory_space<vmem>>, vector<1x16xi32>,
      %get3A_502 = vector.shape_cast %get3A_501 : vector<1x16xi32> to vector<16xi32>
      %add3A_503 = vector.broadcast %mul3A_2 : i32 to vector<16xi32>
      %add3A_504 = arith.addi %get3A_502, %add3A_503 : vector<16xi32>
      %swap3A_505 = arith.constant 24 : index
      %swap3A_506 = tpu.vector_load %arg21[%swap3A_505] {strides = array<i32>} : memref<40xi32, #tpu.memory_space<vmem>>, vector<16xi32>,
      %swap3A_507 = vector.shape_cast %swap3A_506 : vector<16xi32> to vector<16xi32>
      %swap3A_508 = vector.shape_cast %add3A_504 : vector<16xi32> to vector<16xi32>
      tpu.vector_store %arg21[%swap3A_505], %swap3A_508 {strides = array<i32>} : memref<40xi32, #tpu.memory_space<vmem>>, vector<16xi32>,
      %dma_wait3A_509 = arith.constant 1 : i32
      %dma_wait3A_510 = arith.constant 0 : i32
      %dma_wait3A_511 = tpu.memref_slice %arg6[%dma_wait3A_509, %dma_wait3A_510] : memref<2x40xi32, #tpu.memory_space<vmem>> -> memref<1x40xi32, #tpu.memory_space<vmem>>
      %dma_wait3A_512 = tpu.memref_squeeze %dma_wait3A_511 : memref<1x40xi32, #tpu.memory_space<vmem>> -> memref<40xi32, #tpu.memory_space<vmem>>
      %dma_wait3A_513 = arith.constant 0 : i32
      %dma_wait3A_514 = arith.constant 0 : i32
      %dma_wait3A_515 = tpu.memref_slice %arg5[%dma_wait3A_513, %dma_wait3A_514] : memref<10000x128xf32, #tpu.memory_space<vmem_shared>> -> memref<10000x128xf32, #tpu.memory_space<vmem_shared>>
      tpu.wait_indirect_dma semaphore(%arg46 : memref<!tpu.dma_semaphore, #tpu.memory_space<semaphore_mem>>) src(%arg26 : memref<40x128xf32, #tpu.memory_space<vmem>>) dst(%dma_wait3A_515 : memref<10000x128xf32, #tpu.memory_space<vmem_shared>>)
      %dma_start3A_516 = arith.constant 0 : i32
      %dma_start3A_517 = arith.constant 0 : i32
      %dma_start3A_518 = tpu.memref_slice %arg2[%dma_start3A_516, %dma_start3A_517] : memref<20000x128xf32, #tpu.memory_space<hbm>> -> memref<20000x128xf32, #tpu.memory_space<hbm>>
      tpu.enqueue_indirect_dma source(%dma_start3A_518 : memref<20000x128xf32, #tpu.memory_space<hbm>>) target(%arg26 : memref<40x128xf32, #tpu.memory_space<vmem>>) offsets(%arg21 : memref<40xi32, #tpu.memory_space<vmem>>) semaphore(%arg41 : memref<!tpu.dma_semaphore, #tpu.memory_space<semaphore_mem>>)
      %dma_wait3A_519 = arith.constant 0 : i32
      %dma_wait3A_520 = tpu.memref_slice %arg3[%dma_wait3A_519, %mul3A_7] : memref<2x160000xi32, #tpu.memory_space<hbm>> -> memref<2x40xi32, #tpu.memory_space<hbm>>
      %dma_wait3A_521 = arith.constant 0 : i32
      %dma_wait3A_522 = tpu.memref_slice %arg3[%dma_wait3A_521, %mul3A_7] : memref<2x160000xi32, #tpu.memory_space<hbm>> -> memref<2x40xi32, #tpu.memory_space<hbm>>
      tpu.wait_dma2 semaphore(%arg37 : memref<!tpu.dma_semaphore, #tpu.memory_space<semaphore_mem>>) src(%dma_wait3A_522 : memref<2x40xi32, #tpu.memory_space<hbm>>) dst(%arg12 : memref<2x40xi32, #tpu.memory_space<vmem>>)
      %get3A_523 = arith.constant 0 : i32
      %get3A_524 = arith.index_cast %get3A_523 : i32 to index
      %get3A_525 = arith.constant 0 : index
      %get3A_526 = tpu.vector_load %arg12[%get3A_524, %get3A_525] {strides = array<i32>} : memref<2x40xi32, #tpu.memory_space<vmem>>, vector<1x16xi32>,
      %get3A_527 = vector.shape_cast %get3A_526 : vector<1x16xi32> to vector<16xi32>
      %add3A_528 = vector.broadcast %mul3A_2 : i32 to vector<16xi32>
      %add3A_529 = arith.addi %get3A_527, %add3A_528 : vector<16xi32>
      %swap3A_530 = arith.constant 0 : index
      %swap3A_531 = tpu.vector_load %arg22[%swap3A_530] {strides = array<i32>} : memref<40xi32, #tpu.memory_space<vmem>>, vector<16xi32>,
      %swap3A_532 = vector.shape_cast %swap3A_531 : vector<16xi32> to vector<16xi32>
      %swap3A_533 = vector.shape_cast %add3A_529 : vector<16xi32> to vector<16xi32>
      tpu.vector_store %arg22[%swap3A_530], %swap3A_533 {strides = array<i32>} : memref<40xi32, #tpu.memory_space<vmem>>, vector<16xi32>,
      %get3A_534 = arith.constant 0 : i32
      %get3A_535 = arith.index_cast %get3A_534 : i32 to index
      %get3A_536 = arith.constant 16 : index
      %get3A_537 = tpu.vector_load %arg12[%get3A_535, %get3A_536] {strides = array<i32>} : memref<2x40xi32, #tpu.memory_space<vmem>>, vector<1x16xi32>,
      %get3A_538 = vector.shape_cast %get3A_537 : vector<1x16xi32> to vector<16xi32>
      %add3A_539 = vector.broadcast %mul3A_2 : i32 to vector<16xi32>
      %add3A_540 = arith.addi %get3A_538, %add3A_539 : vector<16xi32>
      %swap3A_541 = arith.constant 16 : index
      %swap3A_542 = tpu.vector_load %arg22[%swap3A_541] {strides = array<i32>} : memref<40xi32, #tpu.memory_space<vmem>>, vector<16xi32>,
      %swap3A_543 = vector.shape_cast %swap3A_542 : vector<16xi32> to vector<16xi32>
      %swap3A_544 = vector.shape_cast %add3A_540 : vector<16xi32> to vector<16xi32>
      tpu.vector_store %arg22[%swap3A_541], %swap3A_544 {strides = array<i32>} : memref<40xi32, #tpu.memory_space<vmem>>, vector<16xi32>,
      %get3A_545 = arith.constant 0 : i32
      %get3A_546 = arith.index_cast %get3A_545 : i32 to index
      %get3A_547 = arith.constant 24 : index
      %get3A_548 = tpu.vector_load %arg12[%get3A_546, %get3A_547] {strides = array<i32>} : memref<2x40xi32, #tpu.memory_space<vmem>>, vector<1x16xi32>,
      %get3A_549 = vector.shape_cast %get3A_548 : vector<1x16xi32> to vector<16xi32>
      %add3A_550 = vector.broadcast %mul3A_2 : i32 to vector<16xi32>
      %add3A_551 = arith.addi %get3A_549, %add3A_550 : vector<16xi32>
      %swap3A_552 = arith.constant 24 : index
      %swap3A_553 = tpu.vector_load %arg22[%swap3A_552] {strides = array<i32>} : memref<40xi32, #tpu.memory_space<vmem>>, vector<16xi32>,
      %swap3A_554 = vector.shape_cast %swap3A_553 : vector<16xi32> to vector<16xi32>
      %swap3A_555 = vector.shape_cast %add3A_551 : vector<16xi32> to vector<16xi32>
      tpu.vector_store %arg22[%swap3A_552], %swap3A_555 {strides = array<i32>} : memref<40xi32, #tpu.memory_space<vmem>>, vector<16xi32>,
      %dma_wait3A_556 = arith.constant 1 : i32
      %dma_wait3A_557 = arith.constant 0 : i32
      %dma_wait3A_558 = tpu.memref_slice %arg7[%dma_wait3A_556, %dma_wait3A_557] : memref<2x40xi32, #tpu.memory_space<vmem>> -> memref<1x40xi32, #tpu.memory_space<vmem>>
      %dma_wait3A_559 = tpu.memref_squeeze %dma_wait3A_558 : memref<1x40xi32, #tpu.memory_space<vmem>> -> memref<40xi32, #tpu.memory_space<vmem>>
      %dma_wait3A_560 = arith.constant 0 : i32
      %dma_wait3A_561 = arith.constant 0 : i32
      %dma_wait3A_562 = tpu.memref_slice %arg5[%dma_wait3A_560, %dma_wait3A_561] : memref<10000x128xf32, #tpu.memory_space<vmem_shared>> -> memref<10000x128xf32, #tpu.memory_space<vmem_shared>>
      tpu.wait_indirect_dma semaphore(%arg47 : memref<!tpu.dma_semaphore, #tpu.memory_space<semaphore_mem>>) src(%arg27 : memref<40x128xf32, #tpu.memory_space<vmem>>) dst(%dma_wait3A_562 : memref<10000x128xf32, #tpu.memory_space<vmem_shared>>)
      %dma_start3A_563 = arith.constant 0 : i32
      %dma_start3A_564 = arith.constant 0 : i32
      %dma_start3A_565 = tpu.memref_slice %arg2[%dma_start3A_563, %dma_start3A_564] : memref<20000x128xf32, #tpu.memory_space<hbm>> -> memref<20000x128xf32, #tpu.memory_space<hbm>>
      tpu.enqueue_indirect_dma source(%dma_start3A_565 : memref<20000x128xf32, #tpu.memory_space<hbm>>) target(%arg27 : memref<40x128xf32, #tpu.memory_space<vmem>>) offsets(%arg22 : memref<40xi32, #tpu.memory_space<vmem>>) semaphore(%arg42 : memref<!tpu.dma_semaphore, #tpu.memory_space<semaphore_mem>>)
      %dma_wait3A_566 = arith.constant 0 : i32
      %dma_wait3A_567 = tpu.memref_slice %arg3[%dma_wait3A_566, %mul3A_7] : memref<2x160000xi32, #tpu.memory_space<hbm>> -> memref<2x40xi32, #tpu.memory_space<hbm>>
      %dma_wait3A_568 = arith.constant 0 : i32
      %dma_wait3A_569 = tpu.memref_slice %arg3[%dma_wait3A_568, %mul3A_7] : memref<2x160000xi32, #tpu.memory_space<hbm>> -> memref<2x40xi32, #tpu.memory_space<hbm>>
      tpu.wait_dma2 semaphore(%arg38 : memref<!tpu.dma_semaphore, #tpu.memory_space<semaphore_mem>>) src(%dma_wait3A_569 : memref<2x40xi32, #tpu.memory_space<hbm>>) dst(%arg13 : memref<2x40xi32, #tpu.memory_space<vmem>>)
      %get3A_570 = arith.constant 0 : i32
      %get3A_571 = arith.index_cast %get3A_570 : i32 to index
      %get3A_572 = arith.constant 0 : index
      %get3A_573 = tpu.vector_load %arg13[%get3A_571, %get3A_572] {strides = array<i32>} : memref<2x40xi32, #tpu.memory_space<vmem>>, vector<1x16xi32>,
      %get3A_574 = vector.shape_cast %get3A_573 : vector<1x16xi32> to vector<16xi32>
      %add3A_575 = vector.broadcast %mul3A_2 : i32 to vector<16xi32>
      %add3A_576 = arith.addi %get3A_574, %add3A_575 : vector<16xi32>
      %swap3A_577 = arith.constant 0 : index
      %swap3A_578 = tpu.vector_load %arg23[%swap3A_577] {strides = array<i32>} : memref<40xi32, #tpu.memory_space<vmem>>, vector<16xi32>,
      %swap3A_579 = vector.shape_cast %swap3A_578 : vector<16xi32> to vector<16xi32>
      %swap3A_580 = vector.shape_cast %add3A_576 : vector<16xi32> to vector<16xi32>
      tpu.vector_store %arg23[%swap3A_577], %swap3A_580 {strides = array<i32>} : memref<40xi32, #tpu.memory_space<vmem>>, vector<16xi32>,
      %get3A_581 = arith.constant 0 : i32
      %get3A_582 = arith.index_cast %get3A_581 : i32 to index
      %get3A_583 = arith.constant 16 : index
      %get3A_584 = tpu.vector_load %arg13[%get3A_582, %get3A_583] {strides = array<i32>} : memref<2x40xi32, #tpu.memory_space<vmem>>, vector<1x16xi32>,
      %get3A_585 = vector.shape_cast %get3A_584 : vector<1x16xi32> to vector<16xi32>
      %add3A_586 = vector.broadcast %mul3A_2 : i32 to vector<16xi32>
      %add3A_587 = arith.addi %get3A_585, %add3A_586 : vector<16xi32>
      %swap3A_588 = arith.constant 16 : index
      %swap3A_589 = tpu.vector_load %arg23[%swap3A_588] {strides = array<i32>} : memref<40xi32, #tpu.memory_space<vmem>>, vector<16xi32>,
      %swap3A_590 = vector.shape_cast %swap3A_589 : vector<16xi32> to vector<16xi32>
      %swap3A_591 = vector.shape_cast %add3A_587 : vector<16xi32> to vector<16xi32>
      tpu.vector_store %arg23[%swap3A_588], %swap3A_591 {strides = array<i32>} : memref<40xi32, #tpu.memory_space<vmem>>, vector<16xi32>,
      %get3A_592 = arith.constant 0 : i32
      %get3A_593 = arith.index_cast %get3A_592 : i32 to index
      %get3A_594 = arith.constant 24 : index
      %get3A_595 = tpu.vector_load %arg13[%get3A_593, %get3A_594] {strides = array<i32>} : memref<2x40xi32, #tpu.memory_space<vmem>>, vector<1x16xi32>,
      %get3A_596 = vector.shape_cast %get3A_595 : vector<1x16xi32> to vector<16xi32>
      %add3A_597 = vector.broadcast %mul3A_2 : i32 to vector<16xi32>
      %add3A_598 = arith.addi %get3A_596, %add3A_597 : vector<16xi32>
      %swap3A_599 = arith.constant 24 : index
      %swap3A_600 = tpu.vector_load %arg23[%swap3A_599] {strides = array<i32>} : memref<40xi32, #tpu.memory_space<vmem>>, vector<16xi32>,
      %swap3A_601 = vector.shape_cast %swap3A_600 : vector<16xi32> to vector<16xi32>
      %swap3A_602 = vector.shape_cast %add3A_598 : vector<16xi32> to vector<16xi32>
      tpu.vector_store %arg23[%swap3A_599], %swap3A_602 {strides = array<i32>} : memref<40xi32, #tpu.memory_space<vmem>>, vector<16xi32>,
      %dma_wait3A_603 = arith.constant 1 : i32
      %dma_wait3A_604 = arith.constant 0 : i32
      %dma_wait3A_605 = tpu.memref_slice %arg8[%dma_wait3A_603, %dma_wait3A_604] : memref<2x40xi32, #tpu.memory_space<vmem>> -> memref<1x40xi32, #tpu.memory_space<vmem>>
      %dma_wait3A_606 = tpu.memref_squeeze %dma_wait3A_605 : memref<1x40xi32, #tpu.memory_space<vmem>> -> memref<40xi32, #tpu.memory_space<vmem>>
      %dma_wait3A_607 = arith.constant 0 : i32
      %dma_wait3A_608 = arith.constant 0 : i32
      %dma_wait3A_609 = tpu.memref_slice %arg5[%dma_wait3A_607, %dma_wait3A_608] : memref<10000x128xf32, #tpu.memory_space<vmem_shared>> -> memref<10000x128xf32, #tpu.memory_space<vmem_shared>>
      tpu.wait_indirect_dma semaphore(%arg48 : memref<!tpu.dma_semaphore, #tpu.memory_space<semaphore_mem>>) src(%arg28 : memref<40x128xf32, #tpu.memory_space<vmem>>) dst(%dma_wait3A_609 : memref<10000x128xf32, #tpu.memory_space<vmem_shared>>)
      %dma_start3A_610 = arith.constant 0 : i32
      %dma_start3A_611 = arith.constant 0 : i32
      %dma_start3A_612 = tpu.memref_slice %arg2[%dma_start3A_610, %dma_start3A_611] : memref<20000x128xf32, #tpu.memory_space<hbm>> -> memref<20000x128xf32, #tpu.memory_space<hbm>>
      tpu.enqueue_indirect_dma source(%dma_start3A_612 : memref<20000x128xf32, #tpu.memory_space<hbm>>) target(%arg28 : memref<40x128xf32, #tpu.memory_space<vmem>>) offsets(%arg23 : memref<40xi32, #tpu.memory_space<vmem>>) semaphore(%arg43 : memref<!tpu.dma_semaphore, #tpu.memory_space<semaphore_mem>>)
      %dma_wait3A_613 = arith.constant 0 : i32
      %dma_wait3A_614 = tpu.memref_slice %arg3[%dma_wait3A_613, %mul3A_7] : memref<2x160000xi32, #tpu.memory_space<hbm>> -> memref<2x40xi32, #tpu.memory_space<hbm>>
      %dma_wait3A_615 = arith.constant 0 : i32
      %dma_wait3A_616 = tpu.memref_slice %arg3[%dma_wait3A_615, %mul3A_7] : memref<2x160000xi32, #tpu.memory_space<hbm>> -> memref<2x40xi32, #tpu.memory_space<hbm>>
      tpu.wait_dma2 semaphore(%arg39 : memref<!tpu.dma_semaphore, #tpu.memory_space<semaphore_mem>>) src(%dma_wait3A_616 : memref<2x40xi32, #tpu.memory_space<hbm>>) dst(%arg14 : memref<2x40xi32, #tpu.memory_space<vmem>>)
      %get3A_617 = arith.constant 0 : i32
      %get3A_618 = arith.index_cast %get3A_617 : i32 to index
      %get3A_619 = arith.constant 0 : index
      %get3A_620 = tpu.vector_load %arg14[%get3A_618, %get3A_619] {strides = array<i32>} : memref<2x40xi32, #tpu.memory_space<vmem>>, vector<1x16xi32>,
      %get3A_621 = vector.shape_cast %get3A_620 : vector<1x16xi32> to vector<16xi32>
      %add3A_622 = vector.broadcast %mul3A_2 : i32 to vector<16xi32>
      %add3A_623 = arith.addi %get3A_621, %add3A_622 : vector<16xi32>
      %swap3A_624 = arith.constant 0 : index
      %swap3A_625 = tpu.vector_load %arg24[%swap3A_624] {strides = array<i32>} : memref<40xi32, #tpu.memory_space<vmem>>, vector<16xi32>,
      %swap3A_626 = vector.shape_cast %swap3A_625 : vector<16xi32> to vector<16xi32>
      %swap3A_627 = vector.shape_cast %add3A_623 : vector<16xi32> to vector<16xi32>
      tpu.vector_store %arg24[%swap3A_624], %swap3A_627 {strides = array<i32>} : memref<40xi32, #tpu.memory_space<vmem>>, vector<16xi32>,
      %get3A_628 = arith.constant 0 : i32
      %get3A_629 = arith.index_cast %get3A_628 : i32 to index
      %get3A_630 = arith.constant 16 : index
      %get3A_631 = tpu.vector_load %arg14[%get3A_629, %get3A_630] {strides = array<i32>} : memref<2x40xi32, #tpu.memory_space<vmem>>, vector<1x16xi32>,
      %get3A_632 = vector.shape_cast %get3A_631 : vector<1x16xi32> to vector<16xi32>
      %add3A_633 = vector.broadcast %mul3A_2 : i32 to vector<16xi32>
      %add3A_634 = arith.addi %get3A_632, %add3A_633 : vector<16xi32>
      %swap3A_635 = arith.constant 16 : index
      %swap3A_636 = tpu.vector_load %arg24[%swap3A_635] {strides = array<i32>} : memref<40xi32, #tpu.memory_space<vmem>>, vector<16xi32>,
      %swap3A_637 = vector.shape_cast %swap3A_636 : vector<16xi32> to vector<16xi32>
      %swap3A_638 = vector.shape_cast %add3A_634 : vector<16xi32> to vector<16xi32>
      tpu.vector_store %arg24[%swap3A_635], %swap3A_638 {strides = array<i32>} : memref<40xi32, #tpu.memory_space<vmem>>, vector<16xi32>,
      %get3A_639 = arith.constant 0 : i32
      %get3A_640 = arith.index_cast %get3A_639 : i32 to index
      %get3A_641 = arith.constant 24 : index
      %get3A_642 = tpu.vector_load %arg14[%get3A_640, %get3A_641] {strides = array<i32>} : memref<2x40xi32, #tpu.memory_space<vmem>>, vector<1x16xi32>,
      %get3A_643 = vector.shape_cast %get3A_642 : vector<1x16xi32> to vector<16xi32>
      %add3A_644 = vector.broadcast %mul3A_2 : i32 to vector<16xi32>
      %add3A_645 = arith.addi %get3A_643, %add3A_644 : vector<16xi32>
      %swap3A_646 = arith.constant 24 : index
      %swap3A_647 = tpu.vector_load %arg24[%swap3A_646] {strides = array<i32>} : memref<40xi32, #tpu.memory_space<vmem>>, vector<16xi32>,
      %swap3A_648 = vector.shape_cast %swap3A_647 : vector<16xi32> to vector<16xi32>
      %swap3A_649 = vector.shape_cast %add3A_645 : vector<16xi32> to vector<16xi32>
      tpu.vector_store %arg24[%swap3A_646], %swap3A_649 {strides = array<i32>} : memref<40xi32, #tpu.memory_space<vmem>>, vector<16xi32>,
      %dma_wait3A_650 = arith.constant 1 : i32
      %dma_wait3A_651 = arith.constant 0 : i32
      %dma_wait3A_652 = tpu.memref_slice %arg9[%dma_wait3A_650, %dma_wait3A_651] : memref<2x40xi32, #tpu.memory_space<vmem>> -> memref<1x40xi32, #tpu.memory_space<vmem>>
      %dma_wait3A_653 = tpu.memref_squeeze %dma_wait3A_652 : memref<1x40xi32, #tpu.memory_space<vmem>> -> memref<40xi32, #tpu.memory_space<vmem>>
      %dma_wait3A_654 = arith.constant 0 : i32
      %dma_wait3A_655 = arith.constant 0 : i32
      %dma_wait3A_656 = tpu.memref_slice %arg5[%dma_wait3A_654, %dma_wait3A_655] : memref<10000x128xf32, #tpu.memory_space<vmem_shared>> -> memref<10000x128xf32, #tpu.memory_space<vmem_shared>>
      tpu.wait_indirect_dma semaphore(%arg49 : memref<!tpu.dma_semaphore, #tpu.memory_space<semaphore_mem>>) src(%arg29 : memref<40x128xf32, #tpu.memory_space<vmem>>) dst(%dma_wait3A_656 : memref<10000x128xf32, #tpu.memory_space<vmem_shared>>)
      %dma_start3A_657 = arith.constant 0 : i32
      %dma_start3A_658 = arith.constant 0 : i32
      %dma_start3A_659 = tpu.memref_slice %arg2[%dma_start3A_657, %dma_start3A_658] : memref<20000x128xf32, #tpu.memory_space<hbm>> -> memref<20000x128xf32, #tpu.memory_space<hbm>>
      tpu.enqueue_indirect_dma source(%dma_start3A_659 : memref<20000x128xf32, #tpu.memory_space<hbm>>) target(%arg29 : memref<40x128xf32, #tpu.memory_space<vmem>>) offsets(%arg24 : memref<40xi32, #tpu.memory_space<vmem>>) semaphore(%arg44 : memref<!tpu.dma_semaphore, #tpu.memory_space<semaphore_mem>>)
      %dma_wait3A_660 = arith.constant 0 : i32
      %dma_wait3A_661 = tpu.memref_slice %arg3[%dma_wait3A_660, %mul3A_7] : memref<2x160000xi32, #tpu.memory_space<hbm>> -> memref<2x40xi32, #tpu.memory_space<hbm>>
      %dma_wait3A_662 = arith.constant 0 : i32
      %dma_wait3A_663 = tpu.memref_slice %arg3[%dma_wait3A_662, %mul3A_7] : memref<2x160000xi32, #tpu.memory_space<hbm>> -> memref<2x40xi32, #tpu.memory_space<hbm>>
      tpu.wait_dma2 semaphore(%arg40 : memref<!tpu.dma_semaphore, #tpu.memory_space<semaphore_mem>>) src(%dma_wait3A_663 : memref<2x40xi32, #tpu.memory_space<hbm>>) dst(%arg15 : memref<2x40xi32, #tpu.memory_space<vmem>>)
      %get3A_664 = arith.constant 0 : i32
      %get3A_665 = arith.index_cast %get3A_664 : i32 to index
      %get3A_666 = arith.constant 0 : index
      %get3A_667 = tpu.vector_load %arg15[%get3A_665, %get3A_666] {strides = array<i32>} : memref<2x40xi32, #tpu.memory_space<vmem>>, vector<1x16xi32>,
      %get3A_668 = vector.shape_cast %get3A_667 : vector<1x16xi32> to vector<16xi32>
      %add3A_669 = vector.broadcast %mul3A_2 : i32 to vector<16xi32>
      %add3A_670 = arith.addi %get3A_668, %add3A_669 : vector<16xi32>
      %swap3A_671 = arith.constant 0 : index
      %swap3A_672 = tpu.vector_load %arg25[%swap3A_671] {strides = array<i32>} : memref<40xi32, #tpu.memory_space<vmem>>, vector<16xi32>,
      %swap3A_673 = vector.shape_cast %swap3A_672 : vector<16xi32> to vector<16xi32>
      %swap3A_674 = vector.shape_cast %add3A_670 : vector<16xi32> to vector<16xi32>
      tpu.vector_store %arg25[%swap3A_671], %swap3A_674 {strides = array<i32>} : memref<40xi32, #tpu.memory_space<vmem>>, vector<16xi32>,
      %get3A_675 = arith.constant 0 : i32
      %get3A_676 = arith.index_cast %get3A_675 : i32 to index
      %get3A_677 = arith.constant 16 : index
      %get3A_678 = tpu.vector_load %arg15[%get3A_676, %get3A_677] {strides = array<i32>} : memref<2x40xi32, #tpu.memory_space<vmem>>, vector<1x16xi32>,
      %get3A_679 = vector.shape_cast %get3A_678 : vector<1x16xi32> to vector<16xi32>
      %add3A_680 = vector.broadcast %mul3A_2 : i32 to vector<16xi32>
      %add3A_681 = arith.addi %get3A_679, %add3A_680 : vector<16xi32>
      %swap3A_682 = arith.constant 16 : index
      %swap3A_683 = tpu.vector_load %arg25[%swap3A_682] {strides = array<i32>} : memref<40xi32, #tpu.memory_space<vmem>>, vector<16xi32>,
      %swap3A_684 = vector.shape_cast %swap3A_683 : vector<16xi32> to vector<16xi32>
      %swap3A_685 = vector.shape_cast %add3A_681 : vector<16xi32> to vector<16xi32>
      tpu.vector_store %arg25[%swap3A_682], %swap3A_685 {strides = array<i32>} : memref<40xi32, #tpu.memory_space<vmem>>, vector<16xi32>,
      %get3A_686 = arith.constant 0 : i32
      %get3A_687 = arith.index_cast %get3A_686 : i32 to index
      %get3A_688 = arith.constant 24 : index
      %get3A_689 = tpu.vector_load %arg15[%get3A_687, %get3A_688] {strides = array<i32>} : memref<2x40xi32, #tpu.memory_space<vmem>>, vector<1x16xi32>,
      %get3A_690 = vector.shape_cast %get3A_689 : vector<1x16xi32> to vector<16xi32>
      %add3A_691 = vector.broadcast %mul3A_2 : i32 to vector<16xi32>
      %add3A_692 = arith.addi %get3A_690, %add3A_691 : vector<16xi32>
      %swap3A_693 = arith.constant 24 : index
      %swap3A_694 = tpu.vector_load %arg25[%swap3A_693] {strides = array<i32>} : memref<40xi32, #tpu.memory_space<vmem>>, vector<16xi32>,
      %swap3A_695 = vector.shape_cast %swap3A_694 : vector<16xi32> to vector<16xi32>
      %swap3A_696 = vector.shape_cast %add3A_692 : vector<16xi32> to vector<16xi32>
      tpu.vector_store %arg25[%swap3A_693], %swap3A_696 {strides = array<i32>} : memref<40xi32, #tpu.memory_space<vmem>>, vector<16xi32>,
      %dma_wait3A_697 = arith.constant 1 : i32
      %dma_wait3A_698 = arith.constant 0 : i32
      %dma_wait3A_699 = tpu.memref_slice %arg10[%dma_wait3A_697, %dma_wait3A_698] : memref<2x40xi32, #tpu.memory_space<vmem>> -> memref<1x40xi32, #tpu.memory_space<vmem>>
      %dma_wait3A_700 = tpu.memref_squeeze %dma_wait3A_699 : memref<1x40xi32, #tpu.memory_space<vmem>> -> memref<40xi32, #tpu.memory_space<vmem>>
      %dma_wait3A_701 = arith.constant 0 : i32
      %dma_wait3A_702 = arith.constant 0 : i32
      %dma_wait3A_703 = tpu.memref_slice %arg5[%dma_wait3A_701, %dma_wait3A_702] : memref<10000x128xf32, #tpu.memory_space<vmem_shared>> -> memref<10000x128xf32, #tpu.memory_space<vmem_shared>>
      tpu.wait_indirect_dma semaphore(%arg50 : memref<!tpu.dma_semaphore, #tpu.memory_space<semaphore_mem>>) src(%arg30 : memref<40x128xf32, #tpu.memory_space<vmem>>) dst(%dma_wait3A_703 : memref<10000x128xf32, #tpu.memory_space<vmem_shared>>)
      %dma_start3A_704 = arith.constant 0 : i32
      %dma_start3A_705 = arith.constant 0 : i32
      %dma_start3A_706 = tpu.memref_slice %arg2[%dma_start3A_704, %dma_start3A_705] : memref<20000x128xf32, #tpu.memory_space<hbm>> -> memref<20000x128xf32, #tpu.memory_space<hbm>>
      tpu.enqueue_indirect_dma source(%dma_start3A_706 : memref<20000x128xf32, #tpu.memory_space<hbm>>) target(%arg30 : memref<40x128xf32, #tpu.memory_space<vmem>>) offsets(%arg25 : memref<40xi32, #tpu.memory_space<vmem>>) semaphore(%arg45 : memref<!tpu.dma_semaphore, #tpu.memory_space<semaphore_mem>>)
      %dma_wait3A_707 = arith.constant 0 : i32
      %dma_wait3A_708 = arith.constant 0 : i32
      %dma_wait3A_709 = tpu.memref_slice %arg2[%dma_wait3A_707, %dma_wait3A_708] : memref<20000x128xf32, #tpu.memory_space<hbm>> -> memref<20000x128xf32, #tpu.memory_space<hbm>>
      tpu.wait_indirect_dma semaphore(%arg41 : memref<!tpu.dma_semaphore, #tpu.memory_space<semaphore_mem>>) src(%dma_wait3A_709 : memref<20000x128xf32, #tpu.memory_space<hbm>>) dst(%arg26 : memref<40x128xf32, #tpu.memory_space<vmem>>)
      %dma_start3A_710 = arith.constant 1 : i32
      %dma_start3A_711 = arith.constant 0 : i32
      %dma_start3A_712 = tpu.memref_slice %arg11[%dma_start3A_710, %dma_start3A_711] : memref<2x40xi32, #tpu.memory_space<vmem>> -> memref<1x40xi32, #tpu.memory_space<vmem>>
      %dma_start3A_713 = tpu.memref_squeeze %dma_start3A_712 : memref<1x40xi32, #tpu.memory_space<vmem>> -> memref<40xi32, #tpu.memory_space<vmem>>
      %dma_start3A_714 = arith.constant 0 : i32
      %dma_start3A_715 = arith.constant 0 : i32
      %dma_start3A_716 = tpu.memref_slice %arg5[%dma_start3A_714, %dma_start3A_715] : memref<10000x128xf32, #tpu.memory_space<vmem_shared>> -> memref<10000x128xf32, #tpu.memory_space<vmem_shared>>
      tpu.enqueue_indirect_dma source(%arg26 : memref<40x128xf32, #tpu.memory_space<vmem>>) target(%dma_start3A_716 : memref<10000x128xf32, #tpu.memory_space<vmem_shared>>) offsets(%dma_start3A_713 : memref<40xi32, #tpu.memory_space<vmem>>) semaphore(%arg46 : memref<!tpu.dma_semaphore, #tpu.memory_space<semaphore_mem>>) {add = true}
      %mul3A_717 = arith.constant 2 : i32
      %mul3A_718 = arith.muli %mul3A_717, %scan3A_113 : i32
      %add3A_719 = arith.constant 1 : i32
      %add3A_720 = arith.addi %mul3A_718, %add3A_719 : i32
      %add3A_721 = arith.constant 1 : i32
      %add3A_722 = arith.addi %add3A_720, %add3A_721 : i32
      %mul3A_723 = arith.constant 5 : i32
      %mul3A_724 = arith.muli %add3A_722, %mul3A_723 : i32
      %add3A_725 = arith.constant 0 : i32
      %add3A_726 = arith.addi %mul3A_724, %add3A_725 : i32
      %lt3A_727 = arith.constant 250 : i32
      %lt3A_728 = arith.cmpi slt, %add3A_726, %lt3A_727 : i32
      %convert_element_type3A_729 = arith.extui %lt3A_728 : i1 to i32
      %cond3A_730 = arith.constant 0 : i32
      %cond3A_731 = arith.cmpi ne, %convert_element_type3A_729, %cond3A_730 : i32
      scf.if %cond3A_731 {
        %mul3A_832 = arith.constant 40 : i32
        %mul3A_833 = arith.muli %add3A_726, %mul3A_832 : i32
        %add3A_834 = arith.addi %mul3A_7, %mul3A_833 : i32
        %dma_start3A_835 = arith.constant 0 : i32
        %dma_start3A_836 = tpu.memref_slice %arg3[%dma_start3A_835, %add3A_834] : memref<2x160000xi32, #tpu.memory_space<hbm>> -> memref<2x40xi32, #tpu.memory_space<hbm>>
        %dma_start3A_837 = arith.constant 0 : i32
        %dma_start3A_838 = tpu.memref_slice %arg3[%dma_start3A_837, %add3A_834] : memref<2x160000xi32, #tpu.memory_space<hbm>> -> memref<2x40xi32, #tpu.memory_space<hbm>>
        tpu.enqueue_dma source(%dma_start3A_838 : memref<2x40xi32, #tpu.memory_space<hbm>>) target(%arg6 : memref<2x40xi32, #tpu.memory_space<vmem>>) target_semaphore(%arg31 : memref<!tpu.dma_semaphore, #tpu.memory_space<semaphore_mem>>)
      } else {
      }
      %dma_wait3A_732 = arith.constant 0 : i32
      %dma_wait3A_733 = arith.constant 0 : i32
      %dma_wait3A_734 = tpu.memref_slice %arg2[%dma_wait3A_732, %dma_wait3A_733] : memref<20000x128xf32, #tpu.memory_space<hbm>> -> memref<20000x128xf32, #tpu.memory_space<hbm>>
      tpu.wait_indirect_dma semaphore(%arg42 : memref<!tpu.dma_semaphore, #tpu.memory_space<semaphore_mem>>) src(%dma_wait3A_734 : memref<20000x128xf32, #tpu.memory_space<hbm>>) dst(%arg27 : memref<40x128xf32, #tpu.memory_space<vmem>>)
      %dma_start3A_735 = arith.constant 1 : i32
      %dma_start3A_736 = arith.constant 0 : i32
      %dma_start3A_737 = tpu.memref_slice %arg12[%dma_start3A_735, %dma_start3A_736] : memref<2x40xi32, #tpu.memory_space<vmem>> -> memref<1x40xi32, #tpu.memory_space<vmem>>
      %dma_start3A_738 = tpu.memref_squeeze %dma_start3A_737 : memref<1x40xi32, #tpu.memory_space<vmem>> -> memref<40xi32, #tpu.memory_space<vmem>>
      %dma_start3A_739 = arith.constant 0 : i32
      %dma_start3A_740 = arith.constant 0 : i32
      %dma_start3A_741 = tpu.memref_slice %arg5[%dma_start3A_739, %dma_start3A_740] : memref<10000x128xf32, #tpu.memory_space<vmem_shared>> -> memref<10000x128xf32, #tpu.memory_space<vmem_shared>>
      tpu.enqueue_indirect_dma source(%arg27 : memref<40x128xf32, #tpu.memory_space<vmem>>) target(%dma_start3A_741 : memref<10000x128xf32, #tpu.memory_space<vmem_shared>>) offsets(%dma_start3A_738 : memref<40xi32, #tpu.memory_space<vmem>>) semaphore(%arg47 : memref<!tpu.dma_semaphore, #tpu.memory_space<semaphore_mem>>) {add = true}
      %mul3A_742 = arith.constant 2 : i32
      %mul3A_743 = arith.muli %mul3A_742, %scan3A_113 : i32
      %add3A_744 = arith.constant 1 : i32
      %add3A_745 = arith.addi %mul3A_743, %add3A_744 : i32
      %add3A_746 = arith.constant 1 : i32
      %add3A_747 = arith.addi %add3A_745, %add3A_746 : i32
      %mul3A_748 = arith.constant 5 : i32
      %mul3A_749 = arith.muli %add3A_747, %mul3A_748 : i32
      %add3A_750 = arith.constant 1 : i32
      %add3A_751 = arith.addi %mul3A_749, %add3A_750 : i32
      %lt3A_752 = arith.constant 250 : i32
      %lt3A_753 = arith.cmpi slt, %add3A_751, %lt3A_752 : i32
      %convert_element_type3A_754 = arith.extui %lt3A_753 : i1 to i32
      %cond3A_755 = arith.constant 0 : i32
      %cond3A_756 = arith.cmpi ne, %convert_element_type3A_754, %cond3A_755 : i32
      scf.if %cond3A_756 {
        %mul3A_832 = arith.constant 40 : i32
        %mul3A_833 = arith.muli %add3A_751, %mul3A_832 : i32
        %add3A_834 = arith.addi %mul3A_7, %mul3A_833 : i32
        %dma_start3A_835 = arith.constant 0 : i32
        %dma_start3A_836 = tpu.memref_slice %arg3[%dma_start3A_835, %add3A_834] : memref<2x160000xi32, #tpu.memory_space<hbm>> -> memref<2x40xi32, #tpu.memory_space<hbm>>
        %dma_start3A_837 = arith.constant 0 : i32
        %dma_start3A_838 = tpu.memref_slice %arg3[%dma_start3A_837, %add3A_834] : memref<2x160000xi32, #tpu.memory_space<hbm>> -> memref<2x40xi32, #tpu.memory_space<hbm>>
        tpu.enqueue_dma source(%dma_start3A_838 : memref<2x40xi32, #tpu.memory_space<hbm>>) target(%arg7 : memref<2x40xi32, #tpu.memory_space<vmem>>) target_semaphore(%arg32 : memref<!tpu.dma_semaphore, #tpu.memory_space<semaphore_mem>>)
      } else {
      }
      %dma_wait3A_757 = arith.constant 0 : i32
      %dma_wait3A_758 = arith.constant 0 : i32
      %dma_wait3A_759 = tpu.memref_slice %arg2[%dma_wait3A_757, %dma_wait3A_758] : memref<20000x128xf32, #tpu.memory_space<hbm>> -> memref<20000x128xf32, #tpu.memory_space<hbm>>
      tpu.wait_indirect_dma semaphore(%arg43 : memref<!tpu.dma_semaphore, #tpu.memory_space<semaphore_mem>>) src(%dma_wait3A_759 : memref<20000x128xf32, #tpu.memory_space<hbm>>) dst(%arg28 : memref<40x128xf32, #tpu.memory_space<vmem>>)
      %dma_start3A_760 = arith.constant 1 : i32
      %dma_start3A_761 = arith.constant 0 : i32
      %dma_start3A_762 = tpu.memref_slice %arg13[%dma_start3A_760, %dma_start3A_761] : memref<2x40xi32, #tpu.memory_space<vmem>> -> memref<1x40xi32, #tpu.memory_space<vmem>>
      %dma_start3A_763 = tpu.memref_squeeze %dma_start3A_762 : memref<1x40xi32, #tpu.memory_space<vmem>> -> memref<40xi32, #tpu.memory_space<vmem>>
      %dma_start3A_764 = arith.constant 0 : i32
      %dma_start3A_765 = arith.constant 0 : i32
      %dma_start3A_766 = tpu.memref_slice %arg5[%dma_start3A_764, %dma_start3A_765] : memref<10000x128xf32, #tpu.memory_space<vmem_shared>> -> memref<10000x128xf32, #tpu.memory_space<vmem_shared>>
      tpu.enqueue_indirect_dma source(%arg28 : memref<40x128xf32, #tpu.memory_space<vmem>>) target(%dma_start3A_766 : memref<10000x128xf32, #tpu.memory_space<vmem_shared>>) offsets(%dma_start3A_763 : memref<40xi32, #tpu.memory_space<vmem>>) semaphore(%arg48 : memref<!tpu.dma_semaphore, #tpu.memory_space<semaphore_mem>>) {add = true}
      %mul3A_767 = arith.constant 2 : i32
      %mul3A_768 = arith.muli %mul3A_767, %scan3A_113 : i32
      %add3A_769 = arith.constant 1 : i32
      %add3A_770 = arith.addi %mul3A_768, %add3A_769 : i32
      %add3A_771 = arith.constant 1 : i32
      %add3A_772 = arith.addi %add3A_770, %add3A_771 : i32
      %mul3A_773 = arith.constant 5 : i32
      %mul3A_774 = arith.muli %add3A_772, %mul3A_773 : i32
      %add3A_775 = arith.constant 2 : i32
      %add3A_776 = arith.addi %mul3A_774, %add3A_775 : i32
      %lt3A_777 = arith.constant 250 : i32
      %lt3A_778 = arith.cmpi slt, %add3A_776, %lt3A_777 : i32
      %convert_element_type3A_779 = arith.extui %lt3A_778 : i1 to i32
      %cond3A_780 = arith.constant 0 : i32
      %cond3A_781 = arith.cmpi ne, %convert_element_type3A_779, %cond3A_780 : i32
      scf.if %cond3A_781 {
        %mul3A_832 = arith.constant 40 : i32
        %mul3A_833 = arith.muli %add3A_776, %mul3A_832 : i32
        %add3A_834 = arith.addi %mul3A_7, %mul3A_833 : i32
        %dma_start3A_835 = arith.constant 0 : i32
        %dma_start3A_836 = tpu.memref_slice %arg3[%dma_start3A_835, %add3A_834] : memref<2x160000xi32, #tpu.memory_space<hbm>> -> memref<2x40xi32, #tpu.memory_space<hbm>>
        %dma_start3A_837 = arith.constant 0 : i32
        %dma_start3A_838 = tpu.memref_slice %arg3[%dma_start3A_837, %add3A_834] : memref<2x160000xi32, #tpu.memory_space<hbm>> -> memref<2x40xi32, #tpu.memory_space<hbm>>
        tpu.enqueue_dma source(%dma_start3A_838 : memref<2x40xi32, #tpu.memory_space<hbm>>) target(%arg8 : memref<2x40xi32, #tpu.memory_space<vmem>>) target_semaphore(%arg33 : memref<!tpu.dma_semaphore, #tpu.memory_space<semaphore_mem>>)
      } else {
      }
      %dma_wait3A_782 = arith.constant 0 : i32
      %dma_wait3A_783 = arith.constant 0 : i32
      %dma_wait3A_784 = tpu.memref_slice %arg2[%dma_wait3A_782, %dma_wait3A_783] : memref<20000x128xf32, #tpu.memory_space<hbm>> -> memref<20000x128xf32, #tpu.memory_space<hbm>>
      tpu.wait_indirect_dma semaphore(%arg44 : memref<!tpu.dma_semaphore, #tpu.memory_space<semaphore_mem>>) src(%dma_wait3A_784 : memref<20000x128xf32, #tpu.memory_space<hbm>>) dst(%arg29 : memref<40x128xf32, #tpu.memory_space<vmem>>)
      %dma_start3A_785 = arith.constant 1 : i32
      %dma_start3A_786 = arith.constant 0 : i32
      %dma_start3A_787 = tpu.memref_slice %arg14[%dma_start3A_785, %dma_start3A_786] : memref<2x40xi32, #tpu.memory_space<vmem>> -> memref<1x40xi32, #tpu.memory_space<vmem>>
      %dma_start3A_788 = tpu.memref_squeeze %dma_start3A_787 : memref<1x40xi32, #tpu.memory_space<vmem>> -> memref<40xi32, #tpu.memory_space<vmem>>
      %dma_start3A_789 = arith.constant 0 : i32
      %dma_start3A_790 = arith.constant 0 : i32
      %dma_start3A_791 = tpu.memref_slice %arg5[%dma_start3A_789, %dma_start3A_790] : memref<10000x128xf32, #tpu.memory_space<vmem_shared>> -> memref<10000x128xf32, #tpu.memory_space<vmem_shared>>
      tpu.enqueue_indirect_dma source(%arg29 : memref<40x128xf32, #tpu.memory_space<vmem>>) target(%dma_start3A_791 : memref<10000x128xf32, #tpu.memory_space<vmem_shared>>) offsets(%dma_start3A_788 : memref<40xi32, #tpu.memory_space<vmem>>) semaphore(%arg49 : memref<!tpu.dma_semaphore, #tpu.memory_space<semaphore_mem>>) {add = true}
      %mul3A_792 = arith.constant 2 : i32
      %mul3A_793 = arith.muli %mul3A_792, %scan3A_113 : i32
      %add3A_794 = arith.constant 1 : i32
      %add3A_795 = arith.addi %mul3A_793, %add3A_794 : i32
      %add3A_796 = arith.constant 1 : i32
      %add3A_797 = arith.addi %add3A_795, %add3A_796 : i32
      %mul3A_798 = arith.constant 5 : i32
      %mul3A_799 = arith.muli %add3A_797, %mul3A_798 : i32
      %add3A_800 = arith.constant 3 : i32
      %add3A_801 = arith.addi %mul3A_799, %add3A_800 : i32
      %lt3A_802 = arith.constant 250 : i32
      %lt3A_803 = arith.cmpi slt, %add3A_801, %lt3A_802 : i32
      %convert_element_type3A_804 = arith.extui %lt3A_803 : i1 to i32
      %cond3A_805 = arith.constant 0 : i32
      %cond3A_806 = arith.cmpi ne, %convert_element_type3A_804, %cond3A_805 : i32
      scf.if %cond3A_806 {
        %mul3A_832 = arith.constant 40 : i32
        %mul3A_833 = arith.muli %add3A_801, %mul3A_832 : i32
        %add3A_834 = arith.addi %mul3A_7, %mul3A_833 : i32
        %dma_start3A_835 = arith.constant 0 : i32
        %dma_start3A_836 = tpu.memref_slice %arg3[%dma_start3A_835, %add3A_834] : memref<2x160000xi32, #tpu.memory_space<hbm>> -> memref<2x40xi32, #tpu.memory_space<hbm>>
        %dma_start3A_837 = arith.constant 0 : i32
        %dma_start3A_838 = tpu.memref_slice %arg3[%dma_start3A_837, %add3A_834] : memref<2x160000xi32, #tpu.memory_space<hbm>> -> memref<2x40xi32, #tpu.memory_space<hbm>>
        tpu.enqueue_dma source(%dma_start3A_838 : memref<2x40xi32, #tpu.memory_space<hbm>>) target(%arg9 : memref<2x40xi32, #tpu.memory_space<vmem>>) target_semaphore(%arg34 : memref<!tpu.dma_semaphore, #tpu.memory_space<semaphore_mem>>)
      } else {
      }
      %dma_wait3A_807 = arith.constant 0 : i32
      %dma_wait3A_808 = arith.constant 0 : i32
      %dma_wait3A_809 = tpu.memref_slice %arg2[%dma_wait3A_807, %dma_wait3A_808] : memref<20000x128xf32, #tpu.memory_space<hbm>> -> memref<20000x128xf32, #tpu.memory_space<hbm>>
      tpu.wait_indirect_dma semaphore(%arg45 : memref<!tpu.dma_semaphore, #tpu.memory_space<semaphore_mem>>) src(%dma_wait3A_809 : memref<20000x128xf32, #tpu.memory_space<hbm>>) dst(%arg30 : memref<40x128xf32, #tpu.memory_space<vmem>>)
      %dma_start3A_810 = arith.constant 1 : i32
      %dma_start3A_811 = arith.constant 0 : i32
      %dma_start3A_812 = tpu.memref_slice %arg15[%dma_start3A_810, %dma_start3A_811] : memref<2x40xi32, #tpu.memory_space<vmem>> -> memref<1x40xi32, #tpu.memory_space<vmem>>
      %dma_start3A_813 = tpu.memref_squeeze %dma_start3A_812 : memref<1x40xi32, #tpu.memory_space<vmem>> -> memref<40xi32, #tpu.memory_space<vmem>>
      %dma_start3A_814 = arith.constant 0 : i32
      %dma_start3A_815 = arith.constant 0 : i32
      %dma_start3A_816 = tpu.memref_slice %arg5[%dma_start3A_814, %dma_start3A_815] : memref<10000x128xf32, #tpu.memory_space<vmem_shared>> -> memref<10000x128xf32, #tpu.memory_space<vmem_shared>>
      tpu.enqueue_indirect_dma source(%arg30 : memref<40x128xf32, #tpu.memory_space<vmem>>) target(%dma_start3A_816 : memref<10000x128xf32, #tpu.memory_space<vmem_shared>>) offsets(%dma_start3A_813 : memref<40xi32, #tpu.memory_space<vmem>>) semaphore(%arg50 : memref<!tpu.dma_semaphore, #tpu.memory_space<semaphore_mem>>) {add = true}
      %mul3A_817 = arith.constant 2 : i32
      %mul3A_818 = arith.muli %mul3A_817, %scan3A_113 : i32
      %add3A_819 = arith.constant 1 : i32
      %add3A_820 = arith.addi %mul3A_818, %add3A_819 : i32
      %add3A_821 = arith.constant 1 : i32
      %add3A_822 = arith.addi %add3A_820, %add3A_821 : i32
      %mul3A_823 = arith.constant 5 : i32
      %mul3A_824 = arith.muli %add3A_822, %mul3A_823 : i32
      %add3A_825 = arith.constant 4 : i32
      %add3A_826 = arith.addi %mul3A_824, %add3A_825 : i32
      %lt3A_827 = arith.constant 250 : i32
      %lt3A_828 = arith.cmpi slt, %add3A_826, %lt3A_827 : i32
      %convert_element_type3A_829 = arith.extui %lt3A_828 : i1 to i32
      %cond3A_830 = arith.constant 0 : i32
      %cond3A_831 = arith.cmpi ne, %convert_element_type3A_829, %cond3A_830 : i32
      scf.if %cond3A_831 {
        %mul3A_832 = arith.constant 40 : i32
        %mul3A_833 = arith.muli %add3A_826, %mul3A_832 : i32
        %add3A_834 = arith.addi %mul3A_7, %mul3A_833 : i32
        %dma_start3A_835 = arith.constant 0 : i32
        %dma_start3A_836 = tpu.memref_slice %arg3[%dma_start3A_835, %add3A_834] : memref<2x160000xi32, #tpu.memory_space<hbm>> -> memref<2x40xi32, #tpu.memory_space<hbm>>
        %dma_start3A_837 = arith.constant 0 : i32
        %dma_start3A_838 = tpu.memref_slice %arg3[%dma_start3A_837, %add3A_834] : memref<2x160000xi32, #tpu.memory_space<hbm>> -> memref<2x40xi32, #tpu.memory_space<hbm>>
        tpu.enqueue_dma source(%dma_start3A_838 : memref<2x40xi32, #tpu.memory_space<hbm>>) target(%arg10 : memref<2x40xi32, #tpu.memory_space<vmem>>) target_semaphore(%arg35 : memref<!tpu.dma_semaphore, #tpu.memory_space<semaphore_mem>>)
      } else {
      }
    }
    %scan3A_75 = arith.constant 25 : i32
    %dma_wait3A_76 = arith.constant 1 : i32
    %dma_wait3A_77 = arith.constant 0 : i32
    %dma_wait3A_78 = tpu.memref_slice %arg11[%dma_wait3A_76, %dma_wait3A_77] : memref<2x40xi32, #tpu.memory_space<vmem>> -> memref<1x40xi32, #tpu.memory_space<vmem>>
    %dma_wait3A_79 = tpu.memref_squeeze %dma_wait3A_78 : memref<1x40xi32, #tpu.memory_space<vmem>> -> memref<40xi32, #tpu.memory_space<vmem>>
    %dma_wait3A_80 = arith.constant 0 : i32
    %dma_wait3A_81 = arith.constant 0 : i32
    %dma_wait3A_82 = tpu.memref_slice %arg5[%dma_wait3A_80, %dma_wait3A_81] : memref<10000x128xf32, #tpu.memory_space<vmem_shared>> -> memref<10000x128xf32, #tpu.memory_space<vmem_shared>>
    tpu.wait_indirect_dma semaphore(%arg46 : memref<!tpu.dma_semaphore, #tpu.memory_space<semaphore_mem>>) src(%arg26 : memref<40x128xf32, #tpu.memory_space<vmem>>) dst(%dma_wait3A_82 : memref<10000x128xf32, #tpu.memory_space<vmem_shared>>)
    %dma_wait3A_83 = arith.constant 1 : i32
    %dma_wait3A_84 = arith.constant 0 : i32
    %dma_wait3A_85 = tpu.memref_slice %arg12[%dma_wait3A_83, %dma_wait3A_84] : memref<2x40xi32, #tpu.memory_space<vmem>> -> memref<1x40xi32, #tpu.memory_space<vmem>>
    %dma_wait3A_86 = tpu.memref_squeeze %dma_wait3A_85 : memref<1x40xi32, #tpu.memory_space<vmem>> -> memref<40xi32, #tpu.memory_space<vmem>>
    %dma_wait3A_87 = arith.constant 0 : i32
    %dma_wait3A_88 = arith.constant 0 : i32
    %dma_wait3A_89 = tpu.memref_slice %arg5[%dma_wait3A_87, %dma_wait3A_88] : memref<10000x128xf32, #tpu.memory_space<vmem_shared>> -> memref<10000x128xf32, #tpu.memory_space<vmem_shared>>
    tpu.wait_indirect_dma semaphore(%arg47 : memref<!tpu.dma_semaphore, #tpu.memory_space<semaphore_mem>>) src(%arg27 : memref<40x128xf32, #tpu.memory_space<vmem>>) dst(%dma_wait3A_89 : memref<10000x128xf32, #tpu.memory_space<vmem_shared>>)
    %dma_wait3A_90 = arith.constant 1 : i32
    %dma_wait3A_91 = arith.constant 0 : i32
    %dma_wait3A_92 = tpu.memref_slice %arg13[%dma_wait3A_90, %dma_wait3A_91] : memref<2x40xi32, #tpu.memory_space<vmem>> -> memref<1x40xi32, #tpu.memory_space<vmem>>
    %dma_wait3A_93 = tpu.memref_squeeze %dma_wait3A_92 : memref<1x40xi32, #tpu.memory_space<vmem>> -> memref<40xi32, #tpu.memory_space<vmem>>
    %dma_wait3A_94 = arith.constant 0 : i32
    %dma_wait3A_95 = arith.constant 0 : i32
    %dma_wait3A_96 = tpu.memref_slice %arg5[%dma_wait3A_94, %dma_wait3A_95] : memref<10000x128xf32, #tpu.memory_space<vmem_shared>> -> memref<10000x128xf32, #tpu.memory_space<vmem_shared>>
    tpu.wait_indirect_dma semaphore(%arg48 : memref<!tpu.dma_semaphore, #tpu.memory_space<semaphore_mem>>) src(%arg28 : memref<40x128xf32, #tpu.memory_space<vmem>>) dst(%dma_wait3A_96 : memref<10000x128xf32, #tpu.memory_space<vmem_shared>>)
    %dma_wait3A_97 = arith.constant 1 : i32
    %dma_wait3A_98 = arith.constant 0 : i32
    %dma_wait3A_99 = tpu.memref_slice %arg14[%dma_wait3A_97, %dma_wait3A_98] : memref<2x40xi32, #tpu.memory_space<vmem>> -> memref<1x40xi32, #tpu.memory_space<vmem>>
    %dma_wait3A_100 = tpu.memref_squeeze %dma_wait3A_99 : memref<1x40xi32, #tpu.memory_space<vmem>> -> memref<40xi32, #tpu.memory_space<vmem>>
    %dma_wait3A_101 = arith.constant 0 : i32
    %dma_wait3A_102 = arith.constant 0 : i32
    %dma_wait3A_103 = tpu.memref_slice %arg5[%dma_wait3A_101, %dma_wait3A_102] : memref<10000x128xf32, #tpu.memory_space<vmem_shared>> -> memref<10000x128xf32, #tpu.memory_space<vmem_shared>>
    tpu.wait_indirect_dma semaphore(%arg49 : memref<!tpu.dma_semaphore, #tpu.memory_space<semaphore_mem>>) src(%arg29 : memref<40x128xf32, #tpu.memory_space<vmem>>) dst(%dma_wait3A_103 : memref<10000x128xf32, #tpu.memory_space<vmem_shared>>)
    %dma_wait3A_104 = arith.constant 1 : i32
    %dma_wait3A_105 = arith.constant 0 : i32
    %dma_wait3A_106 = tpu.memref_slice %arg15[%dma_wait3A_104, %dma_wait3A_105] : memref<2x40xi32, #tpu.memory_space<vmem>> -> memref<1x40xi32, #tpu.memory_space<vmem>>
    %dma_wait3A_107 = tpu.memref_squeeze %dma_wait3A_106 : memref<1x40xi32, #tpu.memory_space<vmem>> -> memref<40xi32, #tpu.memory_space<vmem>>
    %dma_wait3A_108 = arith.constant 0 : i32
    %dma_wait3A_109 = arith.constant 0 : i32
    %dma_wait3A_110 = tpu.memref_slice %arg5[%dma_wait3A_108, %dma_wait3A_109] : memref<10000x128xf32, #tpu.memory_space<vmem_shared>> -> memref<10000x128xf32, #tpu.memory_space<vmem_shared>>
    tpu.wait_indirect_dma semaphore(%arg50 : memref<!tpu.dma_semaphore, #tpu.memory_space<semaphore_mem>>) src(%arg30 : memref<40x128xf32, #tpu.memory_space<vmem>>) dst(%dma_wait3A_110 : memref<10000x128xf32, #tpu.memory_space<vmem_shared>>)
    %barrier3A_111 = arith.constant 0 : index
    tpu.barrier barrier_id(%barrier3A_111)
    %add3A_112 = arith.addi %mul3A_2, %mul3A_0 : i32
    "tpu.region"() ({
      %run_scoped3A = tpu.sem_alloc : memref<!tpu.dma_semaphore, #tpu.memory_space<semaphore_mem>>
      %dma_start3A_113 = arith.constant 0 : i32
      %dma_start3A_114 = tpu.memref_slice %arg4[%add3A_112, %dma_start3A_113] : memref<20000x128xf32, #tpu.memory_space<hbm>> -> memref<625x128xf32, #tpu.memory_space<hbm>>
      %dma_start3A_115 = arith.constant 0 : i32
      %dma_start3A_116 = tpu.memref_slice %arg5[%mul3A_0, %dma_start3A_115] : memref<10000x128xf32, #tpu.memory_space<vmem_shared>> -> memref<625x128xf32, #tpu.memory_space<vmem_shared>>
      tpu.enqueue_dma source(%dma_start3A_116 : memref<625x128xf32, #tpu.memory_space<vmem_shared>>) target(%dma_start3A_114 : memref<625x128xf32, #tpu.memory_space<hbm>>) target_semaphore(%run_scoped3A : memref<!tpu.dma_semaphore, #tpu.memory_space<semaphore_mem>>)
      %dma_wait3A_117 = arith.constant 0 : i32
      %dma_wait3A_118 = tpu.memref_slice %arg4[%add3A_112, %dma_wait3A_117] : memref<20000x128xf32, #tpu.memory_space<hbm>> -> memref<625x128xf32, #tpu.memory_space<hbm>>
      %dma_wait3A_119 = arith.constant 0 : i32
      %dma_wait3A_120 = tpu.memref_slice %arg5[%mul3A_0, %dma_wait3A_119] : memref<10000x128xf32, #tpu.memory_space<vmem_shared>> -> memref<625x128xf32, #tpu.memory_space<vmem_shared>>
      tpu.wait_dma2 semaphore(%run_scoped3A : memref<!tpu.dma_semaphore, #tpu.memory_space<semaphore_mem>>) src(%dma_wait3A_120 : memref<625x128xf32, #tpu.memory_space<vmem_shared>>) dst(%dma_wait3A_118 : memref<625x128xf32, #tpu.memory_space<hbm>>)
      tpu.yield
    }) : () -> ()
    return
  }
}

#map = affine_map<(d0, d1) -> (0, 0)>
module attributes {stable_mosaic.version = 14 : i64} {
  func.func @_scatter_kernel(%arg0: i32, %arg1: i32, %arg2: memref<20000x128xf32, #tpu.memory_space<hbm>>, %arg3: memref<2x160000xi32, #tpu.memory_space<hbm>>, %arg4: memref<20000x128xf32, #tpu.memory_space<hbm>>, %arg5: memref<10000x128xf32, #tpu.memory_space<vmem_shared>>, %arg6: memref<2x40xi32, #tpu.memory_space<vmem>>, %arg7: memref<2x40xi32, #tpu.memory_space<vmem>>, %arg8: memref<2x40xi32, #tpu.memory_space<vmem>>, %arg9: memref<2x40xi32, #tpu.memory_space<vmem>>, %arg10: memref<2x40xi32, #tpu.memory_space<vmem>>, %arg11: memref<2x40xi32, #tpu.memory_space<vmem>>, %arg12: memref<2x40xi32, #tpu.memory_space<vmem>>, %arg13: memref<2x40xi32, #tpu.memory_space<vmem>>, %arg14: memref<2x40xi32, #tpu.memory_space<vmem>>, %arg15: memref<2x40xi32, #tpu.memory_space<vmem>>, %arg16: memref<40xi32, #tpu.memory_space<vmem>>, %arg17: memref<40xi32, #tpu.memory_space<vmem>>, %arg18: memref<40xi32, #tpu.memory_space<vmem>>, %arg19: memref<40xi32, #tpu.memory_space<vmem>>, %arg20: memref<40xi32, #tpu.memory_space<vmem>>, %arg21: memref<40xi32, #tpu.memory_space<vmem>>, %arg22: memref<40xi32, #tpu.memory_space<vmem>>, %arg23: memref<40xi32, #tpu.memory_space<vmem>>, %arg24: memref<40xi32, #tpu.memory_space<vmem>>, %arg25: memref<40xi32, #tpu.memory_space<vmem>>, %arg26: memref<40x128xf32, #tpu.memory_space<vmem>>, %arg27: memref<40x128xf32, #tpu.memory_space<vmem>>, %arg28: memref<40x128xf32, #tpu.memory_space<vmem>>, %arg29: memref<40x128xf32, #tpu.memory_space<vmem>>, %arg30: memref<40x128xf32, #tpu.memory_space<vmem>>, %arg31: memref<!tpu.dma_semaphore, #tpu.memory_space<semaphore_mem>>, %arg32: memref<!tpu.dma_semaphore, #tpu.memory_space<semaphore_mem>>, %arg33: memref<!tpu.dma_semaphore, #tpu.memory_space<semaphore_mem>>, %arg34: memref<!tpu.dma_semaphore, #tpu.memory_space<semaphore_mem>>, %arg35: memref<!tpu.dma_semaphore, #tpu.memory_space<semaphore_mem>>, %arg36: memref<!tpu.dma_semaphore, #tpu.memory_space<semaphore_mem>>, %arg37: memref<!tpu.dma_semaphore, #tpu.memory_space<semaphore_mem>>, %arg38: memref<!tpu.dma_semaphore, #tpu.memory_space<semaphore_mem>>, %arg39: memref<!tpu.dma_semaphore, #tpu.memory_space<semaphore_mem>>, %arg40: memref<!tpu.dma_semaphore, #tpu.memory_space<semaphore_mem>>, %arg41: memref<!tpu.dma_semaphore, #tpu.memory_space<semaphore_mem>>, %arg42: memref<!tpu.dma_semaphore, #tpu.memory_space<semaphore_mem>>, %arg43: memref<!tpu.dma_semaphore, #tpu.memory_space<semaphore_mem>>, %arg44: memref<!tpu.dma_semaphore, #tpu.memory_space<semaphore_mem>>, %arg45: memref<!tpu.dma_semaphore, #tpu.memory_space<semaphore_mem>>, %arg46: memref<!tpu.dma_semaphore, #tpu.memory_space<semaphore_mem>>, %arg47: memref<!tpu.dma_semaphore, #tpu.memory_space<semaphore_mem>>, %arg48: memref<!tpu.dma_semaphore, #tpu.memory_space<semaphore_mem>>, %arg49: memref<!tpu.dma_semaphore, #tpu.memory_space<semaphore_mem>>, %arg50: memref<!tpu.dma_semaphore, #tpu.memory_space<semaphore_mem>>) attributes {dimension_semantics = [#tpu.dimension_semantics<core_parallel>, #tpu.dimension_semantics<subcore_parallel>], iteration_bounds = array<i64: 2, 16>, scalar_prefetch = 0 : i64, scratch_operands = 46 : i64, tpu.core_type = #tpu.core_type<sc_vector_subcore>, window_params = [{transform_indices = #map}, {transform_indices = #map}, {transform_indices = #map}]} {
    %mul3A = arith.constant 625 : i32
    %mul3A_0 = arith.muli %arg1, %mul3A : i32
    %mul3A_1 = arith.constant 10000 : i32
    %mul3A_2 = arith.muli %arg0, %mul3A_1 : i32
    %add3A = arith.addi %mul3A_2, %mul3A_0 : i32
    %dma_start3A = arith.constant 0 : i32
    %dma_start3A_3 = tpu.memref_slice %arg5[%mul3A_0, %dma_start3A] : memref<10000x128xf32, #tpu.memory_space<vmem_shared>> -> memref<625x128xf32, #tpu.memory_space<vmem_shared>>
    %dma_start3A_4 = arith.constant 0 : i32
    %dma_start3A_5 = tpu.memref_slice %arg2[%add3A, %dma_start3A_4] : memref<20000x128xf32, #tpu.memory_space<hbm>> -> memref<625x128xf32, #tpu.memory_space<hbm>>
    tpu.enqueue_dma source(%dma_start3A_5 : memref<625x128xf32, #tpu.memory_space<hbm>>) target(%dma_start3A_3 : memref<625x128xf32, #tpu.memory_space<vmem_shared>>) target_semaphore(%arg31 : memref<!tpu.dma_semaphore, #tpu.memory_space<semaphore_mem>>)
    %mul3A_6 = arith.constant 10000 : i32
    %mul3A_7 = arith.muli %arg1, %mul3A_6 : i32
    %add3A_8 = arith.constant 40 : i32
    %add3A_9 = arith.addi %mul3A_7, %add3A_8 : i32
    %dma_start3A_10 = arith.constant 0 : i32
    %dma_start3A_11 = tpu.memref_slice %arg3[%dma_start3A_10, %add3A_9] : memref<2x160000xi32, #tpu.memory_space<hbm>> -> memref<2x40xi32, #tpu.memory_space<hbm>>
    %dma_start3A_12 = arith.constant 0 : i32
    %dma_start3A_13 = tpu.memref_slice %arg3[%dma_start3A_12, %add3A_9] : memref<2x160000xi32, #tpu.memory_space<hbm>> -> memref<2x40xi32, #tpu.memory_space<hbm>>
    tpu.enqueue_dma source(%dma_start3A_13 : memref<2x40xi32, #tpu.memory_space<hbm>>) target(%arg7 : memref<2x40xi32, #tpu.memory_space<vmem>>) target_semaphore(%arg32 : memref<!tpu.dma_semaphore, #tpu.memory_space<semaphore_mem>>)
    %add3A_14 = arith.constant 80 : i32
    %add3A_15 = arith.addi %mul3A_7, %add3A_14 : i32
    %dma_start3A_16 = arith.constant 0 : i32
    %dma_start3A_17 = tpu.memref_slice %arg3[%dma_start3A_16, %add3A_15] : memref<2x160000xi32, #tpu.memory_space<hbm>> -> memref<2x40xi32, #tpu.memory_space<hbm>>
    %dma_start3A_18 = arith.constant 0 : i32
    %dma_start3A_19 = tpu.memref_slice %arg3[%dma_start3A_18, %add3A_15] : memref<2x160000xi32, #tpu.memory_space<hbm>> -> memref<2x40xi32, #tpu.memory_space<hbm>>
    tpu.enqueue_dma source(%dma_start3A_19 : memref<2x40xi32, #tpu.memory_space<hbm>>) target(%arg8 : memref<2x40xi32, #tpu.memory_space<vmem>>) target_semaphore(%arg33 : memref<!tpu.dma_semaphore, #tpu.memory_space<semaphore_mem>>)
    %add3A_20 = arith.constant 120 : i32
    %add3A_21 = arith.addi %mul3A_7, %add3A_20 : i32
    %dma_start3A_22 = arith.constant 0 : i32
    %dma_start3A_23 = tpu.memref_slice %arg3[%dma_start3A_22, %add3A_21] : memref<2x160000xi32, #tpu.memory_space<hbm>> -> memref<2x40xi32, #tpu.memory_space<hbm>>
    %dma_start3A_24 = arith.constant 0 : i32
    %dma_start3A_25 = tpu.memref_slice %arg3[%dma_start3A_24, %add3A_21] : memref<2x160000xi32, #tpu.memory_space<hbm>> -> memref<2x40xi32, #tpu.memory_space<hbm>>
    tpu.enqueue_dma source(%dma_start3A_25 : memref<2x40xi32, #tpu.memory_space<hbm>>) target(%arg9 : memref<2x40xi32, #tpu.memory_space<vmem>>) target_semaphore(%arg34 : memref<!tpu.dma_semaphore, #tpu.memory_space<semaphore_mem>>)
    %add3A_26 = arith.constant 160 : i32
    %add3A_27 = arith.addi %mul3A_7, %add3A_26 : i32
    %dma_start3A_28 = arith.constant 0 : i32
    %dma_start3A_29 = tpu.memref_slice %arg3[%dma_start3A_28, %add3A_27] : memref<2x160000xi32, #tpu.memory_space<hbm>> -> memref<2x40xi32, #tpu.memory_space<hbm>>
    %dma_start3A_30 = arith.constant 0 : i32
    %dma_start3A_31 = tpu.memref_slice %arg3[%dma_start3A_30, %add3A_27] : memref<2x160000xi32, #tpu.memory_space<hbm>> -> memref<2x40xi32, #tpu.memory_space<hbm>>
    tpu.enqueue_dma source(%dma_start3A_31 : memref<2x40xi32, #tpu.memory_space<hbm>>) target(%arg10 : memref<2x40xi32, #tpu.memory_space<vmem>>) target_semaphore(%arg35 : memref<!tpu.dma_semaphore, #tpu.memory_space<semaphore_mem>>)
    %add3A_32 = arith.constant 200 : i32
    %add3A_33 = arith.addi %mul3A_7, %add3A_32 : i32
    %dma_start3A_34 = arith.constant 0 : i32
    %dma_start3A_35 = tpu.memref_slice %arg3[%dma_start3A_34, %add3A_33] : memref<2x160000xi32, #tpu.memory_space<hbm>> -> memref<2x40xi32, #tpu.memory_space<hbm>>
    %dma_start3A_36 = arith.constant 0 : i32
    %dma_start3A_37 = tpu.memref_slice %arg3[%dma_start3A_36, %add3A_33] : memref<2x160000xi32, #tpu.memory_space<hbm>> -> memref<2x40xi32, #tpu.memory_space<hbm>>
    tpu.enqueue_dma source(%dma_start3A_37 : memref<2x40xi32, #tpu.memory_space<hbm>>) target(%arg11 : memref<2x40xi32, #tpu.memory_space<vmem>>) target_semaphore(%arg36 : memref<!tpu.dma_semaphore, #tpu.memory_space<semaphore_mem>>)
    %add3A_38 = arith.constant 240 : i32
    %add3A_39 = arith.addi %mul3A_7, %add3A_38 : i32
    %dma_start3A_40 = arith.constant 0 : i32
    %dma_start3A_41 = tpu.memref_slice %arg3[%dma_start3A_40, %add3A_39] : memref<2x160000xi32, #tpu.memory_space<hbm>> -> memref<2x40xi32, #tpu.memory_space<hbm>>
    %dma_start3A_42 = arith.constant 0 : i32
    %dma_start3A_43 = tpu.memref_slice %arg3[%dma_start3A_42, %add3A_39] : memref<2x160000xi32, #tpu.memory_space<hbm>> -> memref<2x40xi32, #tpu.memory_space<hbm>>
    tpu.enqueue_dma source(%dma_start3A_43 : memref<2x40xi32, #tpu.memory_space<hbm>>) target(%arg12 : memref<2x40xi32, #tpu.memory_space<vmem>>) target_semaphore(%arg37 : memref<!tpu.dma_semaphore, #tpu.memory_space<semaphore_mem>>)
    %add3A_44 = arith.constant 280 : i32
    %add3A_45 = arith.addi %mul3A_7, %add3A_44 : i32
    %dma_start3A_46 = arith.constant 0 : i32
    %dma_start3A_47 = tpu.memref_slice %arg3[%dma_start3A_46, %add3A_45] : memref<2x160000xi32, #tpu.memory_space<hbm>> -> memref<2x40xi32, #tpu.memory_space<hbm>>
    %dma_start3A_48 = arith.constant 0 : i32
    %dma_start3A_49 = tpu.memref_slice %arg3[%dma_start3A_48, %add3A_45] : memref<2x160000xi32, #tpu.memory_space<hbm>> -> memref<2x40xi32, #tpu.memory_space<hbm>>
    tpu.enqueue_dma source(%dma_start3A_49 : memref<2x40xi32, #tpu.memory_space<hbm>>) target(%arg13 : memref<2x40xi32, #tpu.memory_space<vmem>>) target_semaphore(%arg38 : memref<!tpu.dma_semaphore, #tpu.memory_space<semaphore_mem>>)
    %add3A_50 = arith.constant 320 : i32
    %add3A_51 = arith.addi %mul3A_7, %add3A_50 : i32
    %dma_start3A_52 = arith.constant 0 : i32
    %dma_start3A_53 = tpu.memref_slice %arg3[%dma_start3A_52, %add3A_51] : memref<2x160000xi32, #tpu.memory_space<hbm>> -> memref<2x40xi32, #tpu.memory_space<hbm>>
    %dma_start3A_54 = arith.constant 0 : i32
    %dma_start3A_55 = tpu.memref_slice %arg3[%dma_start3A_54, %add3A_51] : memref<2x160000xi32, #tpu.memory_space<hbm>> -> memref<2x40xi32, #tpu.memory_space<hbm>>
    tpu.enqueue_dma source(%dma_start3A_55 : memref<2x40xi32, #tpu.memory_space<hbm>>) target(%arg14 : memref<2x40xi32, #tpu.memory_space<vmem>>) target_semaphore(%arg39 : memref<!tpu.dma_semaphore, #tpu.memory_space<semaphore_mem>>)
    %add3A_56 = arith.constant 360 : i32
    %add3A_57 = arith.addi %mul3A_7, %add3A_56 : i32
    %dma_start3A_58 = arith.constant 0 : i32
    %dma_start3A_59 = tpu.memref_slice %arg3[%dma_start3A_58, %add3A_57] : memref<2x160000xi32, #tpu.memory_space<hbm>> -> memref<2x40xi32, #tpu.memory_space<hbm>>
    %dma_start3A_60 = arith.constant 0 : i32
    %dma_start3A_61 = tpu.memref_slice %arg3[%dma_start3A_60, %add3A_57] : memref<2x160000xi32, #tpu.memory_space<hbm>> -> memref<2x40xi32, #tpu.memory_space<hbm>>
    tpu.enqueue_dma source(%dma_start3A_61 : memref<2x40xi32, #tpu.memory_space<hbm>>) target(%arg15 : memref<2x40xi32, #tpu.memory_space<vmem>>) target_semaphore(%arg40 : memref<!tpu.dma_semaphore, #tpu.memory_space<semaphore_mem>>)
    %dma_wait3A = arith.constant 0 : i32
    %dma_wait3A_62 = tpu.memref_slice %arg5[%mul3A_0, %dma_wait3A] : memref<10000x128xf32, #tpu.memory_space<vmem_shared>> -> memref<625x128xf32, #tpu.memory_space<vmem_shared>>
    %dma_wait3A_63 = arith.constant 0 : i32
    %dma_wait3A_64 = tpu.memref_slice %arg2[%add3A, %dma_wait3A_63] : memref<20000x128xf32, #tpu.memory_space<hbm>> -> memref<625x128xf32, #tpu.memory_space<hbm>>
    tpu.wait_dma2 semaphore(%arg31 : memref<!tpu.dma_semaphore, #tpu.memory_space<semaphore_mem>>) src(%dma_wait3A_64 : memref<625x128xf32, #tpu.memory_space<hbm>>) dst(%dma_wait3A_62 : memref<625x128xf32, #tpu.memory_space<vmem_shared>>)
    %add3A_65 = arith.constant 0 : i32
    %add3A_66 = arith.addi %mul3A_7, %add3A_65 : i32
    %dma_start3A_67 = arith.constant 0 : i32
    %dma_start3A_68 = tpu.memref_slice %arg3[%dma_start3A_67, %add3A_66] : memref<2x160000xi32, #tpu.memory_space<hbm>> -> memref<2x40xi32, #tpu.memory_space<hbm>>
    %dma_start3A_69 = arith.constant 0 : i32
    %dma_start3A_70 = tpu.memref_slice %arg3[%dma_start3A_69, %add3A_66] : memref<2x160000xi32, #tpu.memory_space<hbm>> -> memref<2x40xi32, #tpu.memory_space<hbm>>
    tpu.enqueue_dma source(%dma_start3A_70 : memref<2x40xi32, #tpu.memory_space<hbm>>) target(%arg6 : memref<2x40xi32, #tpu.memory_space<vmem>>) target_semaphore(%arg31 : memref<!tpu.dma_semaphore, #tpu.memory_space<semaphore_mem>>)
    %barrier3A = arith.constant 0 : index
    tpu.barrier barrier_id(%barrier3A)
    %scan3A = arith.constant 0 : i32
    %scan3A_71 = arith.constant 0 : i32
    %scan3A_72 = arith.constant 25 : i32
    %scan3A_73 = arith.addi %scan3A_71, %scan3A_72 : i32
    %scan3A_74 = arith.constant 1 : i32
    scf.for %scan3A_113 = %scan3A_71 to %scan3A_73 step %scan3A_74  : i32 {
      %dma_wait3A_114 = arith.constant 0 : i32
      %dma_wait3A_115 = tpu.memref_slice %arg3[%dma_wait3A_114, %mul3A_7] : memref<2x160000xi32, #tpu.memory_space<hbm>> -> memref<2x40xi32, #tpu.memory_space<hbm>>
      %dma_wait3A_116 = arith.constant 0 : i32
      %dma_wait3A_117 = tpu.memref_slice %arg3[%dma_wait3A_116, %mul3A_7] : memref<2x160000xi32, #tpu.memory_space<hbm>> -> memref<2x40xi32, #tpu.memory_space<hbm>>
      tpu.wait_dma2 semaphore(%arg31 : memref<!tpu.dma_semaphore, #tpu.memory_space<semaphore_mem>>) src(%dma_wait3A_117 : memref<2x40xi32, #tpu.memory_space<hbm>>) dst(%arg6 : memref<2x40xi32, #tpu.memory_space<vmem>>)
      %get3A = arith.constant 0 : i32
      %get3A_118 = arith.index_cast %get3A : i32 to index
      %get3A_119 = arith.constant 0 : index
      %get3A_120 = tpu.vector_load %arg6[%get3A_118, %get3A_119] {strides = array<i32>} : memref<2x40xi32, #tpu.memory_space<vmem>>, vector<1x16xi32>,
      %get3A_121 = vector.shape_cast %get3A_120 : vector<1x16xi32> to vector<16xi32>
      %add3A_122 = vector.broadcast %mul3A_2 : i32 to vector<16xi32>
      %add3A_123 = arith.addi %get3A_121, %add3A_122 : vector<16xi32>
      %swap3A = arith.constant 0 : index
      %swap3A_124 = tpu.vector_load %arg16[%swap3A] {strides = array<i32>} : memref<40xi32, #tpu.memory_space<vmem>>, vector<16xi32>,
      %swap3A_125 = vector.shape_cast %swap3A_124 : vector<16xi32> to vector<16xi32>
      %swap3A_126 = vector.shape_cast %add3A_123 : vector<16xi32> to vector<16xi32>
      tpu.vector_store %arg16[%swap3A], %swap3A_126 {strides = array<i32>} : memref<40xi32, #tpu.memory_space<vmem>>, vector<16xi32>,
      %get3A_127 = arith.constant 0 : i32
      %get3A_128 = arith.index_cast %get3A_127 : i32 to index
      %get3A_129 = arith.constant 16 : index
      %get3A_130 = tpu.vector_load %arg6[%get3A_128, %get3A_129] {strides = array<i32>} : memref<2x40xi32, #tpu.memory_space<vmem>>, vector<1x16xi32>,
      %get3A_131 = vector.shape_cast %get3A_130 : vector<1x16xi32> to vector<16xi32>
      %add3A_132 = vector.broadcast %mul3A_2 : i32 to vector<16xi32>
      %add3A_133 = arith.addi %get3A_131, %add3A_132 : vector<16xi32>
      %swap3A_134 = arith.constant 16 : index
      %swap3A_135 = tpu.vector_load %arg16[%swap3A_134] {strides = array<i32>} : memref<40xi32, #tpu.memory_space<vmem>>, vector<16xi32>,
      %swap3A_136 = vector.shape_cast %swap3A_135 : vector<16xi32> to vector<16xi32>
      %swap3A_137 = vector.shape_cast %add3A_133 : vector<16xi32> to vector<16xi32>
      tpu.vector_store %arg16[%swap3A_134], %swap3A_137 {strides = array<i32>} : memref<40xi32, #tpu.memory_space<vmem>>, vector<16xi32>,
      %get3A_138 = arith.constant 0 : i32
      %get3A_139 = arith.index_cast %get3A_138 : i32 to index
      %get3A_140 = arith.constant 24 : index
      %get3A_141 = tpu.vector_load %arg6[%get3A_139, %get3A_140] {strides = array<i32>} : memref<2x40xi32, #tpu.memory_space<vmem>>, vector<1x16xi32>,
      %get3A_142 = vector.shape_cast %get3A_141 : vector<1x16xi32> to vector<16xi32>
      %add3A_143 = vector.broadcast %mul3A_2 : i32 to vector<16xi32>
      %add3A_144 = arith.addi %get3A_142, %add3A_143 : vector<16xi32>
      %swap3A_145 = arith.constant 24 : index
      %swap3A_146 = tpu.vector_load %arg16[%swap3A_145] {strides = array<i32>} : memref<40xi32, #tpu.memory_space<vmem>>, vector<16xi32>,
      %swap3A_147 = vector.shape_cast %swap3A_146 : vector<16xi32> to vector<16xi32>
      %swap3A_148 = vector.shape_cast %add3A_144 : vector<16xi32> to vector<16xi32>
      tpu.vector_store %arg16[%swap3A_145], %swap3A_148 {strides = array<i32>} : memref<40xi32, #tpu.memory_space<vmem>>, vector<16xi32>,
      %gt3A = arith.constant 0 : i32
      %gt3A_149 = arith.cmpi sgt, %scan3A_113, %gt3A : i32
      %convert_element_type3A = arith.extui %gt3A_149 : i1 to i32
      %cond3A = arith.constant 0 : i32
      %cond3A_150 = arith.cmpi ne, %convert_element_type3A, %cond3A : i32
      scf.if %cond3A_150 {
        %dma_wait3A_832 = arith.constant 1 : i32
        %dma_wait3A_833 = arith.constant 0 : i32
        %dma_wait3A_834 = tpu.memref_slice %arg11[%dma_wait3A_832, %dma_wait3A_833] : memref<2x40xi32, #tpu.memory_space<vmem>> -> memref<1x40xi32, #tpu.memory_space<vmem>>
        %dma_wait3A_835 = tpu.memref_squeeze %dma_wait3A_834 : memref<1x40xi32, #tpu.memory_space<vmem>> -> memref<40xi32, #tpu.memory_space<vmem>>
        %dma_wait3A_836 = arith.constant 0 : i32
        %dma_wait3A_837 = arith.constant 0 : i32
        %dma_wait3A_838 = tpu.memref_slice %arg5[%dma_wait3A_836, %dma_wait3A_837] : memref<10000x128xf32, #tpu.memory_space<vmem_shared>> -> memref<10000x128xf32, #tpu.memory_space<vmem_shared>>
        tpu.wait_indirect_dma semaphore(%arg46 : memref<!tpu.dma_semaphore, #tpu.memory_space<semaphore_mem>>) src(%arg26 : memref<40x128xf32, #tpu.memory_space<vmem>>) dst(%dma_wait3A_838 : memref<10000x128xf32, #tpu.memory_space<vmem_shared>>)
      } else {
      }
      %dma_start3A_151 = arith.constant 0 : i32
      %dma_start3A_152 = arith.constant 0 : i32
      %dma_start3A_153 = tpu.memref_slice %arg2[%dma_start3A_151, %dma_start3A_152] : memref<20000x128xf32, #tpu.memory_space<hbm>> -> memref<20000x128xf32, #tpu.memory_space<hbm>>
      tpu.enqueue_indirect_dma source(%dma_start3A_153 : memref<20000x128xf32, #tpu.memory_space<hbm>>) target(%arg26 : memref<40x128xf32, #tpu.memory_space<vmem>>) offsets(%arg16 : memref<40xi32, #tpu.memory_space<vmem>>) semaphore(%arg41 : memref<!tpu.dma_semaphore, #tpu.memory_space<semaphore_mem>>)
      %dma_wait3A_154 = arith.constant 0 : i32
      %dma_wait3A_155 = tpu.memref_slice %arg3[%dma_wait3A_154, %mul3A_7] : memref<2x160000xi32, #tpu.memory_space<hbm>> -> memref<2x40xi32, #tpu.memory_space<hbm>>
      %dma_wait3A_156 = arith.constant 0 : i32
      %dma_wait3A_157 = tpu.memref_slice %arg3[%dma_wait3A_156, %mul3A_7] : memref<2x160000xi32, #tpu.memory_space<hbm>> -> memref<2x40xi32, #tpu.memory_space<hbm>>
      tpu.wait_dma2 semaphore(%arg32 : memref<!tpu.dma_semaphore, #tpu.memory_space<semaphore_mem>>) src(%dma_wait3A_157 : memref<2x40xi32, #tpu.memory_space<hbm>>) dst(%arg7 : memref<2x40xi32, #tpu.memory_space<vmem>>)
      %get3A_158 = arith.constant 0 : i32
      %get3A_159 = arith.index_cast %get3A_158 : i32 to index
      %get3A_160 = arith.constant 0 : index
      %get3A_161 = tpu.vector_load %arg7[%get3A_159, %get3A_160] {strides = array<i32>} : memref<2x40xi32, #tpu.memory_space<vmem>>, vector<1x16xi32>,
      %get3A_162 = vector.shape_cast %get3A_161 : vector<1x16xi32> to vector<16xi32>
      %add3A_163 = vector.broadcast %mul3A_2 : i32 to vector<16xi32>
      %add3A_164 = arith.addi %get3A_162, %add3A_163 : vector<16xi32>
      %swap3A_165 = arith.constant 0 : index
      %swap3A_166 = tpu.vector_load %arg17[%swap3A_165] {strides = array<i32>} : memref<40xi32, #tpu.memory_space<vmem>>, vector<16xi32>,
      %swap3A_167 = vector.shape_cast %swap3A_166 : vector<16xi32> to vector<16xi32>
      %swap3A_168 = vector.shape_cast %add3A_164 : vector<16xi32> to vector<16xi32>
      tpu.vector_store %arg17[%swap3A_165], %swap3A_168 {strides = array<i32>} : memref<40xi32, #tpu.memory_space<vmem>>, vector<16xi32>,
      %get3A_169 = arith.constant 0 : i32
      %get3A_170 = arith.index_cast %get3A_169 : i32 to index
      %get3A_171 = arith.constant 16 : index
      %get3A_172 = tpu.vector_load %arg7[%get3A_170, %get3A_171] {strides = array<i32>} : memref<2x40xi32, #tpu.memory_space<vmem>>, vector<1x16xi32>,
      %get3A_173 = vector.shape_cast %get3A_172 : vector<1x16xi32> to vector<16xi32>
      %add3A_174 = vector.broadcast %mul3A_2 : i32 to vector<16xi32>
      %add3A_175 = arith.addi %get3A_173, %add3A_174 : vector<16xi32>
      %swap3A_176 = arith.constant 16 : index
      %swap3A_177 = tpu.vector_load %arg17[%swap3A_176] {strides = array<i32>} : memref<40xi32, #tpu.memory_space<vmem>>, vector<16xi32>,
      %swap3A_178 = vector.shape_cast %swap3A_177 : vector<16xi32> to vector<16xi32>
      %swap3A_179 = vector.shape_cast %add3A_175 : vector<16xi32> to vector<16xi32>
      tpu.vector_store %arg17[%swap3A_176], %swap3A_179 {strides = array<i32>} : memref<40xi32, #tpu.memory_space<vmem>>, vector<16xi32>,
      %get3A_180 = arith.constant 0 : i32
      %get3A_181 = arith.index_cast %get3A_180 : i32 to index
      %get3A_182 = arith.constant 24 : index
      %get3A_183 = tpu.vector_load %arg7[%get3A_181, %get3A_182] {strides = array<i32>} : memref<2x40xi32, #tpu.memory_space<vmem>>, vector<1x16xi32>,
      %get3A_184 = vector.shape_cast %get3A_183 : vector<1x16xi32> to vector<16xi32>
      %add3A_185 = vector.broadcast %mul3A_2 : i32 to vector<16xi32>
      %add3A_186 = arith.addi %get3A_184, %add3A_185 : vector<16xi32>
      %swap3A_187 = arith.constant 24 : index
      %swap3A_188 = tpu.vector_load %arg17[%swap3A_187] {strides = array<i32>} : memref<40xi32, #tpu.memory_space<vmem>>, vector<16xi32>,
      %swap3A_189 = vector.shape_cast %swap3A_188 : vector<16xi32> to vector<16xi32>
      %swap3A_190 = vector.shape_cast %add3A_186 : vector<16xi32> to vector<16xi32>
      tpu.vector_store %arg17[%swap3A_187], %swap3A_190 {strides = array<i32>} : memref<40xi32, #tpu.memory_space<vmem>>, vector<16xi32>,
      %gt3A_191 = arith.constant 0 : i32
      %gt3A_192 = arith.cmpi sgt, %scan3A_113, %gt3A_191 : i32
      %convert_element_type3A_193 = arith.extui %gt3A_192 : i1 to i32
      %cond3A_194 = arith.constant 0 : i32
      %cond3A_195 = arith.cmpi ne, %convert_element_type3A_193, %cond3A_194 : i32
      scf.if %cond3A_195 {
        %dma_wait3A_832 = arith.constant 1 : i32
        %dma_wait3A_833 = arith.constant 0 : i32
        %dma_wait3A_834 = tpu.memref_slice %arg12[%dma_wait3A_832, %dma_wait3A_833] : memref<2x40xi32, #tpu.memory_space<vmem>> -> memref<1x40xi32, #tpu.memory_space<vmem>>
        %dma_wait3A_835 = tpu.memref_squeeze %dma_wait3A_834 : memref<1x40xi32, #tpu.memory_space<vmem>> -> memref<40xi32, #tpu.memory_space<vmem>>
        %dma_wait3A_836 = arith.constant 0 : i32
        %dma_wait3A_837 = arith.constant 0 : i32
        %dma_wait3A_838 = tpu.memref_slice %arg5[%dma_wait3A_836, %dma_wait3A_837] : memref<10000x128xf32, #tpu.memory_space<vmem_shared>> -> memref<10000x128xf32, #tpu.memory_space<vmem_shared>>
        tpu.wait_indirect_dma semaphore(%arg47 : memref<!tpu.dma_semaphore, #tpu.memory_space<semaphore_mem>>) src(%arg27 : memref<40x128xf32, #tpu.memory_space<vmem>>) dst(%dma_wait3A_838 : memref<10000x128xf32, #tpu.memory_space<vmem_shared>>)
      } else {
      }
      %dma_start3A_196 = arith.constant 0 : i32
      %dma_start3A_197 = arith.constant 0 : i32
      %dma_start3A_198 = tpu.memref_slice %arg2[%dma_start3A_196, %dma_start3A_197] : memref<20000x128xf32, #tpu.memory_space<hbm>> -> memref<20000x128xf32, #tpu.memory_space<hbm>>
      tpu.enqueue_indirect_dma source(%dma_start3A_198 : memref<20000x128xf32, #tpu.memory_space<hbm>>) target(%arg27 : memref<40x128xf32, #tpu.memory_space<vmem>>) offsets(%arg17 : memref<40xi32, #tpu.memory_space<vmem>>) semaphore(%arg42 : memref<!tpu.dma_semaphore, #tpu.memory_space<semaphore_mem>>)
      %dma_wait3A_199 = arith.constant 0 : i32
      %dma_wait3A_200 = tpu.memref_slice %arg3[%dma_wait3A_199, %mul3A_7] : memref<2x160000xi32, #tpu.memory_space<hbm>> -> memref<2x40xi32, #tpu.memory_space<hbm>>
      %dma_wait3A_201 = arith.constant 0 : i32
      %dma_wait3A_202 = tpu.memref_slice %arg3[%dma_wait3A_201, %mul3A_7] : memref<2x160000xi32, #tpu.memory_space<hbm>> -> memref<2x40xi32, #tpu.memory_space<hbm>>
      tpu.wait_dma2 semaphore(%arg33 : memref<!tpu.dma_semaphore, #tpu.memory_space<semaphore_mem>>) src(%dma_wait3A_202 : memref<2x40xi32, #tpu.memory_space<hbm>>) dst(%arg8 : memref<2x40xi32, #tpu.memory_space<vmem>>)
      %get3A_203 = arith.constant 0 : i32
      %get3A_204 = arith.index_cast %get3A_203 : i32 to index
      %get3A_205 = arith.constant 0 : index
      %get3A_206 = tpu.vector_load %arg8[%get3A_204, %get3A_205] {strides = array<i32>} : memref<2x40xi32, #tpu.memory_space<vmem>>, vector<1x16xi32>,
      %get3A_207 = vector.shape_cast %get3A_206 : vector<1x16xi32> to vector<16xi32>
      %add3A_208 = vector.broadcast %mul3A_2 : i32 to vector<16xi32>
      %add3A_209 = arith.addi %get3A_207, %add3A_208 : vector<16xi32>
      %swap3A_210 = arith.constant 0 : index
      %swap3A_211 = tpu.vector_load %arg18[%swap3A_210] {strides = array<i32>} : memref<40xi32, #tpu.memory_space<vmem>>, vector<16xi32>,
      %swap3A_212 = vector.shape_cast %swap3A_211 : vector<16xi32> to vector<16xi32>
      %swap3A_213 = vector.shape_cast %add3A_209 : vector<16xi32> to vector<16xi32>
      tpu.vector_store %arg18[%swap3A_210], %swap3A_213 {strides = array<i32>} : memref<40xi32, #tpu.memory_space<vmem>>, vector<16xi32>,
      %get3A_214 = arith.constant 0 : i32
      %get3A_215 = arith.index_cast %get3A_214 : i32 to index
      %get3A_216 = arith.constant 16 : index
      %get3A_217 = tpu.vector_load %arg8[%get3A_215, %get3A_216] {strides = array<i32>} : memref<2x40xi32, #tpu.memory_space<vmem>>, vector<1x16xi32>,
      %get3A_218 = vector.shape_cast %get3A_217 : vector<1x16xi32> to vector<16xi32>
      %add3A_219 = vector.broadcast %mul3A_2 : i32 to vector<16xi32>
      %add3A_220 = arith.addi %get3A_218, %add3A_219 : vector<16xi32>
      %swap3A_221 = arith.constant 16 : index
      %swap3A_222 = tpu.vector_load %arg18[%swap3A_221] {strides = array<i32>} : memref<40xi32, #tpu.memory_space<vmem>>, vector<16xi32>,
      %swap3A_223 = vector.shape_cast %swap3A_222 : vector<16xi32> to vector<16xi32>
      %swap3A_224 = vector.shape_cast %add3A_220 : vector<16xi32> to vector<16xi32>
      tpu.vector_store %arg18[%swap3A_221], %swap3A_224 {strides = array<i32>} : memref<40xi32, #tpu.memory_space<vmem>>, vector<16xi32>,
      %get3A_225 = arith.constant 0 : i32
      %get3A_226 = arith.index_cast %get3A_225 : i32 to index
      %get3A_227 = arith.constant 24 : index
      %get3A_228 = tpu.vector_load %arg8[%get3A_226, %get3A_227] {strides = array<i32>} : memref<2x40xi32, #tpu.memory_space<vmem>>, vector<1x16xi32>,
      %get3A_229 = vector.shape_cast %get3A_228 : vector<1x16xi32> to vector<16xi32>
      %add3A_230 = vector.broadcast %mul3A_2 : i32 to vector<16xi32>
      %add3A_231 = arith.addi %get3A_229, %add3A_230 : vector<16xi32>
      %swap3A_232 = arith.constant 24 : index
      %swap3A_233 = tpu.vector_load %arg18[%swap3A_232] {strides = array<i32>} : memref<40xi32, #tpu.memory_space<vmem>>, vector<16xi32>,
      %swap3A_234 = vector.shape_cast %swap3A_233 : vector<16xi32> to vector<16xi32>
      %swap3A_235 = vector.shape_cast %add3A_231 : vector<16xi32> to vector<16xi32>
      tpu.vector_store %arg18[%swap3A_232], %swap3A_235 {strides = array<i32>} : memref<40xi32, #tpu.memory_space<vmem>>, vector<16xi32>,
      %gt3A_236 = arith.constant 0 : i32
      %gt3A_237 = arith.cmpi sgt, %scan3A_113, %gt3A_236 : i32
      %convert_element_type3A_238 = arith.extui %gt3A_237 : i1 to i32
      %cond3A_239 = arith.constant 0 : i32
      %cond3A_240 = arith.cmpi ne, %convert_element_type3A_238, %cond3A_239 : i32
      scf.if %cond3A_240 {
        %dma_wait3A_832 = arith.constant 1 : i32
        %dma_wait3A_833 = arith.constant 0 : i32
        %dma_wait3A_834 = tpu.memref_slice %arg13[%dma_wait3A_832, %dma_wait3A_833] : memref<2x40xi32, #tpu.memory_space<vmem>> -> memref<1x40xi32, #tpu.memory_space<vmem>>
        %dma_wait3A_835 = tpu.memref_squeeze %dma_wait3A_834 : memref<1x40xi32, #tpu.memory_space<vmem>> -> memref<40xi32, #tpu.memory_space<vmem>>
        %dma_wait3A_836 = arith.constant 0 : i32
        %dma_wait3A_837 = arith.constant 0 : i32
        %dma_wait3A_838 = tpu.memref_slice %arg5[%dma_wait3A_836, %dma_wait3A_837] : memref<10000x128xf32, #tpu.memory_space<vmem_shared>> -> memref<10000x128xf32, #tpu.memory_space<vmem_shared>>
        tpu.wait_indirect_dma semaphore(%arg48 : memref<!tpu.dma_semaphore, #tpu.memory_space<semaphore_mem>>) src(%arg28 : memref<40x128xf32, #tpu.memory_space<vmem>>) dst(%dma_wait3A_838 : memref<10000x128xf32, #tpu.memory_space<vmem_shared>>)
      } else {
      }
      %dma_start3A_241 = arith.constant 0 : i32
      %dma_start3A_242 = arith.constant 0 : i32
      %dma_start3A_243 = tpu.memref_slice %arg2[%dma_start3A_241, %dma_start3A_242] : memref<20000x128xf32, #tpu.memory_space<hbm>> -> memref<20000x128xf32, #tpu.memory_space<hbm>>
      tpu.enqueue_indirect_dma source(%dma_start3A_243 : memref<20000x128xf32, #tpu.memory_space<hbm>>) target(%arg28 : memref<40x128xf32, #tpu.memory_space<vmem>>) offsets(%arg18 : memref<40xi32, #tpu.memory_space<vmem>>) semaphore(%arg43 : memref<!tpu.dma_semaphore, #tpu.memory_space<semaphore_mem>>)
      %dma_wait3A_244 = arith.constant 0 : i32
      %dma_wait3A_245 = tpu.memref_slice %arg3[%dma_wait3A_244, %mul3A_7] : memref<2x160000xi32, #tpu.memory_space<hbm>> -> memref<2x40xi32, #tpu.memory_space<hbm>>
      %dma_wait3A_246 = arith.constant 0 : i32
      %dma_wait3A_247 = tpu.memref_slice %arg3[%dma_wait3A_246, %mul3A_7] : memref<2x160000xi32, #tpu.memory_space<hbm>> -> memref<2x40xi32, #tpu.memory_space<hbm>>
      tpu.wait_dma2 semaphore(%arg34 : memref<!tpu.dma_semaphore, #tpu.memory_space<semaphore_mem>>) src(%dma_wait3A_247 : memref<2x40xi32, #tpu.memory_space<hbm>>) dst(%arg9 : memref<2x40xi32, #tpu.memory_space<vmem>>)
      %get3A_248 = arith.constant 0 : i32
      %get3A_249 = arith.index_cast %get3A_248 : i32 to index
      %get3A_250 = arith.constant 0 : index
      %get3A_251 = tpu.vector_load %arg9[%get3A_249, %get3A_250] {strides = array<i32>} : memref<2x40xi32, #tpu.memory_space<vmem>>, vector<1x16xi32>,
      %get3A_252 = vector.shape_cast %get3A_251 : vector<1x16xi32> to vector<16xi32>
      %add3A_253 = vector.broadcast %mul3A_2 : i32 to vector<16xi32>
      %add3A_254 = arith.addi %get3A_252, %add3A_253 : vector<16xi32>
      %swap3A_255 = arith.constant 0 : index
      %swap3A_256 = tpu.vector_load %arg19[%swap3A_255] {strides = array<i32>} : memref<40xi32, #tpu.memory_space<vmem>>, vector<16xi32>,
      %swap3A_257 = vector.shape_cast %swap3A_256 : vector<16xi32> to vector<16xi32>
      %swap3A_258 = vector.shape_cast %add3A_254 : vector<16xi32> to vector<16xi32>
      tpu.vector_store %arg19[%swap3A_255], %swap3A_258 {strides = array<i32>} : memref<40xi32, #tpu.memory_space<vmem>>, vector<16xi32>,
      %get3A_259 = arith.constant 0 : i32
      %get3A_260 = arith.index_cast %get3A_259 : i32 to index
      %get3A_261 = arith.constant 16 : index
      %get3A_262 = tpu.vector_load %arg9[%get3A_260, %get3A_261] {strides = array<i32>} : memref<2x40xi32, #tpu.memory_space<vmem>>, vector<1x16xi32>,
      %get3A_263 = vector.shape_cast %get3A_262 : vector<1x16xi32> to vector<16xi32>
      %add3A_264 = vector.broadcast %mul3A_2 : i32 to vector<16xi32>
      %add3A_265 = arith.addi %get3A_263, %add3A_264 : vector<16xi32>
      %swap3A_266 = arith.constant 16 : index
      %swap3A_267 = tpu.vector_load %arg19[%swap3A_266] {strides = array<i32>} : memref<40xi32, #tpu.memory_space<vmem>>, vector<16xi32>,
      %swap3A_268 = vector.shape_cast %swap3A_267 : vector<16xi32> to vector<16xi32>
      %swap3A_269 = vector.shape_cast %add3A_265 : vector<16xi32> to vector<16xi32>
      tpu.vector_store %arg19[%swap3A_266], %swap3A_269 {strides = array<i32>} : memref<40xi32, #tpu.memory_space<vmem>>, vector<16xi32>,
      %get3A_270 = arith.constant 0 : i32
      %get3A_271 = arith.index_cast %get3A_270 : i32 to index
      %get3A_272 = arith.constant 24 : index
      %get3A_273 = tpu.vector_load %arg9[%get3A_271, %get3A_272] {strides = array<i32>} : memref<2x40xi32, #tpu.memory_space<vmem>>, vector<1x16xi32>,
      %get3A_274 = vector.shape_cast %get3A_273 : vector<1x16xi32> to vector<16xi32>
      %add3A_275 = vector.broadcast %mul3A_2 : i32 to vector<16xi32>
      %add3A_276 = arith.addi %get3A_274, %add3A_275 : vector<16xi32>
      %swap3A_277 = arith.constant 24 : index
      %swap3A_278 = tpu.vector_load %arg19[%swap3A_277] {strides = array<i32>} : memref<40xi32, #tpu.memory_space<vmem>>, vector<16xi32>,
      %swap3A_279 = vector.shape_cast %swap3A_278 : vector<16xi32> to vector<16xi32>
      %swap3A_280 = vector.shape_cast %add3A_276 : vector<16xi32> to vector<16xi32>
      tpu.vector_store %arg19[%swap3A_277], %swap3A_280 {strides = array<i32>} : memref<40xi32, #tpu.memory_space<vmem>>, vector<16xi32>,
      %gt3A_281 = arith.constant 0 : i32
      %gt3A_282 = arith.cmpi sgt, %scan3A_113, %gt3A_281 : i32
      %convert_element_type3A_283 = arith.extui %gt3A_282 : i1 to i32
      %cond3A_284 = arith.constant 0 : i32
      %cond3A_285 = arith.cmpi ne, %convert_element_type3A_283, %cond3A_284 : i32
      scf.if %cond3A_285 {
        %dma_wait3A_832 = arith.constant 1 : i32
        %dma_wait3A_833 = arith.constant 0 : i32
        %dma_wait3A_834 = tpu.memref_slice %arg14[%dma_wait3A_832, %dma_wait3A_833] : memref<2x40xi32, #tpu.memory_space<vmem>> -> memref<1x40xi32, #tpu.memory_space<vmem>>
        %dma_wait3A_835 = tpu.memref_squeeze %dma_wait3A_834 : memref<1x40xi32, #tpu.memory_space<vmem>> -> memref<40xi32, #tpu.memory_space<vmem>>
        %dma_wait3A_836 = arith.constant 0 : i32
        %dma_wait3A_837 = arith.constant 0 : i32
        %dma_wait3A_838 = tpu.memref_slice %arg5[%dma_wait3A_836, %dma_wait3A_837] : memref<10000x128xf32, #tpu.memory_space<vmem_shared>> -> memref<10000x128xf32, #tpu.memory_space<vmem_shared>>
        tpu.wait_indirect_dma semaphore(%arg49 : memref<!tpu.dma_semaphore, #tpu.memory_space<semaphore_mem>>) src(%arg29 : memref<40x128xf32, #tpu.memory_space<vmem>>) dst(%dma_wait3A_838 : memref<10000x128xf32, #tpu.memory_space<vmem_shared>>)
      } else {
      }
      %dma_start3A_286 = arith.constant 0 : i32
      %dma_start3A_287 = arith.constant 0 : i32
      %dma_start3A_288 = tpu.memref_slice %arg2[%dma_start3A_286, %dma_start3A_287] : memref<20000x128xf32, #tpu.memory_space<hbm>> -> memref<20000x128xf32, #tpu.memory_space<hbm>>
      tpu.enqueue_indirect_dma source(%dma_start3A_288 : memref<20000x128xf32, #tpu.memory_space<hbm>>) target(%arg29 : memref<40x128xf32, #tpu.memory_space<vmem>>) offsets(%arg19 : memref<40xi32, #tpu.memory_space<vmem>>) semaphore(%arg44 : memref<!tpu.dma_semaphore, #tpu.memory_space<semaphore_mem>>)
      %dma_wait3A_289 = arith.constant 0 : i32
      %dma_wait3A_290 = tpu.memref_slice %arg3[%dma_wait3A_289, %mul3A_7] : memref<2x160000xi32, #tpu.memory_space<hbm>> -> memref<2x40xi32, #tpu.memory_space<hbm>>
      %dma_wait3A_291 = arith.constant 0 : i32
      %dma_wait3A_292 = tpu.memref_slice %arg3[%dma_wait3A_291, %mul3A_7] : memref<2x160000xi32, #tpu.memory_space<hbm>> -> memref<2x40xi32, #tpu.memory_space<hbm>>
      tpu.wait_dma2 semaphore(%arg35 : memref<!tpu.dma_semaphore, #tpu.memory_space<semaphore_mem>>) src(%dma_wait3A_292 : memref<2x40xi32, #tpu.memory_space<hbm>>) dst(%arg10 : memref<2x40xi32, #tpu.memory_space<vmem>>)
      %get3A_293 = arith.constant 0 : i32
      %get3A_294 = arith.index_cast %get3A_293 : i32 to index
      %get3A_295 = arith.constant 0 : index
      %get3A_296 = tpu.vector_load %arg10[%get3A_294, %get3A_295] {strides = array<i32>} : memref<2x40xi32, #tpu.memory_space<vmem>>, vector<1x16xi32>,
      %get3A_297 = vector.shape_cast %get3A_296 : vector<1x16xi32> to vector<16xi32>
      %add3A_298 = vector.broadcast %mul3A_2 : i32 to vector<16xi32>
      %add3A_299 = arith.addi %get3A_297, %add3A_298 : vector<16xi32>
      %swap3A_300 = arith.constant 0 : index
      %swap3A_301 = tpu.vector_load %arg20[%swap3A_300] {strides = array<i32>} : memref<40xi32, #tpu.memory_space<vmem>>, vector<16xi32>,
      %swap3A_302 = vector.shape_cast %swap3A_301 : vector<16xi32> to vector<16xi32>
      %swap3A_303 = vector.shape_cast %add3A_299 : vector<16xi32> to vector<16xi32>
      tpu.vector_store %arg20[%swap3A_300], %swap3A_303 {strides = array<i32>} : memref<40xi32, #tpu.memory_space<vmem>>, vector<16xi32>,
      %get3A_304 = arith.constant 0 : i32
      %get3A_305 = arith.index_cast %get3A_304 : i32 to index
      %get3A_306 = arith.constant 16 : index
      %get3A_307 = tpu.vector_load %arg10[%get3A_305, %get3A_306] {strides = array<i32>} : memref<2x40xi32, #tpu.memory_space<vmem>>, vector<1x16xi32>,
      %get3A_308 = vector.shape_cast %get3A_307 : vector<1x16xi32> to vector<16xi32>
      %add3A_309 = vector.broadcast %mul3A_2 : i32 to vector<16xi32>
      %add3A_310 = arith.addi %get3A_308, %add3A_309 : vector<16xi32>
      %swap3A_311 = arith.constant 16 : index
      %swap3A_312 = tpu.vector_load %arg20[%swap3A_311] {strides = array<i32>} : memref<40xi32, #tpu.memory_space<vmem>>, vector<16xi32>,
      %swap3A_313 = vector.shape_cast %swap3A_312 : vector<16xi32> to vector<16xi32>
      %swap3A_314 = vector.shape_cast %add3A_310 : vector<16xi32> to vector<16xi32>
      tpu.vector_store %arg20[%swap3A_311], %swap3A_314 {strides = array<i32>} : memref<40xi32, #tpu.memory_space<vmem>>, vector<16xi32>,
      %get3A_315 = arith.constant 0 : i32
      %get3A_316 = arith.index_cast %get3A_315 : i32 to index
      %get3A_317 = arith.constant 24 : index
      %get3A_318 = tpu.vector_load %arg10[%get3A_316, %get3A_317] {strides = array<i32>} : memref<2x40xi32, #tpu.memory_space<vmem>>, vector<1x16xi32>,
      %get3A_319 = vector.shape_cast %get3A_318 : vector<1x16xi32> to vector<16xi32>
      %add3A_320 = vector.broadcast %mul3A_2 : i32 to vector<16xi32>
      %add3A_321 = arith.addi %get3A_319, %add3A_320 : vector<16xi32>
      %swap3A_322 = arith.constant 24 : index
      %swap3A_323 = tpu.vector_load %arg20[%swap3A_322] {strides = array<i32>} : memref<40xi32, #tpu.memory_space<vmem>>, vector<16xi32>,
      %swap3A_324 = vector.shape_cast %swap3A_323 : vector<16xi32> to vector<16xi32>
      %swap3A_325 = vector.shape_cast %add3A_321 : vector<16xi32> to vector<16xi32>
      tpu.vector_store %arg20[%swap3A_322], %swap3A_325 {strides = array<i32>} : memref<40xi32, #tpu.memory_space<vmem>>, vector<16xi32>,
      %gt3A_326 = arith.constant 0 : i32
      %gt3A_327 = arith.cmpi sgt, %scan3A_113, %gt3A_326 : i32
      %convert_element_type3A_328 = arith.extui %gt3A_327 : i1 to i32
      %cond3A_329 = arith.constant 0 : i32
      %cond3A_330 = arith.cmpi ne, %convert_element_type3A_328, %cond3A_329 : i32
      scf.if %cond3A_330 {
        %dma_wait3A_832 = arith.constant 1 : i32
        %dma_wait3A_833 = arith.constant 0 : i32
        %dma_wait3A_834 = tpu.memref_slice %arg15[%dma_wait3A_832, %dma_wait3A_833] : memref<2x40xi32, #tpu.memory_space<vmem>> -> memref<1x40xi32, #tpu.memory_space<vmem>>
        %dma_wait3A_835 = tpu.memref_squeeze %dma_wait3A_834 : memref<1x40xi32, #tpu.memory_space<vmem>> -> memref<40xi32, #tpu.memory_space<vmem>>
        %dma_wait3A_836 = arith.constant 0 : i32
        %dma_wait3A_837 = arith.constant 0 : i32
        %dma_wait3A_838 = tpu.memref_slice %arg5[%dma_wait3A_836, %dma_wait3A_837] : memref<10000x128xf32, #tpu.memory_space<vmem_shared>> -> memref<10000x128xf32, #tpu.memory_space<vmem_shared>>
        tpu.wait_indirect_dma semaphore(%arg50 : memref<!tpu.dma_semaphore, #tpu.memory_space<semaphore_mem>>) src(%arg30 : memref<40x128xf32, #tpu.memory_space<vmem>>) dst(%dma_wait3A_838 : memref<10000x128xf32, #tpu.memory_space<vmem_shared>>)
      } else {
      }
      %dma_start3A_331 = arith.constant 0 : i32
      %dma_start3A_332 = arith.constant 0 : i32
      %dma_start3A_333 = tpu.memref_slice %arg2[%dma_start3A_331, %dma_start3A_332] : memref<20000x128xf32, #tpu.memory_space<hbm>> -> memref<20000x128xf32, #tpu.memory_space<hbm>>
      tpu.enqueue_indirect_dma source(%dma_start3A_333 : memref<20000x128xf32, #tpu.memory_space<hbm>>) target(%arg30 : memref<40x128xf32, #tpu.memory_space<vmem>>) offsets(%arg20 : memref<40xi32, #tpu.memory_space<vmem>>) semaphore(%arg45 : memref<!tpu.dma_semaphore, #tpu.memory_space<semaphore_mem>>)
      %dma_wait3A_334 = arith.constant 0 : i32
      %dma_wait3A_335 = arith.constant 0 : i32
      %dma_wait3A_336 = tpu.memref_slice %arg2[%dma_wait3A_334, %dma_wait3A_335] : memref<20000x128xf32, #tpu.memory_space<hbm>> -> memref<20000x128xf32, #tpu.memory_space<hbm>>
      tpu.wait_indirect_dma semaphore(%arg41 : memref<!tpu.dma_semaphore, #tpu.memory_space<semaphore_mem>>) src(%dma_wait3A_336 : memref<20000x128xf32, #tpu.memory_space<hbm>>) dst(%arg26 : memref<40x128xf32, #tpu.memory_space<vmem>>)
      %dma_start3A_337 = arith.constant 1 : i32
      %dma_start3A_338 = arith.constant 0 : i32
      %dma_start3A_339 = tpu.memref_slice %arg6[%dma_start3A_337, %dma_start3A_338] : memref<2x40xi32, #tpu.memory_space<vmem>> -> memref<1x40xi32, #tpu.memory_space<vmem>>
      %dma_start3A_340 = tpu.memref_squeeze %dma_start3A_339 : memref<1x40xi32, #tpu.memory_space<vmem>> -> memref<40xi32, #tpu.memory_space<vmem>>
      %dma_start3A_341 = arith.constant 0 : i32
      %dma_start3A_342 = arith.constant 0 : i32
      %dma_start3A_343 = tpu.memref_slice %arg5[%dma_start3A_341, %dma_start3A_342] : memref<10000x128xf32, #tpu.memory_space<vmem_shared>> -> memref<10000x128xf32, #tpu.memory_space<vmem_shared>>
      tpu.enqueue_indirect_dma source(%arg26 : memref<40x128xf32, #tpu.memory_space<vmem>>) target(%dma_start3A_343 : memref<10000x128xf32, #tpu.memory_space<vmem_shared>>) offsets(%dma_start3A_340 : memref<40xi32, #tpu.memory_space<vmem>>) semaphore(%arg46 : memref<!tpu.dma_semaphore, #tpu.memory_space<semaphore_mem>>) {add = true}
      %mul3A_344 = arith.constant 2 : i32
      %mul3A_345 = arith.muli %mul3A_344, %scan3A_113 : i32
      %add3A_346 = arith.constant 0 : i32
      %add3A_347 = arith.addi %mul3A_345, %add3A_346 : i32
      %add3A_348 = arith.constant 1 : i32
      %add3A_349 = arith.addi %add3A_347, %add3A_348 : i32
      %mul3A_350 = arith.constant 5 : i32
      %mul3A_351 = arith.muli %add3A_349, %mul3A_350 : i32
      %add3A_352 = arith.constant 0 : i32
      %add3A_353 = arith.addi %mul3A_351, %add3A_352 : i32
      %gt3A_354 = arith.constant 0 : i32
      %gt3A_355 = arith.cmpi sgt, %scan3A_113, %gt3A_354 : i32
      %lt3A = arith.constant 250 : i32
      %lt3A_356 = arith.cmpi slt, %add3A_353, %lt3A : i32
      %and3A = arith.andi %gt3A_355, %lt3A_356 : i1
      %convert_element_type3A_357 = arith.extui %and3A : i1 to i32
      %cond3A_358 = arith.constant 0 : i32
      %cond3A_359 = arith.cmpi ne, %convert_element_type3A_357, %cond3A_358 : i32
      scf.if %cond3A_359 {
        %mul3A_832 = arith.constant 40 : i32
        %mul3A_833 = arith.muli %add3A_353, %mul3A_832 : i32
        %add3A_834 = arith.addi %mul3A_7, %mul3A_833 : i32
        %dma_start3A_835 = arith.constant 0 : i32
        %dma_start3A_836 = tpu.memref_slice %arg3[%dma_start3A_835, %add3A_834] : memref<2x160000xi32, #tpu.memory_space<hbm>> -> memref<2x40xi32, #tpu.memory_space<hbm>>
        %dma_start3A_837 = arith.constant 0 : i32
        %dma_start3A_838 = tpu.memref_slice %arg3[%dma_start3A_837, %add3A_834] : memref<2x160000xi32, #tpu.memory_space<hbm>> -> memref<2x40xi32, #tpu.memory_space<hbm>>
        tpu.enqueue_dma source(%dma_start3A_838 : memref<2x40xi32, #tpu.memory_space<hbm>>) target(%arg11 : memref<2x40xi32, #tpu.memory_space<vmem>>) target_semaphore(%arg36 : memref<!tpu.dma_semaphore, #tpu.memory_space<semaphore_mem>>)
      } else {
      }
      %dma_wait3A_360 = arith.constant 0 : i32
      %dma_wait3A_361 = arith.constant 0 : i32
      %dma_wait3A_362 = tpu.memref_slice %arg2[%dma_wait3A_360, %dma_wait3A_361] : memref<20000x128xf32, #tpu.memory_space<hbm>> -> memref<20000x128xf32, #tpu.memory_space<hbm>>
      tpu.wait_indirect_dma semaphore(%arg42 : memref<!tpu.dma_semaphore, #tpu.memory_space<semaphore_mem>>) src(%dma_wait3A_362 : memref<20000x128xf32, #tpu.memory_space<hbm>>) dst(%arg27 : memref<40x128xf32, #tpu.memory_space<vmem>>)
      %dma_start3A_363 = arith.constant 1 : i32
      %dma_start3A_364 = arith.constant 0 : i32
      %dma_start3A_365 = tpu.memref_slice %arg7[%dma_start3A_363, %dma_start3A_364] : memref<2x40xi32, #tpu.memory_space<vmem>> -> memref<1x40xi32, #tpu.memory_space<vmem>>
      %dma_start3A_366 = tpu.memref_squeeze %dma_start3A_365 : memref<1x40xi32, #tpu.memory_space<vmem>> -> memref<40xi32, #tpu.memory_space<vmem>>
      %dma_start3A_367 = arith.constant 0 : i32
      %dma_start3A_368 = arith.constant 0 : i32
      %dma_start3A_369 = tpu.memref_slice %arg5[%dma_start3A_367, %dma_start3A_368] : memref<10000x128xf32, #tpu.memory_space<vmem_shared>> -> memref<10000x128xf32, #tpu.memory_space<vmem_shared>>
      tpu.enqueue_indirect_dma source(%arg27 : memref<40x128xf32, #tpu.memory_space<vmem>>) target(%dma_start3A_369 : memref<10000x128xf32, #tpu.memory_space<vmem_shared>>) offsets(%dma_start3A_366 : memref<40xi32, #tpu.memory_space<vmem>>) semaphore(%arg47 : memref<!tpu.dma_semaphore, #tpu.memory_space<semaphore_mem>>) {add = true}
      %mul3A_370 = arith.constant 2 : i32
      %mul3A_371 = arith.muli %mul3A_370, %scan3A_113 : i32
      %add3A_372 = arith.constant 0 : i32
      %add3A_373 = arith.addi %mul3A_371, %add3A_372 : i32
      %add3A_374 = arith.constant 1 : i32
      %add3A_375 = arith.addi %add3A_373, %add3A_374 : i32
      %mul3A_376 = arith.constant 5 : i32
      %mul3A_377 = arith.muli %add3A_375, %mul3A_376 : i32
      %add3A_378 = arith.constant 1 : i32
      %add3A_379 = arith.addi %mul3A_377, %add3A_378 : i32
      %gt3A_380 = arith.constant 0 : i32
      %gt3A_381 = arith.cmpi sgt, %scan3A_113, %gt3A_380 : i32
      %lt3A_382 = arith.constant 250 : i32
      %lt3A_383 = arith.cmpi slt, %add3A_379, %lt3A_382 : i32
      %and3A_384 = arith.andi %gt3A_381, %lt3A_383 : i1
      %convert_element_type3A_385 = arith.extui %and3A_384 : i1 to i32
      %cond3A_386 = arith.constant 0 : i32
      %cond3A_387 = arith.cmpi ne, %convert_element_type3A_385, %cond3A_386 : i32
      scf.if %cond3A_387 {
        %mul3A_832 = arith.constant 40 : i32
        %mul3A_833 = arith.muli %add3A_379, %mul3A_832 : i32
        %add3A_834 = arith.addi %mul3A_7, %mul3A_833 : i32
        %dma_start3A_835 = arith.constant 0 : i32
        %dma_start3A_836 = tpu.memref_slice %arg3[%dma_start3A_835, %add3A_834] : memref<2x160000xi32, #tpu.memory_space<hbm>> -> memref<2x40xi32, #tpu.memory_space<hbm>>
        %dma_start3A_837 = arith.constant 0 : i32
        %dma_start3A_838 = tpu.memref_slice %arg3[%dma_start3A_837, %add3A_834] : memref<2x160000xi32, #tpu.memory_space<hbm>> -> memref<2x40xi32, #tpu.memory_space<hbm>>
        tpu.enqueue_dma source(%dma_start3A_838 : memref<2x40xi32, #tpu.memory_space<hbm>>) target(%arg12 : memref<2x40xi32, #tpu.memory_space<vmem>>) target_semaphore(%arg37 : memref<!tpu.dma_semaphore, #tpu.memory_space<semaphore_mem>>)
      } else {
      }
      %dma_wait3A_388 = arith.constant 0 : i32
      %dma_wait3A_389 = arith.constant 0 : i32
      %dma_wait3A_390 = tpu.memref_slice %arg2[%dma_wait3A_388, %dma_wait3A_389] : memref<20000x128xf32, #tpu.memory_space<hbm>> -> memref<20000x128xf32, #tpu.memory_space<hbm>>
      tpu.wait_indirect_dma semaphore(%arg43 : memref<!tpu.dma_semaphore, #tpu.memory_space<semaphore_mem>>) src(%dma_wait3A_390 : memref<20000x128xf32, #tpu.memory_space<hbm>>) dst(%arg28 : memref<40x128xf32, #tpu.memory_space<vmem>>)
      %dma_start3A_391 = arith.constant 1 : i32
      %dma_start3A_392 = arith.constant 0 : i32
      %dma_start3A_393 = tpu.memref_slice %arg8[%dma_start3A_391, %dma_start3A_392] : memref<2x40xi32, #tpu.memory_space<vmem>> -> memref<1x40xi32, #tpu.memory_space<vmem>>
      %dma_start3A_394 = tpu.memref_squeeze %dma_start3A_393 : memref<1x40xi32, #tpu.memory_space<vmem>> -> memref<40xi32, #tpu.memory_space<vmem>>
      %dma_start3A_395 = arith.constant 0 : i32
      %dma_start3A_396 = arith.constant 0 : i32
      %dma_start3A_397 = tpu.memref_slice %arg5[%dma_start3A_395, %dma_start3A_396] : memref<10000x128xf32, #tpu.memory_space<vmem_shared>> -> memref<10000x128xf32, #tpu.memory_space<vmem_shared>>
      tpu.enqueue_indirect_dma source(%arg28 : memref<40x128xf32, #tpu.memory_space<vmem>>) target(%dma_start3A_397 : memref<10000x128xf32, #tpu.memory_space<vmem_shared>>) offsets(%dma_start3A_394 : memref<40xi32, #tpu.memory_space<vmem>>) semaphore(%arg48 : memref<!tpu.dma_semaphore, #tpu.memory_space<semaphore_mem>>) {add = true}
      %mul3A_398 = arith.constant 2 : i32
      %mul3A_399 = arith.muli %mul3A_398, %scan3A_113 : i32
      %add3A_400 = arith.constant 0 : i32
      %add3A_401 = arith.addi %mul3A_399, %add3A_400 : i32
      %add3A_402 = arith.constant 1 : i32
      %add3A_403 = arith.addi %add3A_401, %add3A_402 : i32
      %mul3A_404 = arith.constant 5 : i32
      %mul3A_405 = arith.muli %add3A_403, %mul3A_404 : i32
      %add3A_406 = arith.constant 2 : i32
      %add3A_407 = arith.addi %mul3A_405, %add3A_406 : i32
      %gt3A_408 = arith.constant 0 : i32
      %gt3A_409 = arith.cmpi sgt, %scan3A_113, %gt3A_408 : i32
      %lt3A_410 = arith.constant 250 : i32
      %lt3A_411 = arith.cmpi slt, %add3A_407, %lt3A_410 : i32
      %and3A_412 = arith.andi %gt3A_409, %lt3A_411 : i1
      %convert_element_type3A_413 = arith.extui %and3A_412 : i1 to i32
      %cond3A_414 = arith.constant 0 : i32
      %cond3A_415 = arith.cmpi ne, %convert_element_type3A_413, %cond3A_414 : i32
      scf.if %cond3A_415 {
        %mul3A_832 = arith.constant 40 : i32
        %mul3A_833 = arith.muli %add3A_407, %mul3A_832 : i32
        %add3A_834 = arith.addi %mul3A_7, %mul3A_833 : i32
        %dma_start3A_835 = arith.constant 0 : i32
        %dma_start3A_836 = tpu.memref_slice %arg3[%dma_start3A_835, %add3A_834] : memref<2x160000xi32, #tpu.memory_space<hbm>> -> memref<2x40xi32, #tpu.memory_space<hbm>>
        %dma_start3A_837 = arith.constant 0 : i32
        %dma_start3A_838 = tpu.memref_slice %arg3[%dma_start3A_837, %add3A_834] : memref<2x160000xi32, #tpu.memory_space<hbm>> -> memref<2x40xi32, #tpu.memory_space<hbm>>
        tpu.enqueue_dma source(%dma_start3A_838 : memref<2x40xi32, #tpu.memory_space<hbm>>) target(%arg13 : memref<2x40xi32, #tpu.memory_space<vmem>>) target_semaphore(%arg38 : memref<!tpu.dma_semaphore, #tpu.memory_space<semaphore_mem>>)
      } else {
      }
      %dma_wait3A_416 = arith.constant 0 : i32
      %dma_wait3A_417 = arith.constant 0 : i32
      %dma_wait3A_418 = tpu.memref_slice %arg2[%dma_wait3A_416, %dma_wait3A_417] : memref<20000x128xf32, #tpu.memory_space<hbm>> -> memref<20000x128xf32, #tpu.memory_space<hbm>>
      tpu.wait_indirect_dma semaphore(%arg44 : memref<!tpu.dma_semaphore, #tpu.memory_space<semaphore_mem>>) src(%dma_wait3A_418 : memref<20000x128xf32, #tpu.memory_space<hbm>>) dst(%arg29 : memref<40x128xf32, #tpu.memory_space<vmem>>)
      %dma_start3A_419 = arith.constant 1 : i32
      %dma_start3A_420 = arith.constant 0 : i32
      %dma_start3A_421 = tpu.memref_slice %arg9[%dma_start3A_419, %dma_start3A_420] : memref<2x40xi32, #tpu.memory_space<vmem>> -> memref<1x40xi32, #tpu.memory_space<vmem>>
      %dma_start3A_422 = tpu.memref_squeeze %dma_start3A_421 : memref<1x40xi32, #tpu.memory_space<vmem>> -> memref<40xi32, #tpu.memory_space<vmem>>
      %dma_start3A_423 = arith.constant 0 : i32
      %dma_start3A_424 = arith.constant 0 : i32
      %dma_start3A_425 = tpu.memref_slice %arg5[%dma_start3A_423, %dma_start3A_424] : memref<10000x128xf32, #tpu.memory_space<vmem_shared>> -> memref<10000x128xf32, #tpu.memory_space<vmem_shared>>
      tpu.enqueue_indirect_dma source(%arg29 : memref<40x128xf32, #tpu.memory_space<vmem>>) target(%dma_start3A_425 : memref<10000x128xf32, #tpu.memory_space<vmem_shared>>) offsets(%dma_start3A_422 : memref<40xi32, #tpu.memory_space<vmem>>) semaphore(%arg49 : memref<!tpu.dma_semaphore, #tpu.memory_space<semaphore_mem>>) {add = true}
      %mul3A_426 = arith.constant 2 : i32
      %mul3A_427 = arith.muli %mul3A_426, %scan3A_113 : i32
      %add3A_428 = arith.constant 0 : i32
      %add3A_429 = arith.addi %mul3A_427, %add3A_428 : i32
      %add3A_430 = arith.constant 1 : i32
      %add3A_431 = arith.addi %add3A_429, %add3A_430 : i32
      %mul3A_432 = arith.constant 5 : i32
      %mul3A_433 = arith.muli %add3A_431, %mul3A_432 : i32
      %add3A_434 = arith.constant 3 : i32
      %add3A_435 = arith.addi %mul3A_433, %add3A_434 : i32
      %gt3A_436 = arith.constant 0 : i32
      %gt3A_437 = arith.cmpi sgt, %scan3A_113, %gt3A_436 : i32
      %lt3A_438 = arith.constant 250 : i32
      %lt3A_439 = arith.cmpi slt, %add3A_435, %lt3A_438 : i32
      %and3A_440 = arith.andi %gt3A_437, %lt3A_439 : i1
      %convert_element_type3A_441 = arith.extui %and3A_440 : i1 to i32
      %cond3A_442 = arith.constant 0 : i32
      %cond3A_443 = arith.cmpi ne, %convert_element_type3A_441, %cond3A_442 : i32
      scf.if %cond3A_443 {
        %mul3A_832 = arith.constant 40 : i32
        %mul3A_833 = arith.muli %add3A_435, %mul3A_832 : i32
        %add3A_834 = arith.addi %mul3A_7, %mul3A_833 : i32
        %dma_start3A_835 = arith.constant 0 : i32
        %dma_start3A_836 = tpu.memref_slice %arg3[%dma_start3A_835, %add3A_834] : memref<2x160000xi32, #tpu.memory_space<hbm>> -> memref<2x40xi32, #tpu.memory_space<hbm>>
        %dma_start3A_837 = arith.constant 0 : i32
        %dma_start3A_838 = tpu.memref_slice %arg3[%dma_start3A_837, %add3A_834] : memref<2x160000xi32, #tpu.memory_space<hbm>> -> memref<2x40xi32, #tpu.memory_space<hbm>>
        tpu.enqueue_dma source(%dma_start3A_838 : memref<2x40xi32, #tpu.memory_space<hbm>>) target(%arg14 : memref<2x40xi32, #tpu.memory_space<vmem>>) target_semaphore(%arg39 : memref<!tpu.dma_semaphore, #tpu.memory_space<semaphore_mem>>)
      } else {
      }
      %dma_wait3A_444 = arith.constant 0 : i32
      %dma_wait3A_445 = arith.constant 0 : i32
      %dma_wait3A_446 = tpu.memref_slice %arg2[%dma_wait3A_444, %dma_wait3A_445] : memref<20000x128xf32, #tpu.memory_space<hbm>> -> memref<20000x128xf32, #tpu.memory_space<hbm>>
      tpu.wait_indirect_dma semaphore(%arg45 : memref<!tpu.dma_semaphore, #tpu.memory_space<semaphore_mem>>) src(%dma_wait3A_446 : memref<20000x128xf32, #tpu.memory_space<hbm>>) dst(%arg30 : memref<40x128xf32, #tpu.memory_space<vmem>>)
      %dma_start3A_447 = arith.constant 1 : i32
      %dma_start3A_448 = arith.constant 0 : i32
      %dma_start3A_449 = tpu.memref_slice %arg10[%dma_start3A_447, %dma_start3A_448] : memref<2x40xi32, #tpu.memory_space<vmem>> -> memref<1x40xi32, #tpu.memory_space<vmem>>
      %dma_start3A_450 = tpu.memref_squeeze %dma_start3A_449 : memref<1x40xi32, #tpu.memory_space<vmem>> -> memref<40xi32, #tpu.memory_space<vmem>>
      %dma_start3A_451 = arith.constant 0 : i32
      %dma_start3A_452 = arith.constant 0 : i32
      %dma_start3A_453 = tpu.memref_slice %arg5[%dma_start3A_451, %dma_start3A_452] : memref<10000x128xf32, #tpu.memory_space<vmem_shared>> -> memref<10000x128xf32, #tpu.memory_space<vmem_shared>>
      tpu.enqueue_indirect_dma source(%arg30 : memref<40x128xf32, #tpu.memory_space<vmem>>) target(%dma_start3A_453 : memref<10000x128xf32, #tpu.memory_space<vmem_shared>>) offsets(%dma_start3A_450 : memref<40xi32, #tpu.memory_space<vmem>>) semaphore(%arg50 : memref<!tpu.dma_semaphore, #tpu.memory_space<semaphore_mem>>) {add = true}
      %mul3A_454 = arith.constant 2 : i32
      %mul3A_455 = arith.muli %mul3A_454, %scan3A_113 : i32
      %add3A_456 = arith.constant 0 : i32
      %add3A_457 = arith.addi %mul3A_455, %add3A_456 : i32
      %add3A_458 = arith.constant 1 : i32
      %add3A_459 = arith.addi %add3A_457, %add3A_458 : i32
      %mul3A_460 = arith.constant 5 : i32
      %mul3A_461 = arith.muli %add3A_459, %mul3A_460 : i32
      %add3A_462 = arith.constant 4 : i32
      %add3A_463 = arith.addi %mul3A_461, %add3A_462 : i32
      %gt3A_464 = arith.constant 0 : i32
      %gt3A_465 = arith.cmpi sgt, %scan3A_113, %gt3A_464 : i32
      %lt3A_466 = arith.constant 250 : i32
      %lt3A_467 = arith.cmpi slt, %add3A_463, %lt3A_466 : i32
      %and3A_468 = arith.andi %gt3A_465, %lt3A_467 : i1
      %convert_element_type3A_469 = arith.extui %and3A_468 : i1 to i32
      %cond3A_470 = arith.constant 0 : i32
      %cond3A_471 = arith.cmpi ne, %convert_element_type3A_469, %cond3A_470 : i32
      scf.if %cond3A_471 {
        %mul3A_832 = arith.constant 40 : i32
        %mul3A_833 = arith.muli %add3A_463, %mul3A_832 : i32
        %add3A_834 = arith.addi %mul3A_7, %mul3A_833 : i32
        %dma_start3A_835 = arith.constant 0 : i32
        %dma_start3A_836 = tpu.memref_slice %arg3[%dma_start3A_835, %add3A_834] : memref<2x160000xi32, #tpu.memory_space<hbm>> -> memref<2x40xi32, #tpu.memory_space<hbm>>
        %dma_start3A_837 = arith.constant 0 : i32
        %dma_start3A_838 = tpu.memref_slice %arg3[%dma_start3A_837, %add3A_834] : memref<2x160000xi32, #tpu.memory_space<hbm>> -> memref<2x40xi32, #tpu.memory_space<hbm>>
        tpu.enqueue_dma source(%dma_start3A_838 : memref<2x40xi32, #tpu.memory_space<hbm>>) target(%arg15 : memref<2x40xi32, #tpu.memory_space<vmem>>) target_semaphore(%arg40 : memref<!tpu.dma_semaphore, #tpu.memory_space<semaphore_mem>>)
      } else {
      }
      %dma_wait3A_472 = arith.constant 0 : i32
      %dma_wait3A_473 = tpu.memref_slice %arg3[%dma_wait3A_472, %mul3A_7] : memref<2x160000xi32, #tpu.memory_space<hbm>> -> memref<2x40xi32, #tpu.memory_space<hbm>>
      %dma_wait3A_474 = arith.constant 0 : i32
      %dma_wait3A_475 = tpu.memref_slice %arg3[%dma_wait3A_474, %mul3A_7] : memref<2x160000xi32, #tpu.memory_space<hbm>> -> memref<2x40xi32, #tpu.memory_space<hbm>>
      tpu.wait_dma2 semaphore(%arg36 : memref<!tpu.dma_semaphore, #tpu.memory_space<semaphore_mem>>) src(%dma_wait3A_475 : memref<2x40xi32, #tpu.memory_space<hbm>>) dst(%arg11 : memref<2x40xi32, #tpu.memory_space<vmem>>)
      %get3A_476 = arith.constant 0 : i32
      %get3A_477 = arith.index_cast %get3A_476 : i32 to index
      %get3A_478 = arith.constant 0 : index
      %get3A_479 = tpu.vector_load %arg11[%get3A_477, %get3A_478] {strides = array<i32>} : memref<2x40xi32, #tpu.memory_space<vmem>>, vector<1x16xi32>,
      %get3A_480 = vector.shape_cast %get3A_479 : vector<1x16xi32> to vector<16xi32>
      %add3A_481 = vector.broadcast %mul3A_2 : i32 to vector<16xi32>
      %add3A_482 = arith.addi %get3A_480, %add3A_481 : vector<16xi32>
      %swap3A_483 = arith.constant 0 : index
      %swap3A_484 = tpu.vector_load %arg21[%swap3A_483] {strides = array<i32>} : memref<40xi32, #tpu.memory_space<vmem>>, vector<16xi32>,
      %swap3A_485 = vector.shape_cast %swap3A_484 : vector<16xi32> to vector<16xi32>
      %swap3A_486 = vector.shape_cast %add3A_482 : vector<16xi32> to vector<16xi32>
      tpu.vector_store %arg21[%swap3A_483], %swap3A_486 {strides = array<i32>} : memref<40xi32, #tpu.memory_space<vmem>>, vector<16xi32>,
      %get3A_487 = arith.constant 0 : i32
      %get3A_488 = arith.index_cast %get3A_487 : i32 to index
      %get3A_489 = arith.constant 16 : index
      %get3A_490 = tpu.vector_load %arg11[%get3A_488, %get3A_489] {strides = array<i32>} : memref<2x40xi32, #tpu.memory_space<vmem>>, vector<1x16xi32>,
      %get3A_491 = vector.shape_cast %get3A_490 : vector<1x16xi32> to vector<16xi32>
      %add3A_492 = vector.broadcast %mul3A_2 : i32 to vector<16xi32>
      %add3A_493 = arith.addi %get3A_491, %add3A_492 : vector<16xi32>
      %swap3A_494 = arith.constant 16 : index
      %swap3A_495 = tpu.vector_load %arg21[%swap3A_494] {strides = array<i32>} : memref<40xi32, #tpu.memory_space<vmem>>, vector<16xi32>,
      %swap3A_496 = vector.shape_cast %swap3A_495 : vector<16xi32> to vector<16xi32>
      %swap3A_497 = vector.shape_cast %add3A_493 : vector<16xi32> to vector<16xi32>
      tpu.vector_store %arg21[%swap3A_494], %swap3A_497 {strides = array<i32>} : memref<40xi32, #tpu.memory_space<vmem>>, vector<16xi32>,
      %get3A_498 = arith.constant 0 : i32
      %get3A_499 = arith.index_cast %get3A_498 : i32 to index
      %get3A_500 = arith.constant 24 : index
      %get3A_501 = tpu.vector_load %arg11[%get3A_499, %get3A_500] {strides = array<i32>} : memref<2x40xi32, #tpu.memory_space<vmem>>, vector<1x16xi32>,
      %get3A_502 = vector.shape_cast %get3A_501 : vector<1x16xi32> to vector<16xi32>
      %add3A_503 = vector.broadcast %mul3A_2 : i32 to vector<16xi32>
      %add3A_504 = arith.addi %get3A_502, %add3A_503 : vector<16xi32>
      %swap3A_505 = arith.constant 24 : index
      %swap3A_506 = tpu.vector_load %arg21[%swap3A_505] {strides = array<i32>} : memref<40xi32, #tpu.memory_space<vmem>>, vector<16xi32>,
      %swap3A_507 = vector.shape_cast %swap3A_506 : vector<16xi32> to vector<16xi32>
      %swap3A_508 = vector.shape_cast %add3A_504 : vector<16xi32> to vector<16xi32>
      tpu.vector_store %arg21[%swap3A_505], %swap3A_508 {strides = array<i32>} : memref<40xi32, #tpu.memory_space<vmem>>, vector<16xi32>,
      %dma_wait3A_509 = arith.constant 1 : i32
      %dma_wait3A_510 = arith.constant 0 : i32
      %dma_wait3A_511 = tpu.memref_slice %arg6[%dma_wait3A_509, %dma_wait3A_510] : memref<2x40xi32, #tpu.memory_space<vmem>> -> memref<1x40xi32, #tpu.memory_space<vmem>>
      %dma_wait3A_512 = tpu.memref_squeeze %dma_wait3A_511 : memref<1x40xi32, #tpu.memory_space<vmem>> -> memref<40xi32, #tpu.memory_space<vmem>>
      %dma_wait3A_513 = arith.constant 0 : i32
      %dma_wait3A_514 = arith.constant 0 : i32
      %dma_wait3A_515 = tpu.memref_slice %arg5[%dma_wait3A_513, %dma_wait3A_514] : memref<10000x128xf32, #tpu.memory_space<vmem_shared>> -> memref<10000x128xf32, #tpu.memory_space<vmem_shared>>
      tpu.wait_indirect_dma semaphore(%arg46 : memref<!tpu.dma_semaphore, #tpu.memory_space<semaphore_mem>>) src(%arg26 : memref<40x128xf32, #tpu.memory_space<vmem>>) dst(%dma_wait3A_515 : memref<10000x128xf32, #tpu.memory_space<vmem_shared>>)
      %dma_start3A_516 = arith.constant 0 : i32
      %dma_start3A_517 = arith.constant 0 : i32
      %dma_start3A_518 = tpu.memref_slice %arg2[%dma_start3A_516, %dma_start3A_517] : memref<20000x128xf32, #tpu.memory_space<hbm>> -> memref<20000x128xf32, #tpu.memory_space<hbm>>
      tpu.enqueue_indirect_dma source(%dma_start3A_518 : memref<20000x128xf32, #tpu.memory_space<hbm>>) target(%arg26 : memref<40x128xf32, #tpu.memory_space<vmem>>) offsets(%arg21 : memref<40xi32, #tpu.memory_space<vmem>>) semaphore(%arg41 : memref<!tpu.dma_semaphore, #tpu.memory_space<semaphore_mem>>)
      %dma_wait3A_519 = arith.constant 0 : i32
      %dma_wait3A_520 = tpu.memref_slice %arg3[%dma_wait3A_519, %mul3A_7] : memref<2x160000xi32, #tpu.memory_space<hbm>> -> memref<2x40xi32, #tpu.memory_space<hbm>>
      %dma_wait3A_521 = arith.constant 0 : i32
      %dma_wait3A_522 = tpu.memref_slice %arg3[%dma_wait3A_521, %mul3A_7] : memref<2x160000xi32, #tpu.memory_space<hbm>> -> memref<2x40xi32, #tpu.memory_space<hbm>>
      tpu.wait_dma2 semaphore(%arg37 : memref<!tpu.dma_semaphore, #tpu.memory_space<semaphore_mem>>) src(%dma_wait3A_522 : memref<2x40xi32, #tpu.memory_space<hbm>>) dst(%arg12 : memref<2x40xi32, #tpu.memory_space<vmem>>)
      %get3A_523 = arith.constant 0 : i32
      %get3A_524 = arith.index_cast %get3A_523 : i32 to index
      %get3A_525 = arith.constant 0 : index
      %get3A_526 = tpu.vector_load %arg12[%get3A_524, %get3A_525] {strides = array<i32>} : memref<2x40xi32, #tpu.memory_space<vmem>>, vector<1x16xi32>,
      %get3A_527 = vector.shape_cast %get3A_526 : vector<1x16xi32> to vector<16xi32>
      %add3A_528 = vector.broadcast %mul3A_2 : i32 to vector<16xi32>
      %add3A_529 = arith.addi %get3A_527, %add3A_528 : vector<16xi32>
      %swap3A_530 = arith.constant 0 : index
      %swap3A_531 = tpu.vector_load %arg22[%swap3A_530] {strides = array<i32>} : memref<40xi32, #tpu.memory_space<vmem>>, vector<16xi32>,
      %swap3A_532 = vector.shape_cast %swap3A_531 : vector<16xi32> to vector<16xi32>
      %swap3A_533 = vector.shape_cast %add3A_529 : vector<16xi32> to vector<16xi32>
      tpu.vector_store %arg22[%swap3A_530], %swap3A_533 {strides = array<i32>} : memref<40xi32, #tpu.memory_space<vmem>>, vector<16xi32>,
      %get3A_534 = arith.constant 0 : i32
      %get3A_535 = arith.index_cast %get3A_534 : i32 to index
      %get3A_536 = arith.constant 16 : index
      %get3A_537 = tpu.vector_load %arg12[%get3A_535, %get3A_536] {strides = array<i32>} : memref<2x40xi32, #tpu.memory_space<vmem>>, vector<1x16xi32>,
      %get3A_538 = vector.shape_cast %get3A_537 : vector<1x16xi32> to vector<16xi32>
      %add3A_539 = vector.broadcast %mul3A_2 : i32 to vector<16xi32>
      %add3A_540 = arith.addi %get3A_538, %add3A_539 : vector<16xi32>
      %swap3A_541 = arith.constant 16 : index
      %swap3A_542 = tpu.vector_load %arg22[%swap3A_541] {strides = array<i32>} : memref<40xi32, #tpu.memory_space<vmem>>, vector<16xi32>,
      %swap3A_543 = vector.shape_cast %swap3A_542 : vector<16xi32> to vector<16xi32>
      %swap3A_544 = vector.shape_cast %add3A_540 : vector<16xi32> to vector<16xi32>
      tpu.vector_store %arg22[%swap3A_541], %swap3A_544 {strides = array<i32>} : memref<40xi32, #tpu.memory_space<vmem>>, vector<16xi32>,
      %get3A_545 = arith.constant 0 : i32
      %get3A_546 = arith.index_cast %get3A_545 : i32 to index
      %get3A_547 = arith.constant 24 : index
      %get3A_548 = tpu.vector_load %arg12[%get3A_546, %get3A_547] {strides = array<i32>} : memref<2x40xi32, #tpu.memory_space<vmem>>, vector<1x16xi32>,
      %get3A_549 = vector.shape_cast %get3A_548 : vector<1x16xi32> to vector<16xi32>
      %add3A_550 = vector.broadcast %mul3A_2 : i32 to vector<16xi32>
      %add3A_551 = arith.addi %get3A_549, %add3A_550 : vector<16xi32>
      %swap3A_552 = arith.constant 24 : index
      %swap3A_553 = tpu.vector_load %arg22[%swap3A_552] {strides = array<i32>} : memref<40xi32, #tpu.memory_space<vmem>>, vector<16xi32>,
      %swap3A_554 = vector.shape_cast %swap3A_553 : vector<16xi32> to vector<16xi32>
      %swap3A_555 = vector.shape_cast %add3A_551 : vector<16xi32> to vector<16xi32>
      tpu.vector_store %arg22[%swap3A_552], %swap3A_555 {strides = array<i32>} : memref<40xi32, #tpu.memory_space<vmem>>, vector<16xi32>,
      %dma_wait3A_556 = arith.constant 1 : i32
      %dma_wait3A_557 = arith.constant 0 : i32
      %dma_wait3A_558 = tpu.memref_slice %arg7[%dma_wait3A_556, %dma_wait3A_557] : memref<2x40xi32, #tpu.memory_space<vmem>> -> memref<1x40xi32, #tpu.memory_space<vmem>>
      %dma_wait3A_559 = tpu.memref_squeeze %dma_wait3A_558 : memref<1x40xi32, #tpu.memory_space<vmem>> -> memref<40xi32, #tpu.memory_space<vmem>>
      %dma_wait3A_560 = arith.constant 0 : i32
      %dma_wait3A_561 = arith.constant 0 : i32
      %dma_wait3A_562 = tpu.memref_slice %arg5[%dma_wait3A_560, %dma_wait3A_561] : memref<10000x128xf32, #tpu.memory_space<vmem_shared>> -> memref<10000x128xf32, #tpu.memory_space<vmem_shared>>
      tpu.wait_indirect_dma semaphore(%arg47 : memref<!tpu.dma_semaphore, #tpu.memory_space<semaphore_mem>>) src(%arg27 : memref<40x128xf32, #tpu.memory_space<vmem>>) dst(%dma_wait3A_562 : memref<10000x128xf32, #tpu.memory_space<vmem_shared>>)
      %dma_start3A_563 = arith.constant 0 : i32
      %dma_start3A_564 = arith.constant 0 : i32
      %dma_start3A_565 = tpu.memref_slice %arg2[%dma_start3A_563, %dma_start3A_564] : memref<20000x128xf32, #tpu.memory_space<hbm>> -> memref<20000x128xf32, #tpu.memory_space<hbm>>
      tpu.enqueue_indirect_dma source(%dma_start3A_565 : memref<20000x128xf32, #tpu.memory_space<hbm>>) target(%arg27 : memref<40x128xf32, #tpu.memory_space<vmem>>) offsets(%arg22 : memref<40xi32, #tpu.memory_space<vmem>>) semaphore(%arg42 : memref<!tpu.dma_semaphore, #tpu.memory_space<semaphore_mem>>)
      %dma_wait3A_566 = arith.constant 0 : i32
      %dma_wait3A_567 = tpu.memref_slice %arg3[%dma_wait3A_566, %mul3A_7] : memref<2x160000xi32, #tpu.memory_space<hbm>> -> memref<2x40xi32, #tpu.memory_space<hbm>>
      %dma_wait3A_568 = arith.constant 0 : i32
      %dma_wait3A_569 = tpu.memref_slice %arg3[%dma_wait3A_568, %mul3A_7] : memref<2x160000xi32, #tpu.memory_space<hbm>> -> memref<2x40xi32, #tpu.memory_space<hbm>>
      tpu.wait_dma2 semaphore(%arg38 : memref<!tpu.dma_semaphore, #tpu.memory_space<semaphore_mem>>) src(%dma_wait3A_569 : memref<2x40xi32, #tpu.memory_space<hbm>>) dst(%arg13 : memref<2x40xi32, #tpu.memory_space<vmem>>)
      %get3A_570 = arith.constant 0 : i32
      %get3A_571 = arith.index_cast %get3A_570 : i32 to index
      %get3A_572 = arith.constant 0 : index
      %get3A_573 = tpu.vector_load %arg13[%get3A_571, %get3A_572] {strides = array<i32>} : memref<2x40xi32, #tpu.memory_space<vmem>>, vector<1x16xi32>,
      %get3A_574 = vector.shape_cast %get3A_573 : vector<1x16xi32> to vector<16xi32>
      %add3A_575 = vector.broadcast %mul3A_2 : i32 to vector<16xi32>
      %add3A_576 = arith.addi %get3A_574, %add3A_575 : vector<16xi32>
      %swap3A_577 = arith.constant 0 : index
      %swap3A_578 = tpu.vector_load %arg23[%swap3A_577] {strides = array<i32>} : memref<40xi32, #tpu.memory_space<vmem>>, vector<16xi32>,
      %swap3A_579 = vector.shape_cast %swap3A_578 : vector<16xi32> to vector<16xi32>
      %swap3A_580 = vector.shape_cast %add3A_576 : vector<16xi32> to vector<16xi32>
      tpu.vector_store %arg23[%swap3A_577], %swap3A_580 {strides = array<i32>} : memref<40xi32, #tpu.memory_space<vmem>>, vector<16xi32>,
      %get3A_581 = arith.constant 0 : i32
      %get3A_582 = arith.index_cast %get3A_581 : i32 to index
      %get3A_583 = arith.constant 16 : index
      %get3A_584 = tpu.vector_load %arg13[%get3A_582, %get3A_583] {strides = array<i32>} : memref<2x40xi32, #tpu.memory_space<vmem>>, vector<1x16xi32>,
      %get3A_585 = vector.shape_cast %get3A_584 : vector<1x16xi32> to vector<16xi32>
      %add3A_586 = vector.broadcast %mul3A_2 : i32 to vector<16xi32>
      %add3A_587 = arith.addi %get3A_585, %add3A_586 : vector<16xi32>
      %swap3A_588 = arith.constant 16 : index
      %swap3A_589 = tpu.vector_load %arg23[%swap3A_588] {strides = array<i32>} : memref<40xi32, #tpu.memory_space<vmem>>, vector<16xi32>,
      %swap3A_590 = vector.shape_cast %swap3A_589 : vector<16xi32> to vector<16xi32>
      %swap3A_591 = vector.shape_cast %add3A_587 : vector<16xi32> to vector<16xi32>
      tpu.vector_store %arg23[%swap3A_588], %swap3A_591 {strides = array<i32>} : memref<40xi32, #tpu.memory_space<vmem>>, vector<16xi32>,
      %get3A_592 = arith.constant 0 : i32
      %get3A_593 = arith.index_cast %get3A_592 : i32 to index
      %get3A_594 = arith.constant 24 : index
      %get3A_595 = tpu.vector_load %arg13[%get3A_593, %get3A_594] {strides = array<i32>} : memref<2x40xi32, #tpu.memory_space<vmem>>, vector<1x16xi32>,
      %get3A_596 = vector.shape_cast %get3A_595 : vector<1x16xi32> to vector<16xi32>
      %add3A_597 = vector.broadcast %mul3A_2 : i32 to vector<16xi32>
      %add3A_598 = arith.addi %get3A_596, %add3A_597 : vector<16xi32>
      %swap3A_599 = arith.constant 24 : index
      %swap3A_600 = tpu.vector_load %arg23[%swap3A_599] {strides = array<i32>} : memref<40xi32, #tpu.memory_space<vmem>>, vector<16xi32>,
      %swap3A_601 = vector.shape_cast %swap3A_600 : vector<16xi32> to vector<16xi32>
      %swap3A_602 = vector.shape_cast %add3A_598 : vector<16xi32> to vector<16xi32>
      tpu.vector_store %arg23[%swap3A_599], %swap3A_602 {strides = array<i32>} : memref<40xi32, #tpu.memory_space<vmem>>, vector<16xi32>,
      %dma_wait3A_603 = arith.constant 1 : i32
      %dma_wait3A_604 = arith.constant 0 : i32
      %dma_wait3A_605 = tpu.memref_slice %arg8[%dma_wait3A_603, %dma_wait3A_604] : memref<2x40xi32, #tpu.memory_space<vmem>> -> memref<1x40xi32, #tpu.memory_space<vmem>>
      %dma_wait3A_606 = tpu.memref_squeeze %dma_wait3A_605 : memref<1x40xi32, #tpu.memory_space<vmem>> -> memref<40xi32, #tpu.memory_space<vmem>>
      %dma_wait3A_607 = arith.constant 0 : i32
      %dma_wait3A_608 = arith.constant 0 : i32
      %dma_wait3A_609 = tpu.memref_slice %arg5[%dma_wait3A_607, %dma_wait3A_608] : memref<10000x128xf32, #tpu.memory_space<vmem_shared>> -> memref<10000x128xf32, #tpu.memory_space<vmem_shared>>
      tpu.wait_indirect_dma semaphore(%arg48 : memref<!tpu.dma_semaphore, #tpu.memory_space<semaphore_mem>>) src(%arg28 : memref<40x128xf32, #tpu.memory_space<vmem>>) dst(%dma_wait3A_609 : memref<10000x128xf32, #tpu.memory_space<vmem_shared>>)
      %dma_start3A_610 = arith.constant 0 : i32
      %dma_start3A_611 = arith.constant 0 : i32
      %dma_start3A_612 = tpu.memref_slice %arg2[%dma_start3A_610, %dma_start3A_611] : memref<20000x128xf32, #tpu.memory_space<hbm>> -> memref<20000x128xf32, #tpu.memory_space<hbm>>
      tpu.enqueue_indirect_dma source(%dma_start3A_612 : memref<20000x128xf32, #tpu.memory_space<hbm>>) target(%arg28 : memref<40x128xf32, #tpu.memory_space<vmem>>) offsets(%arg23 : memref<40xi32, #tpu.memory_space<vmem>>) semaphore(%arg43 : memref<!tpu.dma_semaphore, #tpu.memory_space<semaphore_mem>>)
      %dma_wait3A_613 = arith.constant 0 : i32
      %dma_wait3A_614 = tpu.memref_slice %arg3[%dma_wait3A_613, %mul3A_7] : memref<2x160000xi32, #tpu.memory_space<hbm>> -> memref<2x40xi32, #tpu.memory_space<hbm>>
      %dma_wait3A_615 = arith.constant 0 : i32
      %dma_wait3A_616 = tpu.memref_slice %arg3[%dma_wait3A_615, %mul3A_7] : memref<2x160000xi32, #tpu.memory_space<hbm>> -> memref<2x40xi32, #tpu.memory_space<hbm>>
      tpu.wait_dma2 semaphore(%arg39 : memref<!tpu.dma_semaphore, #tpu.memory_space<semaphore_mem>>) src(%dma_wait3A_616 : memref<2x40xi32, #tpu.memory_space<hbm>>) dst(%arg14 : memref<2x40xi32, #tpu.memory_space<vmem>>)
      %get3A_617 = arith.constant 0 : i32
      %get3A_618 = arith.index_cast %get3A_617 : i32 to index
      %get3A_619 = arith.constant 0 : index
      %get3A_620 = tpu.vector_load %arg14[%get3A_618, %get3A_619] {strides = array<i32>} : memref<2x40xi32, #tpu.memory_space<vmem>>, vector<1x16xi32>,
      %get3A_621 = vector.shape_cast %get3A_620 : vector<1x16xi32> to vector<16xi32>
      %add3A_622 = vector.broadcast %mul3A_2 : i32 to vector<16xi32>
      %add3A_623 = arith.addi %get3A_621, %add3A_622 : vector<16xi32>
      %swap3A_624 = arith.constant 0 : index
      %swap3A_625 = tpu.vector_load %arg24[%swap3A_624] {strides = array<i32>} : memref<40xi32, #tpu.memory_space<vmem>>, vector<16xi32>,
      %swap3A_626 = vector.shape_cast %swap3A_625 : vector<16xi32> to vector<16xi32>
      %swap3A_627 = vector.shape_cast %add3A_623 : vector<16xi32> to vector<16xi32>
      tpu.vector_store %arg24[%swap3A_624], %swap3A_627 {strides = array<i32>} : memref<40xi32, #tpu.memory_space<vmem>>, vector<16xi32>,
      %get3A_628 = arith.constant 0 : i32
      %get3A_629 = arith.index_cast %get3A_628 : i32 to index
      %get3A_630 = arith.constant 16 : index
      %get3A_631 = tpu.vector_load %arg14[%get3A_629, %get3A_630] {strides = array<i32>} : memref<2x40xi32, #tpu.memory_space<vmem>>, vector<1x16xi32>,
      %get3A_632 = vector.shape_cast %get3A_631 : vector<1x16xi32> to vector<16xi32>
      %add3A_633 = vector.broadcast %mul3A_2 : i32 to vector<16xi32>
      %add3A_634 = arith.addi %get3A_632, %add3A_633 : vector<16xi32>
      %swap3A_635 = arith.constant 16 : index
      %swap3A_636 = tpu.vector_load %arg24[%swap3A_635] {strides = array<i32>} : memref<40xi32, #tpu.memory_space<vmem>>, vector<16xi32>,
      %swap3A_637 = vector.shape_cast %swap3A_636 : vector<16xi32> to vector<16xi32>
      %swap3A_638 = vector.shape_cast %add3A_634 : vector<16xi32> to vector<16xi32>
      tpu.vector_store %arg24[%swap3A_635], %swap3A_638 {strides = array<i32>} : memref<40xi32, #tpu.memory_space<vmem>>, vector<16xi32>,
      %get3A_639 = arith.constant 0 : i32
      %get3A_640 = arith.index_cast %get3A_639 : i32 to index
      %get3A_641 = arith.constant 24 : index
      %get3A_642 = tpu.vector_load %arg14[%get3A_640, %get3A_641] {strides = array<i32>} : memref<2x40xi32, #tpu.memory_space<vmem>>, vector<1x16xi32>,
      %get3A_643 = vector.shape_cast %get3A_642 : vector<1x16xi32> to vector<16xi32>
      %add3A_644 = vector.broadcast %mul3A_2 : i32 to vector<16xi32>
      %add3A_645 = arith.addi %get3A_643, %add3A_644 : vector<16xi32>
      %swap3A_646 = arith.constant 24 : index
      %swap3A_647 = tpu.vector_load %arg24[%swap3A_646] {strides = array<i32>} : memref<40xi32, #tpu.memory_space<vmem>>, vector<16xi32>,
      %swap3A_648 = vector.shape_cast %swap3A_647 : vector<16xi32> to vector<16xi32>
      %swap3A_649 = vector.shape_cast %add3A_645 : vector<16xi32> to vector<16xi32>
      tpu.vector_store %arg24[%swap3A_646], %swap3A_649 {strides = array<i32>} : memref<40xi32, #tpu.memory_space<vmem>>, vector<16xi32>,
      %dma_wait3A_650 = arith.constant 1 : i32
      %dma_wait3A_651 = arith.constant 0 : i32
      %dma_wait3A_652 = tpu.memref_slice %arg9[%dma_wait3A_650, %dma_wait3A_651] : memref<2x40xi32, #tpu.memory_space<vmem>> -> memref<1x40xi32, #tpu.memory_space<vmem>>
      %dma_wait3A_653 = tpu.memref_squeeze %dma_wait3A_652 : memref<1x40xi32, #tpu.memory_space<vmem>> -> memref<40xi32, #tpu.memory_space<vmem>>
      %dma_wait3A_654 = arith.constant 0 : i32
      %dma_wait3A_655 = arith.constant 0 : i32
      %dma_wait3A_656 = tpu.memref_slice %arg5[%dma_wait3A_654, %dma_wait3A_655] : memref<10000x128xf32, #tpu.memory_space<vmem_shared>> -> memref<10000x128xf32, #tpu.memory_space<vmem_shared>>
      tpu.wait_indirect_dma semaphore(%arg49 : memref<!tpu.dma_semaphore, #tpu.memory_space<semaphore_mem>>) src(%arg29 : memref<40x128xf32, #tpu.memory_space<vmem>>) dst(%dma_wait3A_656 : memref<10000x128xf32, #tpu.memory_space<vmem_shared>>)
      %dma_start3A_657 = arith.constant 0 : i32
      %dma_start3A_658 = arith.constant 0 : i32
      %dma_start3A_659 = tpu.memref_slice %arg2[%dma_start3A_657, %dma_start3A_658] : memref<20000x128xf32, #tpu.memory_space<hbm>> -> memref<20000x128xf32, #tpu.memory_space<hbm>>
      tpu.enqueue_indirect_dma source(%dma_start3A_659 : memref<20000x128xf32, #tpu.memory_space<hbm>>) target(%arg29 : memref<40x128xf32, #tpu.memory_space<vmem>>) offsets(%arg24 : memref<40xi32, #tpu.memory_space<vmem>>) semaphore(%arg44 : memref<!tpu.dma_semaphore, #tpu.memory_space<semaphore_mem>>)
      %dma_wait3A_660 = arith.constant 0 : i32
      %dma_wait3A_661 = tpu.memref_slice %arg3[%dma_wait3A_660, %mul3A_7] : memref<2x160000xi32, #tpu.memory_space<hbm>> -> memref<2x40xi32, #tpu.memory_space<hbm>>
      %dma_wait3A_662 = arith.constant 0 : i32
      %dma_wait3A_663 = tpu.memref_slice %arg3[%dma_wait3A_662, %mul3A_7] : memref<2x160000xi32, #tpu.memory_space<hbm>> -> memref<2x40xi32, #tpu.memory_space<hbm>>
      tpu.wait_dma2 semaphore(%arg40 : memref<!tpu.dma_semaphore, #tpu.memory_space<semaphore_mem>>) src(%dma_wait3A_663 : memref<2x40xi32, #tpu.memory_space<hbm>>) dst(%arg15 : memref<2x40xi32, #tpu.memory_space<vmem>>)
      %get3A_664 = arith.constant 0 : i32
      %get3A_665 = arith.index_cast %get3A_664 : i32 to index
      %get3A_666 = arith.constant 0 : index
      %get3A_667 = tpu.vector_load %arg15[%get3A_665, %get3A_666] {strides = array<i32>} : memref<2x40xi32, #tpu.memory_space<vmem>>, vector<1x16xi32>,
      %get3A_668 = vector.shape_cast %get3A_667 : vector<1x16xi32> to vector<16xi32>
      %add3A_669 = vector.broadcast %mul3A_2 : i32 to vector<16xi32>
      %add3A_670 = arith.addi %get3A_668, %add3A_669 : vector<16xi32>
      %swap3A_671 = arith.constant 0 : index
      %swap3A_672 = tpu.vector_load %arg25[%swap3A_671] {strides = array<i32>} : memref<40xi32, #tpu.memory_space<vmem>>, vector<16xi32>,
      %swap3A_673 = vector.shape_cast %swap3A_672 : vector<16xi32> to vector<16xi32>
      %swap3A_674 = vector.shape_cast %add3A_670 : vector<16xi32> to vector<16xi32>
      tpu.vector_store %arg25[%swap3A_671], %swap3A_674 {strides = array<i32>} : memref<40xi32, #tpu.memory_space<vmem>>, vector<16xi32>,
      %get3A_675 = arith.constant 0 : i32
      %get3A_676 = arith.index_cast %get3A_675 : i32 to index
      %get3A_677 = arith.constant 16 : index
      %get3A_678 = tpu.vector_load %arg15[%get3A_676, %get3A_677] {strides = array<i32>} : memref<2x40xi32, #tpu.memory_space<vmem>>, vector<1x16xi32>,
      %get3A_679 = vector.shape_cast %get3A_678 : vector<1x16xi32> to vector<16xi32>
      %add3A_680 = vector.broadcast %mul3A_2 : i32 to vector<16xi32>
      %add3A_681 = arith.addi %get3A_679, %add3A_680 : vector<16xi32>
      %swap3A_682 = arith.constant 16 : index
      %swap3A_683 = tpu.vector_load %arg25[%swap3A_682] {strides = array<i32>} : memref<40xi32, #tpu.memory_space<vmem>>, vector<16xi32>,
      %swap3A_684 = vector.shape_cast %swap3A_683 : vector<16xi32> to vector<16xi32>
      %swap3A_685 = vector.shape_cast %add3A_681 : vector<16xi32> to vector<16xi32>
      tpu.vector_store %arg25[%swap3A_682], %swap3A_685 {strides = array<i32>} : memref<40xi32, #tpu.memory_space<vmem>>, vector<16xi32>,
      %get3A_686 = arith.constant 0 : i32
      %get3A_687 = arith.index_cast %get3A_686 : i32 to index
      %get3A_688 = arith.constant 24 : index
      %get3A_689 = tpu.vector_load %arg15[%get3A_687, %get3A_688] {strides = array<i32>} : memref<2x40xi32, #tpu.memory_space<vmem>>, vector<1x16xi32>,
      %get3A_690 = vector.shape_cast %get3A_689 : vector<1x16xi32> to vector<16xi32>
      %add3A_691 = vector.broadcast %mul3A_2 : i32 to vector<16xi32>
      %add3A_692 = arith.addi %get3A_690, %add3A_691 : vector<16xi32>
      %swap3A_693 = arith.constant 24 : index
      %swap3A_694 = tpu.vector_load %arg25[%swap3A_693] {strides = array<i32>} : memref<40xi32, #tpu.memory_space<vmem>>, vector<16xi32>,
      %swap3A_695 = vector.shape_cast %swap3A_694 : vector<16xi32> to vector<16xi32>
      %swap3A_696 = vector.shape_cast %add3A_692 : vector<16xi32> to vector<16xi32>
      tpu.vector_store %arg25[%swap3A_693], %swap3A_696 {strides = array<i32>} : memref<40xi32, #tpu.memory_space<vmem>>, vector<16xi32>,
      %dma_wait3A_697 = arith.constant 1 : i32
      %dma_wait3A_698 = arith.constant 0 : i32
      %dma_wait3A_699 = tpu.memref_slice %arg10[%dma_wait3A_697, %dma_wait3A_698] : memref<2x40xi32, #tpu.memory_space<vmem>> -> memref<1x40xi32, #tpu.memory_space<vmem>>
      %dma_wait3A_700 = tpu.memref_squeeze %dma_wait3A_699 : memref<1x40xi32, #tpu.memory_space<vmem>> -> memref<40xi32, #tpu.memory_space<vmem>>
      %dma_wait3A_701 = arith.constant 0 : i32
      %dma_wait3A_702 = arith.constant 0 : i32
      %dma_wait3A_703 = tpu.memref_slice %arg5[%dma_wait3A_701, %dma_wait3A_702] : memref<10000x128xf32, #tpu.memory_space<vmem_shared>> -> memref<10000x128xf32, #tpu.memory_space<vmem_shared>>
      tpu.wait_indirect_dma semaphore(%arg50 : memref<!tpu.dma_semaphore, #tpu.memory_space<semaphore_mem>>) src(%arg30 : memref<40x128xf32, #tpu.memory_space<vmem>>) dst(%dma_wait3A_703 : memref<10000x128xf32, #tpu.memory_space<vmem_shared>>)
      %dma_start3A_704 = arith.constant 0 : i32
      %dma_start3A_705 = arith.constant 0 : i32
      %dma_start3A_706 = tpu.memref_slice %arg2[%dma_start3A_704, %dma_start3A_705] : memref<20000x128xf32, #tpu.memory_space<hbm>> -> memref<20000x128xf32, #tpu.memory_space<hbm>>
      tpu.enqueue_indirect_dma source(%dma_start3A_706 : memref<20000x128xf32, #tpu.memory_space<hbm>>) target(%arg30 : memref<40x128xf32, #tpu.memory_space<vmem>>) offsets(%arg25 : memref<40xi32, #tpu.memory_space<vmem>>) semaphore(%arg45 : memref<!tpu.dma_semaphore, #tpu.memory_space<semaphore_mem>>)
      %dma_wait3A_707 = arith.constant 0 : i32
      %dma_wait3A_708 = arith.constant 0 : i32
      %dma_wait3A_709 = tpu.memref_slice %arg2[%dma_wait3A_707, %dma_wait3A_708] : memref<20000x128xf32, #tpu.memory_space<hbm>> -> memref<20000x128xf32, #tpu.memory_space<hbm>>
      tpu.wait_indirect_dma semaphore(%arg41 : memref<!tpu.dma_semaphore, #tpu.memory_space<semaphore_mem>>) src(%dma_wait3A_709 : memref<20000x128xf32, #tpu.memory_space<hbm>>) dst(%arg26 : memref<40x128xf32, #tpu.memory_space<vmem>>)
      %dma_start3A_710 = arith.constant 1 : i32
      %dma_start3A_711 = arith.constant 0 : i32
      %dma_start3A_712 = tpu.memref_slice %arg11[%dma_start3A_710, %dma_start3A_711] : memref<2x40xi32, #tpu.memory_space<vmem>> -> memref<1x40xi32, #tpu.memory_space<vmem>>
      %dma_start3A_713 = tpu.memref_squeeze %dma_start3A_712 : memref<1x40xi32, #tpu.memory_space<vmem>> -> memref<40xi32, #tpu.memory_space<vmem>>
      %dma_start3A_714 = arith.constant 0 : i32
      %dma_start3A_715 = arith.constant 0 : i32
      %dma_start3A_716 = tpu.memref_slice %arg5[%dma_start3A_714, %dma_start3A_715] : memref<10000x128xf32, #tpu.memory_space<vmem_shared>> -> memref<10000x128xf32, #tpu.memory_space<vmem_shared>>
      tpu.enqueue_indirect_dma source(%arg26 : memref<40x128xf32, #tpu.memory_space<vmem>>) target(%dma_start3A_716 : memref<10000x128xf32, #tpu.memory_space<vmem_shared>>) offsets(%dma_start3A_713 : memref<40xi32, #tpu.memory_space<vmem>>) semaphore(%arg46 : memref<!tpu.dma_semaphore, #tpu.memory_space<semaphore_mem>>) {add = true}
      %mul3A_717 = arith.constant 2 : i32
      %mul3A_718 = arith.muli %mul3A_717, %scan3A_113 : i32
      %add3A_719 = arith.constant 1 : i32
      %add3A_720 = arith.addi %mul3A_718, %add3A_719 : i32
      %add3A_721 = arith.constant 1 : i32
      %add3A_722 = arith.addi %add3A_720, %add3A_721 : i32
      %mul3A_723 = arith.constant 5 : i32
      %mul3A_724 = arith.muli %add3A_722, %mul3A_723 : i32
      %add3A_725 = arith.constant 0 : i32
      %add3A_726 = arith.addi %mul3A_724, %add3A_725 : i32
      %lt3A_727 = arith.constant 250 : i32
      %lt3A_728 = arith.cmpi slt, %add3A_726, %lt3A_727 : i32
      %convert_element_type3A_729 = arith.extui %lt3A_728 : i1 to i32
      %cond3A_730 = arith.constant 0 : i32
      %cond3A_731 = arith.cmpi ne, %convert_element_type3A_729, %cond3A_730 : i32
      scf.if %cond3A_731 {
        %mul3A_832 = arith.constant 40 : i32
        %mul3A_833 = arith.muli %add3A_726, %mul3A_832 : i32
        %add3A_834 = arith.addi %mul3A_7, %mul3A_833 : i32
        %dma_start3A_835 = arith.constant 0 : i32
        %dma_start3A_836 = tpu.memref_slice %arg3[%dma_start3A_835, %add3A_834] : memref<2x160000xi32, #tpu.memory_space<hbm>> -> memref<2x40xi32, #tpu.memory_space<hbm>>
        %dma_start3A_837 = arith.constant 0 : i32
        %dma_start3A_838 = tpu.memref_slice %arg3[%dma_start3A_837, %add3A_834] : memref<2x160000xi32, #tpu.memory_space<hbm>> -> memref<2x40xi32, #tpu.memory_space<hbm>>
        tpu.enqueue_dma source(%dma_start3A_838 : memref<2x40xi32, #tpu.memory_space<hbm>>) target(%arg6 : memref<2x40xi32, #tpu.memory_space<vmem>>) target_semaphore(%arg31 : memref<!tpu.dma_semaphore, #tpu.memory_space<semaphore_mem>>)
      } else {
      }
      %dma_wait3A_732 = arith.constant 0 : i32
      %dma_wait3A_733 = arith.constant 0 : i32
      %dma_wait3A_734 = tpu.memref_slice %arg2[%dma_wait3A_732, %dma_wait3A_733] : memref<20000x128xf32, #tpu.memory_space<hbm>> -> memref<20000x128xf32, #tpu.memory_space<hbm>>
      tpu.wait_indirect_dma semaphore(%arg42 : memref<!tpu.dma_semaphore, #tpu.memory_space<semaphore_mem>>) src(%dma_wait3A_734 : memref<20000x128xf32, #tpu.memory_space<hbm>>) dst(%arg27 : memref<40x128xf32, #tpu.memory_space<vmem>>)
      %dma_start3A_735 = arith.constant 1 : i32
      %dma_start3A_736 = arith.constant 0 : i32
      %dma_start3A_737 = tpu.memref_slice %arg12[%dma_start3A_735, %dma_start3A_736] : memref<2x40xi32, #tpu.memory_space<vmem>> -> memref<1x40xi32, #tpu.memory_space<vmem>>
      %dma_start3A_738 = tpu.memref_squeeze %dma_start3A_737 : memref<1x40xi32, #tpu.memory_space<vmem>> -> memref<40xi32, #tpu.memory_space<vmem>>
      %dma_start3A_739 = arith.constant 0 : i32
      %dma_start3A_740 = arith.constant 0 : i32
      %dma_start3A_741 = tpu.memref_slice %arg5[%dma_start3A_739, %dma_start3A_740] : memref<10000x128xf32, #tpu.memory_space<vmem_shared>> -> memref<10000x128xf32, #tpu.memory_space<vmem_shared>>
      tpu.enqueue_indirect_dma source(%arg27 : memref<40x128xf32, #tpu.memory_space<vmem>>) target(%dma_start3A_741 : memref<10000x128xf32, #tpu.memory_space<vmem_shared>>) offsets(%dma_start3A_738 : memref<40xi32, #tpu.memory_space<vmem>>) semaphore(%arg47 : memref<!tpu.dma_semaphore, #tpu.memory_space<semaphore_mem>>) {add = true}
      %mul3A_742 = arith.constant 2 : i32
      %mul3A_743 = arith.muli %mul3A_742, %scan3A_113 : i32
      %add3A_744 = arith.constant 1 : i32
      %add3A_745 = arith.addi %mul3A_743, %add3A_744 : i32
      %add3A_746 = arith.constant 1 : i32
      %add3A_747 = arith.addi %add3A_745, %add3A_746 : i32
      %mul3A_748 = arith.constant 5 : i32
      %mul3A_749 = arith.muli %add3A_747, %mul3A_748 : i32
      %add3A_750 = arith.constant 1 : i32
      %add3A_751 = arith.addi %mul3A_749, %add3A_750 : i32
      %lt3A_752 = arith.constant 250 : i32
      %lt3A_753 = arith.cmpi slt, %add3A_751, %lt3A_752 : i32
      %convert_element_type3A_754 = arith.extui %lt3A_753 : i1 to i32
      %cond3A_755 = arith.constant 0 : i32
      %cond3A_756 = arith.cmpi ne, %convert_element_type3A_754, %cond3A_755 : i32
      scf.if %cond3A_756 {
        %mul3A_832 = arith.constant 40 : i32
        %mul3A_833 = arith.muli %add3A_751, %mul3A_832 : i32
        %add3A_834 = arith.addi %mul3A_7, %mul3A_833 : i32
        %dma_start3A_835 = arith.constant 0 : i32
        %dma_start3A_836 = tpu.memref_slice %arg3[%dma_start3A_835, %add3A_834] : memref<2x160000xi32, #tpu.memory_space<hbm>> -> memref<2x40xi32, #tpu.memory_space<hbm>>
        %dma_start3A_837 = arith.constant 0 : i32
        %dma_start3A_838 = tpu.memref_slice %arg3[%dma_start3A_837, %add3A_834] : memref<2x160000xi32, #tpu.memory_space<hbm>> -> memref<2x40xi32, #tpu.memory_space<hbm>>
        tpu.enqueue_dma source(%dma_start3A_838 : memref<2x40xi32, #tpu.memory_space<hbm>>) target(%arg7 : memref<2x40xi32, #tpu.memory_space<vmem>>) target_semaphore(%arg32 : memref<!tpu.dma_semaphore, #tpu.memory_space<semaphore_mem>>)
      } else {
      }
      %dma_wait3A_757 = arith.constant 0 : i32
      %dma_wait3A_758 = arith.constant 0 : i32
      %dma_wait3A_759 = tpu.memref_slice %arg2[%dma_wait3A_757, %dma_wait3A_758] : memref<20000x128xf32, #tpu.memory_space<hbm>> -> memref<20000x128xf32, #tpu.memory_space<hbm>>
      tpu.wait_indirect_dma semaphore(%arg43 : memref<!tpu.dma_semaphore, #tpu.memory_space<semaphore_mem>>) src(%dma_wait3A_759 : memref<20000x128xf32, #tpu.memory_space<hbm>>) dst(%arg28 : memref<40x128xf32, #tpu.memory_space<vmem>>)
      %dma_start3A_760 = arith.constant 1 : i32
      %dma_start3A_761 = arith.constant 0 : i32
      %dma_start3A_762 = tpu.memref_slice %arg13[%dma_start3A_760, %dma_start3A_761] : memref<2x40xi32, #tpu.memory_space<vmem>> -> memref<1x40xi32, #tpu.memory_space<vmem>>
      %dma_start3A_763 = tpu.memref_squeeze %dma_start3A_762 : memref<1x40xi32, #tpu.memory_space<vmem>> -> memref<40xi32, #tpu.memory_space<vmem>>
      %dma_start3A_764 = arith.constant 0 : i32
      %dma_start3A_765 = arith.constant 0 : i32
      %dma_start3A_766 = tpu.memref_slice %arg5[%dma_start3A_764, %dma_start3A_765] : memref<10000x128xf32, #tpu.memory_space<vmem_shared>> -> memref<10000x128xf32, #tpu.memory_space<vmem_shared>>
      tpu.enqueue_indirect_dma source(%arg28 : memref<40x128xf32, #tpu.memory_space<vmem>>) target(%dma_start3A_766 : memref<10000x128xf32, #tpu.memory_space<vmem_shared>>) offsets(%dma_start3A_763 : memref<40xi32, #tpu.memory_space<vmem>>) semaphore(%arg48 : memref<!tpu.dma_semaphore, #tpu.memory_space<semaphore_mem>>) {add = true}
      %mul3A_767 = arith.constant 2 : i32
      %mul3A_768 = arith.muli %mul3A_767, %scan3A_113 : i32
      %add3A_769 = arith.constant 1 : i32
      %add3A_770 = arith.addi %mul3A_768, %add3A_769 : i32
      %add3A_771 = arith.constant 1 : i32
      %add3A_772 = arith.addi %add3A_770, %add3A_771 : i32
      %mul3A_773 = arith.constant 5 : i32
      %mul3A_774 = arith.muli %add3A_772, %mul3A_773 : i32
      %add3A_775 = arith.constant 2 : i32
      %add3A_776 = arith.addi %mul3A_774, %add3A_775 : i32
      %lt3A_777 = arith.constant 250 : i32
      %lt3A_778 = arith.cmpi slt, %add3A_776, %lt3A_777 : i32
      %convert_element_type3A_779 = arith.extui %lt3A_778 : i1 to i32
      %cond3A_780 = arith.constant 0 : i32
      %cond3A_781 = arith.cmpi ne, %convert_element_type3A_779, %cond3A_780 : i32
      scf.if %cond3A_781 {
        %mul3A_832 = arith.constant 40 : i32
        %mul3A_833 = arith.muli %add3A_776, %mul3A_832 : i32
        %add3A_834 = arith.addi %mul3A_7, %mul3A_833 : i32
        %dma_start3A_835 = arith.constant 0 : i32
        %dma_start3A_836 = tpu.memref_slice %arg3[%dma_start3A_835, %add3A_834] : memref<2x160000xi32, #tpu.memory_space<hbm>> -> memref<2x40xi32, #tpu.memory_space<hbm>>
        %dma_start3A_837 = arith.constant 0 : i32
        %dma_start3A_838 = tpu.memref_slice %arg3[%dma_start3A_837, %add3A_834] : memref<2x160000xi32, #tpu.memory_space<hbm>> -> memref<2x40xi32, #tpu.memory_space<hbm>>
        tpu.enqueue_dma source(%dma_start3A_838 : memref<2x40xi32, #tpu.memory_space<hbm>>) target(%arg8 : memref<2x40xi32, #tpu.memory_space<vmem>>) target_semaphore(%arg33 : memref<!tpu.dma_semaphore, #tpu.memory_space<semaphore_mem>>)
      } else {
      }
      %dma_wait3A_782 = arith.constant 0 : i32
      %dma_wait3A_783 = arith.constant 0 : i32
      %dma_wait3A_784 = tpu.memref_slice %arg2[%dma_wait3A_782, %dma_wait3A_783] : memref<20000x128xf32, #tpu.memory_space<hbm>> -> memref<20000x128xf32, #tpu.memory_space<hbm>>
      tpu.wait_indirect_dma semaphore(%arg44 : memref<!tpu.dma_semaphore, #tpu.memory_space<semaphore_mem>>) src(%dma_wait3A_784 : memref<20000x128xf32, #tpu.memory_space<hbm>>) dst(%arg29 : memref<40x128xf32, #tpu.memory_space<vmem>>)
      %dma_start3A_785 = arith.constant 1 : i32
      %dma_start3A_786 = arith.constant 0 : i32
      %dma_start3A_787 = tpu.memref_slice %arg14[%dma_start3A_785, %dma_start3A_786] : memref<2x40xi32, #tpu.memory_space<vmem>> -> memref<1x40xi32, #tpu.memory_space<vmem>>
      %dma_start3A_788 = tpu.memref_squeeze %dma_start3A_787 : memref<1x40xi32, #tpu.memory_space<vmem>> -> memref<40xi32, #tpu.memory_space<vmem>>
      %dma_start3A_789 = arith.constant 0 : i32
      %dma_start3A_790 = arith.constant 0 : i32
      %dma_start3A_791 = tpu.memref_slice %arg5[%dma_start3A_789, %dma_start3A_790] : memref<10000x128xf32, #tpu.memory_space<vmem_shared>> -> memref<10000x128xf32, #tpu.memory_space<vmem_shared>>
      tpu.enqueue_indirect_dma source(%arg29 : memref<40x128xf32, #tpu.memory_space<vmem>>) target(%dma_start3A_791 : memref<10000x128xf32, #tpu.memory_space<vmem_shared>>) offsets(%dma_start3A_788 : memref<40xi32, #tpu.memory_space<vmem>>) semaphore(%arg49 : memref<!tpu.dma_semaphore, #tpu.memory_space<semaphore_mem>>) {add = true}
      %mul3A_792 = arith.constant 2 : i32
      %mul3A_793 = arith.muli %mul3A_792, %scan3A_113 : i32
      %add3A_794 = arith.constant 1 : i32
      %add3A_795 = arith.addi %mul3A_793, %add3A_794 : i32
      %add3A_796 = arith.constant 1 : i32
      %add3A_797 = arith.addi %add3A_795, %add3A_796 : i32
      %mul3A_798 = arith.constant 5 : i32
      %mul3A_799 = arith.muli %add3A_797, %mul3A_798 : i32
      %add3A_800 = arith.constant 3 : i32
      %add3A_801 = arith.addi %mul3A_799, %add3A_800 : i32
      %lt3A_802 = arith.constant 250 : i32
      %lt3A_803 = arith.cmpi slt, %add3A_801, %lt3A_802 : i32
      %convert_element_type3A_804 = arith.extui %lt3A_803 : i1 to i32
      %cond3A_805 = arith.constant 0 : i32
      %cond3A_806 = arith.cmpi ne, %convert_element_type3A_804, %cond3A_805 : i32
      scf.if %cond3A_806 {
        %mul3A_832 = arith.constant 40 : i32
        %mul3A_833 = arith.muli %add3A_801, %mul3A_832 : i32
        %add3A_834 = arith.addi %mul3A_7, %mul3A_833 : i32
        %dma_start3A_835 = arith.constant 0 : i32
        %dma_start3A_836 = tpu.memref_slice %arg3[%dma_start3A_835, %add3A_834] : memref<2x160000xi32, #tpu.memory_space<hbm>> -> memref<2x40xi32, #tpu.memory_space<hbm>>
        %dma_start3A_837 = arith.constant 0 : i32
        %dma_start3A_838 = tpu.memref_slice %arg3[%dma_start3A_837, %add3A_834] : memref<2x160000xi32, #tpu.memory_space<hbm>> -> memref<2x40xi32, #tpu.memory_space<hbm>>
        tpu.enqueue_dma source(%dma_start3A_838 : memref<2x40xi32, #tpu.memory_space<hbm>>) target(%arg9 : memref<2x40xi32, #tpu.memory_space<vmem>>) target_semaphore(%arg34 : memref<!tpu.dma_semaphore, #tpu.memory_space<semaphore_mem>>)
      } else {
      }
      %dma_wait3A_807 = arith.constant 0 : i32
      %dma_wait3A_808 = arith.constant 0 : i32
      %dma_wait3A_809 = tpu.memref_slice %arg2[%dma_wait3A_807, %dma_wait3A_808] : memref<20000x128xf32, #tpu.memory_space<hbm>> -> memref<20000x128xf32, #tpu.memory_space<hbm>>
      tpu.wait_indirect_dma semaphore(%arg45 : memref<!tpu.dma_semaphore, #tpu.memory_space<semaphore_mem>>) src(%dma_wait3A_809 : memref<20000x128xf32, #tpu.memory_space<hbm>>) dst(%arg30 : memref<40x128xf32, #tpu.memory_space<vmem>>)
      %dma_start3A_810 = arith.constant 1 : i32
      %dma_start3A_811 = arith.constant 0 : i32
      %dma_start3A_812 = tpu.memref_slice %arg15[%dma_start3A_810, %dma_start3A_811] : memref<2x40xi32, #tpu.memory_space<vmem>> -> memref<1x40xi32, #tpu.memory_space<vmem>>
      %dma_start3A_813 = tpu.memref_squeeze %dma_start3A_812 : memref<1x40xi32, #tpu.memory_space<vmem>> -> memref<40xi32, #tpu.memory_space<vmem>>
      %dma_start3A_814 = arith.constant 0 : i32
      %dma_start3A_815 = arith.constant 0 : i32
      %dma_start3A_816 = tpu.memref_slice %arg5[%dma_start3A_814, %dma_start3A_815] : memref<10000x128xf32, #tpu.memory_space<vmem_shared>> -> memref<10000x128xf32, #tpu.memory_space<vmem_shared>>
      tpu.enqueue_indirect_dma source(%arg30 : memref<40x128xf32, #tpu.memory_space<vmem>>) target(%dma_start3A_816 : memref<10000x128xf32, #tpu.memory_space<vmem_shared>>) offsets(%dma_start3A_813 : memref<40xi32, #tpu.memory_space<vmem>>) semaphore(%arg50 : memref<!tpu.dma_semaphore, #tpu.memory_space<semaphore_mem>>) {add = true}
      %mul3A_817 = arith.constant 2 : i32
      %mul3A_818 = arith.muli %mul3A_817, %scan3A_113 : i32
      %add3A_819 = arith.constant 1 : i32
      %add3A_820 = arith.addi %mul3A_818, %add3A_819 : i32
      %add3A_821 = arith.constant 1 : i32
      %add3A_822 = arith.addi %add3A_820, %add3A_821 : i32
      %mul3A_823 = arith.constant 5 : i32
      %mul3A_824 = arith.muli %add3A_822, %mul3A_823 : i32
      %add3A_825 = arith.constant 4 : i32
      %add3A_826 = arith.addi %mul3A_824, %add3A_825 : i32
      %lt3A_827 = arith.constant 250 : i32
      %lt3A_828 = arith.cmpi slt, %add3A_826, %lt3A_827 : i32
      %convert_element_type3A_829 = arith.extui %lt3A_828 : i1 to i32
      %cond3A_830 = arith.constant 0 : i32
      %cond3A_831 = arith.cmpi ne, %convert_element_type3A_829, %cond3A_830 : i32
      scf.if %cond3A_831 {
        %mul3A_832 = arith.constant 40 : i32
        %mul3A_833 = arith.muli %add3A_826, %mul3A_832 : i32
        %add3A_834 = arith.addi %mul3A_7, %mul3A_833 : i32
        %dma_start3A_835 = arith.constant 0 : i32
        %dma_start3A_836 = tpu.memref_slice %arg3[%dma_start3A_835, %add3A_834] : memref<2x160000xi32, #tpu.memory_space<hbm>> -> memref<2x40xi32, #tpu.memory_space<hbm>>
        %dma_start3A_837 = arith.constant 0 : i32
        %dma_start3A_838 = tpu.memref_slice %arg3[%dma_start3A_837, %add3A_834] : memref<2x160000xi32, #tpu.memory_space<hbm>> -> memref<2x40xi32, #tpu.memory_space<hbm>>
        tpu.enqueue_dma source(%dma_start3A_838 : memref<2x40xi32, #tpu.memory_space<hbm>>) target(%arg10 : memref<2x40xi32, #tpu.memory_space<vmem>>) target_semaphore(%arg35 : memref<!tpu.dma_semaphore, #tpu.memory_space<semaphore_mem>>)
      } else {
      }
    }
    %scan3A_75 = arith.constant 25 : i32
    %dma_wait3A_76 = arith.constant 1 : i32
    %dma_wait3A_77 = arith.constant 0 : i32
    %dma_wait3A_78 = tpu.memref_slice %arg11[%dma_wait3A_76, %dma_wait3A_77] : memref<2x40xi32, #tpu.memory_space<vmem>> -> memref<1x40xi32, #tpu.memory_space<vmem>>
    %dma_wait3A_79 = tpu.memref_squeeze %dma_wait3A_78 : memref<1x40xi32, #tpu.memory_space<vmem>> -> memref<40xi32, #tpu.memory_space<vmem>>
    %dma_wait3A_80 = arith.constant 0 : i32
    %dma_wait3A_81 = arith.constant 0 : i32
    %dma_wait3A_82 = tpu.memref_slice %arg5[%dma_wait3A_80, %dma_wait3A_81] : memref<10000x128xf32, #tpu.memory_space<vmem_shared>> -> memref<10000x128xf32, #tpu.memory_space<vmem_shared>>
    tpu.wait_indirect_dma semaphore(%arg46 : memref<!tpu.dma_semaphore, #tpu.memory_space<semaphore_mem>>) src(%arg26 : memref<40x128xf32, #tpu.memory_space<vmem>>) dst(%dma_wait3A_82 : memref<10000x128xf32, #tpu.memory_space<vmem_shared>>)
    %dma_wait3A_83 = arith.constant 1 : i32
    %dma_wait3A_84 = arith.constant 0 : i32
    %dma_wait3A_85 = tpu.memref_slice %arg12[%dma_wait3A_83, %dma_wait3A_84] : memref<2x40xi32, #tpu.memory_space<vmem>> -> memref<1x40xi32, #tpu.memory_space<vmem>>
    %dma_wait3A_86 = tpu.memref_squeeze %dma_wait3A_85 : memref<1x40xi32, #tpu.memory_space<vmem>> -> memref<40xi32, #tpu.memory_space<vmem>>
    %dma_wait3A_87 = arith.constant 0 : i32
    %dma_wait3A_88 = arith.constant 0 : i32
    %dma_wait3A_89 = tpu.memref_slice %arg5[%dma_wait3A_87, %dma_wait3A_88] : memref<10000x128xf32, #tpu.memory_space<vmem_shared>> -> memref<10000x128xf32, #tpu.memory_space<vmem_shared>>
    tpu.wait_indirect_dma semaphore(%arg47 : memref<!tpu.dma_semaphore, #tpu.memory_space<semaphore_mem>>) src(%arg27 : memref<40x128xf32, #tpu.memory_space<vmem>>) dst(%dma_wait3A_89 : memref<10000x128xf32, #tpu.memory_space<vmem_shared>>)
    %dma_wait3A_90 = arith.constant 1 : i32
    %dma_wait3A_91 = arith.constant 0 : i32
    %dma_wait3A_92 = tpu.memref_slice %arg13[%dma_wait3A_90, %dma_wait3A_91] : memref<2x40xi32, #tpu.memory_space<vmem>> -> memref<1x40xi32, #tpu.memory_space<vmem>>
    %dma_wait3A_93 = tpu.memref_squeeze %dma_wait3A_92 : memref<1x40xi32, #tpu.memory_space<vmem>> -> memref<40xi32, #tpu.memory_space<vmem>>
    %dma_wait3A_94 = arith.constant 0 : i32
    %dma_wait3A_95 = arith.constant 0 : i32
    %dma_wait3A_96 = tpu.memref_slice %arg5[%dma_wait3A_94, %dma_wait3A_95] : memref<10000x128xf32, #tpu.memory_space<vmem_shared>> -> memref<10000x128xf32, #tpu.memory_space<vmem_shared>>
    tpu.wait_indirect_dma semaphore(%arg48 : memref<!tpu.dma_semaphore, #tpu.memory_space<semaphore_mem>>) src(%arg28 : memref<40x128xf32, #tpu.memory_space<vmem>>) dst(%dma_wait3A_96 : memref<10000x128xf32, #tpu.memory_space<vmem_shared>>)
    %dma_wait3A_97 = arith.constant 1 : i32
    %dma_wait3A_98 = arith.constant 0 : i32
    %dma_wait3A_99 = tpu.memref_slice %arg14[%dma_wait3A_97, %dma_wait3A_98] : memref<2x40xi32, #tpu.memory_space<vmem>> -> memref<1x40xi32, #tpu.memory_space<vmem>>
    %dma_wait3A_100 = tpu.memref_squeeze %dma_wait3A_99 : memref<1x40xi32, #tpu.memory_space<vmem>> -> memref<40xi32, #tpu.memory_space<vmem>>
    %dma_wait3A_101 = arith.constant 0 : i32
    %dma_wait3A_102 = arith.constant 0 : i32
    %dma_wait3A_103 = tpu.memref_slice %arg5[%dma_wait3A_101, %dma_wait3A_102] : memref<10000x128xf32, #tpu.memory_space<vmem_shared>> -> memref<10000x128xf32, #tpu.memory_space<vmem_shared>>
    tpu.wait_indirect_dma semaphore(%arg49 : memref<!tpu.dma_semaphore, #tpu.memory_space<semaphore_mem>>) src(%arg29 : memref<40x128xf32, #tpu.memory_space<vmem>>) dst(%dma_wait3A_103 : memref<10000x128xf32, #tpu.memory_space<vmem_shared>>)
    %dma_wait3A_104 = arith.constant 1 : i32
    %dma_wait3A_105 = arith.constant 0 : i32
    %dma_wait3A_106 = tpu.memref_slice %arg15[%dma_wait3A_104, %dma_wait3A_105] : memref<2x40xi32, #tpu.memory_space<vmem>> -> memref<1x40xi32, #tpu.memory_space<vmem>>
    %dma_wait3A_107 = tpu.memref_squeeze %dma_wait3A_106 : memref<1x40xi32, #tpu.memory_space<vmem>> -> memref<40xi32, #tpu.memory_space<vmem>>
    %dma_wait3A_108 = arith.constant 0 : i32
    %dma_wait3A_109 = arith.constant 0 : i32
    %dma_wait3A_110 = tpu.memref_slice %arg5[%dma_wait3A_108, %dma_wait3A_109] : memref<10000x128xf32, #tpu.memory_space<vmem_shared>> -> memref<10000x128xf32, #tpu.memory_space<vmem_shared>>
    tpu.wait_indirect_dma semaphore(%arg50 : memref<!tpu.dma_semaphore, #tpu.memory_space<semaphore_mem>>) src(%arg30 : memref<40x128xf32, #tpu.memory_space<vmem>>) dst(%dma_wait3A_110 : memref<10000x128xf32, #tpu.memory_space<vmem_shared>>)
    %barrier3A_111 = arith.constant 0 : index
    tpu.barrier barrier_id(%barrier3A_111)
    %add3A_112 = arith.addi %mul3A_2, %mul3A_0 : i32
    "tpu.region"() ({
      %run_scoped3A = tpu.sem_alloc : memref<!tpu.dma_semaphore, #tpu.memory_space<semaphore_mem>>
      %dma_start3A_113 = arith.constant 0 : i32
      %dma_start3A_114 = tpu.memref_slice %arg4[%add3A_112, %dma_start3A_113] : memref<20000x128xf32, #tpu.memory_space<hbm>> -> memref<625x128xf32, #tpu.memory_space<hbm>>
      %dma_start3A_115 = arith.constant 0 : i32
      %dma_start3A_116 = tpu.memref_slice %arg5[%mul3A_0, %dma_start3A_115] : memref<10000x128xf32, #tpu.memory_space<vmem_shared>> -> memref<625x128xf32, #tpu.memory_space<vmem_shared>>
      tpu.enqueue_dma source(%dma_start3A_116 : memref<625x128xf32, #tpu.memory_space<vmem_shared>>) target(%dma_start3A_114 : memref<625x128xf32, #tpu.memory_space<hbm>>) target_semaphore(%run_scoped3A : memref<!tpu.dma_semaphore, #tpu.memory_space<semaphore_mem>>)
      %dma_wait3A_117 = arith.constant 0 : i32
      %dma_wait3A_118 = tpu.memref_slice %arg4[%add3A_112, %dma_wait3A_117] : memref<20000x128xf32, #tpu.memory_space<hbm>> -> memref<625x128xf32, #tpu.memory_space<hbm>>
      %dma_wait3A_119 = arith.constant 0 : i32
      %dma_wait3A_120 = tpu.memref_slice %arg5[%mul3A_0, %dma_wait3A_119] : memref<10000x128xf32, #tpu.memory_space<vmem_shared>> -> memref<625x128xf32, #tpu.memory_space<vmem_shared>>
      tpu.wait_dma2 semaphore(%run_scoped3A : memref<!tpu.dma_semaphore, #tpu.memory_space<semaphore_mem>>) src(%dma_wait3A_120 : memref<625x128xf32, #tpu.memory_space<vmem_shared>>) dst(%dma_wait3A_118 : memref<625x128xf32, #tpu.memory_space<hbm>>)
      tpu.yield
    }) : () -> ()
    return
  }
}

#map = affine_map<(d0, d1) -> (0)>
#map1 = affine_map<(d0, d1) -> (0, 0, 0)>
module attributes {stable_mosaic.version = 14 : i64} {
  func.func @_deg_kernel(%arg0: i32, %arg1: i32, %arg2: memref<160000xi32, #tpu.memory_space<hbm>>, %arg3: memref<2x10000x16xf32, #tpu.memory_space<hbm>>, %arg4: memref<10000x16xf32, #tpu.memory_space<vmem_shared>>, %arg5: memref<25x16xf32, #tpu.memory_space<vmem>>, %arg6: memref<40x16xf32, #tpu.memory_space<vmem>>, %arg7: memref<125x40xi32, #tpu.memory_space<vmem>>, %arg8: memref<!tpu.dma_semaphore, #tpu.memory_space<semaphore_mem>>) attributes {dimension_semantics = [#tpu.dimension_semantics<core_parallel>, #tpu.dimension_semantics<subcore_parallel>], iteration_bounds = array<i64: 2, 16>, scalar_prefetch = 0 : i64, scratch_operands = 5 : i64, tpu.core_type = #tpu.core_type<sc_vector_subcore>, window_params = [{transform_indices = #map}, {transform_indices = #map1}]} {
    %mul3A = arith.constant 16 : i32
    %mul3A_0 = arith.muli %arg0, %mul3A : i32
    %add3A = arith.addi %mul3A_0, %arg1 : i32
    %scan3A = arith.constant 0 : i32
    %scan3A_1 = arith.constant 0 : i32
    %scan3A_2 = arith.constant 25 : i32
    %scan3A_3 = arith.addi %scan3A_1, %scan3A_2 : i32
    %scan3A_4 = arith.constant 1 : i32
    scf.for %scan3A_47 = %scan3A_1 to %scan3A_3 step %scan3A_4  : i32 {
      %broadcast_in_dim3A = arith.constant 0.000000e+00 : f32
      %broadcast_in_dim3A_48 = vector.broadcast %broadcast_in_dim3A : f32 to vector<16xf32>
      %swap3A = arith.index_cast %scan3A_47 : i32 to index
      %swap3A_49 = arith.constant 0 : index
      %swap3A_50 = tpu.vector_load %arg5[%swap3A, %swap3A_49] {strides = array<i32>} : memref<25x16xf32, #tpu.memory_space<vmem>>, vector<1x16xf32>,
      %swap3A_51 = vector.shape_cast %swap3A_50 : vector<1x16xf32> to vector<16xf32>
      %swap3A_52 = vector.shape_cast %broadcast_in_dim3A_48 : vector<16xf32> to vector<1x16xf32>
      tpu.vector_store %arg5[%swap3A, %swap3A_49], %swap3A_52 {strides = array<i32>} : memref<25x16xf32, #tpu.memory_space<vmem>>, vector<1x16xf32>,
    }
    %scan3A_5 = arith.constant 25 : i32
    %scan3A_6 = arith.constant 0 : i32
    %scan3A_7 = arith.constant 0 : i32
    %scan3A_8 = arith.constant 40 : i32
    %scan3A_9 = arith.addi %scan3A_7, %scan3A_8 : i32
    %scan3A_10 = arith.constant 1 : i32
    scf.for %scan3A_47 = %scan3A_7 to %scan3A_9 step %scan3A_10  : i32 {
      %broadcast_in_dim3A = arith.constant 1.000000e+00 : f32
      %broadcast_in_dim3A_48 = vector.broadcast %broadcast_in_dim3A : f32 to vector<16xf32>
      %swap3A = arith.index_cast %scan3A_47 : i32 to index
      %swap3A_49 = arith.constant 0 : index
      %swap3A_50 = tpu.vector_load %arg6[%swap3A, %swap3A_49] {strides = array<i32>} : memref<40x16xf32, #tpu.memory_space<vmem>>, vector<1x16xf32>,
      %swap3A_51 = vector.shape_cast %swap3A_50 : vector<1x16xf32> to vector<16xf32>
      %swap3A_52 = vector.shape_cast %broadcast_in_dim3A_48 : vector<16xf32> to vector<1x16xf32>
      tpu.vector_store %arg6[%swap3A, %swap3A_49], %swap3A_52 {strides = array<i32>} : memref<40x16xf32, #tpu.memory_space<vmem>>, vector<1x16xf32>,
    }
    %scan3A_11 = arith.constant 40 : i32
    %mul3A_12 = arith.constant 625 : i32
    %mul3A_13 = arith.muli %arg1, %mul3A_12 : i32
    %scan3A_14 = arith.constant 0 : i32
    %scan3A_15 = arith.constant 0 : i32
    %scan3A_16 = arith.constant 25 : i32
    %scan3A_17 = arith.addi %scan3A_15, %scan3A_16 : i32
    %scan3A_18 = arith.constant 1 : i32
    scf.for %scan3A_47 = %scan3A_15 to %scan3A_17 step %scan3A_18  : i32 {
      %mul3A_48 = arith.constant 25 : i32
      %mul3A_49 = arith.muli %scan3A_47, %mul3A_48 : i32
      %add3A_50 = arith.addi %mul3A_13, %mul3A_49 : i32
      "tpu.region"() ({
        %run_scoped3A = tpu.sem_alloc : memref<!tpu.dma_semaphore, #tpu.memory_space<semaphore_mem>>
        %dma_start3A = arith.constant 0 : i32
        %dma_start3A_51 = tpu.memref_slice %arg4[%add3A_50, %dma_start3A] : memref<10000x16xf32, #tpu.memory_space<vmem_shared>> -> memref<25x16xf32, #tpu.memory_space<vmem_shared>>
        %dma_start3A_52 = arith.constant 0 : i32
        %dma_start3A_53 = tpu.memref_slice %arg4[%add3A_50, %dma_start3A_52] : memref<10000x16xf32, #tpu.memory_space<vmem_shared>> -> memref<25x16xf32, #tpu.memory_space<vmem_shared>>
        tpu.enqueue_dma source(%arg5 : memref<25x16xf32, #tpu.memory_space<vmem>>) target(%dma_start3A_53 : memref<25x16xf32, #tpu.memory_space<vmem_shared>>) target_semaphore(%run_scoped3A : memref<!tpu.dma_semaphore, #tpu.memory_space<semaphore_mem>>)
        %dma_wait3A = arith.constant 0 : i32
        %dma_wait3A_54 = tpu.memref_slice %arg4[%add3A_50, %dma_wait3A] : memref<10000x16xf32, #tpu.memory_space<vmem_shared>> -> memref<25x16xf32, #tpu.memory_space<vmem_shared>>
        %dma_wait3A_55 = arith.constant 0 : i32
        %dma_wait3A_56 = tpu.memref_slice %arg4[%add3A_50, %dma_wait3A_55] : memref<10000x16xf32, #tpu.memory_space<vmem_shared>> -> memref<25x16xf32, #tpu.memory_space<vmem_shared>>
        tpu.wait_dma2 semaphore(%run_scoped3A : memref<!tpu.dma_semaphore, #tpu.memory_space<semaphore_mem>>) src(%arg5 : memref<25x16xf32, #tpu.memory_space<vmem>>) dst(%dma_wait3A_56 : memref<25x16xf32, #tpu.memory_space<vmem_shared>>)
        tpu.yield
      }) : () -> ()
    }
    %scan3A_19 = arith.constant 25 : i32
    %barrier3A = arith.constant 0 : index
    tpu.barrier barrier_id(%barrier3A)
    %mul3A_20 = arith.constant 5000 : i32
    %mul3A_21 = arith.muli %add3A, %mul3A_20 : i32
    %scan3A_22 = arith.constant 0 : i32
    %scan3A_23 = arith.constant 0 : i32
    %scan3A_24 = arith.constant 125 : i32
    %scan3A_25 = arith.addi %scan3A_23, %scan3A_24 : i32
    %scan3A_26 = arith.constant 1 : i32
    scf.for %scan3A_47 = %scan3A_23 to %scan3A_25 step %scan3A_26  : i32 {
      %mul3A_48 = arith.constant 40 : i32
      %mul3A_49 = arith.muli %scan3A_47, %mul3A_48 : i32
      %add3A_50 = arith.addi %mul3A_21, %mul3A_49 : i32
      %dma_start3A = arith.constant 0 : i32
      %dma_start3A_51 = tpu.memref_slice %arg7[%scan3A_47, %dma_start3A] : memref<125x40xi32, #tpu.memory_space<vmem>> -> memref<1x40xi32, #tpu.memory_space<vmem>>
      %dma_start3A_52 = tpu.memref_squeeze %dma_start3A_51 : memref<1x40xi32, #tpu.memory_space<vmem>> -> memref<40xi32, #tpu.memory_space<vmem>>
      %dma_start3A_53 = tpu.memref_slice %arg2[%add3A_50] : memref<160000xi32, #tpu.memory_space<hbm>> -> memref<40xi32, #tpu.memory_space<hbm>>
      %dma_start3A_54 = arith.constant 0 : i32
      %dma_start3A_55 = tpu.memref_slice %arg7[%scan3A_47, %dma_start3A_54] : memref<125x40xi32, #tpu.memory_space<vmem>> -> memref<1x40xi32, #tpu.memory_space<vmem>>
      %dma_start3A_56 = tpu.memref_squeeze %dma_start3A_55 : memref<1x40xi32, #tpu.memory_space<vmem>> -> memref<40xi32, #tpu.memory_space<vmem>>
      %dma_start3A_57 = tpu.memref_slice %arg2[%add3A_50] : memref<160000xi32, #tpu.memory_space<hbm>> -> memref<40xi32, #tpu.memory_space<hbm>>
      tpu.enqueue_dma source(%dma_start3A_57 : memref<40xi32, #tpu.memory_space<hbm>>) target(%dma_start3A_56 : memref<40xi32, #tpu.memory_space<vmem>>) target_semaphore(%arg8 : memref<!tpu.dma_semaphore, #tpu.memory_space<semaphore_mem>>)
    }
    %scan3A_27 = arith.constant 125 : i32
    %scan3A_28 = arith.constant 0 : i32
    %scan3A_29 = arith.constant 0 : i32
    %scan3A_30 = arith.constant 125 : i32
    %scan3A_31 = arith.addi %scan3A_29, %scan3A_30 : i32
    %scan3A_32 = arith.constant 1 : i32
    scf.for %scan3A_47 = %scan3A_29 to %scan3A_31 step %scan3A_32  : i32 {
      %dma_wait3A = arith.constant 0 : i32
      %dma_wait3A_48 = arith.constant 0 : i32
      %dma_wait3A_49 = tpu.memref_slice %arg7[%dma_wait3A, %dma_wait3A_48] : memref<125x40xi32, #tpu.memory_space<vmem>> -> memref<1x40xi32, #tpu.memory_space<vmem>>
      %dma_wait3A_50 = tpu.memref_squeeze %dma_wait3A_49 : memref<1x40xi32, #tpu.memory_space<vmem>> -> memref<40xi32, #tpu.memory_space<vmem>>
      %dma_wait3A_51 = tpu.memref_slice %arg2[%mul3A_21] : memref<160000xi32, #tpu.memory_space<hbm>> -> memref<40xi32, #tpu.memory_space<hbm>>
      %dma_wait3A_52 = arith.constant 0 : i32
      %dma_wait3A_53 = tpu.memref_slice %arg7[%dma_wait3A, %dma_wait3A_52] : memref<125x40xi32, #tpu.memory_space<vmem>> -> memref<1x40xi32, #tpu.memory_space<vmem>>
      %dma_wait3A_54 = tpu.memref_squeeze %dma_wait3A_53 : memref<1x40xi32, #tpu.memory_space<vmem>> -> memref<40xi32, #tpu.memory_space<vmem>>
      %dma_wait3A_55 = tpu.memref_slice %arg2[%mul3A_21] : memref<160000xi32, #tpu.memory_space<hbm>> -> memref<40xi32, #tpu.memory_space<hbm>>
      tpu.wait_dma2 semaphore(%arg8 : memref<!tpu.dma_semaphore, #tpu.memory_space<semaphore_mem>>) src(%dma_wait3A_55 : memref<40xi32, #tpu.memory_space<hbm>>) dst(%dma_wait3A_54 : memref<40xi32, #tpu.memory_space<vmem>>)
    }
    %scan3A_33 = arith.constant 125 : i32
    %scan3A_34 = arith.constant 0 : i32
    %scan3A_35 = arith.constant 0 : i32
    %scan3A_36 = arith.constant 125 : i32
    %scan3A_37 = arith.addi %scan3A_35, %scan3A_36 : i32
    %scan3A_38 = arith.constant 1 : i32
    scf.for %scan3A_47 = %scan3A_35 to %scan3A_37 step %scan3A_38  : i32 {
      %dma_start3A = arith.constant 0 : i32
      %dma_start3A_48 = tpu.memref_slice %arg7[%scan3A_47, %dma_start3A] : memref<125x40xi32, #tpu.memory_space<vmem>> -> memref<1x40xi32, #tpu.memory_space<vmem>>
      %dma_start3A_49 = tpu.memref_squeeze %dma_start3A_48 : memref<1x40xi32, #tpu.memory_space<vmem>> -> memref<40xi32, #tpu.memory_space<vmem>>
      %dma_start3A_50 = arith.constant 0 : i32
      %dma_start3A_51 = arith.constant 0 : i32
      %dma_start3A_52 = tpu.memref_slice %arg4[%dma_start3A_50, %dma_start3A_51] : memref<10000x16xf32, #tpu.memory_space<vmem_shared>> -> memref<10000x16xf32, #tpu.memory_space<vmem_shared>>
      tpu.enqueue_indirect_dma source(%arg6 : memref<40x16xf32, #tpu.memory_space<vmem>>) target(%dma_start3A_52 : memref<10000x16xf32, #tpu.memory_space<vmem_shared>>) offsets(%dma_start3A_49 : memref<40xi32, #tpu.memory_space<vmem>>) semaphore(%arg8 : memref<!tpu.dma_semaphore, #tpu.memory_space<semaphore_mem>>) {add = true}
    }
    %scan3A_39 = arith.constant 125 : i32
    %scan3A_40 = arith.constant 0 : i32
    %scan3A_41 = arith.constant 0 : i32
    %scan3A_42 = arith.constant 125 : i32
    %scan3A_43 = arith.addi %scan3A_41, %scan3A_42 : i32
    %scan3A_44 = arith.constant 1 : i32
    scf.for %scan3A_47 = %scan3A_41 to %scan3A_43 step %scan3A_44  : i32 {
      %dma_wait3A = arith.constant 0 : i32
      %dma_wait3A_48 = arith.constant 0 : i32
      %dma_wait3A_49 = tpu.memref_slice %arg7[%dma_wait3A, %dma_wait3A_48] : memref<125x40xi32, #tpu.memory_space<vmem>> -> memref<1x40xi32, #tpu.memory_space<vmem>>
      %dma_wait3A_50 = tpu.memref_squeeze %dma_wait3A_49 : memref<1x40xi32, #tpu.memory_space<vmem>> -> memref<40xi32, #tpu.memory_space<vmem>>
      %dma_wait3A_51 = arith.constant 0 : i32
      %dma_wait3A_52 = arith.constant 0 : i32
      %dma_wait3A_53 = tpu.memref_slice %arg4[%dma_wait3A_51, %dma_wait3A_52] : memref<10000x16xf32, #tpu.memory_space<vmem_shared>> -> memref<10000x16xf32, #tpu.memory_space<vmem_shared>>
      tpu.wait_indirect_dma semaphore(%arg8 : memref<!tpu.dma_semaphore, #tpu.memory_space<semaphore_mem>>) src(%arg6 : memref<40x16xf32, #tpu.memory_space<vmem>>) dst(%dma_wait3A_53 : memref<10000x16xf32, #tpu.memory_space<vmem_shared>>)
    }
    %scan3A_45 = arith.constant 125 : i32
    %barrier3A_46 = arith.constant 0 : index
    tpu.barrier barrier_id(%barrier3A_46)
    "tpu.region"() ({
      %run_scoped3A = tpu.sem_alloc : memref<!tpu.dma_semaphore, #tpu.memory_space<semaphore_mem>>
      %dma_start3A = arith.constant 0 : i32
      %dma_start3A_47 = tpu.memref_slice %arg3[%arg0, %mul3A_13, %dma_start3A] : memref<2x10000x16xf32, #tpu.memory_space<hbm>> -> memref<1x625x16xf32, #tpu.memory_space<hbm>>
      %dma_start3A_48 = tpu.memref_squeeze %dma_start3A_47 : memref<1x625x16xf32, #tpu.memory_space<hbm>> -> memref<625x16xf32, #tpu.memory_space<hbm>>
      %dma_start3A_49 = arith.constant 0 : i32
      %dma_start3A_50 = tpu.memref_slice %arg4[%mul3A_13, %dma_start3A_49] : memref<10000x16xf32, #tpu.memory_space<vmem_shared>> -> memref<625x16xf32, #tpu.memory_space<vmem_shared>>
      tpu.enqueue_dma source(%dma_start3A_50 : memref<625x16xf32, #tpu.memory_space<vmem_shared>>) target(%dma_start3A_48 : memref<625x16xf32, #tpu.memory_space<hbm>>) target_semaphore(%run_scoped3A : memref<!tpu.dma_semaphore, #tpu.memory_space<semaphore_mem>>)
      %dma_wait3A = arith.constant 0 : i32
      %dma_wait3A_51 = tpu.memref_slice %arg3[%arg0, %mul3A_13, %dma_wait3A] : memref<2x10000x16xf32, #tpu.memory_space<hbm>> -> memref<1x625x16xf32, #tpu.memory_space<hbm>>
      %dma_wait3A_52 = tpu.memref_squeeze %dma_wait3A_51 : memref<1x625x16xf32, #tpu.memory_space<hbm>> -> memref<625x16xf32, #tpu.memory_space<hbm>>
      %dma_wait3A_53 = arith.constant 0 : i32
      %dma_wait3A_54 = tpu.memref_slice %arg4[%mul3A_13, %dma_wait3A_53] : memref<10000x16xf32, #tpu.memory_space<vmem_shared>> -> memref<625x16xf32, #tpu.memory_space<vmem_shared>>
      tpu.wait_dma2 semaphore(%run_scoped3A : memref<!tpu.dma_semaphore, #tpu.memory_space<semaphore_mem>>) src(%dma_wait3A_54 : memref<625x16xf32, #tpu.memory_space<vmem_shared>>) dst(%dma_wait3A_52 : memref<625x16xf32, #tpu.memory_space<hbm>>)
      tpu.yield
    }) : () -> ()
    return
  }
}

#map = affine_map<(d0, d1) -> (0, 0)>
module attributes {stable_mosaic.version = 14 : i64} {
  func.func @_scatter_kernel(%arg0: i32, %arg1: i32, %arg2: memref<20000x128xf32, #tpu.memory_space<hbm>>, %arg3: memref<2x160000xi32, #tpu.memory_space<hbm>>, %arg4: memref<20000x128xf32, #tpu.memory_space<hbm>>, %arg5: memref<10000x128xf32, #tpu.memory_space<vmem_shared>>, %arg6: memref<2x40xi32, #tpu.memory_space<vmem>>, %arg7: memref<2x40xi32, #tpu.memory_space<vmem>>, %arg8: memref<2x40xi32, #tpu.memory_space<vmem>>, %arg9: memref<2x40xi32, #tpu.memory_space<vmem>>, %arg10: memref<2x40xi32, #tpu.memory_space<vmem>>, %arg11: memref<2x40xi32, #tpu.memory_space<vmem>>, %arg12: memref<2x40xi32, #tpu.memory_space<vmem>>, %arg13: memref<2x40xi32, #tpu.memory_space<vmem>>, %arg14: memref<2x40xi32, #tpu.memory_space<vmem>>, %arg15: memref<2x40xi32, #tpu.memory_space<vmem>>, %arg16: memref<40xi32, #tpu.memory_space<vmem>>, %arg17: memref<40xi32, #tpu.memory_space<vmem>>, %arg18: memref<40xi32, #tpu.memory_space<vmem>>, %arg19: memref<40xi32, #tpu.memory_space<vmem>>, %arg20: memref<40xi32, #tpu.memory_space<vmem>>, %arg21: memref<40xi32, #tpu.memory_space<vmem>>, %arg22: memref<40xi32, #tpu.memory_space<vmem>>, %arg23: memref<40xi32, #tpu.memory_space<vmem>>, %arg24: memref<40xi32, #tpu.memory_space<vmem>>, %arg25: memref<40xi32, #tpu.memory_space<vmem>>, %arg26: memref<40x128xf32, #tpu.memory_space<vmem>>, %arg27: memref<40x128xf32, #tpu.memory_space<vmem>>, %arg28: memref<40x128xf32, #tpu.memory_space<vmem>>, %arg29: memref<40x128xf32, #tpu.memory_space<vmem>>, %arg30: memref<40x128xf32, #tpu.memory_space<vmem>>, %arg31: memref<!tpu.dma_semaphore, #tpu.memory_space<semaphore_mem>>, %arg32: memref<!tpu.dma_semaphore, #tpu.memory_space<semaphore_mem>>, %arg33: memref<!tpu.dma_semaphore, #tpu.memory_space<semaphore_mem>>, %arg34: memref<!tpu.dma_semaphore, #tpu.memory_space<semaphore_mem>>, %arg35: memref<!tpu.dma_semaphore, #tpu.memory_space<semaphore_mem>>, %arg36: memref<!tpu.dma_semaphore, #tpu.memory_space<semaphore_mem>>, %arg37: memref<!tpu.dma_semaphore, #tpu.memory_space<semaphore_mem>>, %arg38: memref<!tpu.dma_semaphore, #tpu.memory_space<semaphore_mem>>, %arg39: memref<!tpu.dma_semaphore, #tpu.memory_space<semaphore_mem>>, %arg40: memref<!tpu.dma_semaphore, #tpu.memory_space<semaphore_mem>>, %arg41: memref<!tpu.dma_semaphore, #tpu.memory_space<semaphore_mem>>, %arg42: memref<!tpu.dma_semaphore, #tpu.memory_space<semaphore_mem>>, %arg43: memref<!tpu.dma_semaphore, #tpu.memory_space<semaphore_mem>>, %arg44: memref<!tpu.dma_semaphore, #tpu.memory_space<semaphore_mem>>, %arg45: memref<!tpu.dma_semaphore, #tpu.memory_space<semaphore_mem>>, %arg46: memref<!tpu.dma_semaphore, #tpu.memory_space<semaphore_mem>>, %arg47: memref<!tpu.dma_semaphore, #tpu.memory_space<semaphore_mem>>, %arg48: memref<!tpu.dma_semaphore, #tpu.memory_space<semaphore_mem>>, %arg49: memref<!tpu.dma_semaphore, #tpu.memory_space<semaphore_mem>>, %arg50: memref<!tpu.dma_semaphore, #tpu.memory_space<semaphore_mem>>) attributes {dimension_semantics = [#tpu.dimension_semantics<core_parallel>, #tpu.dimension_semantics<subcore_parallel>], iteration_bounds = array<i64: 2, 16>, scalar_prefetch = 0 : i64, scratch_operands = 46 : i64, tpu.core_type = #tpu.core_type<sc_vector_subcore>, window_params = [{transform_indices = #map}, {transform_indices = #map}, {transform_indices = #map}]} {
    %mul3A = arith.constant 625 : i32
    %mul3A_0 = arith.muli %arg1, %mul3A : i32
    %mul3A_1 = arith.constant 10000 : i32
    %mul3A_2 = arith.muli %arg0, %mul3A_1 : i32
    %add3A = arith.addi %mul3A_2, %mul3A_0 : i32
    %dma_start3A = arith.constant 0 : i32
    %dma_start3A_3 = tpu.memref_slice %arg5[%mul3A_0, %dma_start3A] : memref<10000x128xf32, #tpu.memory_space<vmem_shared>> -> memref<625x128xf32, #tpu.memory_space<vmem_shared>>
    %dma_start3A_4 = arith.constant 0 : i32
    %dma_start3A_5 = tpu.memref_slice %arg2[%add3A, %dma_start3A_4] : memref<20000x128xf32, #tpu.memory_space<hbm>> -> memref<625x128xf32, #tpu.memory_space<hbm>>
    tpu.enqueue_dma source(%dma_start3A_5 : memref<625x128xf32, #tpu.memory_space<hbm>>) target(%dma_start3A_3 : memref<625x128xf32, #tpu.memory_space<vmem_shared>>) target_semaphore(%arg31 : memref<!tpu.dma_semaphore, #tpu.memory_space<semaphore_mem>>)
    %mul3A_6 = arith.constant 10000 : i32
    %mul3A_7 = arith.muli %arg1, %mul3A_6 : i32
    %add3A_8 = arith.constant 40 : i32
    %add3A_9 = arith.addi %mul3A_7, %add3A_8 : i32
    %dma_start3A_10 = arith.constant 0 : i32
    %dma_start3A_11 = tpu.memref_slice %arg3[%dma_start3A_10, %add3A_9] : memref<2x160000xi32, #tpu.memory_space<hbm>> -> memref<2x40xi32, #tpu.memory_space<hbm>>
    %dma_start3A_12 = arith.constant 0 : i32
    %dma_start3A_13 = tpu.memref_slice %arg3[%dma_start3A_12, %add3A_9] : memref<2x160000xi32, #tpu.memory_space<hbm>> -> memref<2x40xi32, #tpu.memory_space<hbm>>
    tpu.enqueue_dma source(%dma_start3A_13 : memref<2x40xi32, #tpu.memory_space<hbm>>) target(%arg7 : memref<2x40xi32, #tpu.memory_space<vmem>>) target_semaphore(%arg32 : memref<!tpu.dma_semaphore, #tpu.memory_space<semaphore_mem>>)
    %add3A_14 = arith.constant 80 : i32
    %add3A_15 = arith.addi %mul3A_7, %add3A_14 : i32
    %dma_start3A_16 = arith.constant 0 : i32
    %dma_start3A_17 = tpu.memref_slice %arg3[%dma_start3A_16, %add3A_15] : memref<2x160000xi32, #tpu.memory_space<hbm>> -> memref<2x40xi32, #tpu.memory_space<hbm>>
    %dma_start3A_18 = arith.constant 0 : i32
    %dma_start3A_19 = tpu.memref_slice %arg3[%dma_start3A_18, %add3A_15] : memref<2x160000xi32, #tpu.memory_space<hbm>> -> memref<2x40xi32, #tpu.memory_space<hbm>>
    tpu.enqueue_dma source(%dma_start3A_19 : memref<2x40xi32, #tpu.memory_space<hbm>>) target(%arg8 : memref<2x40xi32, #tpu.memory_space<vmem>>) target_semaphore(%arg33 : memref<!tpu.dma_semaphore, #tpu.memory_space<semaphore_mem>>)
    %add3A_20 = arith.constant 120 : i32
    %add3A_21 = arith.addi %mul3A_7, %add3A_20 : i32
    %dma_start3A_22 = arith.constant 0 : i32
    %dma_start3A_23 = tpu.memref_slice %arg3[%dma_start3A_22, %add3A_21] : memref<2x160000xi32, #tpu.memory_space<hbm>> -> memref<2x40xi32, #tpu.memory_space<hbm>>
    %dma_start3A_24 = arith.constant 0 : i32
    %dma_start3A_25 = tpu.memref_slice %arg3[%dma_start3A_24, %add3A_21] : memref<2x160000xi32, #tpu.memory_space<hbm>> -> memref<2x40xi32, #tpu.memory_space<hbm>>
    tpu.enqueue_dma source(%dma_start3A_25 : memref<2x40xi32, #tpu.memory_space<hbm>>) target(%arg9 : memref<2x40xi32, #tpu.memory_space<vmem>>) target_semaphore(%arg34 : memref<!tpu.dma_semaphore, #tpu.memory_space<semaphore_mem>>)
    %add3A_26 = arith.constant 160 : i32
    %add3A_27 = arith.addi %mul3A_7, %add3A_26 : i32
    %dma_start3A_28 = arith.constant 0 : i32
    %dma_start3A_29 = tpu.memref_slice %arg3[%dma_start3A_28, %add3A_27] : memref<2x160000xi32, #tpu.memory_space<hbm>> -> memref<2x40xi32, #tpu.memory_space<hbm>>
    %dma_start3A_30 = arith.constant 0 : i32
    %dma_start3A_31 = tpu.memref_slice %arg3[%dma_start3A_30, %add3A_27] : memref<2x160000xi32, #tpu.memory_space<hbm>> -> memref<2x40xi32, #tpu.memory_space<hbm>>
    tpu.enqueue_dma source(%dma_start3A_31 : memref<2x40xi32, #tpu.memory_space<hbm>>) target(%arg10 : memref<2x40xi32, #tpu.memory_space<vmem>>) target_semaphore(%arg35 : memref<!tpu.dma_semaphore, #tpu.memory_space<semaphore_mem>>)
    %add3A_32 = arith.constant 200 : i32
    %add3A_33 = arith.addi %mul3A_7, %add3A_32 : i32
    %dma_start3A_34 = arith.constant 0 : i32
    %dma_start3A_35 = tpu.memref_slice %arg3[%dma_start3A_34, %add3A_33] : memref<2x160000xi32, #tpu.memory_space<hbm>> -> memref<2x40xi32, #tpu.memory_space<hbm>>
    %dma_start3A_36 = arith.constant 0 : i32
    %dma_start3A_37 = tpu.memref_slice %arg3[%dma_start3A_36, %add3A_33] : memref<2x160000xi32, #tpu.memory_space<hbm>> -> memref<2x40xi32, #tpu.memory_space<hbm>>
    tpu.enqueue_dma source(%dma_start3A_37 : memref<2x40xi32, #tpu.memory_space<hbm>>) target(%arg11 : memref<2x40xi32, #tpu.memory_space<vmem>>) target_semaphore(%arg36 : memref<!tpu.dma_semaphore, #tpu.memory_space<semaphore_mem>>)
    %add3A_38 = arith.constant 240 : i32
    %add3A_39 = arith.addi %mul3A_7, %add3A_38 : i32
    %dma_start3A_40 = arith.constant 0 : i32
    %dma_start3A_41 = tpu.memref_slice %arg3[%dma_start3A_40, %add3A_39] : memref<2x160000xi32, #tpu.memory_space<hbm>> -> memref<2x40xi32, #tpu.memory_space<hbm>>
    %dma_start3A_42 = arith.constant 0 : i32
    %dma_start3A_43 = tpu.memref_slice %arg3[%dma_start3A_42, %add3A_39] : memref<2x160000xi32, #tpu.memory_space<hbm>> -> memref<2x40xi32, #tpu.memory_space<hbm>>
    tpu.enqueue_dma source(%dma_start3A_43 : memref<2x40xi32, #tpu.memory_space<hbm>>) target(%arg12 : memref<2x40xi32, #tpu.memory_space<vmem>>) target_semaphore(%arg37 : memref<!tpu.dma_semaphore, #tpu.memory_space<semaphore_mem>>)
    %add3A_44 = arith.constant 280 : i32
    %add3A_45 = arith.addi %mul3A_7, %add3A_44 : i32
    %dma_start3A_46 = arith.constant 0 : i32
    %dma_start3A_47 = tpu.memref_slice %arg3[%dma_start3A_46, %add3A_45] : memref<2x160000xi32, #tpu.memory_space<hbm>> -> memref<2x40xi32, #tpu.memory_space<hbm>>
    %dma_start3A_48 = arith.constant 0 : i32
    %dma_start3A_49 = tpu.memref_slice %arg3[%dma_start3A_48, %add3A_45] : memref<2x160000xi32, #tpu.memory_space<hbm>> -> memref<2x40xi32, #tpu.memory_space<hbm>>
    tpu.enqueue_dma source(%dma_start3A_49 : memref<2x40xi32, #tpu.memory_space<hbm>>) target(%arg13 : memref<2x40xi32, #tpu.memory_space<vmem>>) target_semaphore(%arg38 : memref<!tpu.dma_semaphore, #tpu.memory_space<semaphore_mem>>)
    %add3A_50 = arith.constant 320 : i32
    %add3A_51 = arith.addi %mul3A_7, %add3A_50 : i32
    %dma_start3A_52 = arith.constant 0 : i32
    %dma_start3A_53 = tpu.memref_slice %arg3[%dma_start3A_52, %add3A_51] : memref<2x160000xi32, #tpu.memory_space<hbm>> -> memref<2x40xi32, #tpu.memory_space<hbm>>
    %dma_start3A_54 = arith.constant 0 : i32
    %dma_start3A_55 = tpu.memref_slice %arg3[%dma_start3A_54, %add3A_51] : memref<2x160000xi32, #tpu.memory_space<hbm>> -> memref<2x40xi32, #tpu.memory_space<hbm>>
    tpu.enqueue_dma source(%dma_start3A_55 : memref<2x40xi32, #tpu.memory_space<hbm>>) target(%arg14 : memref<2x40xi32, #tpu.memory_space<vmem>>) target_semaphore(%arg39 : memref<!tpu.dma_semaphore, #tpu.memory_space<semaphore_mem>>)
    %add3A_56 = arith.constant 360 : i32
    %add3A_57 = arith.addi %mul3A_7, %add3A_56 : i32
    %dma_start3A_58 = arith.constant 0 : i32
    %dma_start3A_59 = tpu.memref_slice %arg3[%dma_start3A_58, %add3A_57] : memref<2x160000xi32, #tpu.memory_space<hbm>> -> memref<2x40xi32, #tpu.memory_space<hbm>>
    %dma_start3A_60 = arith.constant 0 : i32
    %dma_start3A_61 = tpu.memref_slice %arg3[%dma_start3A_60, %add3A_57] : memref<2x160000xi32, #tpu.memory_space<hbm>> -> memref<2x40xi32, #tpu.memory_space<hbm>>
    tpu.enqueue_dma source(%dma_start3A_61 : memref<2x40xi32, #tpu.memory_space<hbm>>) target(%arg15 : memref<2x40xi32, #tpu.memory_space<vmem>>) target_semaphore(%arg40 : memref<!tpu.dma_semaphore, #tpu.memory_space<semaphore_mem>>)
    %dma_wait3A = arith.constant 0 : i32
    %dma_wait3A_62 = tpu.memref_slice %arg5[%mul3A_0, %dma_wait3A] : memref<10000x128xf32, #tpu.memory_space<vmem_shared>> -> memref<625x128xf32, #tpu.memory_space<vmem_shared>>
    %dma_wait3A_63 = arith.constant 0 : i32
    %dma_wait3A_64 = tpu.memref_slice %arg2[%add3A, %dma_wait3A_63] : memref<20000x128xf32, #tpu.memory_space<hbm>> -> memref<625x128xf32, #tpu.memory_space<hbm>>
    tpu.wait_dma2 semaphore(%arg31 : memref<!tpu.dma_semaphore, #tpu.memory_space<semaphore_mem>>) src(%dma_wait3A_64 : memref<625x128xf32, #tpu.memory_space<hbm>>) dst(%dma_wait3A_62 : memref<625x128xf32, #tpu.memory_space<vmem_shared>>)
    %add3A_65 = arith.constant 0 : i32
    %add3A_66 = arith.addi %mul3A_7, %add3A_65 : i32
    %dma_start3A_67 = arith.constant 0 : i32
    %dma_start3A_68 = tpu.memref_slice %arg3[%dma_start3A_67, %add3A_66] : memref<2x160000xi32, #tpu.memory_space<hbm>> -> memref<2x40xi32, #tpu.memory_space<hbm>>
    %dma_start3A_69 = arith.constant 0 : i32
    %dma_start3A_70 = tpu.memref_slice %arg3[%dma_start3A_69, %add3A_66] : memref<2x160000xi32, #tpu.memory_space<hbm>> -> memref<2x40xi32, #tpu.memory_space<hbm>>
    tpu.enqueue_dma source(%dma_start3A_70 : memref<2x40xi32, #tpu.memory_space<hbm>>) target(%arg6 : memref<2x40xi32, #tpu.memory_space<vmem>>) target_semaphore(%arg31 : memref<!tpu.dma_semaphore, #tpu.memory_space<semaphore_mem>>)
    %barrier3A = arith.constant 0 : index
    tpu.barrier barrier_id(%barrier3A)
    %scan3A = arith.constant 0 : i32
    %scan3A_71 = arith.constant 0 : i32
    %scan3A_72 = arith.constant 25 : i32
    %scan3A_73 = arith.addi %scan3A_71, %scan3A_72 : i32
    %scan3A_74 = arith.constant 1 : i32
    scf.for %scan3A_113 = %scan3A_71 to %scan3A_73 step %scan3A_74  : i32 {
      %dma_wait3A_114 = arith.constant 0 : i32
      %dma_wait3A_115 = tpu.memref_slice %arg3[%dma_wait3A_114, %mul3A_7] : memref<2x160000xi32, #tpu.memory_space<hbm>> -> memref<2x40xi32, #tpu.memory_space<hbm>>
      %dma_wait3A_116 = arith.constant 0 : i32
      %dma_wait3A_117 = tpu.memref_slice %arg3[%dma_wait3A_116, %mul3A_7] : memref<2x160000xi32, #tpu.memory_space<hbm>> -> memref<2x40xi32, #tpu.memory_space<hbm>>
      tpu.wait_dma2 semaphore(%arg31 : memref<!tpu.dma_semaphore, #tpu.memory_space<semaphore_mem>>) src(%dma_wait3A_117 : memref<2x40xi32, #tpu.memory_space<hbm>>) dst(%arg6 : memref<2x40xi32, #tpu.memory_space<vmem>>)
      %get3A = arith.constant 0 : i32
      %get3A_118 = arith.index_cast %get3A : i32 to index
      %get3A_119 = arith.constant 0 : index
      %get3A_120 = tpu.vector_load %arg6[%get3A_118, %get3A_119] {strides = array<i32>} : memref<2x40xi32, #tpu.memory_space<vmem>>, vector<1x16xi32>,
      %get3A_121 = vector.shape_cast %get3A_120 : vector<1x16xi32> to vector<16xi32>
      %add3A_122 = vector.broadcast %mul3A_2 : i32 to vector<16xi32>
      %add3A_123 = arith.addi %get3A_121, %add3A_122 : vector<16xi32>
      %swap3A = arith.constant 0 : index
      %swap3A_124 = tpu.vector_load %arg16[%swap3A] {strides = array<i32>} : memref<40xi32, #tpu.memory_space<vmem>>, vector<16xi32>,
      %swap3A_125 = vector.shape_cast %swap3A_124 : vector<16xi32> to vector<16xi32>
      %swap3A_126 = vector.shape_cast %add3A_123 : vector<16xi32> to vector<16xi32>
      tpu.vector_store %arg16[%swap3A], %swap3A_126 {strides = array<i32>} : memref<40xi32, #tpu.memory_space<vmem>>, vector<16xi32>,
      %get3A_127 = arith.constant 0 : i32
      %get3A_128 = arith.index_cast %get3A_127 : i32 to index
      %get3A_129 = arith.constant 16 : index
      %get3A_130 = tpu.vector_load %arg6[%get3A_128, %get3A_129] {strides = array<i32>} : memref<2x40xi32, #tpu.memory_space<vmem>>, vector<1x16xi32>,
      %get3A_131 = vector.shape_cast %get3A_130 : vector<1x16xi32> to vector<16xi32>
      %add3A_132 = vector.broadcast %mul3A_2 : i32 to vector<16xi32>
      %add3A_133 = arith.addi %get3A_131, %add3A_132 : vector<16xi32>
      %swap3A_134 = arith.constant 16 : index
      %swap3A_135 = tpu.vector_load %arg16[%swap3A_134] {strides = array<i32>} : memref<40xi32, #tpu.memory_space<vmem>>, vector<16xi32>,
      %swap3A_136 = vector.shape_cast %swap3A_135 : vector<16xi32> to vector<16xi32>
      %swap3A_137 = vector.shape_cast %add3A_133 : vector<16xi32> to vector<16xi32>
      tpu.vector_store %arg16[%swap3A_134], %swap3A_137 {strides = array<i32>} : memref<40xi32, #tpu.memory_space<vmem>>, vector<16xi32>,
      %get3A_138 = arith.constant 0 : i32
      %get3A_139 = arith.index_cast %get3A_138 : i32 to index
      %get3A_140 = arith.constant 24 : index
      %get3A_141 = tpu.vector_load %arg6[%get3A_139, %get3A_140] {strides = array<i32>} : memref<2x40xi32, #tpu.memory_space<vmem>>, vector<1x16xi32>,
      %get3A_142 = vector.shape_cast %get3A_141 : vector<1x16xi32> to vector<16xi32>
      %add3A_143 = vector.broadcast %mul3A_2 : i32 to vector<16xi32>
      %add3A_144 = arith.addi %get3A_142, %add3A_143 : vector<16xi32>
      %swap3A_145 = arith.constant 24 : index
      %swap3A_146 = tpu.vector_load %arg16[%swap3A_145] {strides = array<i32>} : memref<40xi32, #tpu.memory_space<vmem>>, vector<16xi32>,
      %swap3A_147 = vector.shape_cast %swap3A_146 : vector<16xi32> to vector<16xi32>
      %swap3A_148 = vector.shape_cast %add3A_144 : vector<16xi32> to vector<16xi32>
      tpu.vector_store %arg16[%swap3A_145], %swap3A_148 {strides = array<i32>} : memref<40xi32, #tpu.memory_space<vmem>>, vector<16xi32>,
      %gt3A = arith.constant 0 : i32
      %gt3A_149 = arith.cmpi sgt, %scan3A_113, %gt3A : i32
      %convert_element_type3A = arith.extui %gt3A_149 : i1 to i32
      %cond3A = arith.constant 0 : i32
      %cond3A_150 = arith.cmpi ne, %convert_element_type3A, %cond3A : i32
      scf.if %cond3A_150 {
        %dma_wait3A_832 = arith.constant 1 : i32
        %dma_wait3A_833 = arith.constant 0 : i32
        %dma_wait3A_834 = tpu.memref_slice %arg11[%dma_wait3A_832, %dma_wait3A_833] : memref<2x40xi32, #tpu.memory_space<vmem>> -> memref<1x40xi32, #tpu.memory_space<vmem>>
        %dma_wait3A_835 = tpu.memref_squeeze %dma_wait3A_834 : memref<1x40xi32, #tpu.memory_space<vmem>> -> memref<40xi32, #tpu.memory_space<vmem>>
        %dma_wait3A_836 = arith.constant 0 : i32
        %dma_wait3A_837 = arith.constant 0 : i32
        %dma_wait3A_838 = tpu.memref_slice %arg5[%dma_wait3A_836, %dma_wait3A_837] : memref<10000x128xf32, #tpu.memory_space<vmem_shared>> -> memref<10000x128xf32, #tpu.memory_space<vmem_shared>>
        tpu.wait_indirect_dma semaphore(%arg46 : memref<!tpu.dma_semaphore, #tpu.memory_space<semaphore_mem>>) src(%arg26 : memref<40x128xf32, #tpu.memory_space<vmem>>) dst(%dma_wait3A_838 : memref<10000x128xf32, #tpu.memory_space<vmem_shared>>)
      } else {
      }
      %dma_start3A_151 = arith.constant 0 : i32
      %dma_start3A_152 = arith.constant 0 : i32
      %dma_start3A_153 = tpu.memref_slice %arg2[%dma_start3A_151, %dma_start3A_152] : memref<20000x128xf32, #tpu.memory_space<hbm>> -> memref<20000x128xf32, #tpu.memory_space<hbm>>
      tpu.enqueue_indirect_dma source(%dma_start3A_153 : memref<20000x128xf32, #tpu.memory_space<hbm>>) target(%arg26 : memref<40x128xf32, #tpu.memory_space<vmem>>) offsets(%arg16 : memref<40xi32, #tpu.memory_space<vmem>>) semaphore(%arg41 : memref<!tpu.dma_semaphore, #tpu.memory_space<semaphore_mem>>)
      %dma_wait3A_154 = arith.constant 0 : i32
      %dma_wait3A_155 = tpu.memref_slice %arg3[%dma_wait3A_154, %mul3A_7] : memref<2x160000xi32, #tpu.memory_space<hbm>> -> memref<2x40xi32, #tpu.memory_space<hbm>>
      %dma_wait3A_156 = arith.constant 0 : i32
      %dma_wait3A_157 = tpu.memref_slice %arg3[%dma_wait3A_156, %mul3A_7] : memref<2x160000xi32, #tpu.memory_space<hbm>> -> memref<2x40xi32, #tpu.memory_space<hbm>>
      tpu.wait_dma2 semaphore(%arg32 : memref<!tpu.dma_semaphore, #tpu.memory_space<semaphore_mem>>) src(%dma_wait3A_157 : memref<2x40xi32, #tpu.memory_space<hbm>>) dst(%arg7 : memref<2x40xi32, #tpu.memory_space<vmem>>)
      %get3A_158 = arith.constant 0 : i32
      %get3A_159 = arith.index_cast %get3A_158 : i32 to index
      %get3A_160 = arith.constant 0 : index
      %get3A_161 = tpu.vector_load %arg7[%get3A_159, %get3A_160] {strides = array<i32>} : memref<2x40xi32, #tpu.memory_space<vmem>>, vector<1x16xi32>,
      %get3A_162 = vector.shape_cast %get3A_161 : vector<1x16xi32> to vector<16xi32>
      %add3A_163 = vector.broadcast %mul3A_2 : i32 to vector<16xi32>
      %add3A_164 = arith.addi %get3A_162, %add3A_163 : vector<16xi32>
      %swap3A_165 = arith.constant 0 : index
      %swap3A_166 = tpu.vector_load %arg17[%swap3A_165] {strides = array<i32>} : memref<40xi32, #tpu.memory_space<vmem>>, vector<16xi32>,
      %swap3A_167 = vector.shape_cast %swap3A_166 : vector<16xi32> to vector<16xi32>
      %swap3A_168 = vector.shape_cast %add3A_164 : vector<16xi32> to vector<16xi32>
      tpu.vector_store %arg17[%swap3A_165], %swap3A_168 {strides = array<i32>} : memref<40xi32, #tpu.memory_space<vmem>>, vector<16xi32>,
      %get3A_169 = arith.constant 0 : i32
      %get3A_170 = arith.index_cast %get3A_169 : i32 to index
      %get3A_171 = arith.constant 16 : index
      %get3A_172 = tpu.vector_load %arg7[%get3A_170, %get3A_171] {strides = array<i32>} : memref<2x40xi32, #tpu.memory_space<vmem>>, vector<1x16xi32>,
      %get3A_173 = vector.shape_cast %get3A_172 : vector<1x16xi32> to vector<16xi32>
      %add3A_174 = vector.broadcast %mul3A_2 : i32 to vector<16xi32>
      %add3A_175 = arith.addi %get3A_173, %add3A_174 : vector<16xi32>
      %swap3A_176 = arith.constant 16 : index
      %swap3A_177 = tpu.vector_load %arg17[%swap3A_176] {strides = array<i32>} : memref<40xi32, #tpu.memory_space<vmem>>, vector<16xi32>,
      %swap3A_178 = vector.shape_cast %swap3A_177 : vector<16xi32> to vector<16xi32>
      %swap3A_179 = vector.shape_cast %add3A_175 : vector<16xi32> to vector<16xi32>
      tpu.vector_store %arg17[%swap3A_176], %swap3A_179 {strides = array<i32>} : memref<40xi32, #tpu.memory_space<vmem>>, vector<16xi32>,
      %get3A_180 = arith.constant 0 : i32
      %get3A_181 = arith.index_cast %get3A_180 : i32 to index
      %get3A_182 = arith.constant 24 : index
      %get3A_183 = tpu.vector_load %arg7[%get3A_181, %get3A_182] {strides = array<i32>} : memref<2x40xi32, #tpu.memory_space<vmem>>, vector<1x16xi32>,
      %get3A_184 = vector.shape_cast %get3A_183 : vector<1x16xi32> to vector<16xi32>
      %add3A_185 = vector.broadcast %mul3A_2 : i32 to vector<16xi32>
      %add3A_186 = arith.addi %get3A_184, %add3A_185 : vector<16xi32>
      %swap3A_187 = arith.constant 24 : index
      %swap3A_188 = tpu.vector_load %arg17[%swap3A_187] {strides = array<i32>} : memref<40xi32, #tpu.memory_space<vmem>>, vector<16xi32>,
      %swap3A_189 = vector.shape_cast %swap3A_188 : vector<16xi32> to vector<16xi32>
      %swap3A_190 = vector.shape_cast %add3A_186 : vector<16xi32> to vector<16xi32>
      tpu.vector_store %arg17[%swap3A_187], %swap3A_190 {strides = array<i32>} : memref<40xi32, #tpu.memory_space<vmem>>, vector<16xi32>,
      %gt3A_191 = arith.constant 0 : i32
      %gt3A_192 = arith.cmpi sgt, %scan3A_113, %gt3A_191 : i32
      %convert_element_type3A_193 = arith.extui %gt3A_192 : i1 to i32
      %cond3A_194 = arith.constant 0 : i32
      %cond3A_195 = arith.cmpi ne, %convert_element_type3A_193, %cond3A_194 : i32
      scf.if %cond3A_195 {
        %dma_wait3A_832 = arith.constant 1 : i32
        %dma_wait3A_833 = arith.constant 0 : i32
        %dma_wait3A_834 = tpu.memref_slice %arg12[%dma_wait3A_832, %dma_wait3A_833] : memref<2x40xi32, #tpu.memory_space<vmem>> -> memref<1x40xi32, #tpu.memory_space<vmem>>
        %dma_wait3A_835 = tpu.memref_squeeze %dma_wait3A_834 : memref<1x40xi32, #tpu.memory_space<vmem>> -> memref<40xi32, #tpu.memory_space<vmem>>
        %dma_wait3A_836 = arith.constant 0 : i32
        %dma_wait3A_837 = arith.constant 0 : i32
        %dma_wait3A_838 = tpu.memref_slice %arg5[%dma_wait3A_836, %dma_wait3A_837] : memref<10000x128xf32, #tpu.memory_space<vmem_shared>> -> memref<10000x128xf32, #tpu.memory_space<vmem_shared>>
        tpu.wait_indirect_dma semaphore(%arg47 : memref<!tpu.dma_semaphore, #tpu.memory_space<semaphore_mem>>) src(%arg27 : memref<40x128xf32, #tpu.memory_space<vmem>>) dst(%dma_wait3A_838 : memref<10000x128xf32, #tpu.memory_space<vmem_shared>>)
      } else {
      }
      %dma_start3A_196 = arith.constant 0 : i32
      %dma_start3A_197 = arith.constant 0 : i32
      %dma_start3A_198 = tpu.memref_slice %arg2[%dma_start3A_196, %dma_start3A_197] : memref<20000x128xf32, #tpu.memory_space<hbm>> -> memref<20000x128xf32, #tpu.memory_space<hbm>>
      tpu.enqueue_indirect_dma source(%dma_start3A_198 : memref<20000x128xf32, #tpu.memory_space<hbm>>) target(%arg27 : memref<40x128xf32, #tpu.memory_space<vmem>>) offsets(%arg17 : memref<40xi32, #tpu.memory_space<vmem>>) semaphore(%arg42 : memref<!tpu.dma_semaphore, #tpu.memory_space<semaphore_mem>>)
      %dma_wait3A_199 = arith.constant 0 : i32
      %dma_wait3A_200 = tpu.memref_slice %arg3[%dma_wait3A_199, %mul3A_7] : memref<2x160000xi32, #tpu.memory_space<hbm>> -> memref<2x40xi32, #tpu.memory_space<hbm>>
      %dma_wait3A_201 = arith.constant 0 : i32
      %dma_wait3A_202 = tpu.memref_slice %arg3[%dma_wait3A_201, %mul3A_7] : memref<2x160000xi32, #tpu.memory_space<hbm>> -> memref<2x40xi32, #tpu.memory_space<hbm>>
      tpu.wait_dma2 semaphore(%arg33 : memref<!tpu.dma_semaphore, #tpu.memory_space<semaphore_mem>>) src(%dma_wait3A_202 : memref<2x40xi32, #tpu.memory_space<hbm>>) dst(%arg8 : memref<2x40xi32, #tpu.memory_space<vmem>>)
      %get3A_203 = arith.constant 0 : i32
      %get3A_204 = arith.index_cast %get3A_203 : i32 to index
      %get3A_205 = arith.constant 0 : index
      %get3A_206 = tpu.vector_load %arg8[%get3A_204, %get3A_205] {strides = array<i32>} : memref<2x40xi32, #tpu.memory_space<vmem>>, vector<1x16xi32>,
      %get3A_207 = vector.shape_cast %get3A_206 : vector<1x16xi32> to vector<16xi32>
      %add3A_208 = vector.broadcast %mul3A_2 : i32 to vector<16xi32>
      %add3A_209 = arith.addi %get3A_207, %add3A_208 : vector<16xi32>
      %swap3A_210 = arith.constant 0 : index
      %swap3A_211 = tpu.vector_load %arg18[%swap3A_210] {strides = array<i32>} : memref<40xi32, #tpu.memory_space<vmem>>, vector<16xi32>,
      %swap3A_212 = vector.shape_cast %swap3A_211 : vector<16xi32> to vector<16xi32>
      %swap3A_213 = vector.shape_cast %add3A_209 : vector<16xi32> to vector<16xi32>
      tpu.vector_store %arg18[%swap3A_210], %swap3A_213 {strides = array<i32>} : memref<40xi32, #tpu.memory_space<vmem>>, vector<16xi32>,
      %get3A_214 = arith.constant 0 : i32
      %get3A_215 = arith.index_cast %get3A_214 : i32 to index
      %get3A_216 = arith.constant 16 : index
      %get3A_217 = tpu.vector_load %arg8[%get3A_215, %get3A_216] {strides = array<i32>} : memref<2x40xi32, #tpu.memory_space<vmem>>, vector<1x16xi32>,
      %get3A_218 = vector.shape_cast %get3A_217 : vector<1x16xi32> to vector<16xi32>
      %add3A_219 = vector.broadcast %mul3A_2 : i32 to vector<16xi32>
      %add3A_220 = arith.addi %get3A_218, %add3A_219 : vector<16xi32>
      %swap3A_221 = arith.constant 16 : index
      %swap3A_222 = tpu.vector_load %arg18[%swap3A_221] {strides = array<i32>} : memref<40xi32, #tpu.memory_space<vmem>>, vector<16xi32>,
      %swap3A_223 = vector.shape_cast %swap3A_222 : vector<16xi32> to vector<16xi32>
      %swap3A_224 = vector.shape_cast %add3A_220 : vector<16xi32> to vector<16xi32>
      tpu.vector_store %arg18[%swap3A_221], %swap3A_224 {strides = array<i32>} : memref<40xi32, #tpu.memory_space<vmem>>, vector<16xi32>,
      %get3A_225 = arith.constant 0 : i32
      %get3A_226 = arith.index_cast %get3A_225 : i32 to index
      %get3A_227 = arith.constant 24 : index
      %get3A_228 = tpu.vector_load %arg8[%get3A_226, %get3A_227] {strides = array<i32>} : memref<2x40xi32, #tpu.memory_space<vmem>>, vector<1x16xi32>,
      %get3A_229 = vector.shape_cast %get3A_228 : vector<1x16xi32> to vector<16xi32>
      %add3A_230 = vector.broadcast %mul3A_2 : i32 to vector<16xi32>
      %add3A_231 = arith.addi %get3A_229, %add3A_230 : vector<16xi32>
      %swap3A_232 = arith.constant 24 : index
      %swap3A_233 = tpu.vector_load %arg18[%swap3A_232] {strides = array<i32>} : memref<40xi32, #tpu.memory_space<vmem>>, vector<16xi32>,
      %swap3A_234 = vector.shape_cast %swap3A_233 : vector<16xi32> to vector<16xi32>
      %swap3A_235 = vector.shape_cast %add3A_231 : vector<16xi32> to vector<16xi32>
      tpu.vector_store %arg18[%swap3A_232], %swap3A_235 {strides = array<i32>} : memref<40xi32, #tpu.memory_space<vmem>>, vector<16xi32>,
      %gt3A_236 = arith.constant 0 : i32
      %gt3A_237 = arith.cmpi sgt, %scan3A_113, %gt3A_236 : i32
      %convert_element_type3A_238 = arith.extui %gt3A_237 : i1 to i32
      %cond3A_239 = arith.constant 0 : i32
      %cond3A_240 = arith.cmpi ne, %convert_element_type3A_238, %cond3A_239 : i32
      scf.if %cond3A_240 {
        %dma_wait3A_832 = arith.constant 1 : i32
        %dma_wait3A_833 = arith.constant 0 : i32
        %dma_wait3A_834 = tpu.memref_slice %arg13[%dma_wait3A_832, %dma_wait3A_833] : memref<2x40xi32, #tpu.memory_space<vmem>> -> memref<1x40xi32, #tpu.memory_space<vmem>>
        %dma_wait3A_835 = tpu.memref_squeeze %dma_wait3A_834 : memref<1x40xi32, #tpu.memory_space<vmem>> -> memref<40xi32, #tpu.memory_space<vmem>>
        %dma_wait3A_836 = arith.constant 0 : i32
        %dma_wait3A_837 = arith.constant 0 : i32
        %dma_wait3A_838 = tpu.memref_slice %arg5[%dma_wait3A_836, %dma_wait3A_837] : memref<10000x128xf32, #tpu.memory_space<vmem_shared>> -> memref<10000x128xf32, #tpu.memory_space<vmem_shared>>
        tpu.wait_indirect_dma semaphore(%arg48 : memref<!tpu.dma_semaphore, #tpu.memory_space<semaphore_mem>>) src(%arg28 : memref<40x128xf32, #tpu.memory_space<vmem>>) dst(%dma_wait3A_838 : memref<10000x128xf32, #tpu.memory_space<vmem_shared>>)
      } else {
      }
      %dma_start3A_241 = arith.constant 0 : i32
      %dma_start3A_242 = arith.constant 0 : i32
      %dma_start3A_243 = tpu.memref_slice %arg2[%dma_start3A_241, %dma_start3A_242] : memref<20000x128xf32, #tpu.memory_space<hbm>> -> memref<20000x128xf32, #tpu.memory_space<hbm>>
      tpu.enqueue_indirect_dma source(%dma_start3A_243 : memref<20000x128xf32, #tpu.memory_space<hbm>>) target(%arg28 : memref<40x128xf32, #tpu.memory_space<vmem>>) offsets(%arg18 : memref<40xi32, #tpu.memory_space<vmem>>) semaphore(%arg43 : memref<!tpu.dma_semaphore, #tpu.memory_space<semaphore_mem>>)
      %dma_wait3A_244 = arith.constant 0 : i32
      %dma_wait3A_245 = tpu.memref_slice %arg3[%dma_wait3A_244, %mul3A_7] : memref<2x160000xi32, #tpu.memory_space<hbm>> -> memref<2x40xi32, #tpu.memory_space<hbm>>
      %dma_wait3A_246 = arith.constant 0 : i32
      %dma_wait3A_247 = tpu.memref_slice %arg3[%dma_wait3A_246, %mul3A_7] : memref<2x160000xi32, #tpu.memory_space<hbm>> -> memref<2x40xi32, #tpu.memory_space<hbm>>
      tpu.wait_dma2 semaphore(%arg34 : memref<!tpu.dma_semaphore, #tpu.memory_space<semaphore_mem>>) src(%dma_wait3A_247 : memref<2x40xi32, #tpu.memory_space<hbm>>) dst(%arg9 : memref<2x40xi32, #tpu.memory_space<vmem>>)
      %get3A_248 = arith.constant 0 : i32
      %get3A_249 = arith.index_cast %get3A_248 : i32 to index
      %get3A_250 = arith.constant 0 : index
      %get3A_251 = tpu.vector_load %arg9[%get3A_249, %get3A_250] {strides = array<i32>} : memref<2x40xi32, #tpu.memory_space<vmem>>, vector<1x16xi32>,
      %get3A_252 = vector.shape_cast %get3A_251 : vector<1x16xi32> to vector<16xi32>
      %add3A_253 = vector.broadcast %mul3A_2 : i32 to vector<16xi32>
      %add3A_254 = arith.addi %get3A_252, %add3A_253 : vector<16xi32>
      %swap3A_255 = arith.constant 0 : index
      %swap3A_256 = tpu.vector_load %arg19[%swap3A_255] {strides = array<i32>} : memref<40xi32, #tpu.memory_space<vmem>>, vector<16xi32>,
      %swap3A_257 = vector.shape_cast %swap3A_256 : vector<16xi32> to vector<16xi32>
      %swap3A_258 = vector.shape_cast %add3A_254 : vector<16xi32> to vector<16xi32>
      tpu.vector_store %arg19[%swap3A_255], %swap3A_258 {strides = array<i32>} : memref<40xi32, #tpu.memory_space<vmem>>, vector<16xi32>,
      %get3A_259 = arith.constant 0 : i32
      %get3A_260 = arith.index_cast %get3A_259 : i32 to index
      %get3A_261 = arith.constant 16 : index
      %get3A_262 = tpu.vector_load %arg9[%get3A_260, %get3A_261] {strides = array<i32>} : memref<2x40xi32, #tpu.memory_space<vmem>>, vector<1x16xi32>,
      %get3A_263 = vector.shape_cast %get3A_262 : vector<1x16xi32> to vector<16xi32>
      %add3A_264 = vector.broadcast %mul3A_2 : i32 to vector<16xi32>
      %add3A_265 = arith.addi %get3A_263, %add3A_264 : vector<16xi32>
      %swap3A_266 = arith.constant 16 : index
      %swap3A_267 = tpu.vector_load %arg19[%swap3A_266] {strides = array<i32>} : memref<40xi32, #tpu.memory_space<vmem>>, vector<16xi32>,
      %swap3A_268 = vector.shape_cast %swap3A_267 : vector<16xi32> to vector<16xi32>
      %swap3A_269 = vector.shape_cast %add3A_265 : vector<16xi32> to vector<16xi32>
      tpu.vector_store %arg19[%swap3A_266], %swap3A_269 {strides = array<i32>} : memref<40xi32, #tpu.memory_space<vmem>>, vector<16xi32>,
      %get3A_270 = arith.constant 0 : i32
      %get3A_271 = arith.index_cast %get3A_270 : i32 to index
      %get3A_272 = arith.constant 24 : index
      %get3A_273 = tpu.vector_load %arg9[%get3A_271, %get3A_272] {strides = array<i32>} : memref<2x40xi32, #tpu.memory_space<vmem>>, vector<1x16xi32>,
      %get3A_274 = vector.shape_cast %get3A_273 : vector<1x16xi32> to vector<16xi32>
      %add3A_275 = vector.broadcast %mul3A_2 : i32 to vector<16xi32>
      %add3A_276 = arith.addi %get3A_274, %add3A_275 : vector<16xi32>
      %swap3A_277 = arith.constant 24 : index
      %swap3A_278 = tpu.vector_load %arg19[%swap3A_277] {strides = array<i32>} : memref<40xi32, #tpu.memory_space<vmem>>, vector<16xi32>,
      %swap3A_279 = vector.shape_cast %swap3A_278 : vector<16xi32> to vector<16xi32>
      %swap3A_280 = vector.shape_cast %add3A_276 : vector<16xi32> to vector<16xi32>
      tpu.vector_store %arg19[%swap3A_277], %swap3A_280 {strides = array<i32>} : memref<40xi32, #tpu.memory_space<vmem>>, vector<16xi32>,
      %gt3A_281 = arith.constant 0 : i32
      %gt3A_282 = arith.cmpi sgt, %scan3A_113, %gt3A_281 : i32
      %convert_element_type3A_283 = arith.extui %gt3A_282 : i1 to i32
      %cond3A_284 = arith.constant 0 : i32
      %cond3A_285 = arith.cmpi ne, %convert_element_type3A_283, %cond3A_284 : i32
      scf.if %cond3A_285 {
        %dma_wait3A_832 = arith.constant 1 : i32
        %dma_wait3A_833 = arith.constant 0 : i32
        %dma_wait3A_834 = tpu.memref_slice %arg14[%dma_wait3A_832, %dma_wait3A_833] : memref<2x40xi32, #tpu.memory_space<vmem>> -> memref<1x40xi32, #tpu.memory_space<vmem>>
        %dma_wait3A_835 = tpu.memref_squeeze %dma_wait3A_834 : memref<1x40xi32, #tpu.memory_space<vmem>> -> memref<40xi32, #tpu.memory_space<vmem>>
        %dma_wait3A_836 = arith.constant 0 : i32
        %dma_wait3A_837 = arith.constant 0 : i32
        %dma_wait3A_838 = tpu.memref_slice %arg5[%dma_wait3A_836, %dma_wait3A_837] : memref<10000x128xf32, #tpu.memory_space<vmem_shared>> -> memref<10000x128xf32, #tpu.memory_space<vmem_shared>>
        tpu.wait_indirect_dma semaphore(%arg49 : memref<!tpu.dma_semaphore, #tpu.memory_space<semaphore_mem>>) src(%arg29 : memref<40x128xf32, #tpu.memory_space<vmem>>) dst(%dma_wait3A_838 : memref<10000x128xf32, #tpu.memory_space<vmem_shared>>)
      } else {
      }
      %dma_start3A_286 = arith.constant 0 : i32
      %dma_start3A_287 = arith.constant 0 : i32
      %dma_start3A_288 = tpu.memref_slice %arg2[%dma_start3A_286, %dma_start3A_287] : memref<20000x128xf32, #tpu.memory_space<hbm>> -> memref<20000x128xf32, #tpu.memory_space<hbm>>
      tpu.enqueue_indirect_dma source(%dma_start3A_288 : memref<20000x128xf32, #tpu.memory_space<hbm>>) target(%arg29 : memref<40x128xf32, #tpu.memory_space<vmem>>) offsets(%arg19 : memref<40xi32, #tpu.memory_space<vmem>>) semaphore(%arg44 : memref<!tpu.dma_semaphore, #tpu.memory_space<semaphore_mem>>)
      %dma_wait3A_289 = arith.constant 0 : i32
      %dma_wait3A_290 = tpu.memref_slice %arg3[%dma_wait3A_289, %mul3A_7] : memref<2x160000xi32, #tpu.memory_space<hbm>> -> memref<2x40xi32, #tpu.memory_space<hbm>>
      %dma_wait3A_291 = arith.constant 0 : i32
      %dma_wait3A_292 = tpu.memref_slice %arg3[%dma_wait3A_291, %mul3A_7] : memref<2x160000xi32, #tpu.memory_space<hbm>> -> memref<2x40xi32, #tpu.memory_space<hbm>>
      tpu.wait_dma2 semaphore(%arg35 : memref<!tpu.dma_semaphore, #tpu.memory_space<semaphore_mem>>) src(%dma_wait3A_292 : memref<2x40xi32, #tpu.memory_space<hbm>>) dst(%arg10 : memref<2x40xi32, #tpu.memory_space<vmem>>)
      %get3A_293 = arith.constant 0 : i32
      %get3A_294 = arith.index_cast %get3A_293 : i32 to index
      %get3A_295 = arith.constant 0 : index
      %get3A_296 = tpu.vector_load %arg10[%get3A_294, %get3A_295] {strides = array<i32>} : memref<2x40xi32, #tpu.memory_space<vmem>>, vector<1x16xi32>,
      %get3A_297 = vector.shape_cast %get3A_296 : vector<1x16xi32> to vector<16xi32>
      %add3A_298 = vector.broadcast %mul3A_2 : i32 to vector<16xi32>
      %add3A_299 = arith.addi %get3A_297, %add3A_298 : vector<16xi32>
      %swap3A_300 = arith.constant 0 : index
      %swap3A_301 = tpu.vector_load %arg20[%swap3A_300] {strides = array<i32>} : memref<40xi32, #tpu.memory_space<vmem>>, vector<16xi32>,
      %swap3A_302 = vector.shape_cast %swap3A_301 : vector<16xi32> to vector<16xi32>
      %swap3A_303 = vector.shape_cast %add3A_299 : vector<16xi32> to vector<16xi32>
      tpu.vector_store %arg20[%swap3A_300], %swap3A_303 {strides = array<i32>} : memref<40xi32, #tpu.memory_space<vmem>>, vector<16xi32>,
      %get3A_304 = arith.constant 0 : i32
      %get3A_305 = arith.index_cast %get3A_304 : i32 to index
      %get3A_306 = arith.constant 16 : index
      %get3A_307 = tpu.vector_load %arg10[%get3A_305, %get3A_306] {strides = array<i32>} : memref<2x40xi32, #tpu.memory_space<vmem>>, vector<1x16xi32>,
      %get3A_308 = vector.shape_cast %get3A_307 : vector<1x16xi32> to vector<16xi32>
      %add3A_309 = vector.broadcast %mul3A_2 : i32 to vector<16xi32>
      %add3A_310 = arith.addi %get3A_308, %add3A_309 : vector<16xi32>
      %swap3A_311 = arith.constant 16 : index
      %swap3A_312 = tpu.vector_load %arg20[%swap3A_311] {strides = array<i32>} : memref<40xi32, #tpu.memory_space<vmem>>, vector<16xi32>,
      %swap3A_313 = vector.shape_cast %swap3A_312 : vector<16xi32> to vector<16xi32>
      %swap3A_314 = vector.shape_cast %add3A_310 : vector<16xi32> to vector<16xi32>
      tpu.vector_store %arg20[%swap3A_311], %swap3A_314 {strides = array<i32>} : memref<40xi32, #tpu.memory_space<vmem>>, vector<16xi32>,
      %get3A_315 = arith.constant 0 : i32
      %get3A_316 = arith.index_cast %get3A_315 : i32 to index
      %get3A_317 = arith.constant 24 : index
      %get3A_318 = tpu.vector_load %arg10[%get3A_316, %get3A_317] {strides = array<i32>} : memref<2x40xi32, #tpu.memory_space<vmem>>, vector<1x16xi32>,
      %get3A_319 = vector.shape_cast %get3A_318 : vector<1x16xi32> to vector<16xi32>
      %add3A_320 = vector.broadcast %mul3A_2 : i32 to vector<16xi32>
      %add3A_321 = arith.addi %get3A_319, %add3A_320 : vector<16xi32>
      %swap3A_322 = arith.constant 24 : index
      %swap3A_323 = tpu.vector_load %arg20[%swap3A_322] {strides = array<i32>} : memref<40xi32, #tpu.memory_space<vmem>>, vector<16xi32>,
      %swap3A_324 = vector.shape_cast %swap3A_323 : vector<16xi32> to vector<16xi32>
      %swap3A_325 = vector.shape_cast %add3A_321 : vector<16xi32> to vector<16xi32>
      tpu.vector_store %arg20[%swap3A_322], %swap3A_325 {strides = array<i32>} : memref<40xi32, #tpu.memory_space<vmem>>, vector<16xi32>,
      %gt3A_326 = arith.constant 0 : i32
      %gt3A_327 = arith.cmpi sgt, %scan3A_113, %gt3A_326 : i32
      %convert_element_type3A_328 = arith.extui %gt3A_327 : i1 to i32
      %cond3A_329 = arith.constant 0 : i32
      %cond3A_330 = arith.cmpi ne, %convert_element_type3A_328, %cond3A_329 : i32
      scf.if %cond3A_330 {
        %dma_wait3A_832 = arith.constant 1 : i32
        %dma_wait3A_833 = arith.constant 0 : i32
        %dma_wait3A_834 = tpu.memref_slice %arg15[%dma_wait3A_832, %dma_wait3A_833] : memref<2x40xi32, #tpu.memory_space<vmem>> -> memref<1x40xi32, #tpu.memory_space<vmem>>
        %dma_wait3A_835 = tpu.memref_squeeze %dma_wait3A_834 : memref<1x40xi32, #tpu.memory_space<vmem>> -> memref<40xi32, #tpu.memory_space<vmem>>
        %dma_wait3A_836 = arith.constant 0 : i32
        %dma_wait3A_837 = arith.constant 0 : i32
        %dma_wait3A_838 = tpu.memref_slice %arg5[%dma_wait3A_836, %dma_wait3A_837] : memref<10000x128xf32, #tpu.memory_space<vmem_shared>> -> memref<10000x128xf32, #tpu.memory_space<vmem_shared>>
        tpu.wait_indirect_dma semaphore(%arg50 : memref<!tpu.dma_semaphore, #tpu.memory_space<semaphore_mem>>) src(%arg30 : memref<40x128xf32, #tpu.memory_space<vmem>>) dst(%dma_wait3A_838 : memref<10000x128xf32, #tpu.memory_space<vmem_shared>>)
      } else {
      }
      %dma_start3A_331 = arith.constant 0 : i32
      %dma_start3A_332 = arith.constant 0 : i32
      %dma_start3A_333 = tpu.memref_slice %arg2[%dma_start3A_331, %dma_start3A_332] : memref<20000x128xf32, #tpu.memory_space<hbm>> -> memref<20000x128xf32, #tpu.memory_space<hbm>>
      tpu.enqueue_indirect_dma source(%dma_start3A_333 : memref<20000x128xf32, #tpu.memory_space<hbm>>) target(%arg30 : memref<40x128xf32, #tpu.memory_space<vmem>>) offsets(%arg20 : memref<40xi32, #tpu.memory_space<vmem>>) semaphore(%arg45 : memref<!tpu.dma_semaphore, #tpu.memory_space<semaphore_mem>>)
      %dma_wait3A_334 = arith.constant 0 : i32
      %dma_wait3A_335 = arith.constant 0 : i32
      %dma_wait3A_336 = tpu.memref_slice %arg2[%dma_wait3A_334, %dma_wait3A_335] : memref<20000x128xf32, #tpu.memory_space<hbm>> -> memref<20000x128xf32, #tpu.memory_space<hbm>>
      tpu.wait_indirect_dma semaphore(%arg41 : memref<!tpu.dma_semaphore, #tpu.memory_space<semaphore_mem>>) src(%dma_wait3A_336 : memref<20000x128xf32, #tpu.memory_space<hbm>>) dst(%arg26 : memref<40x128xf32, #tpu.memory_space<vmem>>)
      %dma_start3A_337 = arith.constant 1 : i32
      %dma_start3A_338 = arith.constant 0 : i32
      %dma_start3A_339 = tpu.memref_slice %arg6[%dma_start3A_337, %dma_start3A_338] : memref<2x40xi32, #tpu.memory_space<vmem>> -> memref<1x40xi32, #tpu.memory_space<vmem>>
      %dma_start3A_340 = tpu.memref_squeeze %dma_start3A_339 : memref<1x40xi32, #tpu.memory_space<vmem>> -> memref<40xi32, #tpu.memory_space<vmem>>
      %dma_start3A_341 = arith.constant 0 : i32
      %dma_start3A_342 = arith.constant 0 : i32
      %dma_start3A_343 = tpu.memref_slice %arg5[%dma_start3A_341, %dma_start3A_342] : memref<10000x128xf32, #tpu.memory_space<vmem_shared>> -> memref<10000x128xf32, #tpu.memory_space<vmem_shared>>
      tpu.enqueue_indirect_dma source(%arg26 : memref<40x128xf32, #tpu.memory_space<vmem>>) target(%dma_start3A_343 : memref<10000x128xf32, #tpu.memory_space<vmem_shared>>) offsets(%dma_start3A_340 : memref<40xi32, #tpu.memory_space<vmem>>) semaphore(%arg46 : memref<!tpu.dma_semaphore, #tpu.memory_space<semaphore_mem>>) {add = true}
      %mul3A_344 = arith.constant 2 : i32
      %mul3A_345 = arith.muli %mul3A_344, %scan3A_113 : i32
      %add3A_346 = arith.constant 0 : i32
      %add3A_347 = arith.addi %mul3A_345, %add3A_346 : i32
      %add3A_348 = arith.constant 1 : i32
      %add3A_349 = arith.addi %add3A_347, %add3A_348 : i32
      %mul3A_350 = arith.constant 5 : i32
      %mul3A_351 = arith.muli %add3A_349, %mul3A_350 : i32
      %add3A_352 = arith.constant 0 : i32
      %add3A_353 = arith.addi %mul3A_351, %add3A_352 : i32
      %gt3A_354 = arith.constant 0 : i32
      %gt3A_355 = arith.cmpi sgt, %scan3A_113, %gt3A_354 : i32
      %lt3A = arith.constant 250 : i32
      %lt3A_356 = arith.cmpi slt, %add3A_353, %lt3A : i32
      %and3A = arith.andi %gt3A_355, %lt3A_356 : i1
      %convert_element_type3A_357 = arith.extui %and3A : i1 to i32
      %cond3A_358 = arith.constant 0 : i32
      %cond3A_359 = arith.cmpi ne, %convert_element_type3A_357, %cond3A_358 : i32
      scf.if %cond3A_359 {
        %mul3A_832 = arith.constant 40 : i32
        %mul3A_833 = arith.muli %add3A_353, %mul3A_832 : i32
        %add3A_834 = arith.addi %mul3A_7, %mul3A_833 : i32
        %dma_start3A_835 = arith.constant 0 : i32
        %dma_start3A_836 = tpu.memref_slice %arg3[%dma_start3A_835, %add3A_834] : memref<2x160000xi32, #tpu.memory_space<hbm>> -> memref<2x40xi32, #tpu.memory_space<hbm>>
        %dma_start3A_837 = arith.constant 0 : i32
        %dma_start3A_838 = tpu.memref_slice %arg3[%dma_start3A_837, %add3A_834] : memref<2x160000xi32, #tpu.memory_space<hbm>> -> memref<2x40xi32, #tpu.memory_space<hbm>>
        tpu.enqueue_dma source(%dma_start3A_838 : memref<2x40xi32, #tpu.memory_space<hbm>>) target(%arg11 : memref<2x40xi32, #tpu.memory_space<vmem>>) target_semaphore(%arg36 : memref<!tpu.dma_semaphore, #tpu.memory_space<semaphore_mem>>)
      } else {
      }
      %dma_wait3A_360 = arith.constant 0 : i32
      %dma_wait3A_361 = arith.constant 0 : i32
      %dma_wait3A_362 = tpu.memref_slice %arg2[%dma_wait3A_360, %dma_wait3A_361] : memref<20000x128xf32, #tpu.memory_space<hbm>> -> memref<20000x128xf32, #tpu.memory_space<hbm>>
      tpu.wait_indirect_dma semaphore(%arg42 : memref<!tpu.dma_semaphore, #tpu.memory_space<semaphore_mem>>) src(%dma_wait3A_362 : memref<20000x128xf32, #tpu.memory_space<hbm>>) dst(%arg27 : memref<40x128xf32, #tpu.memory_space<vmem>>)
      %dma_start3A_363 = arith.constant 1 : i32
      %dma_start3A_364 = arith.constant 0 : i32
      %dma_start3A_365 = tpu.memref_slice %arg7[%dma_start3A_363, %dma_start3A_364] : memref<2x40xi32, #tpu.memory_space<vmem>> -> memref<1x40xi32, #tpu.memory_space<vmem>>
      %dma_start3A_366 = tpu.memref_squeeze %dma_start3A_365 : memref<1x40xi32, #tpu.memory_space<vmem>> -> memref<40xi32, #tpu.memory_space<vmem>>
      %dma_start3A_367 = arith.constant 0 : i32
      %dma_start3A_368 = arith.constant 0 : i32
      %dma_start3A_369 = tpu.memref_slice %arg5[%dma_start3A_367, %dma_start3A_368] : memref<10000x128xf32, #tpu.memory_space<vmem_shared>> -> memref<10000x128xf32, #tpu.memory_space<vmem_shared>>
      tpu.enqueue_indirect_dma source(%arg27 : memref<40x128xf32, #tpu.memory_space<vmem>>) target(%dma_start3A_369 : memref<10000x128xf32, #tpu.memory_space<vmem_shared>>) offsets(%dma_start3A_366 : memref<40xi32, #tpu.memory_space<vmem>>) semaphore(%arg47 : memref<!tpu.dma_semaphore, #tpu.memory_space<semaphore_mem>>) {add = true}
      %mul3A_370 = arith.constant 2 : i32
      %mul3A_371 = arith.muli %mul3A_370, %scan3A_113 : i32
      %add3A_372 = arith.constant 0 : i32
      %add3A_373 = arith.addi %mul3A_371, %add3A_372 : i32
      %add3A_374 = arith.constant 1 : i32
      %add3A_375 = arith.addi %add3A_373, %add3A_374 : i32
      %mul3A_376 = arith.constant 5 : i32
      %mul3A_377 = arith.muli %add3A_375, %mul3A_376 : i32
      %add3A_378 = arith.constant 1 : i32
      %add3A_379 = arith.addi %mul3A_377, %add3A_378 : i32
      %gt3A_380 = arith.constant 0 : i32
      %gt3A_381 = arith.cmpi sgt, %scan3A_113, %gt3A_380 : i32
      %lt3A_382 = arith.constant 250 : i32
      %lt3A_383 = arith.cmpi slt, %add3A_379, %lt3A_382 : i32
      %and3A_384 = arith.andi %gt3A_381, %lt3A_383 : i1
      %convert_element_type3A_385 = arith.extui %and3A_384 : i1 to i32
      %cond3A_386 = arith.constant 0 : i32
      %cond3A_387 = arith.cmpi ne, %convert_element_type3A_385, %cond3A_386 : i32
      scf.if %cond3A_387 {
        %mul3A_832 = arith.constant 40 : i32
        %mul3A_833 = arith.muli %add3A_379, %mul3A_832 : i32
        %add3A_834 = arith.addi %mul3A_7, %mul3A_833 : i32
        %dma_start3A_835 = arith.constant 0 : i32
        %dma_start3A_836 = tpu.memref_slice %arg3[%dma_start3A_835, %add3A_834] : memref<2x160000xi32, #tpu.memory_space<hbm>> -> memref<2x40xi32, #tpu.memory_space<hbm>>
        %dma_start3A_837 = arith.constant 0 : i32
        %dma_start3A_838 = tpu.memref_slice %arg3[%dma_start3A_837, %add3A_834] : memref<2x160000xi32, #tpu.memory_space<hbm>> -> memref<2x40xi32, #tpu.memory_space<hbm>>
        tpu.enqueue_dma source(%dma_start3A_838 : memref<2x40xi32, #tpu.memory_space<hbm>>) target(%arg12 : memref<2x40xi32, #tpu.memory_space<vmem>>) target_semaphore(%arg37 : memref<!tpu.dma_semaphore, #tpu.memory_space<semaphore_mem>>)
      } else {
      }
      %dma_wait3A_388 = arith.constant 0 : i32
      %dma_wait3A_389 = arith.constant 0 : i32
      %dma_wait3A_390 = tpu.memref_slice %arg2[%dma_wait3A_388, %dma_wait3A_389] : memref<20000x128xf32, #tpu.memory_space<hbm>> -> memref<20000x128xf32, #tpu.memory_space<hbm>>
      tpu.wait_indirect_dma semaphore(%arg43 : memref<!tpu.dma_semaphore, #tpu.memory_space<semaphore_mem>>) src(%dma_wait3A_390 : memref<20000x128xf32, #tpu.memory_space<hbm>>) dst(%arg28 : memref<40x128xf32, #tpu.memory_space<vmem>>)
      %dma_start3A_391 = arith.constant 1 : i32
      %dma_start3A_392 = arith.constant 0 : i32
      %dma_start3A_393 = tpu.memref_slice %arg8[%dma_start3A_391, %dma_start3A_392] : memref<2x40xi32, #tpu.memory_space<vmem>> -> memref<1x40xi32, #tpu.memory_space<vmem>>
      %dma_start3A_394 = tpu.memref_squeeze %dma_start3A_393 : memref<1x40xi32, #tpu.memory_space<vmem>> -> memref<40xi32, #tpu.memory_space<vmem>>
      %dma_start3A_395 = arith.constant 0 : i32
      %dma_start3A_396 = arith.constant 0 : i32
      %dma_start3A_397 = tpu.memref_slice %arg5[%dma_start3A_395, %dma_start3A_396] : memref<10000x128xf32, #tpu.memory_space<vmem_shared>> -> memref<10000x128xf32, #tpu.memory_space<vmem_shared>>
      tpu.enqueue_indirect_dma source(%arg28 : memref<40x128xf32, #tpu.memory_space<vmem>>) target(%dma_start3A_397 : memref<10000x128xf32, #tpu.memory_space<vmem_shared>>) offsets(%dma_start3A_394 : memref<40xi32, #tpu.memory_space<vmem>>) semaphore(%arg48 : memref<!tpu.dma_semaphore, #tpu.memory_space<semaphore_mem>>) {add = true}
      %mul3A_398 = arith.constant 2 : i32
      %mul3A_399 = arith.muli %mul3A_398, %scan3A_113 : i32
      %add3A_400 = arith.constant 0 : i32
      %add3A_401 = arith.addi %mul3A_399, %add3A_400 : i32
      %add3A_402 = arith.constant 1 : i32
      %add3A_403 = arith.addi %add3A_401, %add3A_402 : i32
      %mul3A_404 = arith.constant 5 : i32
      %mul3A_405 = arith.muli %add3A_403, %mul3A_404 : i32
      %add3A_406 = arith.constant 2 : i32
      %add3A_407 = arith.addi %mul3A_405, %add3A_406 : i32
      %gt3A_408 = arith.constant 0 : i32
      %gt3A_409 = arith.cmpi sgt, %scan3A_113, %gt3A_408 : i32
      %lt3A_410 = arith.constant 250 : i32
      %lt3A_411 = arith.cmpi slt, %add3A_407, %lt3A_410 : i32
      %and3A_412 = arith.andi %gt3A_409, %lt3A_411 : i1
      %convert_element_type3A_413 = arith.extui %and3A_412 : i1 to i32
      %cond3A_414 = arith.constant 0 : i32
      %cond3A_415 = arith.cmpi ne, %convert_element_type3A_413, %cond3A_414 : i32
      scf.if %cond3A_415 {
        %mul3A_832 = arith.constant 40 : i32
        %mul3A_833 = arith.muli %add3A_407, %mul3A_832 : i32
        %add3A_834 = arith.addi %mul3A_7, %mul3A_833 : i32
        %dma_start3A_835 = arith.constant 0 : i32
        %dma_start3A_836 = tpu.memref_slice %arg3[%dma_start3A_835, %add3A_834] : memref<2x160000xi32, #tpu.memory_space<hbm>> -> memref<2x40xi32, #tpu.memory_space<hbm>>
        %dma_start3A_837 = arith.constant 0 : i32
        %dma_start3A_838 = tpu.memref_slice %arg3[%dma_start3A_837, %add3A_834] : memref<2x160000xi32, #tpu.memory_space<hbm>> -> memref<2x40xi32, #tpu.memory_space<hbm>>
        tpu.enqueue_dma source(%dma_start3A_838 : memref<2x40xi32, #tpu.memory_space<hbm>>) target(%arg13 : memref<2x40xi32, #tpu.memory_space<vmem>>) target_semaphore(%arg38 : memref<!tpu.dma_semaphore, #tpu.memory_space<semaphore_mem>>)
      } else {
      }
      %dma_wait3A_416 = arith.constant 0 : i32
      %dma_wait3A_417 = arith.constant 0 : i32
      %dma_wait3A_418 = tpu.memref_slice %arg2[%dma_wait3A_416, %dma_wait3A_417] : memref<20000x128xf32, #tpu.memory_space<hbm>> -> memref<20000x128xf32, #tpu.memory_space<hbm>>
      tpu.wait_indirect_dma semaphore(%arg44 : memref<!tpu.dma_semaphore, #tpu.memory_space<semaphore_mem>>) src(%dma_wait3A_418 : memref<20000x128xf32, #tpu.memory_space<hbm>>) dst(%arg29 : memref<40x128xf32, #tpu.memory_space<vmem>>)
      %dma_start3A_419 = arith.constant 1 : i32
      %dma_start3A_420 = arith.constant 0 : i32
      %dma_start3A_421 = tpu.memref_slice %arg9[%dma_start3A_419, %dma_start3A_420] : memref<2x40xi32, #tpu.memory_space<vmem>> -> memref<1x40xi32, #tpu.memory_space<vmem>>
      %dma_start3A_422 = tpu.memref_squeeze %dma_start3A_421 : memref<1x40xi32, #tpu.memory_space<vmem>> -> memref<40xi32, #tpu.memory_space<vmem>>
      %dma_start3A_423 = arith.constant 0 : i32
      %dma_start3A_424 = arith.constant 0 : i32
      %dma_start3A_425 = tpu.memref_slice %arg5[%dma_start3A_423, %dma_start3A_424] : memref<10000x128xf32, #tpu.memory_space<vmem_shared>> -> memref<10000x128xf32, #tpu.memory_space<vmem_shared>>
      tpu.enqueue_indirect_dma source(%arg29 : memref<40x128xf32, #tpu.memory_space<vmem>>) target(%dma_start3A_425 : memref<10000x128xf32, #tpu.memory_space<vmem_shared>>) offsets(%dma_start3A_422 : memref<40xi32, #tpu.memory_space<vmem>>) semaphore(%arg49 : memref<!tpu.dma_semaphore, #tpu.memory_space<semaphore_mem>>) {add = true}
      %mul3A_426 = arith.constant 2 : i32
      %mul3A_427 = arith.muli %mul3A_426, %scan3A_113 : i32
      %add3A_428 = arith.constant 0 : i32
      %add3A_429 = arith.addi %mul3A_427, %add3A_428 : i32
      %add3A_430 = arith.constant 1 : i32
      %add3A_431 = arith.addi %add3A_429, %add3A_430 : i32
      %mul3A_432 = arith.constant 5 : i32
      %mul3A_433 = arith.muli %add3A_431, %mul3A_432 : i32
      %add3A_434 = arith.constant 3 : i32
      %add3A_435 = arith.addi %mul3A_433, %add3A_434 : i32
      %gt3A_436 = arith.constant 0 : i32
      %gt3A_437 = arith.cmpi sgt, %scan3A_113, %gt3A_436 : i32
      %lt3A_438 = arith.constant 250 : i32
      %lt3A_439 = arith.cmpi slt, %add3A_435, %lt3A_438 : i32
      %and3A_440 = arith.andi %gt3A_437, %lt3A_439 : i1
      %convert_element_type3A_441 = arith.extui %and3A_440 : i1 to i32
      %cond3A_442 = arith.constant 0 : i32
      %cond3A_443 = arith.cmpi ne, %convert_element_type3A_441, %cond3A_442 : i32
      scf.if %cond3A_443 {
        %mul3A_832 = arith.constant 40 : i32
        %mul3A_833 = arith.muli %add3A_435, %mul3A_832 : i32
        %add3A_834 = arith.addi %mul3A_7, %mul3A_833 : i32
        %dma_start3A_835 = arith.constant 0 : i32
        %dma_start3A_836 = tpu.memref_slice %arg3[%dma_start3A_835, %add3A_834] : memref<2x160000xi32, #tpu.memory_space<hbm>> -> memref<2x40xi32, #tpu.memory_space<hbm>>
        %dma_start3A_837 = arith.constant 0 : i32
        %dma_start3A_838 = tpu.memref_slice %arg3[%dma_start3A_837, %add3A_834] : memref<2x160000xi32, #tpu.memory_space<hbm>> -> memref<2x40xi32, #tpu.memory_space<hbm>>
        tpu.enqueue_dma source(%dma_start3A_838 : memref<2x40xi32, #tpu.memory_space<hbm>>) target(%arg14 : memref<2x40xi32, #tpu.memory_space<vmem>>) target_semaphore(%arg39 : memref<!tpu.dma_semaphore, #tpu.memory_space<semaphore_mem>>)
      } else {
      }
      %dma_wait3A_444 = arith.constant 0 : i32
      %dma_wait3A_445 = arith.constant 0 : i32
      %dma_wait3A_446 = tpu.memref_slice %arg2[%dma_wait3A_444, %dma_wait3A_445] : memref<20000x128xf32, #tpu.memory_space<hbm>> -> memref<20000x128xf32, #tpu.memory_space<hbm>>
      tpu.wait_indirect_dma semaphore(%arg45 : memref<!tpu.dma_semaphore, #tpu.memory_space<semaphore_mem>>) src(%dma_wait3A_446 : memref<20000x128xf32, #tpu.memory_space<hbm>>) dst(%arg30 : memref<40x128xf32, #tpu.memory_space<vmem>>)
      %dma_start3A_447 = arith.constant 1 : i32
      %dma_start3A_448 = arith.constant 0 : i32
      %dma_start3A_449 = tpu.memref_slice %arg10[%dma_start3A_447, %dma_start3A_448] : memref<2x40xi32, #tpu.memory_space<vmem>> -> memref<1x40xi32, #tpu.memory_space<vmem>>
      %dma_start3A_450 = tpu.memref_squeeze %dma_start3A_449 : memref<1x40xi32, #tpu.memory_space<vmem>> -> memref<40xi32, #tpu.memory_space<vmem>>
      %dma_start3A_451 = arith.constant 0 : i32
      %dma_start3A_452 = arith.constant 0 : i32
      %dma_start3A_453 = tpu.memref_slice %arg5[%dma_start3A_451, %dma_start3A_452] : memref<10000x128xf32, #tpu.memory_space<vmem_shared>> -> memref<10000x128xf32, #tpu.memory_space<vmem_shared>>
      tpu.enqueue_indirect_dma source(%arg30 : memref<40x128xf32, #tpu.memory_space<vmem>>) target(%dma_start3A_453 : memref<10000x128xf32, #tpu.memory_space<vmem_shared>>) offsets(%dma_start3A_450 : memref<40xi32, #tpu.memory_space<vmem>>) semaphore(%arg50 : memref<!tpu.dma_semaphore, #tpu.memory_space<semaphore_mem>>) {add = true}
      %mul3A_454 = arith.constant 2 : i32
      %mul3A_455 = arith.muli %mul3A_454, %scan3A_113 : i32
      %add3A_456 = arith.constant 0 : i32
      %add3A_457 = arith.addi %mul3A_455, %add3A_456 : i32
      %add3A_458 = arith.constant 1 : i32
      %add3A_459 = arith.addi %add3A_457, %add3A_458 : i32
      %mul3A_460 = arith.constant 5 : i32
      %mul3A_461 = arith.muli %add3A_459, %mul3A_460 : i32
      %add3A_462 = arith.constant 4 : i32
      %add3A_463 = arith.addi %mul3A_461, %add3A_462 : i32
      %gt3A_464 = arith.constant 0 : i32
      %gt3A_465 = arith.cmpi sgt, %scan3A_113, %gt3A_464 : i32
      %lt3A_466 = arith.constant 250 : i32
      %lt3A_467 = arith.cmpi slt, %add3A_463, %lt3A_466 : i32
      %and3A_468 = arith.andi %gt3A_465, %lt3A_467 : i1
      %convert_element_type3A_469 = arith.extui %and3A_468 : i1 to i32
      %cond3A_470 = arith.constant 0 : i32
      %cond3A_471 = arith.cmpi ne, %convert_element_type3A_469, %cond3A_470 : i32
      scf.if %cond3A_471 {
        %mul3A_832 = arith.constant 40 : i32
        %mul3A_833 = arith.muli %add3A_463, %mul3A_832 : i32
        %add3A_834 = arith.addi %mul3A_7, %mul3A_833 : i32
        %dma_start3A_835 = arith.constant 0 : i32
        %dma_start3A_836 = tpu.memref_slice %arg3[%dma_start3A_835, %add3A_834] : memref<2x160000xi32, #tpu.memory_space<hbm>> -> memref<2x40xi32, #tpu.memory_space<hbm>>
        %dma_start3A_837 = arith.constant 0 : i32
        %dma_start3A_838 = tpu.memref_slice %arg3[%dma_start3A_837, %add3A_834] : memref<2x160000xi32, #tpu.memory_space<hbm>> -> memref<2x40xi32, #tpu.memory_space<hbm>>
        tpu.enqueue_dma source(%dma_start3A_838 : memref<2x40xi32, #tpu.memory_space<hbm>>) target(%arg15 : memref<2x40xi32, #tpu.memory_space<vmem>>) target_semaphore(%arg40 : memref<!tpu.dma_semaphore, #tpu.memory_space<semaphore_mem>>)
      } else {
      }
      %dma_wait3A_472 = arith.constant 0 : i32
      %dma_wait3A_473 = tpu.memref_slice %arg3[%dma_wait3A_472, %mul3A_7] : memref<2x160000xi32, #tpu.memory_space<hbm>> -> memref<2x40xi32, #tpu.memory_space<hbm>>
      %dma_wait3A_474 = arith.constant 0 : i32
      %dma_wait3A_475 = tpu.memref_slice %arg3[%dma_wait3A_474, %mul3A_7] : memref<2x160000xi32, #tpu.memory_space<hbm>> -> memref<2x40xi32, #tpu.memory_space<hbm>>
      tpu.wait_dma2 semaphore(%arg36 : memref<!tpu.dma_semaphore, #tpu.memory_space<semaphore_mem>>) src(%dma_wait3A_475 : memref<2x40xi32, #tpu.memory_space<hbm>>) dst(%arg11 : memref<2x40xi32, #tpu.memory_space<vmem>>)
      %get3A_476 = arith.constant 0 : i32
      %get3A_477 = arith.index_cast %get3A_476 : i32 to index
      %get3A_478 = arith.constant 0 : index
      %get3A_479 = tpu.vector_load %arg11[%get3A_477, %get3A_478] {strides = array<i32>} : memref<2x40xi32, #tpu.memory_space<vmem>>, vector<1x16xi32>,
      %get3A_480 = vector.shape_cast %get3A_479 : vector<1x16xi32> to vector<16xi32>
      %add3A_481 = vector.broadcast %mul3A_2 : i32 to vector<16xi32>
      %add3A_482 = arith.addi %get3A_480, %add3A_481 : vector<16xi32>
      %swap3A_483 = arith.constant 0 : index
      %swap3A_484 = tpu.vector_load %arg21[%swap3A_483] {strides = array<i32>} : memref<40xi32, #tpu.memory_space<vmem>>, vector<16xi32>,
      %swap3A_485 = vector.shape_cast %swap3A_484 : vector<16xi32> to vector<16xi32>
      %swap3A_486 = vector.shape_cast %add3A_482 : vector<16xi32> to vector<16xi32>
      tpu.vector_store %arg21[%swap3A_483], %swap3A_486 {strides = array<i32>} : memref<40xi32, #tpu.memory_space<vmem>>, vector<16xi32>,
      %get3A_487 = arith.constant 0 : i32
      %get3A_488 = arith.index_cast %get3A_487 : i32 to index
      %get3A_489 = arith.constant 16 : index
      %get3A_490 = tpu.vector_load %arg11[%get3A_488, %get3A_489] {strides = array<i32>} : memref<2x40xi32, #tpu.memory_space<vmem>>, vector<1x16xi32>,
      %get3A_491 = vector.shape_cast %get3A_490 : vector<1x16xi32> to vector<16xi32>
      %add3A_492 = vector.broadcast %mul3A_2 : i32 to vector<16xi32>
      %add3A_493 = arith.addi %get3A_491, %add3A_492 : vector<16xi32>
      %swap3A_494 = arith.constant 16 : index
      %swap3A_495 = tpu.vector_load %arg21[%swap3A_494] {strides = array<i32>} : memref<40xi32, #tpu.memory_space<vmem>>, vector<16xi32>,
      %swap3A_496 = vector.shape_cast %swap3A_495 : vector<16xi32> to vector<16xi32>
      %swap3A_497 = vector.shape_cast %add3A_493 : vector<16xi32> to vector<16xi32>
      tpu.vector_store %arg21[%swap3A_494], %swap3A_497 {strides = array<i32>} : memref<40xi32, #tpu.memory_space<vmem>>, vector<16xi32>,
      %get3A_498 = arith.constant 0 : i32
      %get3A_499 = arith.index_cast %get3A_498 : i32 to index
      %get3A_500 = arith.constant 24 : index
      %get3A_501 = tpu.vector_load %arg11[%get3A_499, %get3A_500] {strides = array<i32>} : memref<2x40xi32, #tpu.memory_space<vmem>>, vector<1x16xi32>,
      %get3A_502 = vector.shape_cast %get3A_501 : vector<1x16xi32> to vector<16xi32>
      %add3A_503 = vector.broadcast %mul3A_2 : i32 to vector<16xi32>
      %add3A_504 = arith.addi %get3A_502, %add3A_503 : vector<16xi32>
      %swap3A_505 = arith.constant 24 : index
      %swap3A_506 = tpu.vector_load %arg21[%swap3A_505] {strides = array<i32>} : memref<40xi32, #tpu.memory_space<vmem>>, vector<16xi32>,
      %swap3A_507 = vector.shape_cast %swap3A_506 : vector<16xi32> to vector<16xi32>
      %swap3A_508 = vector.shape_cast %add3A_504 : vector<16xi32> to vector<16xi32>
      tpu.vector_store %arg21[%swap3A_505], %swap3A_508 {strides = array<i32>} : memref<40xi32, #tpu.memory_space<vmem>>, vector<16xi32>,
      %dma_wait3A_509 = arith.constant 1 : i32
      %dma_wait3A_510 = arith.constant 0 : i32
      %dma_wait3A_511 = tpu.memref_slice %arg6[%dma_wait3A_509, %dma_wait3A_510] : memref<2x40xi32, #tpu.memory_space<vmem>> -> memref<1x40xi32, #tpu.memory_space<vmem>>
      %dma_wait3A_512 = tpu.memref_squeeze %dma_wait3A_511 : memref<1x40xi32, #tpu.memory_space<vmem>> -> memref<40xi32, #tpu.memory_space<vmem>>
      %dma_wait3A_513 = arith.constant 0 : i32
      %dma_wait3A_514 = arith.constant 0 : i32
      %dma_wait3A_515 = tpu.memref_slice %arg5[%dma_wait3A_513, %dma_wait3A_514] : memref<10000x128xf32, #tpu.memory_space<vmem_shared>> -> memref<10000x128xf32, #tpu.memory_space<vmem_shared>>
      tpu.wait_indirect_dma semaphore(%arg46 : memref<!tpu.dma_semaphore, #tpu.memory_space<semaphore_mem>>) src(%arg26 : memref<40x128xf32, #tpu.memory_space<vmem>>) dst(%dma_wait3A_515 : memref<10000x128xf32, #tpu.memory_space<vmem_shared>>)
      %dma_start3A_516 = arith.constant 0 : i32
      %dma_start3A_517 = arith.constant 0 : i32
      %dma_start3A_518 = tpu.memref_slice %arg2[%dma_start3A_516, %dma_start3A_517] : memref<20000x128xf32, #tpu.memory_space<hbm>> -> memref<20000x128xf32, #tpu.memory_space<hbm>>
      tpu.enqueue_indirect_dma source(%dma_start3A_518 : memref<20000x128xf32, #tpu.memory_space<hbm>>) target(%arg26 : memref<40x128xf32, #tpu.memory_space<vmem>>) offsets(%arg21 : memref<40xi32, #tpu.memory_space<vmem>>) semaphore(%arg41 : memref<!tpu.dma_semaphore, #tpu.memory_space<semaphore_mem>>)
      %dma_wait3A_519 = arith.constant 0 : i32
      %dma_wait3A_520 = tpu.memref_slice %arg3[%dma_wait3A_519, %mul3A_7] : memref<2x160000xi32, #tpu.memory_space<hbm>> -> memref<2x40xi32, #tpu.memory_space<hbm>>
      %dma_wait3A_521 = arith.constant 0 : i32
      %dma_wait3A_522 = tpu.memref_slice %arg3[%dma_wait3A_521, %mul3A_7] : memref<2x160000xi32, #tpu.memory_space<hbm>> -> memref<2x40xi32, #tpu.memory_space<hbm>>
      tpu.wait_dma2 semaphore(%arg37 : memref<!tpu.dma_semaphore, #tpu.memory_space<semaphore_mem>>) src(%dma_wait3A_522 : memref<2x40xi32, #tpu.memory_space<hbm>>) dst(%arg12 : memref<2x40xi32, #tpu.memory_space<vmem>>)
      %get3A_523 = arith.constant 0 : i32
      %get3A_524 = arith.index_cast %get3A_523 : i32 to index
      %get3A_525 = arith.constant 0 : index
      %get3A_526 = tpu.vector_load %arg12[%get3A_524, %get3A_525] {strides = array<i32>} : memref<2x40xi32, #tpu.memory_space<vmem>>, vector<1x16xi32>,
      %get3A_527 = vector.shape_cast %get3A_526 : vector<1x16xi32> to vector<16xi32>
      %add3A_528 = vector.broadcast %mul3A_2 : i32 to vector<16xi32>
      %add3A_529 = arith.addi %get3A_527, %add3A_528 : vector<16xi32>
      %swap3A_530 = arith.constant 0 : index
      %swap3A_531 = tpu.vector_load %arg22[%swap3A_530] {strides = array<i32>} : memref<40xi32, #tpu.memory_space<vmem>>, vector<16xi32>,
      %swap3A_532 = vector.shape_cast %swap3A_531 : vector<16xi32> to vector<16xi32>
      %swap3A_533 = vector.shape_cast %add3A_529 : vector<16xi32> to vector<16xi32>
      tpu.vector_store %arg22[%swap3A_530], %swap3A_533 {strides = array<i32>} : memref<40xi32, #tpu.memory_space<vmem>>, vector<16xi32>,
      %get3A_534 = arith.constant 0 : i32
      %get3A_535 = arith.index_cast %get3A_534 : i32 to index
      %get3A_536 = arith.constant 16 : index
      %get3A_537 = tpu.vector_load %arg12[%get3A_535, %get3A_536] {strides = array<i32>} : memref<2x40xi32, #tpu.memory_space<vmem>>, vector<1x16xi32>,
      %get3A_538 = vector.shape_cast %get3A_537 : vector<1x16xi32> to vector<16xi32>
      %add3A_539 = vector.broadcast %mul3A_2 : i32 to vector<16xi32>
      %add3A_540 = arith.addi %get3A_538, %add3A_539 : vector<16xi32>
      %swap3A_541 = arith.constant 16 : index
      %swap3A_542 = tpu.vector_load %arg22[%swap3A_541] {strides = array<i32>} : memref<40xi32, #tpu.memory_space<vmem>>, vector<16xi32>,
      %swap3A_543 = vector.shape_cast %swap3A_542 : vector<16xi32> to vector<16xi32>
      %swap3A_544 = vector.shape_cast %add3A_540 : vector<16xi32> to vector<16xi32>
      tpu.vector_store %arg22[%swap3A_541], %swap3A_544 {strides = array<i32>} : memref<40xi32, #tpu.memory_space<vmem>>, vector<16xi32>,
      %get3A_545 = arith.constant 0 : i32
      %get3A_546 = arith.index_cast %get3A_545 : i32 to index
      %get3A_547 = arith.constant 24 : index
      %get3A_548 = tpu.vector_load %arg12[%get3A_546, %get3A_547] {strides = array<i32>} : memref<2x40xi32, #tpu.memory_space<vmem>>, vector<1x16xi32>,
      %get3A_549 = vector.shape_cast %get3A_548 : vector<1x16xi32> to vector<16xi32>
      %add3A_550 = vector.broadcast %mul3A_2 : i32 to vector<16xi32>
      %add3A_551 = arith.addi %get3A_549, %add3A_550 : vector<16xi32>
      %swap3A_552 = arith.constant 24 : index
      %swap3A_553 = tpu.vector_load %arg22[%swap3A_552] {strides = array<i32>} : memref<40xi32, #tpu.memory_space<vmem>>, vector<16xi32>,
      %swap3A_554 = vector.shape_cast %swap3A_553 : vector<16xi32> to vector<16xi32>
      %swap3A_555 = vector.shape_cast %add3A_551 : vector<16xi32> to vector<16xi32>
      tpu.vector_store %arg22[%swap3A_552], %swap3A_555 {strides = array<i32>} : memref<40xi32, #tpu.memory_space<vmem>>, vector<16xi32>,
      %dma_wait3A_556 = arith.constant 1 : i32
      %dma_wait3A_557 = arith.constant 0 : i32
      %dma_wait3A_558 = tpu.memref_slice %arg7[%dma_wait3A_556, %dma_wait3A_557] : memref<2x40xi32, #tpu.memory_space<vmem>> -> memref<1x40xi32, #tpu.memory_space<vmem>>
      %dma_wait3A_559 = tpu.memref_squeeze %dma_wait3A_558 : memref<1x40xi32, #tpu.memory_space<vmem>> -> memref<40xi32, #tpu.memory_space<vmem>>
      %dma_wait3A_560 = arith.constant 0 : i32
      %dma_wait3A_561 = arith.constant 0 : i32
      %dma_wait3A_562 = tpu.memref_slice %arg5[%dma_wait3A_560, %dma_wait3A_561] : memref<10000x128xf32, #tpu.memory_space<vmem_shared>> -> memref<10000x128xf32, #tpu.memory_space<vmem_shared>>
      tpu.wait_indirect_dma semaphore(%arg47 : memref<!tpu.dma_semaphore, #tpu.memory_space<semaphore_mem>>) src(%arg27 : memref<40x128xf32, #tpu.memory_space<vmem>>) dst(%dma_wait3A_562 : memref<10000x128xf32, #tpu.memory_space<vmem_shared>>)
      %dma_start3A_563 = arith.constant 0 : i32
      %dma_start3A_564 = arith.constant 0 : i32
      %dma_start3A_565 = tpu.memref_slice %arg2[%dma_start3A_563, %dma_start3A_564] : memref<20000x128xf32, #tpu.memory_space<hbm>> -> memref<20000x128xf32, #tpu.memory_space<hbm>>
      tpu.enqueue_indirect_dma source(%dma_start3A_565 : memref<20000x128xf32, #tpu.memory_space<hbm>>) target(%arg27 : memref<40x128xf32, #tpu.memory_space<vmem>>) offsets(%arg22 : memref<40xi32, #tpu.memory_space<vmem>>) semaphore(%arg42 : memref<!tpu.dma_semaphore, #tpu.memory_space<semaphore_mem>>)
      %dma_wait3A_566 = arith.constant 0 : i32
      %dma_wait3A_567 = tpu.memref_slice %arg3[%dma_wait3A_566, %mul3A_7] : memref<2x160000xi32, #tpu.memory_space<hbm>> -> memref<2x40xi32, #tpu.memory_space<hbm>>
      %dma_wait3A_568 = arith.constant 0 : i32
      %dma_wait3A_569 = tpu.memref_slice %arg3[%dma_wait3A_568, %mul3A_7] : memref<2x160000xi32, #tpu.memory_space<hbm>> -> memref<2x40xi32, #tpu.memory_space<hbm>>
      tpu.wait_dma2 semaphore(%arg38 : memref<!tpu.dma_semaphore, #tpu.memory_space<semaphore_mem>>) src(%dma_wait3A_569 : memref<2x40xi32, #tpu.memory_space<hbm>>) dst(%arg13 : memref<2x40xi32, #tpu.memory_space<vmem>>)
      %get3A_570 = arith.constant 0 : i32
      %get3A_571 = arith.index_cast %get3A_570 : i32 to index
      %get3A_572 = arith.constant 0 : index
      %get3A_573 = tpu.vector_load %arg13[%get3A_571, %get3A_572] {strides = array<i32>} : memref<2x40xi32, #tpu.memory_space<vmem>>, vector<1x16xi32>,
      %get3A_574 = vector.shape_cast %get3A_573 : vector<1x16xi32> to vector<16xi32>
      %add3A_575 = vector.broadcast %mul3A_2 : i32 to vector<16xi32>
      %add3A_576 = arith.addi %get3A_574, %add3A_575 : vector<16xi32>
      %swap3A_577 = arith.constant 0 : index
      %swap3A_578 = tpu.vector_load %arg23[%swap3A_577] {strides = array<i32>} : memref<40xi32, #tpu.memory_space<vmem>>, vector<16xi32>,
      %swap3A_579 = vector.shape_cast %swap3A_578 : vector<16xi32> to vector<16xi32>
      %swap3A_580 = vector.shape_cast %add3A_576 : vector<16xi32> to vector<16xi32>
      tpu.vector_store %arg23[%swap3A_577], %swap3A_580 {strides = array<i32>} : memref<40xi32, #tpu.memory_space<vmem>>, vector<16xi32>,
      %get3A_581 = arith.constant 0 : i32
      %get3A_582 = arith.index_cast %get3A_581 : i32 to index
      %get3A_583 = arith.constant 16 : index
      %get3A_584 = tpu.vector_load %arg13[%get3A_582, %get3A_583] {strides = array<i32>} : memref<2x40xi32, #tpu.memory_space<vmem>>, vector<1x16xi32>,
      %get3A_585 = vector.shape_cast %get3A_584 : vector<1x16xi32> to vector<16xi32>
      %add3A_586 = vector.broadcast %mul3A_2 : i32 to vector<16xi32>
      %add3A_587 = arith.addi %get3A_585, %add3A_586 : vector<16xi32>
      %swap3A_588 = arith.constant 16 : index
      %swap3A_589 = tpu.vector_load %arg23[%swap3A_588] {strides = array<i32>} : memref<40xi32, #tpu.memory_space<vmem>>, vector<16xi32>,
      %swap3A_590 = vector.shape_cast %swap3A_589 : vector<16xi32> to vector<16xi32>
      %swap3A_591 = vector.shape_cast %add3A_587 : vector<16xi32> to vector<16xi32>
      tpu.vector_store %arg23[%swap3A_588], %swap3A_591 {strides = array<i32>} : memref<40xi32, #tpu.memory_space<vmem>>, vector<16xi32>,
      %get3A_592 = arith.constant 0 : i32
      %get3A_593 = arith.index_cast %get3A_592 : i32 to index
      %get3A_594 = arith.constant 24 : index
      %get3A_595 = tpu.vector_load %arg13[%get3A_593, %get3A_594] {strides = array<i32>} : memref<2x40xi32, #tpu.memory_space<vmem>>, vector<1x16xi32>,
      %get3A_596 = vector.shape_cast %get3A_595 : vector<1x16xi32> to vector<16xi32>
      %add3A_597 = vector.broadcast %mul3A_2 : i32 to vector<16xi32>
      %add3A_598 = arith.addi %get3A_596, %add3A_597 : vector<16xi32>
      %swap3A_599 = arith.constant 24 : index
      %swap3A_600 = tpu.vector_load %arg23[%swap3A_599] {strides = array<i32>} : memref<40xi32, #tpu.memory_space<vmem>>, vector<16xi32>,
      %swap3A_601 = vector.shape_cast %swap3A_600 : vector<16xi32> to vector<16xi32>
      %swap3A_602 = vector.shape_cast %add3A_598 : vector<16xi32> to vector<16xi32>
      tpu.vector_store %arg23[%swap3A_599], %swap3A_602 {strides = array<i32>} : memref<40xi32, #tpu.memory_space<vmem>>, vector<16xi32>,
      %dma_wait3A_603 = arith.constant 1 : i32
      %dma_wait3A_604 = arith.constant 0 : i32
      %dma_wait3A_605 = tpu.memref_slice %arg8[%dma_wait3A_603, %dma_wait3A_604] : memref<2x40xi32, #tpu.memory_space<vmem>> -> memref<1x40xi32, #tpu.memory_space<vmem>>
      %dma_wait3A_606 = tpu.memref_squeeze %dma_wait3A_605 : memref<1x40xi32, #tpu.memory_space<vmem>> -> memref<40xi32, #tpu.memory_space<vmem>>
      %dma_wait3A_607 = arith.constant 0 : i32
      %dma_wait3A_608 = arith.constant 0 : i32
      %dma_wait3A_609 = tpu.memref_slice %arg5[%dma_wait3A_607, %dma_wait3A_608] : memref<10000x128xf32, #tpu.memory_space<vmem_shared>> -> memref<10000x128xf32, #tpu.memory_space<vmem_shared>>
      tpu.wait_indirect_dma semaphore(%arg48 : memref<!tpu.dma_semaphore, #tpu.memory_space<semaphore_mem>>) src(%arg28 : memref<40x128xf32, #tpu.memory_space<vmem>>) dst(%dma_wait3A_609 : memref<10000x128xf32, #tpu.memory_space<vmem_shared>>)
      %dma_start3A_610 = arith.constant 0 : i32
      %dma_start3A_611 = arith.constant 0 : i32
      %dma_start3A_612 = tpu.memref_slice %arg2[%dma_start3A_610, %dma_start3A_611] : memref<20000x128xf32, #tpu.memory_space<hbm>> -> memref<20000x128xf32, #tpu.memory_space<hbm>>
      tpu.enqueue_indirect_dma source(%dma_start3A_612 : memref<20000x128xf32, #tpu.memory_space<hbm>>) target(%arg28 : memref<40x128xf32, #tpu.memory_space<vmem>>) offsets(%arg23 : memref<40xi32, #tpu.memory_space<vmem>>) semaphore(%arg43 : memref<!tpu.dma_semaphore, #tpu.memory_space<semaphore_mem>>)
      %dma_wait3A_613 = arith.constant 0 : i32
      %dma_wait3A_614 = tpu.memref_slice %arg3[%dma_wait3A_613, %mul3A_7] : memref<2x160000xi32, #tpu.memory_space<hbm>> -> memref<2x40xi32, #tpu.memory_space<hbm>>
      %dma_wait3A_615 = arith.constant 0 : i32
      %dma_wait3A_616 = tpu.memref_slice %arg3[%dma_wait3A_615, %mul3A_7] : memref<2x160000xi32, #tpu.memory_space<hbm>> -> memref<2x40xi32, #tpu.memory_space<hbm>>
      tpu.wait_dma2 semaphore(%arg39 : memref<!tpu.dma_semaphore, #tpu.memory_space<semaphore_mem>>) src(%dma_wait3A_616 : memref<2x40xi32, #tpu.memory_space<hbm>>) dst(%arg14 : memref<2x40xi32, #tpu.memory_space<vmem>>)
      %get3A_617 = arith.constant 0 : i32
      %get3A_618 = arith.index_cast %get3A_617 : i32 to index
      %get3A_619 = arith.constant 0 : index
      %get3A_620 = tpu.vector_load %arg14[%get3A_618, %get3A_619] {strides = array<i32>} : memref<2x40xi32, #tpu.memory_space<vmem>>, vector<1x16xi32>,
      %get3A_621 = vector.shape_cast %get3A_620 : vector<1x16xi32> to vector<16xi32>
      %add3A_622 = vector.broadcast %mul3A_2 : i32 to vector<16xi32>
      %add3A_623 = arith.addi %get3A_621, %add3A_622 : vector<16xi32>
      %swap3A_624 = arith.constant 0 : index
      %swap3A_625 = tpu.vector_load %arg24[%swap3A_624] {strides = array<i32>} : memref<40xi32, #tpu.memory_space<vmem>>, vector<16xi32>,
      %swap3A_626 = vector.shape_cast %swap3A_625 : vector<16xi32> to vector<16xi32>
      %swap3A_627 = vector.shape_cast %add3A_623 : vector<16xi32> to vector<16xi32>
      tpu.vector_store %arg24[%swap3A_624], %swap3A_627 {strides = array<i32>} : memref<40xi32, #tpu.memory_space<vmem>>, vector<16xi32>,
      %get3A_628 = arith.constant 0 : i32
      %get3A_629 = arith.index_cast %get3A_628 : i32 to index
      %get3A_630 = arith.constant 16 : index
      %get3A_631 = tpu.vector_load %arg14[%get3A_629, %get3A_630] {strides = array<i32>} : memref<2x40xi32, #tpu.memory_space<vmem>>, vector<1x16xi32>,
      %get3A_632 = vector.shape_cast %get3A_631 : vector<1x16xi32> to vector<16xi32>
      %add3A_633 = vector.broadcast %mul3A_2 : i32 to vector<16xi32>
      %add3A_634 = arith.addi %get3A_632, %add3A_633 : vector<16xi32>
      %swap3A_635 = arith.constant 16 : index
      %swap3A_636 = tpu.vector_load %arg24[%swap3A_635] {strides = array<i32>} : memref<40xi32, #tpu.memory_space<vmem>>, vector<16xi32>,
      %swap3A_637 = vector.shape_cast %swap3A_636 : vector<16xi32> to vector<16xi32>
      %swap3A_638 = vector.shape_cast %add3A_634 : vector<16xi32> to vector<16xi32>
      tpu.vector_store %arg24[%swap3A_635], %swap3A_638 {strides = array<i32>} : memref<40xi32, #tpu.memory_space<vmem>>, vector<16xi32>,
      %get3A_639 = arith.constant 0 : i32
      %get3A_640 = arith.index_cast %get3A_639 : i32 to index
      %get3A_641 = arith.constant 24 : index
      %get3A_642 = tpu.vector_load %arg14[%get3A_640, %get3A_641] {strides = array<i32>} : memref<2x40xi32, #tpu.memory_space<vmem>>, vector<1x16xi32>,
      %get3A_643 = vector.shape_cast %get3A_642 : vector<1x16xi32> to vector<16xi32>
      %add3A_644 = vector.broadcast %mul3A_2 : i32 to vector<16xi32>
      %add3A_645 = arith.addi %get3A_643, %add3A_644 : vector<16xi32>
      %swap3A_646 = arith.constant 24 : index
      %swap3A_647 = tpu.vector_load %arg24[%swap3A_646] {strides = array<i32>} : memref<40xi32, #tpu.memory_space<vmem>>, vector<16xi32>,
      %swap3A_648 = vector.shape_cast %swap3A_647 : vector<16xi32> to vector<16xi32>
      %swap3A_649 = vector.shape_cast %add3A_645 : vector<16xi32> to vector<16xi32>
      tpu.vector_store %arg24[%swap3A_646], %swap3A_649 {strides = array<i32>} : memref<40xi32, #tpu.memory_space<vmem>>, vector<16xi32>,
      %dma_wait3A_650 = arith.constant 1 : i32
      %dma_wait3A_651 = arith.constant 0 : i32
      %dma_wait3A_652 = tpu.memref_slice %arg9[%dma_wait3A_650, %dma_wait3A_651] : memref<2x40xi32, #tpu.memory_space<vmem>> -> memref<1x40xi32, #tpu.memory_space<vmem>>
      %dma_wait3A_653 = tpu.memref_squeeze %dma_wait3A_652 : memref<1x40xi32, #tpu.memory_space<vmem>> -> memref<40xi32, #tpu.memory_space<vmem>>
      %dma_wait3A_654 = arith.constant 0 : i32
      %dma_wait3A_655 = arith.constant 0 : i32
      %dma_wait3A_656 = tpu.memref_slice %arg5[%dma_wait3A_654, %dma_wait3A_655] : memref<10000x128xf32, #tpu.memory_space<vmem_shared>> -> memref<10000x128xf32, #tpu.memory_space<vmem_shared>>
      tpu.wait_indirect_dma semaphore(%arg49 : memref<!tpu.dma_semaphore, #tpu.memory_space<semaphore_mem>>) src(%arg29 : memref<40x128xf32, #tpu.memory_space<vmem>>) dst(%dma_wait3A_656 : memref<10000x128xf32, #tpu.memory_space<vmem_shared>>)
      %dma_start3A_657 = arith.constant 0 : i32
      %dma_start3A_658 = arith.constant 0 : i32
      %dma_start3A_659 = tpu.memref_slice %arg2[%dma_start3A_657, %dma_start3A_658] : memref<20000x128xf32, #tpu.memory_space<hbm>> -> memref<20000x128xf32, #tpu.memory_space<hbm>>
      tpu.enqueue_indirect_dma source(%dma_start3A_659 : memref<20000x128xf32, #tpu.memory_space<hbm>>) target(%arg29 : memref<40x128xf32, #tpu.memory_space<vmem>>) offsets(%arg24 : memref<40xi32, #tpu.memory_space<vmem>>) semaphore(%arg44 : memref<!tpu.dma_semaphore, #tpu.memory_space<semaphore_mem>>)
      %dma_wait3A_660 = arith.constant 0 : i32
      %dma_wait3A_661 = tpu.memref_slice %arg3[%dma_wait3A_660, %mul3A_7] : memref<2x160000xi32, #tpu.memory_space<hbm>> -> memref<2x40xi32, #tpu.memory_space<hbm>>
      %dma_wait3A_662 = arith.constant 0 : i32
      %dma_wait3A_663 = tpu.memref_slice %arg3[%dma_wait3A_662, %mul3A_7] : memref<2x160000xi32, #tpu.memory_space<hbm>> -> memref<2x40xi32, #tpu.memory_space<hbm>>
      tpu.wait_dma2 semaphore(%arg40 : memref<!tpu.dma_semaphore, #tpu.memory_space<semaphore_mem>>) src(%dma_wait3A_663 : memref<2x40xi32, #tpu.memory_space<hbm>>) dst(%arg15 : memref<2x40xi32, #tpu.memory_space<vmem>>)
      %get3A_664 = arith.constant 0 : i32
      %get3A_665 = arith.index_cast %get3A_664 : i32 to index
      %get3A_666 = arith.constant 0 : index
      %get3A_667 = tpu.vector_load %arg15[%get3A_665, %get3A_666] {strides = array<i32>} : memref<2x40xi32, #tpu.memory_space<vmem>>, vector<1x16xi32>,
      %get3A_668 = vector.shape_cast %get3A_667 : vector<1x16xi32> to vector<16xi32>
      %add3A_669 = vector.broadcast %mul3A_2 : i32 to vector<16xi32>
      %add3A_670 = arith.addi %get3A_668, %add3A_669 : vector<16xi32>
      %swap3A_671 = arith.constant 0 : index
      %swap3A_672 = tpu.vector_load %arg25[%swap3A_671] {strides = array<i32>} : memref<40xi32, #tpu.memory_space<vmem>>, vector<16xi32>,
      %swap3A_673 = vector.shape_cast %swap3A_672 : vector<16xi32> to vector<16xi32>
      %swap3A_674 = vector.shape_cast %add3A_670 : vector<16xi32> to vector<16xi32>
      tpu.vector_store %arg25[%swap3A_671], %swap3A_674 {strides = array<i32>} : memref<40xi32, #tpu.memory_space<vmem>>, vector<16xi32>,
      %get3A_675 = arith.constant 0 : i32
      %get3A_676 = arith.index_cast %get3A_675 : i32 to index
      %get3A_677 = arith.constant 16 : index
      %get3A_678 = tpu.vector_load %arg15[%get3A_676, %get3A_677] {strides = array<i32>} : memref<2x40xi32, #tpu.memory_space<vmem>>, vector<1x16xi32>,
      %get3A_679 = vector.shape_cast %get3A_678 : vector<1x16xi32> to vector<16xi32>
      %add3A_680 = vector.broadcast %mul3A_2 : i32 to vector<16xi32>
      %add3A_681 = arith.addi %get3A_679, %add3A_680 : vector<16xi32>
      %swap3A_682 = arith.constant 16 : index
      %swap3A_683 = tpu.vector_load %arg25[%swap3A_682] {strides = array<i32>} : memref<40xi32, #tpu.memory_space<vmem>>, vector<16xi32>,
      %swap3A_684 = vector.shape_cast %swap3A_683 : vector<16xi32> to vector<16xi32>
      %swap3A_685 = vector.shape_cast %add3A_681 : vector<16xi32> to vector<16xi32>
      tpu.vector_store %arg25[%swap3A_682], %swap3A_685 {strides = array<i32>} : memref<40xi32, #tpu.memory_space<vmem>>, vector<16xi32>,
      %get3A_686 = arith.constant 0 : i32
      %get3A_687 = arith.index_cast %get3A_686 : i32 to index
      %get3A_688 = arith.constant 24 : index
      %get3A_689 = tpu.vector_load %arg15[%get3A_687, %get3A_688] {strides = array<i32>} : memref<2x40xi32, #tpu.memory_space<vmem>>, vector<1x16xi32>,
      %get3A_690 = vector.shape_cast %get3A_689 : vector<1x16xi32> to vector<16xi32>
      %add3A_691 = vector.broadcast %mul3A_2 : i32 to vector<16xi32>
      %add3A_692 = arith.addi %get3A_690, %add3A_691 : vector<16xi32>
      %swap3A_693 = arith.constant 24 : index
      %swap3A_694 = tpu.vector_load %arg25[%swap3A_693] {strides = array<i32>} : memref<40xi32, #tpu.memory_space<vmem>>, vector<16xi32>,
      %swap3A_695 = vector.shape_cast %swap3A_694 : vector<16xi32> to vector<16xi32>
      %swap3A_696 = vector.shape_cast %add3A_692 : vector<16xi32> to vector<16xi32>
      tpu.vector_store %arg25[%swap3A_693], %swap3A_696 {strides = array<i32>} : memref<40xi32, #tpu.memory_space<vmem>>, vector<16xi32>,
      %dma_wait3A_697 = arith.constant 1 : i32
      %dma_wait3A_698 = arith.constant 0 : i32
      %dma_wait3A_699 = tpu.memref_slice %arg10[%dma_wait3A_697, %dma_wait3A_698] : memref<2x40xi32, #tpu.memory_space<vmem>> -> memref<1x40xi32, #tpu.memory_space<vmem>>
      %dma_wait3A_700 = tpu.memref_squeeze %dma_wait3A_699 : memref<1x40xi32, #tpu.memory_space<vmem>> -> memref<40xi32, #tpu.memory_space<vmem>>
      %dma_wait3A_701 = arith.constant 0 : i32
      %dma_wait3A_702 = arith.constant 0 : i32
      %dma_wait3A_703 = tpu.memref_slice %arg5[%dma_wait3A_701, %dma_wait3A_702] : memref<10000x128xf32, #tpu.memory_space<vmem_shared>> -> memref<10000x128xf32, #tpu.memory_space<vmem_shared>>
      tpu.wait_indirect_dma semaphore(%arg50 : memref<!tpu.dma_semaphore, #tpu.memory_space<semaphore_mem>>) src(%arg30 : memref<40x128xf32, #tpu.memory_space<vmem>>) dst(%dma_wait3A_703 : memref<10000x128xf32, #tpu.memory_space<vmem_shared>>)
      %dma_start3A_704 = arith.constant 0 : i32
      %dma_start3A_705 = arith.constant 0 : i32
      %dma_start3A_706 = tpu.memref_slice %arg2[%dma_start3A_704, %dma_start3A_705] : memref<20000x128xf32, #tpu.memory_space<hbm>> -> memref<20000x128xf32, #tpu.memory_space<hbm>>
      tpu.enqueue_indirect_dma source(%dma_start3A_706 : memref<20000x128xf32, #tpu.memory_space<hbm>>) target(%arg30 : memref<40x128xf32, #tpu.memory_space<vmem>>) offsets(%arg25 : memref<40xi32, #tpu.memory_space<vmem>>) semaphore(%arg45 : memref<!tpu.dma_semaphore, #tpu.memory_space<semaphore_mem>>)
      %dma_wait3A_707 = arith.constant 0 : i32
      %dma_wait3A_708 = arith.constant 0 : i32
      %dma_wait3A_709 = tpu.memref_slice %arg2[%dma_wait3A_707, %dma_wait3A_708] : memref<20000x128xf32, #tpu.memory_space<hbm>> -> memref<20000x128xf32, #tpu.memory_space<hbm>>
      tpu.wait_indirect_dma semaphore(%arg41 : memref<!tpu.dma_semaphore, #tpu.memory_space<semaphore_mem>>) src(%dma_wait3A_709 : memref<20000x128xf32, #tpu.memory_space<hbm>>) dst(%arg26 : memref<40x128xf32, #tpu.memory_space<vmem>>)
      %dma_start3A_710 = arith.constant 1 : i32
      %dma_start3A_711 = arith.constant 0 : i32
      %dma_start3A_712 = tpu.memref_slice %arg11[%dma_start3A_710, %dma_start3A_711] : memref<2x40xi32, #tpu.memory_space<vmem>> -> memref<1x40xi32, #tpu.memory_space<vmem>>
      %dma_start3A_713 = tpu.memref_squeeze %dma_start3A_712 : memref<1x40xi32, #tpu.memory_space<vmem>> -> memref<40xi32, #tpu.memory_space<vmem>>
      %dma_start3A_714 = arith.constant 0 : i32
      %dma_start3A_715 = arith.constant 0 : i32
      %dma_start3A_716 = tpu.memref_slice %arg5[%dma_start3A_714, %dma_start3A_715] : memref<10000x128xf32, #tpu.memory_space<vmem_shared>> -> memref<10000x128xf32, #tpu.memory_space<vmem_shared>>
      tpu.enqueue_indirect_dma source(%arg26 : memref<40x128xf32, #tpu.memory_space<vmem>>) target(%dma_start3A_716 : memref<10000x128xf32, #tpu.memory_space<vmem_shared>>) offsets(%dma_start3A_713 : memref<40xi32, #tpu.memory_space<vmem>>) semaphore(%arg46 : memref<!tpu.dma_semaphore, #tpu.memory_space<semaphore_mem>>) {add = true}
      %mul3A_717 = arith.constant 2 : i32
      %mul3A_718 = arith.muli %mul3A_717, %scan3A_113 : i32
      %add3A_719 = arith.constant 1 : i32
      %add3A_720 = arith.addi %mul3A_718, %add3A_719 : i32
      %add3A_721 = arith.constant 1 : i32
      %add3A_722 = arith.addi %add3A_720, %add3A_721 : i32
      %mul3A_723 = arith.constant 5 : i32
      %mul3A_724 = arith.muli %add3A_722, %mul3A_723 : i32
      %add3A_725 = arith.constant 0 : i32
      %add3A_726 = arith.addi %mul3A_724, %add3A_725 : i32
      %lt3A_727 = arith.constant 250 : i32
      %lt3A_728 = arith.cmpi slt, %add3A_726, %lt3A_727 : i32
      %convert_element_type3A_729 = arith.extui %lt3A_728 : i1 to i32
      %cond3A_730 = arith.constant 0 : i32
      %cond3A_731 = arith.cmpi ne, %convert_element_type3A_729, %cond3A_730 : i32
      scf.if %cond3A_731 {
        %mul3A_832 = arith.constant 40 : i32
        %mul3A_833 = arith.muli %add3A_726, %mul3A_832 : i32
        %add3A_834 = arith.addi %mul3A_7, %mul3A_833 : i32
        %dma_start3A_835 = arith.constant 0 : i32
        %dma_start3A_836 = tpu.memref_slice %arg3[%dma_start3A_835, %add3A_834] : memref<2x160000xi32, #tpu.memory_space<hbm>> -> memref<2x40xi32, #tpu.memory_space<hbm>>
        %dma_start3A_837 = arith.constant 0 : i32
        %dma_start3A_838 = tpu.memref_slice %arg3[%dma_start3A_837, %add3A_834] : memref<2x160000xi32, #tpu.memory_space<hbm>> -> memref<2x40xi32, #tpu.memory_space<hbm>>
        tpu.enqueue_dma source(%dma_start3A_838 : memref<2x40xi32, #tpu.memory_space<hbm>>) target(%arg6 : memref<2x40xi32, #tpu.memory_space<vmem>>) target_semaphore(%arg31 : memref<!tpu.dma_semaphore, #tpu.memory_space<semaphore_mem>>)
      } else {
      }
      %dma_wait3A_732 = arith.constant 0 : i32
      %dma_wait3A_733 = arith.constant 0 : i32
      %dma_wait3A_734 = tpu.memref_slice %arg2[%dma_wait3A_732, %dma_wait3A_733] : memref<20000x128xf32, #tpu.memory_space<hbm>> -> memref<20000x128xf32, #tpu.memory_space<hbm>>
      tpu.wait_indirect_dma semaphore(%arg42 : memref<!tpu.dma_semaphore, #tpu.memory_space<semaphore_mem>>) src(%dma_wait3A_734 : memref<20000x128xf32, #tpu.memory_space<hbm>>) dst(%arg27 : memref<40x128xf32, #tpu.memory_space<vmem>>)
      %dma_start3A_735 = arith.constant 1 : i32
      %dma_start3A_736 = arith.constant 0 : i32
      %dma_start3A_737 = tpu.memref_slice %arg12[%dma_start3A_735, %dma_start3A_736] : memref<2x40xi32, #tpu.memory_space<vmem>> -> memref<1x40xi32, #tpu.memory_space<vmem>>
      %dma_start3A_738 = tpu.memref_squeeze %dma_start3A_737 : memref<1x40xi32, #tpu.memory_space<vmem>> -> memref<40xi32, #tpu.memory_space<vmem>>
      %dma_start3A_739 = arith.constant 0 : i32
      %dma_start3A_740 = arith.constant 0 : i32
      %dma_start3A_741 = tpu.memref_slice %arg5[%dma_start3A_739, %dma_start3A_740] : memref<10000x128xf32, #tpu.memory_space<vmem_shared>> -> memref<10000x128xf32, #tpu.memory_space<vmem_shared>>
      tpu.enqueue_indirect_dma source(%arg27 : memref<40x128xf32, #tpu.memory_space<vmem>>) target(%dma_start3A_741 : memref<10000x128xf32, #tpu.memory_space<vmem_shared>>) offsets(%dma_start3A_738 : memref<40xi32, #tpu.memory_space<vmem>>) semaphore(%arg47 : memref<!tpu.dma_semaphore, #tpu.memory_space<semaphore_mem>>) {add = true}
      %mul3A_742 = arith.constant 2 : i32
      %mul3A_743 = arith.muli %mul3A_742, %scan3A_113 : i32
      %add3A_744 = arith.constant 1 : i32
      %add3A_745 = arith.addi %mul3A_743, %add3A_744 : i32
      %add3A_746 = arith.constant 1 : i32
      %add3A_747 = arith.addi %add3A_745, %add3A_746 : i32
      %mul3A_748 = arith.constant 5 : i32
      %mul3A_749 = arith.muli %add3A_747, %mul3A_748 : i32
      %add3A_750 = arith.constant 1 : i32
      %add3A_751 = arith.addi %mul3A_749, %add3A_750 : i32
      %lt3A_752 = arith.constant 250 : i32
      %lt3A_753 = arith.cmpi slt, %add3A_751, %lt3A_752 : i32
      %convert_element_type3A_754 = arith.extui %lt3A_753 : i1 to i32
      %cond3A_755 = arith.constant 0 : i32
      %cond3A_756 = arith.cmpi ne, %convert_element_type3A_754, %cond3A_755 : i32
      scf.if %cond3A_756 {
        %mul3A_832 = arith.constant 40 : i32
        %mul3A_833 = arith.muli %add3A_751, %mul3A_832 : i32
        %add3A_834 = arith.addi %mul3A_7, %mul3A_833 : i32
        %dma_start3A_835 = arith.constant 0 : i32
        %dma_start3A_836 = tpu.memref_slice %arg3[%dma_start3A_835, %add3A_834] : memref<2x160000xi32, #tpu.memory_space<hbm>> -> memref<2x40xi32, #tpu.memory_space<hbm>>
        %dma_start3A_837 = arith.constant 0 : i32
        %dma_start3A_838 = tpu.memref_slice %arg3[%dma_start3A_837, %add3A_834] : memref<2x160000xi32, #tpu.memory_space<hbm>> -> memref<2x40xi32, #tpu.memory_space<hbm>>
        tpu.enqueue_dma source(%dma_start3A_838 : memref<2x40xi32, #tpu.memory_space<hbm>>) target(%arg7 : memref<2x40xi32, #tpu.memory_space<vmem>>) target_semaphore(%arg32 : memref<!tpu.dma_semaphore, #tpu.memory_space<semaphore_mem>>)
      } else {
      }
      %dma_wait3A_757 = arith.constant 0 : i32
      %dma_wait3A_758 = arith.constant 0 : i32
      %dma_wait3A_759 = tpu.memref_slice %arg2[%dma_wait3A_757, %dma_wait3A_758] : memref<20000x128xf32, #tpu.memory_space<hbm>> -> memref<20000x128xf32, #tpu.memory_space<hbm>>
      tpu.wait_indirect_dma semaphore(%arg43 : memref<!tpu.dma_semaphore, #tpu.memory_space<semaphore_mem>>) src(%dma_wait3A_759 : memref<20000x128xf32, #tpu.memory_space<hbm>>) dst(%arg28 : memref<40x128xf32, #tpu.memory_space<vmem>>)
      %dma_start3A_760 = arith.constant 1 : i32
      %dma_start3A_761 = arith.constant 0 : i32
      %dma_start3A_762 = tpu.memref_slice %arg13[%dma_start3A_760, %dma_start3A_761] : memref<2x40xi32, #tpu.memory_space<vmem>> -> memref<1x40xi32, #tpu.memory_space<vmem>>
      %dma_start3A_763 = tpu.memref_squeeze %dma_start3A_762 : memref<1x40xi32, #tpu.memory_space<vmem>> -> memref<40xi32, #tpu.memory_space<vmem>>
      %dma_start3A_764 = arith.constant 0 : i32
      %dma_start3A_765 = arith.constant 0 : i32
      %dma_start3A_766 = tpu.memref_slice %arg5[%dma_start3A_764, %dma_start3A_765] : memref<10000x128xf32, #tpu.memory_space<vmem_shared>> -> memref<10000x128xf32, #tpu.memory_space<vmem_shared>>
      tpu.enqueue_indirect_dma source(%arg28 : memref<40x128xf32, #tpu.memory_space<vmem>>) target(%dma_start3A_766 : memref<10000x128xf32, #tpu.memory_space<vmem_shared>>) offsets(%dma_start3A_763 : memref<40xi32, #tpu.memory_space<vmem>>) semaphore(%arg48 : memref<!tpu.dma_semaphore, #tpu.memory_space<semaphore_mem>>) {add = true}
      %mul3A_767 = arith.constant 2 : i32
      %mul3A_768 = arith.muli %mul3A_767, %scan3A_113 : i32
      %add3A_769 = arith.constant 1 : i32
      %add3A_770 = arith.addi %mul3A_768, %add3A_769 : i32
      %add3A_771 = arith.constant 1 : i32
      %add3A_772 = arith.addi %add3A_770, %add3A_771 : i32
      %mul3A_773 = arith.constant 5 : i32
      %mul3A_774 = arith.muli %add3A_772, %mul3A_773 : i32
      %add3A_775 = arith.constant 2 : i32
      %add3A_776 = arith.addi %mul3A_774, %add3A_775 : i32
      %lt3A_777 = arith.constant 250 : i32
      %lt3A_778 = arith.cmpi slt, %add3A_776, %lt3A_777 : i32
      %convert_element_type3A_779 = arith.extui %lt3A_778 : i1 to i32
      %cond3A_780 = arith.constant 0 : i32
      %cond3A_781 = arith.cmpi ne, %convert_element_type3A_779, %cond3A_780 : i32
      scf.if %cond3A_781 {
        %mul3A_832 = arith.constant 40 : i32
        %mul3A_833 = arith.muli %add3A_776, %mul3A_832 : i32
        %add3A_834 = arith.addi %mul3A_7, %mul3A_833 : i32
        %dma_start3A_835 = arith.constant 0 : i32
        %dma_start3A_836 = tpu.memref_slice %arg3[%dma_start3A_835, %add3A_834] : memref<2x160000xi32, #tpu.memory_space<hbm>> -> memref<2x40xi32, #tpu.memory_space<hbm>>
        %dma_start3A_837 = arith.constant 0 : i32
        %dma_start3A_838 = tpu.memref_slice %arg3[%dma_start3A_837, %add3A_834] : memref<2x160000xi32, #tpu.memory_space<hbm>> -> memref<2x40xi32, #tpu.memory_space<hbm>>
        tpu.enqueue_dma source(%dma_start3A_838 : memref<2x40xi32, #tpu.memory_space<hbm>>) target(%arg8 : memref<2x40xi32, #tpu.memory_space<vmem>>) target_semaphore(%arg33 : memref<!tpu.dma_semaphore, #tpu.memory_space<semaphore_mem>>)
      } else {
      }
      %dma_wait3A_782 = arith.constant 0 : i32
      %dma_wait3A_783 = arith.constant 0 : i32
      %dma_wait3A_784 = tpu.memref_slice %arg2[%dma_wait3A_782, %dma_wait3A_783] : memref<20000x128xf32, #tpu.memory_space<hbm>> -> memref<20000x128xf32, #tpu.memory_space<hbm>>
      tpu.wait_indirect_dma semaphore(%arg44 : memref<!tpu.dma_semaphore, #tpu.memory_space<semaphore_mem>>) src(%dma_wait3A_784 : memref<20000x128xf32, #tpu.memory_space<hbm>>) dst(%arg29 : memref<40x128xf32, #tpu.memory_space<vmem>>)
      %dma_start3A_785 = arith.constant 1 : i32
      %dma_start3A_786 = arith.constant 0 : i32
      %dma_start3A_787 = tpu.memref_slice %arg14[%dma_start3A_785, %dma_start3A_786] : memref<2x40xi32, #tpu.memory_space<vmem>> -> memref<1x40xi32, #tpu.memory_space<vmem>>
      %dma_start3A_788 = tpu.memref_squeeze %dma_start3A_787 : memref<1x40xi32, #tpu.memory_space<vmem>> -> memref<40xi32, #tpu.memory_space<vmem>>
      %dma_start3A_789 = arith.constant 0 : i32
      %dma_start3A_790 = arith.constant 0 : i32
      %dma_start3A_791 = tpu.memref_slice %arg5[%dma_start3A_789, %dma_start3A_790] : memref<10000x128xf32, #tpu.memory_space<vmem_shared>> -> memref<10000x128xf32, #tpu.memory_space<vmem_shared>>
      tpu.enqueue_indirect_dma source(%arg29 : memref<40x128xf32, #tpu.memory_space<vmem>>) target(%dma_start3A_791 : memref<10000x128xf32, #tpu.memory_space<vmem_shared>>) offsets(%dma_start3A_788 : memref<40xi32, #tpu.memory_space<vmem>>) semaphore(%arg49 : memref<!tpu.dma_semaphore, #tpu.memory_space<semaphore_mem>>) {add = true}
      %mul3A_792 = arith.constant 2 : i32
      %mul3A_793 = arith.muli %mul3A_792, %scan3A_113 : i32
      %add3A_794 = arith.constant 1 : i32
      %add3A_795 = arith.addi %mul3A_793, %add3A_794 : i32
      %add3A_796 = arith.constant 1 : i32
      %add3A_797 = arith.addi %add3A_795, %add3A_796 : i32
      %mul3A_798 = arith.constant 5 : i32
      %mul3A_799 = arith.muli %add3A_797, %mul3A_798 : i32
      %add3A_800 = arith.constant 3 : i32
      %add3A_801 = arith.addi %mul3A_799, %add3A_800 : i32
      %lt3A_802 = arith.constant 250 : i32
      %lt3A_803 = arith.cmpi slt, %add3A_801, %lt3A_802 : i32
      %convert_element_type3A_804 = arith.extui %lt3A_803 : i1 to i32
      %cond3A_805 = arith.constant 0 : i32
      %cond3A_806 = arith.cmpi ne, %convert_element_type3A_804, %cond3A_805 : i32
      scf.if %cond3A_806 {
        %mul3A_832 = arith.constant 40 : i32
        %mul3A_833 = arith.muli %add3A_801, %mul3A_832 : i32
        %add3A_834 = arith.addi %mul3A_7, %mul3A_833 : i32
        %dma_start3A_835 = arith.constant 0 : i32
        %dma_start3A_836 = tpu.memref_slice %arg3[%dma_start3A_835, %add3A_834] : memref<2x160000xi32, #tpu.memory_space<hbm>> -> memref<2x40xi32, #tpu.memory_space<hbm>>
        %dma_start3A_837 = arith.constant 0 : i32
        %dma_start3A_838 = tpu.memref_slice %arg3[%dma_start3A_837, %add3A_834] : memref<2x160000xi32, #tpu.memory_space<hbm>> -> memref<2x40xi32, #tpu.memory_space<hbm>>
        tpu.enqueue_dma source(%dma_start3A_838 : memref<2x40xi32, #tpu.memory_space<hbm>>) target(%arg9 : memref<2x40xi32, #tpu.memory_space<vmem>>) target_semaphore(%arg34 : memref<!tpu.dma_semaphore, #tpu.memory_space<semaphore_mem>>)
      } else {
      }
      %dma_wait3A_807 = arith.constant 0 : i32
      %dma_wait3A_808 = arith.constant 0 : i32
      %dma_wait3A_809 = tpu.memref_slice %arg2[%dma_wait3A_807, %dma_wait3A_808] : memref<20000x128xf32, #tpu.memory_space<hbm>> -> memref<20000x128xf32, #tpu.memory_space<hbm>>
      tpu.wait_indirect_dma semaphore(%arg45 : memref<!tpu.dma_semaphore, #tpu.memory_space<semaphore_mem>>) src(%dma_wait3A_809 : memref<20000x128xf32, #tpu.memory_space<hbm>>) dst(%arg30 : memref<40x128xf32, #tpu.memory_space<vmem>>)
      %dma_start3A_810 = arith.constant 1 : i32
      %dma_start3A_811 = arith.constant 0 : i32
      %dma_start3A_812 = tpu.memref_slice %arg15[%dma_start3A_810, %dma_start3A_811] : memref<2x40xi32, #tpu.memory_space<vmem>> -> memref<1x40xi32, #tpu.memory_space<vmem>>
      %dma_start3A_813 = tpu.memref_squeeze %dma_start3A_812 : memref<1x40xi32, #tpu.memory_space<vmem>> -> memref<40xi32, #tpu.memory_space<vmem>>
      %dma_start3A_814 = arith.constant 0 : i32
      %dma_start3A_815 = arith.constant 0 : i32
      %dma_start3A_816 = tpu.memref_slice %arg5[%dma_start3A_814, %dma_start3A_815] : memref<10000x128xf32, #tpu.memory_space<vmem_shared>> -> memref<10000x128xf32, #tpu.memory_space<vmem_shared>>
      tpu.enqueue_indirect_dma source(%arg30 : memref<40x128xf32, #tpu.memory_space<vmem>>) target(%dma_start3A_816 : memref<10000x128xf32, #tpu.memory_space<vmem_shared>>) offsets(%dma_start3A_813 : memref<40xi32, #tpu.memory_space<vmem>>) semaphore(%arg50 : memref<!tpu.dma_semaphore, #tpu.memory_space<semaphore_mem>>) {add = true}
      %mul3A_817 = arith.constant 2 : i32
      %mul3A_818 = arith.muli %mul3A_817, %scan3A_113 : i32
      %add3A_819 = arith.constant 1 : i32
      %add3A_820 = arith.addi %mul3A_818, %add3A_819 : i32
      %add3A_821 = arith.constant 1 : i32
      %add3A_822 = arith.addi %add3A_820, %add3A_821 : i32
      %mul3A_823 = arith.constant 5 : i32
      %mul3A_824 = arith.muli %add3A_822, %mul3A_823 : i32
      %add3A_825 = arith.constant 4 : i32
      %add3A_826 = arith.addi %mul3A_824, %add3A_825 : i32
      %lt3A_827 = arith.constant 250 : i32
      %lt3A_828 = arith.cmpi slt, %add3A_826, %lt3A_827 : i32
      %convert_element_type3A_829 = arith.extui %lt3A_828 : i1 to i32
      %cond3A_830 = arith.constant 0 : i32
      %cond3A_831 = arith.cmpi ne, %convert_element_type3A_829, %cond3A_830 : i32
      scf.if %cond3A_831 {
        %mul3A_832 = arith.constant 40 : i32
        %mul3A_833 = arith.muli %add3A_826, %mul3A_832 : i32
        %add3A_834 = arith.addi %mul3A_7, %mul3A_833 : i32
        %dma_start3A_835 = arith.constant 0 : i32
        %dma_start3A_836 = tpu.memref_slice %arg3[%dma_start3A_835, %add3A_834] : memref<2x160000xi32, #tpu.memory_space<hbm>> -> memref<2x40xi32, #tpu.memory_space<hbm>>
        %dma_start3A_837 = arith.constant 0 : i32
        %dma_start3A_838 = tpu.memref_slice %arg3[%dma_start3A_837, %add3A_834] : memref<2x160000xi32, #tpu.memory_space<hbm>> -> memref<2x40xi32, #tpu.memory_space<hbm>>
        tpu.enqueue_dma source(%dma_start3A_838 : memref<2x40xi32, #tpu.memory_space<hbm>>) target(%arg10 : memref<2x40xi32, #tpu.memory_space<vmem>>) target_semaphore(%arg35 : memref<!tpu.dma_semaphore, #tpu.memory_space<semaphore_mem>>)
      } else {
      }
    }
    %scan3A_75 = arith.constant 25 : i32
    %dma_wait3A_76 = arith.constant 1 : i32
    %dma_wait3A_77 = arith.constant 0 : i32
    %dma_wait3A_78 = tpu.memref_slice %arg11[%dma_wait3A_76, %dma_wait3A_77] : memref<2x40xi32, #tpu.memory_space<vmem>> -> memref<1x40xi32, #tpu.memory_space<vmem>>
    %dma_wait3A_79 = tpu.memref_squeeze %dma_wait3A_78 : memref<1x40xi32, #tpu.memory_space<vmem>> -> memref<40xi32, #tpu.memory_space<vmem>>
    %dma_wait3A_80 = arith.constant 0 : i32
    %dma_wait3A_81 = arith.constant 0 : i32
    %dma_wait3A_82 = tpu.memref_slice %arg5[%dma_wait3A_80, %dma_wait3A_81] : memref<10000x128xf32, #tpu.memory_space<vmem_shared>> -> memref<10000x128xf32, #tpu.memory_space<vmem_shared>>
    tpu.wait_indirect_dma semaphore(%arg46 : memref<!tpu.dma_semaphore, #tpu.memory_space<semaphore_mem>>) src(%arg26 : memref<40x128xf32, #tpu.memory_space<vmem>>) dst(%dma_wait3A_82 : memref<10000x128xf32, #tpu.memory_space<vmem_shared>>)
    %dma_wait3A_83 = arith.constant 1 : i32
    %dma_wait3A_84 = arith.constant 0 : i32
    %dma_wait3A_85 = tpu.memref_slice %arg12[%dma_wait3A_83, %dma_wait3A_84] : memref<2x40xi32, #tpu.memory_space<vmem>> -> memref<1x40xi32, #tpu.memory_space<vmem>>
    %dma_wait3A_86 = tpu.memref_squeeze %dma_wait3A_85 : memref<1x40xi32, #tpu.memory_space<vmem>> -> memref<40xi32, #tpu.memory_space<vmem>>
    %dma_wait3A_87 = arith.constant 0 : i32
    %dma_wait3A_88 = arith.constant 0 : i32
    %dma_wait3A_89 = tpu.memref_slice %arg5[%dma_wait3A_87, %dma_wait3A_88] : memref<10000x128xf32, #tpu.memory_space<vmem_shared>> -> memref<10000x128xf32, #tpu.memory_space<vmem_shared>>
    tpu.wait_indirect_dma semaphore(%arg47 : memref<!tpu.dma_semaphore, #tpu.memory_space<semaphore_mem>>) src(%arg27 : memref<40x128xf32, #tpu.memory_space<vmem>>) dst(%dma_wait3A_89 : memref<10000x128xf32, #tpu.memory_space<vmem_shared>>)
    %dma_wait3A_90 = arith.constant 1 : i32
    %dma_wait3A_91 = arith.constant 0 : i32
    %dma_wait3A_92 = tpu.memref_slice %arg13[%dma_wait3A_90, %dma_wait3A_91] : memref<2x40xi32, #tpu.memory_space<vmem>> -> memref<1x40xi32, #tpu.memory_space<vmem>>
    %dma_wait3A_93 = tpu.memref_squeeze %dma_wait3A_92 : memref<1x40xi32, #tpu.memory_space<vmem>> -> memref<40xi32, #tpu.memory_space<vmem>>
    %dma_wait3A_94 = arith.constant 0 : i32
    %dma_wait3A_95 = arith.constant 0 : i32
    %dma_wait3A_96 = tpu.memref_slice %arg5[%dma_wait3A_94, %dma_wait3A_95] : memref<10000x128xf32, #tpu.memory_space<vmem_shared>> -> memref<10000x128xf32, #tpu.memory_space<vmem_shared>>
    tpu.wait_indirect_dma semaphore(%arg48 : memref<!tpu.dma_semaphore, #tpu.memory_space<semaphore_mem>>) src(%arg28 : memref<40x128xf32, #tpu.memory_space<vmem>>) dst(%dma_wait3A_96 : memref<10000x128xf32, #tpu.memory_space<vmem_shared>>)
    %dma_wait3A_97 = arith.constant 1 : i32
    %dma_wait3A_98 = arith.constant 0 : i32
    %dma_wait3A_99 = tpu.memref_slice %arg14[%dma_wait3A_97, %dma_wait3A_98] : memref<2x40xi32, #tpu.memory_space<vmem>> -> memref<1x40xi32, #tpu.memory_space<vmem>>
    %dma_wait3A_100 = tpu.memref_squeeze %dma_wait3A_99 : memref<1x40xi32, #tpu.memory_space<vmem>> -> memref<40xi32, #tpu.memory_space<vmem>>
    %dma_wait3A_101 = arith.constant 0 : i32
    %dma_wait3A_102 = arith.constant 0 : i32
    %dma_wait3A_103 = tpu.memref_slice %arg5[%dma_wait3A_101, %dma_wait3A_102] : memref<10000x128xf32, #tpu.memory_space<vmem_shared>> -> memref<10000x128xf32, #tpu.memory_space<vmem_shared>>
    tpu.wait_indirect_dma semaphore(%arg49 : memref<!tpu.dma_semaphore, #tpu.memory_space<semaphore_mem>>) src(%arg29 : memref<40x128xf32, #tpu.memory_space<vmem>>) dst(%dma_wait3A_103 : memref<10000x128xf32, #tpu.memory_space<vmem_shared>>)
    %dma_wait3A_104 = arith.constant 1 : i32
    %dma_wait3A_105 = arith.constant 0 : i32
    %dma_wait3A_106 = tpu.memref_slice %arg15[%dma_wait3A_104, %dma_wait3A_105] : memref<2x40xi32, #tpu.memory_space<vmem>> -> memref<1x40xi32, #tpu.memory_space<vmem>>
    %dma_wait3A_107 = tpu.memref_squeeze %dma_wait3A_106 : memref<1x40xi32, #tpu.memory_space<vmem>> -> memref<40xi32, #tpu.memory_space<vmem>>
    %dma_wait3A_108 = arith.constant 0 : i32
    %dma_wait3A_109 = arith.constant 0 : i32
    %dma_wait3A_110 = tpu.memref_slice %arg5[%dma_wait3A_108, %dma_wait3A_109] : memref<10000x128xf32, #tpu.memory_space<vmem_shared>> -> memref<10000x128xf32, #tpu.memory_space<vmem_shared>>
    tpu.wait_indirect_dma semaphore(%arg50 : memref<!tpu.dma_semaphore, #tpu.memory_space<semaphore_mem>>) src(%arg30 : memref<40x128xf32, #tpu.memory_space<vmem>>) dst(%dma_wait3A_110 : memref<10000x128xf32, #tpu.memory_space<vmem_shared>>)
    %barrier3A_111 = arith.constant 0 : index
    tpu.barrier barrier_id(%barrier3A_111)
    %add3A_112 = arith.addi %mul3A_2, %mul3A_0 : i32
    "tpu.region"() ({
      %run_scoped3A = tpu.sem_alloc : memref<!tpu.dma_semaphore, #tpu.memory_space<semaphore_mem>>
      %dma_start3A_113 = arith.constant 0 : i32
      %dma_start3A_114 = tpu.memref_slice %arg4[%add3A_112, %dma_start3A_113] : memref<20000x128xf32, #tpu.memory_space<hbm>> -> memref<625x128xf32, #tpu.memory_space<hbm>>
      %dma_start3A_115 = arith.constant 0 : i32
      %dma_start3A_116 = tpu.memref_slice %arg5[%mul3A_0, %dma_start3A_115] : memref<10000x128xf32, #tpu.memory_space<vmem_shared>> -> memref<625x128xf32, #tpu.memory_space<vmem_shared>>
      tpu.enqueue_dma source(%dma_start3A_116 : memref<625x128xf32, #tpu.memory_space<vmem_shared>>) target(%dma_start3A_114 : memref<625x128xf32, #tpu.memory_space<hbm>>) target_semaphore(%run_scoped3A : memref<!tpu.dma_semaphore, #tpu.memory_space<semaphore_mem>>)
      %dma_wait3A_117 = arith.constant 0 : i32
      %dma_wait3A_118 = tpu.memref_slice %arg4[%add3A_112, %dma_wait3A_117] : memref<20000x128xf32, #tpu.memory_space<hbm>> -> memref<625x128xf32, #tpu.memory_space<hbm>>
      %dma_wait3A_119 = arith.constant 0 : i32
      %dma_wait3A_120 = tpu.memref_slice %arg5[%mul3A_0, %dma_wait3A_119] : memref<10000x128xf32, #tpu.memory_space<vmem_shared>> -> memref<625x128xf32, #tpu.memory_space<vmem_shared>>
      tpu.wait_dma2 semaphore(%run_scoped3A : memref<!tpu.dma_semaphore, #tpu.memory_space<semaphore_mem>>) src(%dma_wait3A_120 : memref<625x128xf32, #tpu.memory_space<vmem_shared>>) dst(%dma_wait3A_118 : memref<625x128xf32, #tpu.memory_space<hbm>>)
      tpu.yield
    }) : () -> ()
    return
  }
}

module attributes {stable_mosaic.version = 14 : i64} {
  func.func @_mm1_body(%arg0: i32, %arg1: memref<2000x256xf32, #tpu.memory_space<vmem>>, %arg2: memref<256x256xf32, #tpu.memory_space<vmem>>, %arg3: memref<2x2000x16xf32, #tpu.memory_space<vmem>>, %arg4: memref<2x2000x128xf32, #tpu.memory_space<vmem>>) attributes {dimension_semantics = [#tpu.dimension_semantics<arbitrary>], iteration_bounds = array<i64: 5>, scalar_prefetch = 0 : i64, scratch_operands = 0 : i64, tpu.core_type = #tpu.core_type<tc>, window_params = [{transform_indices = @transform_0, window_bounds = array<i64: 2000, 256>}, {pipeline_mode = #tpu.pipeline_mode<synchronous>, transform_indices = @transform_1, window_bounds = array<i64: 256, 256>}, {transform_indices = @transform_2, window_bounds = array<i64: 2, 2000, 16>}, {transform_indices = @transform_3, window_bounds = array<i64: 2, 2000, 128>}]} {
    %get3A = arith.constant 0 : index
    %get3A_0 = arith.constant 0 : index
    %get3A_1 = vector.load %arg1[%get3A, %get3A_0] : memref<2000x256xf32, #tpu.memory_space<vmem>>, vector<2000x256xf32>
    %get3A_2 = arith.constant 0 : index
    %get3A_3 = arith.constant 0 : index
    %get3A_4 = vector.load %arg2[%get3A_2, %get3A_3] : memref<256x256xf32, #tpu.memory_space<vmem>>, vector<256x256xf32>
    %dot_general3A = arith.constant dense<0.000000e+00> : vector<2000x256xf32>
    %dot_general3A_5 = tpu.matmul %get3A_1, %get3A_4, %dot_general3A {dimension_numbers = #tpu.dot_dimension_numbers<[1], [0], [0], [1], [0, 0, 1, 1], [], []>, transpose_lhs_hint = false} : vector<2000x256xf32>, vector<256x256xf32>, vector<2000x256xf32> -> vector<2000x256xf32>
    %get3A_6 = arith.constant 0 : index
    %get3A_7 = arith.constant 0 : index
    %get3A_8 = arith.constant 0 : index
    %get3A_9 = vector.load %arg3[%get3A_6, %get3A_7, %get3A_8] : memref<2x2000x16xf32, #tpu.memory_space<vmem>>, vector<1x2000x16xf32>
    %get3A_10 = vector.shape_cast %get3A_9 : vector<1x2000x16xf32> to vector<2000x16xf32>
    %slice3A = vector.extract_strided_slice %get3A_10 {offsets = [0, 0], sizes = [2000, 1], strides = [1, 1]} : vector<2000x16xf32> to vector<2000x1xf32>
    %get3A_11 = arith.constant 1 : index
    %get3A_12 = arith.constant 0 : index
    %get3A_13 = arith.constant 0 : index
    %get3A_14 = vector.load %arg3[%get3A_11, %get3A_12, %get3A_13] : memref<2x2000x16xf32, #tpu.memory_space<vmem>>, vector<1x2000x16xf32>
    %get3A_15 = vector.shape_cast %get3A_14 : vector<1x2000x16xf32> to vector<2000x16xf32>
    %slice3A_16 = vector.extract_strided_slice %get3A_15 {offsets = [0, 0], sizes = [2000, 1], strides = [1, 1]} : vector<2000x16xf32> to vector<2000x1xf32>
    %add3A = arith.addf %slice3A, %slice3A_16 : vector<2000x1xf32>
    %add3A_17 = arith.constant 1.000000e+00 : f32
    %add3A_18 = vector.broadcast %add3A_17 : f32 to vector<2000x1xf32>
    %add3A_19 = arith.addf %add3A, %add3A_18 : vector<2000x1xf32>
    %rsqrt3A = math.rsqrt %add3A_19 : vector<2000x1xf32>
    %mul3A = vector.broadcast %rsqrt3A : vector<2000x1xf32> to vector<2000x256xf32>
    %mul3A_20 = arith.mulf %dot_general3A_5, %mul3A : vector<2000x256xf32>
    %slice3A_21 = vector.extract_strided_slice %mul3A_20 {offsets = [0, 0], sizes = [2000, 128], strides = [1, 1]} : vector<2000x256xf32> to vector<2000x128xf32>
    %swap3A = arith.constant 0 : index
    %swap3A_22 = arith.constant 0 : index
    %swap3A_23 = arith.constant 0 : index
    %swap3A_24 = vector.load %arg4[%swap3A, %swap3A_22, %swap3A_23] : memref<2x2000x128xf32, #tpu.memory_space<vmem>>, vector<1x2000x128xf32>
    %swap3A_25 = vector.shape_cast %swap3A_24 : vector<1x2000x128xf32> to vector<2000x128xf32>
    %swap3A_26 = vector.shape_cast %slice3A_21 : vector<2000x128xf32> to vector<1x2000x128xf32>
    tpu.vector_store %arg4[%swap3A, %swap3A_22, %swap3A_23], %swap3A_26 {strides = array<i32>} : memref<2x2000x128xf32, #tpu.memory_space<vmem>>, vector<1x2000x128xf32>,
    %slice3A_27 = vector.extract_strided_slice %mul3A_20 {offsets = [0, 128], sizes = [2000, 128], strides = [1, 1]} : vector<2000x256xf32> to vector<2000x128xf32>
    %swap3A_28 = arith.constant 1 : index
    %swap3A_29 = arith.constant 0 : index
    %swap3A_30 = arith.constant 0 : index
    %swap3A_31 = vector.load %arg4[%swap3A_28, %swap3A_29, %swap3A_30] : memref<2x2000x128xf32, #tpu.memory_space<vmem>>, vector<1x2000x128xf32>
    %swap3A_32 = vector.shape_cast %swap3A_31 : vector<1x2000x128xf32> to vector<2000x128xf32>
    %swap3A_33 = vector.shape_cast %slice3A_27 : vector<2000x128xf32> to vector<1x2000x128xf32>
    tpu.vector_store %arg4[%swap3A_28, %swap3A_29, %swap3A_30], %swap3A_33 {strides = array<i32>} : memref<2x2000x128xf32, #tpu.memory_space<vmem>>, vector<1x2000x128xf32>,
    return
  }
  func.func @transform_0(%arg0: i32) -> (i32, i32) {
    %c0_i32 = arith.constant 0 : i32
    %c0_i32_0 = arith.constant 0 : i32
    return %arg0, %c0_i32 : i32, i32
  }
  func.func @transform_1(%arg0: i32) -> (i32, i32) {
    %c0_i32 = arith.constant 0 : i32
    %c0_i32_0 = arith.constant 0 : i32
    %c0_i32_1 = arith.constant 0 : i32
    return %c0_i32, %c0_i32_0 : i32, i32
  }
  func.func @transform_2(%arg0: i32) -> (i32, i32, i32) {
    %c0_i32 = arith.constant 0 : i32
    %c0_i32_0 = arith.constant 0 : i32
    %c0_i32_1 = arith.constant 0 : i32
    return %c0_i32, %arg0, %c0_i32_0 : i32, i32, i32
  }
  func.func @transform_3(%arg0: i32) -> (i32, i32, i32) {
    %c0_i32 = arith.constant 0 : i32
    %c0_i32_0 = arith.constant 0 : i32
    %c0_i32_1 = arith.constant 0 : i32
    return %c0_i32, %arg0, %c0_i32_0 : i32, i32, i32
  }
}

module attributes {stable_mosaic.version = 14 : i64} {
  func.func @_mid_body(%arg0: i32, %arg1: memref<2x2000x128xf32, #tpu.memory_space<vmem>>, %arg2: memref<2x2000x16xf32, #tpu.memory_space<vmem>>, %arg3: memref<1x256xf32, #tpu.memory_space<vmem>>, %arg4: memref<256x256xf32, #tpu.memory_space<vmem>>, %arg5: memref<2x2000x128xf32, #tpu.memory_space<vmem>>) attributes {dimension_semantics = [#tpu.dimension_semantics<arbitrary>], iteration_bounds = array<i64: 5>, scalar_prefetch = 0 : i64, scratch_operands = 0 : i64, tpu.core_type = #tpu.core_type<tc>, window_params = [{transform_indices = @transform_0, window_bounds = array<i64: 2, 2000, 128>}, {transform_indices = @transform_1, window_bounds = array<i64: 2, 2000, 16>}, {pipeline_mode = #tpu.pipeline_mode<synchronous>, transform_indices = @transform_2, window_bounds = array<i64: 1, 256>}, {pipeline_mode = #tpu.pipeline_mode<synchronous>, transform_indices = @transform_3, window_bounds = array<i64: 256, 256>}, {transform_indices = @transform_4, window_bounds = array<i64: 2, 2000, 128>}]} {
    %get3A = arith.constant 0 : index
    %get3A_0 = arith.constant 0 : index
    %get3A_1 = arith.constant 0 : index
    %get3A_2 = vector.load %arg2[%get3A, %get3A_0, %get3A_1] : memref<2x2000x16xf32, #tpu.memory_space<vmem>>, vector<1x2000x16xf32>
    %get3A_3 = vector.shape_cast %get3A_2 : vector<1x2000x16xf32> to vector<2000x16xf32>
    %slice3A = vector.extract_strided_slice %get3A_3 {offsets = [0, 0], sizes = [2000, 1], strides = [1, 1]} : vector<2000x16xf32> to vector<2000x1xf32>
    %get3A_4 = arith.constant 1 : index
    %get3A_5 = arith.constant 0 : index
    %get3A_6 = arith.constant 0 : index
    %get3A_7 = vector.load %arg2[%get3A_4, %get3A_5, %get3A_6] : memref<2x2000x16xf32, #tpu.memory_space<vmem>>, vector<1x2000x16xf32>
    %get3A_8 = vector.shape_cast %get3A_7 : vector<1x2000x16xf32> to vector<2000x16xf32>
    %slice3A_9 = vector.extract_strided_slice %get3A_8 {offsets = [0, 0], sizes = [2000, 1], strides = [1, 1]} : vector<2000x16xf32> to vector<2000x1xf32>
    %add3A = arith.addf %slice3A, %slice3A_9 : vector<2000x1xf32>
    %add3A_10 = arith.constant 1.000000e+00 : f32
    %add3A_11 = vector.broadcast %add3A_10 : f32 to vector<2000x1xf32>
    %add3A_12 = arith.addf %add3A, %add3A_11 : vector<2000x1xf32>
    %rsqrt3A = math.rsqrt %add3A_12 : vector<2000x1xf32>
    %get3A_13 = arith.constant 0 : index
    %get3A_14 = arith.constant 0 : index
    %get3A_15 = arith.constant 0 : index
    %get3A_16 = vector.load %arg1[%get3A_13, %get3A_14, %get3A_15] : memref<2x2000x128xf32, #tpu.memory_space<vmem>>, vector<1x2000x128xf32>
    %get3A_17 = vector.shape_cast %get3A_16 : vector<1x2000x128xf32> to vector<2000x128xf32>
    %get3A_18 = arith.constant 1 : index
    %get3A_19 = arith.constant 0 : index
    %get3A_20 = arith.constant 0 : index
    %get3A_21 = vector.load %arg1[%get3A_18, %get3A_19, %get3A_20] : memref<2x2000x128xf32, #tpu.memory_space<vmem>>, vector<1x2000x128xf32>
    %get3A_22 = vector.shape_cast %get3A_21 : vector<1x2000x128xf32> to vector<2000x128xf32>
    %concatenate3A = tpu.concatenate %get3A_17, %get3A_22 in 1 : vector<2000x128xf32>, vector<2000x128xf32> -> vector<2000x256xf32>
    %mul3A = vector.broadcast %rsqrt3A : vector<2000x1xf32> to vector<2000x256xf32>
    %mul3A_23 = arith.mulf %concatenate3A, %mul3A : vector<2000x256xf32>
    %get3A_24 = arith.constant 0 : index
    %get3A_25 = arith.constant 0 : index
    %get3A_26 = vector.load %arg3[%get3A_24, %get3A_25] : memref<1x256xf32, #tpu.memory_space<vmem>>, vector<1x256xf32>
    %add3A_27 = vector.broadcast %get3A_26 : vector<1x256xf32> to vector<2000x256xf32>
    %add3A_28 = arith.addf %mul3A_23, %add3A_27 : vector<2000x256xf32>
    %get3A_29 = arith.constant 0 : index
    %get3A_30 = arith.constant 0 : index
    %get3A_31 = vector.load %arg4[%get3A_29, %get3A_30] : memref<256x256xf32, #tpu.memory_space<vmem>>, vector<256x256xf32>
    %dot_general3A = arith.constant dense<0.000000e+00> : vector<2000x256xf32>
    %dot_general3A_32 = tpu.matmul %add3A_28, %get3A_31, %dot_general3A {dimension_numbers = #tpu.dot_dimension_numbers<[1], [0], [0], [1], [0, 0, 1, 1], [], []>, transpose_lhs_hint = false} : vector<2000x256xf32>, vector<256x256xf32>, vector<2000x256xf32> -> vector<2000x256xf32>
    %mul3A_33 = vector.broadcast %rsqrt3A : vector<2000x1xf32> to vector<2000x256xf32>
    %mul3A_34 = arith.mulf %dot_general3A_32, %mul3A_33 : vector<2000x256xf32>
    %slice3A_35 = vector.extract_strided_slice %mul3A_34 {offsets = [0, 0], sizes = [2000, 128], strides = [1, 1]} : vector<2000x256xf32> to vector<2000x128xf32>
    %swap3A = arith.constant 0 : index
    %swap3A_36 = arith.constant 0 : index
    %swap3A_37 = arith.constant 0 : index
    %swap3A_38 = vector.load %arg5[%swap3A, %swap3A_36, %swap3A_37] : memref<2x2000x128xf32, #tpu.memory_space<vmem>>, vector<1x2000x128xf32>
    %swap3A_39 = vector.shape_cast %swap3A_38 : vector<1x2000x128xf32> to vector<2000x128xf32>
    %swap3A_40 = vector.shape_cast %slice3A_35 : vector<2000x128xf32> to vector<1x2000x128xf32>
    tpu.vector_store %arg5[%swap3A, %swap3A_36, %swap3A_37], %swap3A_40 {strides = array<i32>} : memref<2x2000x128xf32, #tpu.memory_space<vmem>>, vector<1x2000x128xf32>,
    %slice3A_41 = vector.extract_strided_slice %mul3A_34 {offsets = [0, 128], sizes = [2000, 128], strides = [1, 1]} : vector<2000x256xf32> to vector<2000x128xf32>
    %swap3A_42 = arith.constant 1 : index
    %swap3A_43 = arith.constant 0 : index
    %swap3A_44 = arith.constant 0 : index
    %swap3A_45 = vector.load %arg5[%swap3A_42, %swap3A_43, %swap3A_44] : memref<2x2000x128xf32, #tpu.memory_space<vmem>>, vector<1x2000x128xf32>
    %swap3A_46 = vector.shape_cast %swap3A_45 : vector<1x2000x128xf32> to vector<2000x128xf32>
    %swap3A_47 = vector.shape_cast %slice3A_41 : vector<2000x128xf32> to vector<1x2000x128xf32>
    tpu.vector_store %arg5[%swap3A_42, %swap3A_43, %swap3A_44], %swap3A_47 {strides = array<i32>} : memref<2x2000x128xf32, #tpu.memory_space<vmem>>, vector<1x2000x128xf32>,
    return
  }
  func.func @transform_0(%arg0: i32) -> (i32, i32, i32) {
    %c0_i32 = arith.constant 0 : i32
    %c0_i32_0 = arith.constant 0 : i32
    %c0_i32_1 = arith.constant 0 : i32
    return %c0_i32, %arg0, %c0_i32_0 : i32, i32, i32
  }
  func.func @transform_1(%arg0: i32) -> (i32, i32, i32) {
    %c0_i32 = arith.constant 0 : i32
    %c0_i32_0 = arith.constant 0 : i32
    %c0_i32_1 = arith.constant 0 : i32
    return %c0_i32, %arg0, %c0_i32_0 : i32, i32, i32
  }
  func.func @transform_2(%arg0: i32) -> (i32, i32) {
    %c0_i32 = arith.constant 0 : i32
    %c0_i32_0 = arith.constant 0 : i32
    %c0_i32_1 = arith.constant 0 : i32
    return %c0_i32, %c0_i32_0 : i32, i32
  }
  func.func @transform_3(%arg0: i32) -> (i32, i32) {
    %c0_i32 = arith.constant 0 : i32
    %c0_i32_0 = arith.constant 0 : i32
    %c0_i32_1 = arith.constant 0 : i32
    return %c0_i32, %c0_i32_0 : i32, i32
  }
  func.func @transform_4(%arg0: i32) -> (i32, i32, i32) {
    %c0_i32 = arith.constant 0 : i32
    %c0_i32_0 = arith.constant 0 : i32
    %c0_i32_1 = arith.constant 0 : i32
    return %c0_i32, %arg0, %c0_i32_0 : i32, i32, i32
  }
}

module attributes {stable_mosaic.version = 14 : i64} {
  func.func @_fin_body(%arg0: i32, %arg1: memref<2x2000x128xf32, #tpu.memory_space<vmem>>, %arg2: memref<2x2000x16xf32, #tpu.memory_space<vmem>>, %arg3: memref<1x256xf32, #tpu.memory_space<vmem>>, %arg4: memref<64x256xf32, #tpu.memory_space<vmem>>, %arg5: memref<1x64xf32, #tpu.memory_space<vmem>>, %arg6: memref<2000x256xf32, #tpu.memory_space<vmem>>, %arg7: memref<2000x64xf32, #tpu.memory_space<vmem>>) attributes {dimension_semantics = [#tpu.dimension_semantics<arbitrary>], iteration_bounds = array<i64: 5>, scalar_prefetch = 0 : i64, scratch_operands = 0 : i64, tpu.core_type = #tpu.core_type<tc>, window_params = [{transform_indices = @transform_0, window_bounds = array<i64: 2, 2000, 128>}, {transform_indices = @transform_1, window_bounds = array<i64: 2, 2000, 16>}, {pipeline_mode = #tpu.pipeline_mode<synchronous>, transform_indices = @transform_2, window_bounds = array<i64: 1, 256>}, {pipeline_mode = #tpu.pipeline_mode<synchronous>, transform_indices = @transform_3, window_bounds = array<i64: 64, 256>}, {pipeline_mode = #tpu.pipeline_mode<synchronous>, transform_indices = @transform_4, window_bounds = array<i64: 1, 64>}, {transform_indices = @transform_5, window_bounds = array<i64: 2000, 256>}, {transform_indices = @transform_6, window_bounds = array<i64: 2000, 64>}]} {
    %get3A = arith.constant 0 : index
    %get3A_0 = arith.constant 0 : index
    %get3A_1 = arith.constant 0 : index
    %get3A_2 = vector.load %arg1[%get3A, %get3A_0, %get3A_1] : memref<2x2000x128xf32, #tpu.memory_space<vmem>>, vector<1x2000x128xf32>
    %get3A_3 = vector.shape_cast %get3A_2 : vector<1x2000x128xf32> to vector<2000x128xf32>
    %get3A_4 = arith.constant 1 : index
    %get3A_5 = arith.constant 0 : index
    %get3A_6 = arith.constant 0 : index
    %get3A_7 = vector.load %arg1[%get3A_4, %get3A_5, %get3A_6] : memref<2x2000x128xf32, #tpu.memory_space<vmem>>, vector<1x2000x128xf32>
    %get3A_8 = vector.shape_cast %get3A_7 : vector<1x2000x128xf32> to vector<2000x128xf32>
    %concatenate3A = tpu.concatenate %get3A_3, %get3A_8 in 1 : vector<2000x128xf32>, vector<2000x128xf32> -> vector<2000x256xf32>
    %get3A_9 = arith.constant 0 : index
    %get3A_10 = arith.constant 0 : index
    %get3A_11 = arith.constant 0 : index
    %get3A_12 = vector.load %arg2[%get3A_9, %get3A_10, %get3A_11] : memref<2x2000x16xf32, #tpu.memory_space<vmem>>, vector<1x2000x16xf32>
    %get3A_13 = vector.shape_cast %get3A_12 : vector<1x2000x16xf32> to vector<2000x16xf32>
    %slice3A = vector.extract_strided_slice %get3A_13 {offsets = [0, 0], sizes = [2000, 1], strides = [1, 1]} : vector<2000x16xf32> to vector<2000x1xf32>
    %get3A_14 = arith.constant 1 : index
    %get3A_15 = arith.constant 0 : index
    %get3A_16 = arith.constant 0 : index
    %get3A_17 = vector.load %arg2[%get3A_14, %get3A_15, %get3A_16] : memref<2x2000x16xf32, #tpu.memory_space<vmem>>, vector<1x2000x16xf32>
    %get3A_18 = vector.shape_cast %get3A_17 : vector<1x2000x16xf32> to vector<2000x16xf32>
    %slice3A_19 = vector.extract_strided_slice %get3A_18 {offsets = [0, 0], sizes = [2000, 1], strides = [1, 1]} : vector<2000x16xf32> to vector<2000x1xf32>
    %add3A = arith.addf %slice3A, %slice3A_19 : vector<2000x1xf32>
    %add3A_20 = arith.constant 1.000000e+00 : f32
    %add3A_21 = vector.broadcast %add3A_20 : f32 to vector<2000x1xf32>
    %add3A_22 = arith.addf %add3A, %add3A_21 : vector<2000x1xf32>
    %rsqrt3A = math.rsqrt %add3A_22 : vector<2000x1xf32>
    %mul3A = vector.broadcast %rsqrt3A : vector<2000x1xf32> to vector<2000x256xf32>
    %mul3A_23 = arith.mulf %concatenate3A, %mul3A : vector<2000x256xf32>
    %get3A_24 = arith.constant 0 : index
    %get3A_25 = arith.constant 0 : index
    %get3A_26 = vector.load %arg3[%get3A_24, %get3A_25] : memref<1x256xf32, #tpu.memory_space<vmem>>, vector<1x256xf32>
    %add3A_27 = vector.broadcast %get3A_26 : vector<1x256xf32> to vector<2000x256xf32>
    %add3A_28 = arith.addf %mul3A_23, %add3A_27 : vector<2000x256xf32>
    %swap3A = arith.constant 0 : index
    %swap3A_29 = arith.constant 0 : index
    %swap3A_30 = vector.load %arg6[%swap3A, %swap3A_29] : memref<2000x256xf32, #tpu.memory_space<vmem>>, vector<2000x256xf32>
    tpu.vector_store %arg6[%swap3A, %swap3A_29], %add3A_28 {strides = array<i32>} : memref<2000x256xf32, #tpu.memory_space<vmem>>, vector<2000x256xf32>,
    %get3A_31 = arith.constant 0 : index
    %get3A_32 = arith.constant 0 : index
    %get3A_33 = vector.load %arg4[%get3A_31, %get3A_32] : memref<64x256xf32, #tpu.memory_space<vmem>>, vector<64x256xf32>
    %dot_general3A = arith.constant dense<0.000000e+00> : vector<2000x64xf32>
    %dot_general3A_34 = tpu.matmul %add3A_28, %get3A_33, %dot_general3A {dimension_numbers = #tpu.dot_dimension_numbers<[1], [1], [0], [0], [0, 0, 1, 0], [], []>, transpose_lhs_hint = false} : vector<2000x256xf32>, vector<64x256xf32>, vector<2000x64xf32> -> vector<2000x64xf32>
    %get3A_35 = arith.constant 0 : index
    %get3A_36 = arith.constant 0 : index
    %get3A_37 = vector.load %arg5[%get3A_35, %get3A_36] : memref<1x64xf32, #tpu.memory_space<vmem>>, vector<1x64xf32>
    %add3A_38 = vector.broadcast %get3A_37 : vector<1x64xf32> to vector<2000x64xf32>
    %add3A_39 = arith.addf %dot_general3A_34, %add3A_38 : vector<2000x64xf32>
    %swap3A_40 = arith.constant 0 : index
    %swap3A_41 = arith.constant 0 : index
    %swap3A_42 = vector.load %arg7[%swap3A_40, %swap3A_41] : memref<2000x64xf32, #tpu.memory_space<vmem>>, vector<2000x64xf32>
    tpu.vector_store %arg7[%swap3A_40, %swap3A_41], %add3A_39 {strides = array<i32>} : memref<2000x64xf32, #tpu.memory_space<vmem>>, vector<2000x64xf32>,
    return
  }
  func.func @transform_0(%arg0: i32) -> (i32, i32, i32) {
    %c0_i32 = arith.constant 0 : i32
    %c0_i32_0 = arith.constant 0 : i32
    %c0_i32_1 = arith.constant 0 : i32
    return %c0_i32, %arg0, %c0_i32_0 : i32, i32, i32
  }
  func.func @transform_1(%arg0: i32) -> (i32, i32, i32) {
    %c0_i32 = arith.constant 0 : i32
    %c0_i32_0 = arith.constant 0 : i32
    %c0_i32_1 = arith.constant 0 : i32
    return %c0_i32, %arg0, %c0_i32_0 : i32, i32, i32
  }
  func.func @transform_2(%arg0: i32) -> (i32, i32) {
    %c0_i32 = arith.constant 0 : i32
    %c0_i32_0 = arith.constant 0 : i32
    %c0_i32_1 = arith.constant 0 : i32
    return %c0_i32, %c0_i32_0 : i32, i32
  }
  func.func @transform_3(%arg0: i32) -> (i32, i32) {
    %c0_i32 = arith.constant 0 : i32
    %c0_i32_0 = arith.constant 0 : i32
    %c0_i32_1 = arith.constant 0 : i32
    return %c0_i32, %c0_i32_0 : i32, i32
  }
  func.func @transform_4(%arg0: i32) -> (i32, i32) {
    %c0_i32 = arith.constant 0 : i32
    %c0_i32_0 = arith.constant 0 : i32
    %c0_i32_1 = arith.constant 0 : i32
    return %c0_i32, %c0_i32_0 : i32, i32
  }
  func.func @transform_5(%arg0: i32) -> (i32, i32) {
    %c0_i32 = arith.constant 0 : i32
    %c0_i32_0 = arith.constant 0 : i32
    return %arg0, %c0_i32 : i32, i32
  }
  func.func @transform_6(%arg0: i32) -> (i32, i32) {
    %c0_i32 = arith.constant 0 : i32
    %c0_i32_0 = arith.constant 0 : i32
    return %arg0, %c0_i32 : i32, i32
  }
}

</mosaic_0001>

<sc_bundles>
// kernel: kernel.10.cloned.1.call-start
scs
__scs_entry_jumppad:
0x0: {  	(pc) =	sbr.rel $0x88, $3  }
0x1: {  	(tag) =	ssettag $0x0;
	lr =	simm.s32 $0x1  }
0x2: {  	[smem:$0x3F97] =	sst lr;
	_ =	strace $0xD0000000  }
0x3: {  	_ = 	snop  }
0x4: {  	_ = 	snop  }
0x5: {  	_ = 	snop  }
0x6: {  	_ = 	snop  }
0x7: {  	_ = 	snop  }
__scs_overlays_trampoline_lowered:
0x8: {  	[smem:$0x3FA6] =	sst s0  }
0x9: {  	[smem:$0x3FA7] =	sst s1  }
0xa: {  	[smem:$0x3FA8] =	sst s2  }
0xb: {  	[smem:$0x3FA9] =	sst s3  }
0xc: {  	[smem:$0x3FAA] =	sst s4  }
0xd: {  	[smem:$0x3FAB] =	sst s5  }
0xe: {  	[smem:$0x3FAC] =	sst s6  }
0xf: {  	[smem:$0x3FAD] =	sst s7  }
0x10: {  	[smem:$0x3FAE] =	sst s8  }
0x11: {  	[smem:$0x3FAF] =	sst s9;
	s0 =	simm.s32 @!p0 $0x0  }
0x12: {  	s1 =	sld [smem:$0x3F95];
	s0 =	simm.s32 @p0 $0x1  }
0x13: {  	[smem:$0x3FB0] =	sst s0;
	s0 =	simm.s32 @!p1 $0x0  }
0x14: {  	s2 =	sld [smem:$0x3F94];
	s0 =	simm.s32 @p1 $0x1  }
0x15: {  	[smem:$0x3FB1] =	sst s0;
	s0 =	simm.s32 @!p2 $0x0  }
0x16: {  	s3 =	sld [smem:$0x3FDB];
	s0 =	simm.s32 @p2 $0x1  }
0x17: {  	s4 =	simm.s32 $0x1BF5;
	[smem:$0x3FB3] =	sst s0  }
0x18: {  	s0 =	sld [smem:$0x3F96];
	_ =	swait.ge [sflag:s4], $0x0  }
0x19: {  	s7 =	sld [smem:$0x3F97]  }
0x1a: {  	s8 =	sadd.s32 $0xFFFFE003, lr  }
0x1b: {  	s9 =	sadd.s32 $0xFFFFFEF7, lr;
	s5 =	simm.s32 $0xFFFFFFFF;
	p2 =	slt.u32 s8, $0xFFFFF086  }
0x1c: {  	p1 =	slt.u32 s9, $0xF7A;
	s5 =	simm.s32 @!p2 $0x0  }
0x1d: {  	s5 =	simm.s32 @p1 $0x1;
	p0 =	seq.s32 s7, s2  }
0x1e: {  	s7 =	smul.u32 @!p0 $0xF7A, s2;
	p2 =	seq.s32 @!p0 s5, $0x0  }
0x1f: {  	s9 =	smul.u32 $0xF7A, s1;
	s8 =	simm.s32 @!p0 $0x1BF5;
	p2 =	por !p2, p0  }
0x20: {  	[sflag:s8] =	ssyncset.s32 @!p0 $0xFFFFF086;
	s6 =	sadd.s32 @!p0 s3, s7;
	s7 =	simm.s32 @!p0 $0x108  }
0x21: {  	s3 =	sadd.s32 s3, s9;
	s6 =	sadd.s32 @!p0 $0x88, s6;
	s7 =	simm.s32 @p2 $0x1082  }
0x22: {  	[simem:s7], [sflag:s8] =	dma.local @!p0 [hbm:s6], $0xF7A  }
0x23: {  	s9 =	sor.u32 $0xD0000000, s2;
	s6 =	simm.s32 $0x108;
	_ =	swait.ge @!p0 [sflag:s8], $0x0  }
0x24: {  	s3 =	sadd.s32 $0x88, s3;
	s6 =	simm.s32 @!p1 $0x1082;
	[sflag:s4] =	ssyncset.s32 $0xFFFFF086  }
0x25: {  	[simem:s6], [sflag:s4] =	dma.local [hbm:s3], $0xF7A  }
0x26: {  	[smem:$0x3F97] =	sst s1;
	(tag) =	ssettag s2;
	_ =	strace s9  }
0x27: {  	s1 =	sld [smem:$0x3FA7]  }
0x28: {  	s2 =	sld [smem:$0x3FA8]  }
0x29: {  	s4 =	sld [smem:$0x3FAA]  }
0x2a: {  	p0 =	seq.s32 s5, $0x0;
	s5 =	sld [smem:$0x3FAB]  }
0x2b: {  	s6 =	sld [smem:$0x3FAC]  }
0x2c: {  	s7 =	sld [smem:$0x3FAD]  }
0x2d: {  	s3 =	simm.s32 $0x108;
	s8 =	sld [smem:$0x3FAE]  }
0x2e: {  	s3 =	simm.s32 @!p0 $0x1082;
	s9 =	sld [smem:$0x3FAF]  }
0x2f: {  	lr =	sadd.s32 s0, s3;
	s0 =	sld [smem:$0x3FA6]  }
0x30: {  	s3 =	sld [smem:$0x3FA9]  }
0x31: {  	[smem:$0x3FB2] =	sst s10  }
0x32: {  	s10 =	sld [smem:$0x3FB0];
	_ =	sdelay $0x3  }
0x33: {  	p0 =	seq.s32 s10, $0x1;
	s10 =	sld [smem:$0x3FB2];
	_ =	sdelay $0x3  }
0x34: {  	[smem:$0x3FB2] =	sst s10  }
0x35: {  	s10 =	sld [smem:$0x3FB1];
	_ =	sdelay $0x3  }
0x36: {  	p1 =	seq.s32 s10, $0x1;
	s10 =	sld [smem:$0x3FB2];
	_ =	sdelay $0x3  }
0x37: {  	[smem:$0x3FB2] =	sst s10  }
0x38: {  	s10 =	sld [smem:$0x3FB3]  }
0x39: {  	_ = 	snop;
	(pc) =	sbr.ind lr, $3  }
0x3a: {  	_ = 	snop  }
0x3b: {  	_ = 	snop  }
0x3c: {  	p2 =	seq.s32 s10, $0x1;
	s10 =	sld [smem:$0x3FB2]  }
0x3d: {  	_ =	shalt  }
0x3e: {  	_ =	shalt  }
0x3f: {  	_ =	shalt  }
0x40: {  	_ =	shalt  }
0x41: {  	_ =	shalt  }
0x42: {  	_ =	shalt  }
0x43: {  	_ =	shalt  }
0x44: {  	_ =	shalt  }
0x45: {  	_ =	shalt  }
0x46: {  	_ =	shalt  }
0x47: {  	_ =	shalt  }
0x48: {  	_ =	shalt  }
0x49: {  	_ =	shalt  }
0x4a: {  	_ =	shalt  }
0x4b: {  	_ =	shalt  }
0x4c: {  	_ =	shalt  }
0x4d: {  	_ =	shalt  }
0x4e: {  	_ =	shalt  }
0x4f: {  	_ =	shalt  }
0x50: {  	_ =	shalt  }
0x51: {  	_ =	shalt  }
0x52: {  	_ =	shalt  }
0x53: {  	_ =	shalt  }
0x54: {  	_ =	shalt  }
0x55: {  	_ =	shalt  }
0x56: {  	_ =	shalt  }
0x57: {  	_ =	shalt  }
0x58: {  	_ =	shalt  }
0x59: {  	_ =	shalt  }
0x5a: {  	_ =	shalt  }
0x5b: {  	_ =	shalt  }
0x5c: {  	_ =	shalt  }
0x5d: {  	_ =	shalt  }
0x5e: {  	_ =	shalt  }
0x5f: {  	_ =	shalt  }
0x60: {  	_ =	shalt  }
0x61: {  	_ =	shalt  }
0x62: {  	_ =	shalt  }
0x63: {  	_ =	shalt  }
0x64: {  	_ =	shalt  }
0x65: {  	_ =	shalt  }
0x66: {  	_ =	shalt  }
0x67: {  	_ =	shalt  }
0x68: {  	_ =	shalt  }
0x69: {  	_ =	shalt  }
0x6a: {  	_ =	shalt  }
0x6b: {  	_ =	shalt  }
0x6c: {  	_ =	shalt  }
0x6d: {  	_ =	shalt  }
0x6e: {  	_ =	shalt  }
0x6f: {  	_ =	shalt  }
0x70: {  	_ =	shalt  }
0x71: {  	_ =	shalt  }
0x72: {  	_ =	shalt  }
0x73: {  	_ =	shalt  }
0x74: {  	_ =	shalt  }
0x75: {  	_ =	shalt  }
0x76: {  	_ =	shalt  }
0x77: {  	_ =	shalt  }
0x78: {  	_ =	shalt  }
0x79: {  	_ =	shalt  }
0x7a: {  	_ =	shalt  }
0x7b: {  	_ =	shalt  }
0x7c: {  	_ =	shalt  }
0x7d: {  	_ =	shalt  }
0x7e: {  	_ =	shalt  }
0x7f: {  	_ =	shalt  }
0x80: {  	_ =	shalt  }
0x81: {  	_ =	shalt  }
0x82: {  	_ =	shalt  }
0x83: {  	_ =	shalt  }
0x84: {  	_ =	shalt  }
0x85: {  	_ =	shalt  }
0x86: {  	_ =	shalt  }
0x87: {  	_ =	shalt  }
.Lfunc_end0:
.L_simem_size_0:
called_computation_lowered:
.L_overlay_start_0:
0x88: {  	s2 =	sld [smem:$0x3FD9]  }
0x89: {  	s3 =	sld [smem:$0x3FFE];
	_ =	sdelay $0x1  }
0x8a: {  	s1 =	srdreg.scid  }
0x8b: {  	s0 =	sand.u32 $0x1, s1  }
0x8c: {  	s14 =	sshll.u32 s0, $0xA;
	s2 =	sadd.s32 s3, s2  }
0x8d: {  	s2 =	sadd.s32 s2, s14  }
0x8e: {  	[smem:$0x3FBE] =	sst s2  }
0x8f: {  	_ = 	snop  }
0x90: {  	s2 =	sld [smem:$0x3FD0];
	_ =	sdelay $0x2  }
0x91: {  	s15 =	simm.s32 $0xA;
	s4 =	simm.s32 $0x10  }
0x92: {  	[smem:s4], [sflag:s15] =	dma.local [hbm:s2], $0x1  }
0x93: {  	_ =	swait.eq [sflag:s15], $0x1  }
0x94: {  	[sflag:s15] =	ssyncset.done $0x0  }
0x95: {  	[sflag:s15] =	ssyncadd.s32 $0xFFFFFFFF  }
0x96: {  	s16 =	sld [smem:$0x11];
	(tm) =	ssettm $0x1  }
0x97: {  	s17 =	sld [smem:$0x3FFB];
	_ =	sdelay $0x3  }
0x98: {  	_ =	strace s17  }
0x99: {  	s3 =	sld [smem:$0x3FFC];
	_ =	sdelay $0x3  }
0x9a: {  	_ =	strace s3  }
0x9b: {  	s3 =	sld [smem:$0x3FFD];
	_ =	sdelay $0x3  }
0x9c: {  	_ =	strace s3  }
0x9d: {  	_ =	strace $0x8FFFFFFF  }
0x9e: {  	s18 =	sld [smem:$0x3FDB];
	_ =	sdelay $0x1  }
0x9f: {  	s19 =	simm.s32 $_scs_section_size  }
0xa0: {  	s5 =	simm.s32 $_size__tile_overlayer_lowered;
	s6 =	simm.s32 $_tile_overlayer_lowered  }
0xa1: {  	s22 =	simm.s32 $0x1BFF;
	s21 =	sshll.u32 s6, $0x1;
	s3 =	sadd.s32 s19, s18  }
0xa2: {  	s7 =	simm.s32 $0x0;
	s20 =	sshll.u32 s5, $0x1;
	s5 =	sadd.s32 s21, s3  }
0xa3: {  	[timem:s7], [sflag:s22] =	dma.local [hbm:s5], s20  }
0xa4: {  	_ =	swait.ge [sflag:s22], s20  }
0xa5: {  	s4 =	ssub.s32 $0x0, s20;
	[sflag:s22] =	ssyncset.done $0x0  }
0xa6: {  	[sflag:s22] =	ssyncadd.s32 s4;
	_ =	sdelay $0x1  }
0xa7: {  	s23 =	simm.s32 $0x1B8B  }
0xa8: {  	_ =	swait.ge [sflag:s23], $0x1  }
0xa9: {  	[sflag:s23] =	ssyncset.done $0x0  }
0xaa: {  	s25 =	simm.s32 $0x1B8E;
	s24 =	sld [smem:$0x3FFE];
	[sflag:s23] =	ssyncadd.s32 $0xFFFFFFFF  }
0xab: {  	s26 =	simm.s32 $execute0_lowered;
	[smem:$0x3FD2] =	sst s25  }
0xac: {  	s5 =	sshll.u32 s26, $0x1;
	_ =	strace $0x80000046;
	[dreg:$0x1] =	wrdreg $0xFFFFFFFF  }
0xad: {  	s28 =	simm.s32 $_size_execute0_lowered;
	s3 =	sadd.s32 s3, s5;
	[dreg:$0x0] =	wrdreg $0x0  }
0xae: {  	s5 =	sshll.u32 s28, $0x1;
	[dreg:$0x2] =	wrdreg s3  }
0xaf: {  	[dreg:$0x3] =	wrdreg s5  }
0xb0: {  	[dreg:$0x4] =	wrdreg $0xC0  }
0xb1: {  	_ =	task [dreg:s7], $0x5FFFF  }
0xb2: {  	[dreg:$0x1] =	wrdreg $0xFFFFFFFF  }
0xb3: {  	[dreg:$0x0] =	wrdreg $0x60  }
0xb4: {  	[dreg:$0x2] =	wrdreg s24  }
0xb5: {  	[dreg:$0x3] =	wrdreg s16  }
0xb6: {  	[dreg:$0x4] =	wrdreg $0x0  }
0xb7: {  	[dreg:$0x5] =	wrdreg $0x9  }
0xb8: {  	_ =	task.clear_ibuf [dreg:s7], $0x6FFFF;
	_ =	strace $0x90000046  }
0xb9: {  	s29 =	simm.s32 $0x9;
	_ =	strace $0x80000048  }
0xba: {  	_ =	swait.ge [sflag:s29], $0x1  }
0xbb: {  	[sflag:s29] =	ssyncadd.s32 $0xFFFFFFFF  }
0xbc: {  	_ =	strace $0x90000048  }
0xbd: {  	_ =	sfence  }
0xbe: {  	s30 =	sld [smem:$0x0];
	_ =	sdelay $0x2  }
0xbf: {  	s31 =	sshll.u32 s1, $0xD;
	s1 =	sshrl.u32 s1, $0x2  }
0xc0: {  	s3 =	sand.u32 $0x4000, s31;
	s1 =	sadd.s32 s1, s30  }
0xc1: {  	s0 =	sor.u32 s3, s0;
	s1 =	sshll.u32 s1, $0x11  }
0xc2: {  	s0 =	sor.u32 s1, s0  }
0xc3: {  	s0 =	sadd.s32 $0x8F2B, s0  }
0xc4: {  	[sflag:s0] =	ssyncadd.remote.s32 $0x1  }
0xc5: {  	_ =	sfence.sel $0xFFFF  }
0xc6: {  	[dreg:$0x0] =	wrdreg $0xFFFFFFFF;
	(pc) =	sbr.abs _section_cstart, $3  }
0xc7: {  	[dreg:$0x1] =	wrdreg $0xFFFFFFFF  }
0xc8: {  	_ =	task.clear_ibuf [dreg:s7], $0x2FFFF;
	_ =	strace $0x9FFFFFFF  }
0xc9: {  	(tm) =	ssettm $0x7FFFFFFF  }
tec
execute0_lowered:
.L_overlay_start_1:
0x0: {  	(tag) =	ssettag $0x1  }
0x1: {  	s4 =	rddreg [dreg:$0x0]  }
0x2: {  	s0 =	srdreg.scid;
	s5 =	rddreg [dreg:$0x1]  }
0x3: {  	s2 =	rddreg [dreg:$0x2];
	s6 =	sand.u32 $0x1, s0  }
0x4: {  	s0 =	stileid.u32;
	s7 =	smul.u32 $0x13880, s6  }
0x5: {  	s1 =	rddreg [dreg:$0x3];
	s8 =	smul.u32 $0x1388, s0  }
0x6: {  	s3 =	simm.s32 $0x0;
	s12 =	simm.s32 $0x28A0;
	s9 =	smul.u32 $0x27100, s6  }
0x7: {  	s14 =	simm.s32 $0x0;
	[smem:$0x7FF] =	sst s3;
	s10 =	smul.u32 $0x2710, s0  }
0x8: {  	_ =	strace $0x80000047;
	s6 =	ssub.s32 $0x2, s6;
	s11 =	smul.u32 $0x9C40, s0  }
0x9: {  	s30 =	sshrl.u32 s6, $0x1;
	s7 =	sadd.s32 s8, s7;
	s29 =	sadd.s32 s10, s9  }
0xa: {  	s6 =	ssub.s32 s6, s30;
	s13 =	sadd.s32 s10, s2;
	s31 =	sshrl.u32 s11, $0x2  }
0xb: {  	s9 =	simm.s32 $0x2;
	s10 =	simm.s32 $0x1;
	s11 =	simm.s32 $0x28  }
0xc: {  	s7 =	sshrl.u32 s7, $0x3;
	s8 =	sshrl.u32 s29, $0x3;
	s13 =	sshrl.u32 s13, $0x3  }
0xd: {  	s7 =	sadd.s32 s7, s4;
	s4 =	sadd.s32 s5, s8;
	s5 =	smax.u32 s6, $0x1  }
0xe: {  	v0 =	vimm.f32 $0.0e+00;
	v1 =	vimm.f32 $1.000000000e+00;
	s6 =	sadd.s32 s31, s2;
	s8 =	simm.s32 $0x2710;
	s7 =	sadd.s32 $0x3600, s7  }
.LBB2_1:
0xf: {  	[tilespmem:$0x2710] =	vst v0  }
0x10: {  	[tilespmem:$0x2720] =	vst v0  }
0x11: {  	[tilespmem:$0x2730] =	vst v0  }
0x12: {  	[tilespmem:$0x2740] =	vst v0  }
0x13: {  	[tilespmem:$0x2750] =	vst v0  }
0x14: {  	[tilespmem:$0x2760] =	vst v0  }
0x15: {  	[tilespmem:$0x2770] =	vst v0  }
0x16: {  	[tilespmem:$0x2780] =	vst v0  }
0x17: {  	[tilespmem:$0x2790] =	vst v0  }
0x18: {  	[tilespmem:$0x27A0] =	vst v0  }
0x19: {  	[tilespmem:$0x27B0] =	vst v0  }
0x1a: {  	[tilespmem:$0x27C0] =	vst v0  }
0x1b: {  	[tilespmem:$0x27D0] =	vst v0  }
0x1c: {  	[tilespmem:$0x27E0] =	vst v0  }
0x1d: {  	[tilespmem:$0x27F0] =	vst v0  }
0x1e: {  	[tilespmem:$0x2800] =	vst v0  }
0x1f: {  	[tilespmem:$0x2810] =	vst v0  }
0x20: {  	[tilespmem:$0x2820] =	vst v0  }
0x21: {  	[tilespmem:$0x2830] =	vst v0  }
0x22: {  	[tilespmem:$0x2840] =	vst v0  }
0x23: {  	[tilespmem:$0x2850] =	vst v0  }
0x24: {  	[tilespmem:$0x2860] =	vst v0  }
0x25: {  	[tilespmem:$0x2870] =	vst v0  }
0x26: {  	[tilespmem:$0x2880] =	vst v0  }
0x27: {  	[tilespmem:$0x2890] =	vst v0  }
0x28: {  	[tilespmem:$0x28A0] =	vst v1  }
0x29: {  	[tilespmem:$0x28B0] =	vst v1  }
0x2a: {  	[tilespmem:$0x28C0] =	vst v1  }
0x2b: {  	[tilespmem:$0x28D0] =	vst v1  }
0x2c: {  	[tilespmem:$0x28E0] =	vst v1  }
0x2d: {  	[tilespmem:$0x28F0] =	vst v1  }
0x2e: {  	[tilespmem:$0x2900] =	vst v1  }
0x2f: {  	[tilespmem:$0x2910] =	vst v1  }
0x30: {  	[tilespmem:$0x2920] =	vst v1  }
0x31: {  	[tilespmem:$0x2930] =	vst v1  }
0x32: {  	[tilespmem:$0x2940] =	vst v1  }
0x33: {  	[tilespmem:$0x2950] =	vst v1  }
0x34: {  	[tilespmem:$0x2960] =	vst v1  }
0x35: {  	[tilespmem:$0x2970] =	vst v1  }
0x36: {  	[tilespmem:$0x2980] =	vst v1  }
0x37: {  	[tilespmem:$0x2990] =	vst v1  }
0x38: {  	[tilespmem:$0x29A0] =	vst v1  }
0x39: {  	[tilespmem:$0x29B0] =	vst v1  }
0x3a: {  	[tilespmem:$0x29C0] =	vst v1  }
0x3b: {  	[tilespmem:$0x29D0] =	vst v1  }
0x3c: {  	[tilespmem:$0x29E0] =	vst v1  }
0x3d: {  	[tilespmem:$0x29F0] =	vst v1  }
0x3e: {  	[tilespmem:$0x2A00] =	vst v1  }
0x3f: {  	[tilespmem:$0x2A10] =	vst v1  }
0x40: {  	[tilespmem:$0x2A20] =	vst v1  }
0x41: {  	[tilespmem:$0x2A30] =	vst v1  }
0x42: {  	[tilespmem:$0x2A40] =	vst v1  }
0x43: {  	[tilespmem:$0x2A50] =	vst v1  }
0x44: {  	[tilespmem:$0x2A60] =	vst v1  }
0x45: {  	[tilespmem:$0x2A70] =	vst v1  }
0x46: {  	[tilespmem:$0x2A80] =	vst v1  }
0x47: {  	[tilespmem:$0x2A90] =	vst v1  }
0x48: {  	[tilespmem:$0x2AA0] =	vst v1  }
0x49: {  	[tilespmem:$0x2AB0] =	vst v1  }
0x4a: {  	[tilespmem:$0x2AC0] =	vst v1  }
0x4b: {  	[tilespmem:$0x2AD0] =	vst v1  }
0x4c: {  	[tilespmem:$0x2AE0] =	vst v1  }
0x4d: {  	[tilespmem:$0x2AF0] =	vst v1  }
0x4e: {  	[tilespmem:$0x2B00] =	vst v1  }
0x4f: {  	[tilespmem:$0x2B10] =	vst v1;
	s15 =	sadd.s32 $0x0, s6  }
0x50: {  	[spmem:s15] =	stream.linear.scatter [tilespmem:s8], [sflag:$0x2], $0x190, $0x38;
	[tilespmem:$0x3EA8] =	vst v63  }
0x51: {  	s15 =	simm.s32 $0x640;
	_ =	swait.ge [sflag:s9], $0x190  }
.LBB2_2:
0x52: {  	s16 =	sshra.s32 s15, $0x2;
	[sflag:s9] =	ssyncset.done $0x0;
	p0 =	sne.s32 s15, $0x9600  }
.Ltmp0:
0x53: {  	s16 =	sadd.s32 s16, s6;
	[sflag:s9] =	ssyncadd.s32 $0xFFFFFE70;
	(pc) =	sbr.rel @p0 .LBB2_2-.Ltmp0, $3  }
0x54: {  	[spmem:s16] =	stream.linear.scatter [tilespmem:s8], [sflag:$0x2], $0x190, $0x38;
	[tilespmem:$0x3EA8] =	vst v63  }
0x55: {  	s15 =	sadd.s32 $0x640, s15;
	_ =	sdelay $0x1  }
0x56: {  	_ =	swait.ge [sflag:s9], $0x190  }
0x57: {  	[sflag:s9] =	ssyncset.done $0x0  }
0x58: {  	[sflag:s9] =	ssyncadd.s32 $0xFFFFFE70  }
0x59: {  	s15 =	simm.s32 $0x0;
	s16 =	simm.s32 $0x2B20;
	[bflag:$0x0] =	sbarrier.arrive $0xFFFF  }
.LBB2_4:
0x5a: {  	p0 =	sne.s32 s15, $0x26C  }
.Ltmp1:
0x5b: {  	_ = 	snop;
	(pc) =	sbr.rel @p0 .LBB2_4-.Ltmp1, $4  }
0x5c: {  	_ = 	snop  }
0x5d: {  	s17 =	sadd.s32 s15, s7  }
0x5e: {  	[tilespmem:s16], [sflag:$0x1] =	stream.linear.gather [hbm4b:s17+s3], $0x28, $0x38;
	[tilespmem:$0x3EA8] =	vst v63  }
0x5f: {  	s15 =	sadd.s32 $0x5, s15;
	s16 =	sadd.s32 $0x28, s16  }
0x60: {  	s15 =	simm.s32 $0x7D  }
.LBB2_6:
0x61: {  	p0 =	sne.s32 s15, $0x1  }
.Ltmp2:
0x62: {  	_ = 	snop;
	(pc) =	sbr.rel @p0 .LBB2_6-.Ltmp2, $4  }
0x63: {  	_ = 	snop  }
0x64: {  	_ =	swait.ge [sflag:s10], $0x28  }
0x65: {  	[sflag:s10] =	ssyncset.done $0x0  }
0x66: {  	s15 =	sadd.s32 $0xFFFFFFFF, s15;
	[sflag:s10] =	ssyncadd.s32 $0xFFFFFFD8  }
0x67: {  	s15 =	simm.s32 $0x0  }
.LBB2_8:
0x68: {  	p0 =	sne.s32 s15, $0x4D80  }
.Ltmp3:
0x69: {  	_ = 	snop;
	(pc) =	sbr.rel @p0 .LBB2_8-.Ltmp3, $4  }
0x6a: {  	_ = 	snop  }
0x6b: {  	s16 =	sshra.s32 s15, $0x2  }
0x6c: {  	s15 =	sadd.s32 $0xA0, s15;
	s16 =	sadd.s32 $0x2B20, s16  }
0x6d: {  	[spmem:s2] =	stream.indirect.scatter.add.f32 [tilespmem:s12], [sflag:$0x1], $0x10, s16, s11, $0xb8;
	[tilespmem:$0x3EA8] =	vst v63  }
0x6e: {  	_ =	swait.ge [sflag:s10], $0x280  }
0x6f: {  	s15 =	simm.s32 $0x7C;
	[sflag:s10] =	ssyncset.done $0x0  }
.LBB2_10:
0x70: {  	p0 =	sne.s32 s15, $0x1;
	s15 =	sadd.s32 $0xFFFFFFFF, s15;
	[sflag:s10] =	ssyncadd.s32 $0xFFFFFD80  }
.Ltmp4:
0x71: {  	(pc) =	sbr.rel @p0 .LBB2_10-.Ltmp4, $3  }
0x72: {  	_ =	sdelay $0x1  }
0x73: {  	_ =	swait.ge [sflag:s10], $0x280  }
0x74: {  	[sflag:s10] =	ssyncset.done $0x0  }
0x75: {  	s14 =	sadd.s32 $0x1, s14  }
0x76: {  	[sflag:s10] =	ssyncadd.s32 $0xFFFFFD80;
	s15 =	sshll.u32 s0, $0x6;
	p0 =	sne.s32 s14, s5  }
.Ltmp5:
0x77: {  	[bflag:$0x0] =	sbarrier.arrive $0xFFFF;
	s15 =	sor.u32 $0x1C02, s15;
	(pc) =	sbr.rel @p0 .LBB2_1-.Ltmp5, $4  }
0x78: {  	[hbm:s4], [sflag:s15] =	dma.local [spmem:s13], $0x4E2  }
0x79: {  	_ =	swait.ge [sflag:s9], $0x4E2  }
0x7a: {  	[sflag:s9] =	ssyncset.done $0x0  }
0x7b: {  	[sflag:s9] =	ssyncadd.s32 $0xFFFFFB1E  }
0x7c: {  	_ =	sfence.sel $0x180000  }
0x7d: {  	[bflag:$0x0] =	sbarrier.arrive $0xFFFF  }
0x7e: {  	p0 =	sne.s32 s0, $0x0;
	_ =	strace $0x90000047  }
0x7f: {  	s0 =	sadd.s32 @!p0 $0x100000, s1;
	[bflag:$0x2] =	sbarrier.arrive $0xFFFF  }
0x80: {  	[sflag:s0] =	ssyncadd.tile.s32 @!p0 $0x1;
	_ =	shalt  }
.Lfunc_end2:
_tile_overlayer_lowered:
.L_overlay_start_2:
0x81: {  	(tag) =	ssettag $0x2  }
0x82: {  	s0 =	rddreg [dreg:$0x0];
	s2 =	stileid.u32  }
0x83: {  	s1 =	rddreg [dreg:$0x1];
	p0 =	sne.s32 s2, $0x0  }
0x84: {  	s3 =	rddreg [dreg:$0x2];
	[bflag:$0x3] =	sbarrier.arrive $0xFFFF;
	s2 =	simm.s32 @!p0 $0x1C02  }
0x85: {  	[timem:s3], [sflag:s2] =	dma.local @!p0 [hbm:s0], s1  }
0x86: {  	s0 =	simm.s32 @!p0 $0x2  }
0x87: {  	_ =	swait.ge @!p0 [sflag:s0], s1  }
0x88: {  	s1 =	ssub.s32 @!p0 $0x0, s1;
	[sflag:s0] =	ssyncset.done @!p0 $0x0  }
0x89: {  	[sflag:s0] =	ssyncadd.s32 @!p0 s1  }
0x8a: {  	[bflag:$0x3] =	sbarrier.arrive $0xFFFF  }
0x8b: {  	_ =	shalt  }

// kernel: kernel.13.cloned.1.call-start
scs
__scs_entry_jumppad:
0x0: {  	(pc) =	sbr.rel $0x88, $3  }
0x1: {  	(tag) =	ssettag $0x0;
	lr =	simm.s32 $0x1  }
0x2: {  	[smem:$0x3F97] =	sst lr;
	_ =	strace $0xD0000000  }
0x3: {  	_ = 	snop  }
0x4: {  	_ = 	snop  }
0x5: {  	_ = 	snop  }
0x6: {  	_ = 	snop  }
0x7: {  	_ = 	snop  }
__scs_overlays_trampoline_lowered:
0x8: {  	[smem:$0x3FA6] =	sst s0  }
0x9: {  	[smem:$0x3FA7] =	sst s1  }
0xa: {  	[smem:$0x3FA8] =	sst s2  }
0xb: {  	[smem:$0x3FA9] =	sst s3  }
0xc: {  	[smem:$0x3FAA] =	sst s4  }
0xd: {  	[smem:$0x3FAB] =	sst s5  }
0xe: {  	[smem:$0x3FAC] =	sst s6  }
0xf: {  	[smem:$0x3FAD] =	sst s7  }
0x10: {  	[smem:$0x3FAE] =	sst s8  }
0x11: {  	[smem:$0x3FAF] =	sst s9;
	s0 =	simm.s32 @!p0 $0x0  }
0x12: {  	s1 =	sld [smem:$0x3F95];
	s0 =	simm.s32 @p0 $0x1  }
0x13: {  	[smem:$0x3FB0] =	sst s0;
	s0 =	simm.s32 @!p1 $0x0  }
0x14: {  	s2 =	sld [smem:$0x3F94];
	s0 =	simm.s32 @p1 $0x1  }
0x15: {  	[smem:$0x3FB1] =	sst s0;
	s0 =	simm.s32 @!p2 $0x0  }
0x16: {  	s3 =	sld [smem:$0x3FDB];
	s0 =	simm.s32 @p2 $0x1  }
0x17: {  	s4 =	simm.s32 $0x1BF5;
	[smem:$0x3FB3] =	sst s0  }
0x18: {  	s0 =	sld [smem:$0x3F96];
	_ =	swait.ge [sflag:s4], $0x0  }
0x19: {  	s7 =	sld [smem:$0x3F97]  }
0x1a: {  	s8 =	sadd.s32 $0xFFFFE003, lr  }
0x1b: {  	s9 =	sadd.s32 $0xFFFFFEF7, lr;
	s5 =	simm.s32 $0xFFFFFFFF;
	p2 =	slt.u32 s8, $0xFFFFF086  }
0x1c: {  	p1 =	slt.u32 s9, $0xF7A;
	s5 =	simm.s32 @!p2 $0x0  }
0x1d: {  	s5 =	simm.s32 @p1 $0x1;
	p0 =	seq.s32 s7, s2  }
0x1e: {  	s7 =	smul.u32 @!p0 $0xF7A, s2;
	p2 =	seq.s32 @!p0 s5, $0x0  }
0x1f: {  	s9 =	smul.u32 $0xF7A, s1;
	s8 =	simm.s32 @!p0 $0x1BF5;
	p2 =	por !p2, p0  }
0x20: {  	[sflag:s8] =	ssyncset.s32 @!p0 $0xFFFFF086;
	s6 =	sadd.s32 @!p0 s3, s7;
	s7 =	simm.s32 @!p0 $0x108  }
0x21: {  	s3 =	sadd.s32 s3, s9;
	s6 =	sadd.s32 @!p0 $0x88, s6;
	s7 =	simm.s32 @p2 $0x1082  }
0x22: {  	[simem:s7], [sflag:s8] =	dma.local @!p0 [hbm:s6], $0xF7A  }
0x23: {  	s9 =	sor.u32 $0xD0000000, s2;
	s6 =	simm.s32 $0x108;
	_ =	swait.ge @!p0 [sflag:s8], $0x0  }
0x24: {  	s3 =	sadd.s32 $0x88, s3;
	s6 =	simm.s32 @!p1 $0x1082;
	[sflag:s4] =	ssyncset.s32 $0xFFFFF086  }
0x25: {  	[simem:s6], [sflag:s4] =	dma.local [hbm:s3], $0xF7A  }
0x26: {  	[smem:$0x3F97] =	sst s1;
	(tag) =	ssettag s2;
	_ =	strace s9  }
0x27: {  	s1 =	sld [smem:$0x3FA7]  }
0x28: {  	s2 =	sld [smem:$0x3FA8]  }
0x29: {  	s4 =	sld [smem:$0x3FAA]  }
0x2a: {  	p0 =	seq.s32 s5, $0x0;
	s5 =	sld [smem:$0x3FAB]  }
0x2b: {  	s6 =	sld [smem:$0x3FAC]  }
0x2c: {  	s7 =	sld [smem:$0x3FAD]  }
0x2d: {  	s3 =	simm.s32 $0x108;
	s8 =	sld [smem:$0x3FAE]  }
0x2e: {  	s3 =	simm.s32 @!p0 $0x1082;
	s9 =	sld [smem:$0x3FAF]  }
0x2f: {  	lr =	sadd.s32 s0, s3;
	s0 =	sld [smem:$0x3FA6]  }
0x30: {  	s3 =	sld [smem:$0x3FA9]  }
0x31: {  	[smem:$0x3FB2] =	sst s10  }
0x32: {  	s10 =	sld [smem:$0x3FB0];
	_ =	sdelay $0x3  }
0x33: {  	p0 =	seq.s32 s10, $0x1;
	s10 =	sld [smem:$0x3FB2];
	_ =	sdelay $0x3  }
0x34: {  	[smem:$0x3FB2] =	sst s10  }
0x35: {  	s10 =	sld [smem:$0x3FB1];
	_ =	sdelay $0x3  }
0x36: {  	p1 =	seq.s32 s10, $0x1;
	s10 =	sld [smem:$0x3FB2];
	_ =	sdelay $0x3  }
0x37: {  	[smem:$0x3FB2] =	sst s10  }
0x38: {  	s10 =	sld [smem:$0x3FB3]  }
0x39: {  	_ = 	snop;
	(pc) =	sbr.ind lr, $3  }
0x3a: {  	_ = 	snop  }
0x3b: {  	_ = 	snop  }
0x3c: {  	p2 =	seq.s32 s10, $0x1;
	s10 =	sld [smem:$0x3FB2]  }
0x3d: {  	_ =	shalt  }
0x3e: {  	_ =	shalt  }
0x3f: {  	_ =	shalt  }
0x40: {  	_ =	shalt  }
0x41: {  	_ =	shalt  }
0x42: {  	_ =	shalt  }
0x43: {  	_ =	shalt  }
0x44: {  	_ =	shalt  }
0x45: {  	_ =	shalt  }
0x46: {  	_ =	shalt  }
0x47: {  	_ =	shalt  }
0x48: {  	_ =	shalt  }
0x49: {  	_ =	shalt  }
0x4a: {  	_ =	shalt  }
0x4b: {  	_ =	shalt  }
0x4c: {  	_ =	shalt  }
0x4d: {  	_ =	shalt  }
0x4e: {  	_ =	shalt  }
0x4f: {  	_ =	shalt  }
0x50: {  	_ =	shalt  }
0x51: {  	_ =	shalt  }
0x52: {  	_ =	shalt  }
0x53: {  	_ =	shalt  }
0x54: {  	_ =	shalt  }
0x55: {  	_ =	shalt  }
0x56: {  	_ =	shalt  }
0x57: {  	_ =	shalt  }
0x58: {  	_ =	shalt  }
0x59: {  	_ =	shalt  }
0x5a: {  	_ =	shalt  }
0x5b: {  	_ =	shalt  }
0x5c: {  	_ =	shalt  }
0x5d: {  	_ =	shalt  }
0x5e: {  	_ =	shalt  }
0x5f: {  	_ =	shalt  }
0x60: {  	_ =	shalt  }
0x61: {  	_ =	shalt  }
0x62: {  	_ =	shalt  }
0x63: {  	_ =	shalt  }
0x64: {  	_ =	shalt  }
0x65: {  	_ =	shalt  }
0x66: {  	_ =	shalt  }
0x67: {  	_ =	shalt  }
0x68: {  	_ =	shalt  }
0x69: {  	_ =	shalt  }
0x6a: {  	_ =	shalt  }
0x6b: {  	_ =	shalt  }
0x6c: {  	_ =	shalt  }
0x6d: {  	_ =	shalt  }
0x6e: {  	_ =	shalt  }
0x6f: {  	_ =	shalt  }
0x70: {  	_ =	shalt  }
0x71: {  	_ =	shalt  }
0x72: {  	_ =	shalt  }
0x73: {  	_ =	shalt  }
0x74: {  	_ =	shalt  }
0x75: {  	_ =	shalt  }
0x76: {  	_ =	shalt  }
0x77: {  	_ =	shalt  }
0x78: {  	_ =	shalt  }
0x79: {  	_ =	shalt  }
0x7a: {  	_ =	shalt  }
0x7b: {  	_ =	shalt  }
0x7c: {  	_ =	shalt  }
0x7d: {  	_ =	shalt  }
0x7e: {  	_ =	shalt  }
0x7f: {  	_ =	shalt  }
0x80: {  	_ =	shalt  }
0x81: {  	_ =	shalt  }
0x82: {  	_ =	shalt  }
0x83: {  	_ =	shalt  }
0x84: {  	_ =	shalt  }
0x85: {  	_ =	shalt  }
0x86: {  	_ =	shalt  }
0x87: {  	_ =	shalt  }
.Lfunc_end0:
.L_simem_size_0:
called_computation.1_lowered:
.L_overlay_start_0:
0x88: {  	s2 =	sld [smem:$0x3FD9]  }
0x89: {  	s3 =	sld [smem:$0x3FFE];
	_ =	sdelay $0x1  }
0x8a: {  	s1 =	srdreg.scid  }
0x8b: {  	s0 =	sand.u32 $0x1, s1  }
0x8c: {  	s14 =	sshll.u32 s0, $0xA;
	s2 =	sadd.s32 s3, s2  }
0x8d: {  	s2 =	sadd.s32 s2, s14  }
0x8e: {  	[smem:$0x3FBE] =	sst s2  }
0x8f: {  	_ = 	snop  }
0x90: {  	s2 =	sld [smem:$0x3FD0];
	_ =	sdelay $0x2  }
0x91: {  	s15 =	simm.s32 $0xA;
	s4 =	simm.s32 $0x10  }
0x92: {  	[smem:s4], [sflag:s15] =	dma.local [hbm:s2], $0x1  }
0x93: {  	_ =	swait.eq [sflag:s15], $0x1  }
0x94: {  	[sflag:s15] =	ssyncset.done $0x0  }
0x95: {  	s16 =	sld [smem:$0x10];
	[sflag:s15] =	ssyncadd.s32 $0xFFFFFFFF  }
0x96: {  	s17 =	sld [smem:$0x11];
	(tm) =	ssettm $0x1  }
0x97: {  	s18 =	sld [smem:$0x3FFB];
	_ =	sdelay $0x3  }
0x98: {  	_ =	strace s18  }
0x99: {  	s4 =	sld [smem:$0x3FFC];
	_ =	sdelay $0x3  }
0x9a: {  	_ =	strace s4  }
0x9b: {  	s4 =	sld [smem:$0x3FFD];
	_ =	sdelay $0x3  }
0x9c: {  	_ =	strace s4  }
0x9d: {  	_ =	strace $0x8FFFFFFF  }
0x9e: {  	s19 =	sld [smem:$0x3FDB];
	_ =	sdelay $0x1  }
0x9f: {  	s5 =	simm.s32 $_scs_section_size  }
0xa0: {  	s6 =	simm.s32 $_size__tile_overlayer_lowered;
	s7 =	simm.s32 $_tile_overlayer_lowered  }
0xa1: {  	s22 =	simm.s32 $0x1BFF;
	s21 =	sshll.u32 s7, $0x1;
	s4 =	sadd.s32 s5, s19  }
0xa2: {  	s8 =	simm.s32 $0x0;
	s20 =	sshll.u32 s6, $0x1;
	s6 =	sadd.s32 s21, s4  }
0xa3: {  	[timem:s8], [sflag:s22] =	dma.local [hbm:s6], s20  }
0xa4: {  	_ =	swait.ge [sflag:s22], s20  }
0xa5: {  	s5 =	ssub.s32 $0x0, s20;
	[sflag:s22] =	ssyncset.done $0x0  }
0xa6: {  	[sflag:s22] =	ssyncadd.s32 s5;
	_ =	sdelay $0x1  }
0xa7: {  	s23 =	simm.s32 $0x1B8B  }
0xa8: {  	_ =	swait.ge [sflag:s23], $0x1  }
0xa9: {  	[sflag:s23] =	ssyncset.done $0x0  }
0xaa: {  	s25 =	simm.s32 $0x1B8E;
	s24 =	sld [smem:$0x3FFE];
	[sflag:s23] =	ssyncadd.s32 $0xFFFFFFFF  }
0xab: {  	s26 =	simm.s32 $execute0_lowered;
	[smem:$0x3FD2] =	sst s25  }
0xac: {  	s6 =	sshll.u32 s26, $0x1;
	_ =	strace $0x80000049;
	[dreg:$0x1] =	wrdreg $0xFFFFFFFF  }
0xad: {  	s28 =	simm.s32 $_size_execute0_lowered;
	s4 =	sadd.s32 s4, s6;
	[dreg:$0x0] =	wrdreg $0x0  }
0xae: {  	s6 =	sshll.u32 s28, $0x1;
	[dreg:$0x2] =	wrdreg s4  }
0xaf: {  	[dreg:$0x3] =	wrdreg s6  }
0xb0: {  	[dreg:$0x4] =	wrdreg $0xC0  }
0xb1: {  	_ =	task [dreg:s8], $0x5FFFF  }
0xb2: {  	[dreg:$0x1] =	wrdreg $0xFFFFFFFF  }
0xb3: {  	[dreg:$0x0] =	wrdreg $0x60  }
0xb4: {  	[dreg:$0x2] =	wrdreg s17  }
0xb5: {  	[dreg:$0x3] =	wrdreg s16  }
0xb6: {  	[dreg:$0x4] =	wrdreg s24  }
0xb7: {  	[dreg:$0x5] =	wrdreg $0x0  }
0xb8: {  	[dreg:$0x6] =	wrdreg $0x9  }
0xb9: {  	_ =	task.clear_ibuf [dreg:s8], $0x7FFFF;
	_ =	strace $0x90000049  }
0xba: {  	s29 =	simm.s32 $0x9;
	_ =	strace $0x8000004B  }
0xbb: {  	_ =	swait.ge [sflag:s29], $0x1  }
0xbc: {  	[sflag:s29] =	ssyncadd.s32 $0xFFFFFFFF  }
0xbd: {  	_ =	strace $0x9000004B  }
0xbe: {  	_ =	sfence  }
0xbf: {  	s30 =	sld [smem:$0x0];
	_ =	sdelay $0x2  }
0xc0: {  	s31 =	sshll.u32 s1, $0xD;
	s1 =	sshrl.u32 s1, $0x2  }
0xc1: {  	s3 =	sand.u32 $0x4000, s31;
	s1 =	sadd.s32 s1, s30  }
0xc2: {  	s0 =	sor.u32 s3, s0;
	s1 =	sshll.u32 s1, $0x11  }
0xc3: {  	s0 =	sor.u32 s1, s0  }
0xc4: {  	s0 =	sadd.s32 $0x8F2B, s0  }
0xc5: {  	[sflag:s0] =	ssyncadd.remote.s32 $0x1  }
0xc6: {  	_ =	sfence.sel $0xFFFF  }
0xc7: {  	[dreg:$0x0] =	wrdreg $0xFFFFFFFF;
	(pc) =	sbr.abs _section_cstart, $3  }
0xc8: {  	[dreg:$0x1] =	wrdreg $0xFFFFFFFF  }
0xc9: {  	_ =	task.clear_ibuf [dreg:s8], $0x2FFFF;
	_ =	strace $0x9FFFFFFF  }
0xca: {  	(tm) =	ssettm $0x7FFFFFFF  }
0xcb: {  	_ =	shalt  }
tec
execute0_lowered:
.L_overlay_start_1:
0x0: {  	(tag) =	ssettag $0x1  }
0x1: {  	s0 =	rddreg [dreg:$0x0]  }
0x2: {  	s1 =	rddreg [dreg:$0x1]  }
0x3: {  	s2 =	srdreg.scid;
	s4 =	rddreg [dreg:$0x2]  }
0x4: {  	s10 =	stileid.u32;
	s3 =	rddreg [dreg:$0x3];
	s16 =	simm.s32 $0x0  }
0x5: {  	s29 =	simm.s32 $0x13D30;
	s13 =	simm.s32 $0xB;
	s5 =	smul.u32 $0x271, s10  }
0x6: {  	s28 =	simm.s32 $0x11;
	s31 =	simm.s32 $0x8;
	s6 =	smul.u32 $0x4E200, s10  }
0x7: {  	s14 =	simm.s32 $0x13;
	s2 =	sand.u32 $0x1, s2;
	s9 =	smul.u32 $0x2710, s10  }
0x8: {  	[smem:$0x7FF] =	sst s16;
	s15 =	sshll.u32 s10, $0x6;
	s30 =	smul.u32 $0x4E2, s10  }
0x9: {  	s8 =	smul.u32 $0x2710, s2;
	_ =	strace $0x8000004A;
	s2 =	ssub.s32 $0x2, s2  }
0xa: {  	[dreg:$0x7] =	wrdreg s15;
	s7 =	sshrl.u32 s2, $0x1;
	s6 =	sshrl.u32 s6, $0x2  }
0xb: {  	s17 =	sadd.s32 $0x28, s9;
	s18 =	sshrl.u32 s9, $0x3;
	s19 =	sadd.s32 $0x78, s9  }
0xc: {  	s20 =	sadd.s32 $0xC8, s9;
	s22 =	sadd.s32 $0x118, s9;
	s25 =	sadd.s32 $0x168, s9  }
0xd: {  	s9 =	simm.s32 $0x10;
	s5 =	sadd.s32 s5, s8;
	s2 =	ssub.s32 s2, s7  }
0xe: {  	s6 =	sadd.s32 s6, s3;
	s7 =	sor.u32 $0x1C01, s15;
	s11 =	sadd.s32 s1, s18  }
0xf: {  	s21 =	sshrl.u32 s20, $0x3;
	s23 =	sshrl.u32 s22, $0x3;
	s20 =	sadd.s32 s30, s1  }
0x10: {  	s22 =	simm.s32 $0x28;
	s15 =	simm.s32 $0xD;
	[dreg:$0x8] =	wrdreg s7  }
0x11: {  	s18 =	simm.s32 $0xA;
	s7 =	sadd.s32 $0xA, s11;
	[dreg:$0xa] =	wrdreg s11  }
0x12: {  	s5 =	sshll.u32 s5, $0x4;
	s12 =	sadd.s32 $0x14, s11;
	[dreg:$0xb] =	wrdreg s7  }
0x13: {  	s24 =	sadd.s32 $0x1E, s11;
	s26 =	sadd.s32 $0x28, s11;
	[dreg:$0xd] =	wrdreg s12  }
0x14: {  	s2 =	smax.u32 s2, $0x1;
	s10 =	sshrl.u32 s6, $0x3;
	[dreg:$0xf] =	wrdreg s24  }
0x15: {  	s11 =	simm.s32 $0x5;
	s6 =	simm.s32 $0x9;
	[dreg:$0x11] =	wrdreg s26  }
0x16: {  	s4 =	sadd.s32 s5, s4;
	s5 =	sadd.s32 s0, s5;
	[dreg:$0x14] =	wrdreg s2  }
0x17: {  	s24 =	simm.s32 $0x1;
	[dreg:$0x6] =	wrdreg s5;
	s5 =	sshrl.u32 s17, $0x3  }
0x18: {  	s12 =	simm.s32 $0x18D30;
	[dreg:$0x15] =	wrdreg s10;
	s5 =	sadd.s32 s1, s5  }
0x19: {  	s4 =	sadd.s32 $0x51800, s4;
	[dreg:$0x9] =	wrdreg s5;
	s5 =	sshrl.u32 s19, $0x3  }
0x1a: {  	s7 =	simm.s32 $0x17930;
	[dreg:$0x13] =	wrdreg s4;
	s5 =	sadd.s32 s1, s5  }
.Ltmp0:
0x1b: {  	[dreg:$0xc] =	wrdreg s5;
	s5 =	sadd.s32 s1, s21;
	(pc) =	sbr.rel .LBB2_1-.Ltmp0, $4  }
0x1c: {  	s17 =	simm.s32 $0xF;
	[dreg:$0xe] =	wrdreg s5;
	s5 =	sadd.s32 s1, s23  }
0x1d: {  	s4 =	simm.s32 $0x7;
	[dreg:$0x10] =	wrdreg s5;
	s5 =	sshrl.u32 s25, $0x3  }
0x1e: {  	s19 =	simm.s32 $0x6;
	s21 =	simm.s32 $0x14;
	s5 =	sadd.s32 s1, s5  }
0x1f: {  	v0 =	vmov s8;
	s25 =	simm.s32 $0x12;
	[dreg:$0x12] =	wrdreg s5;
	s5 =	simm.s32 $0x16530  }
.LBB2_4:
0x20: {  	_ =	swait.ge [sflag:s9], $0x1400  }
0x21: {  	[sflag:s9] =	ssyncset.done $0x0  }
0x22: {  	[sflag:s9] =	ssyncadd.s32 $0xFFFFEC00  }
0x23: {  	_ =	swait.ge [sflag:s28], $0x1400  }
0x24: {  	[sflag:s28] =	ssyncset.done $0x0  }
0x25: {  	[sflag:s28] =	ssyncadd.s32 $0xFFFFEC00  }
0x26: {  	_ =	swait.ge [sflag:s25], $0x1400  }
0x27: {  	[sflag:s25] =	ssyncset.done $0x0  }
0x28: {  	[sflag:s25] =	ssyncadd.s32 $0xFFFFEC00  }
0x29: {  	_ =	swait.ge [sflag:s14], $0x1400  }
0x2a: {  	[sflag:s14] =	ssyncset.done $0x0  }
0x2b: {  	[sflag:s14] =	ssyncadd.s32 $0xFFFFEC00  }
0x2c: {  	_ =	swait.ge [sflag:s21], $0x1400  }
0x2d: {  	[sflag:s21] =	ssyncset.done $0x0  }
0x2e: {  	[sflag:s21] =	ssyncadd.s32 $0xFFFFEC00  }
0x2f: {  	[bflag:$0x0] =	sbarrier.arrive $0xFFFF  }
0x30: {  	s2 =	rddreg [dreg:$0x7]  }
0x31: {  	s8 =	rddreg [dreg:$0x13]  }
0x32: {  	s1 =	simm.s32 $0x15;
	s10 =	rddreg [dreg:$0x15];
	s2 =	sor.u32 $0x1C15, s2  }
0x33: {  	[hbm:s8], [sflag:s2] =	dma.local [spmem:s10], $0x2710  }
0x34: {  	_ =	swait.ge [sflag:s1], $0x2710  }
0x35: {  	s16 =	rddreg [dreg:$0x5]  }
0x36: {  	s30 =	rddreg [dreg:$0x14];
	s16 =	sadd.s32 $0x1, s16  }
0x37: {  	p0 =	sne.s32 s16, s30  }
.Ltmp1:
0x38: {  	_ = 	snop;
	(pc) =	sbr.rel @!p0 .LBB2_5-.Ltmp1, $3  }
0x39: {  	_ =	sdelay $0x1  }
0x3a: {  	[sflag:s1] =	ssyncset.done $0x0  }
0x3b: {  	[sflag:s1] =	ssyncadd.s32 $0xFFFFD8F0  }
.LBB2_1:
0x3c: {  	[dreg:$0x5] =	wrdreg s16  }
0x3d: {  	s2 =	rddreg [dreg:$0x6]  }
0x3e: {  	s8 =	rddreg [dreg:$0x8]  }
0x3f: {  	[spmem:s10], [sflag:s8] =	dma.local [hbm:s2], $0x2710  }
0x40: {  	s26 =	simm.s32 $0x138D0;
	s8 =	simm.s32 $0x27100;
	s2 =	rddreg [dreg:$0x9]  }
0x41: {  	[tilespmem:s26], [sflag:$0x2] =	stream.strided.gather [hbm4b:s2+s22], $0x50, s8, s22, $0x38;
	[tilespmem:$0x1A130] =	vst v63  }
0x42: {  	s1 =	simm.s32 $0x13920;
	s30 =	rddreg [dreg:$0xb]  }
0x43: {  	[tilespmem:s1], [sflag:$0x3] =	stream.strided.gather [hbm4b:s30+s22], $0x50, s8, s22, $0x38;
	[tilespmem:$0x1A130] =	vst v63  }
0x44: {  	s16 =	simm.s32 $0x13970;
	s10 =	rddreg [dreg:$0xc]  }
0x45: {  	[tilespmem:s16], [sflag:$0x4] =	stream.strided.gather [hbm4b:s10+s22], $0x50, s8, s22, $0x38;
	[tilespmem:$0x1A130] =	vst v63  }
0x46: {  	s23 =	rddreg [dreg:$0xd];
	s26 =	simm.s32 $0x139C0  }
0x47: {  	[tilespmem:s26], [sflag:$0x5] =	stream.strided.gather [hbm4b:s23+s22], $0x50, s8, s22, $0x38;
	[tilespmem:$0x1A130] =	vst v63  }
0x48: {  	s30 =	rddreg [dreg:$0xe];
	s1 =	simm.s32 $0x13A10  }
0x49: {  	[tilespmem:s1], [sflag:$0x6] =	stream.strided.gather [hbm4b:s30+s22], $0x50, s8, s22, $0x38;
	[tilespmem:$0x1A130] =	vst v63  }
0x4a: {  	s10 =	rddreg [dreg:$0xf];
	s16 =	simm.s32 $0x13A60  }
0x4b: {  	[tilespmem:s16], [sflag:$0x7] =	stream.strided.gather [hbm4b:s10+s22], $0x50, s8, s22, $0x38;
	[tilespmem:$0x1A130] =	vst v63  }
0x4c: {  	s23 =	rddreg [dreg:$0x10];
	s26 =	simm.s32 $0x13AB0  }
0x4d: {  	[tilespmem:s26], [sflag:$0x8] =	stream.strided.gather [hbm4b:s23+s22], $0x50, s8, s22, $0x38;
	[tilespmem:$0x1A130] =	vst v63  }
0x4e: {  	s30 =	rddreg [dreg:$0x11];
	s1 =	simm.s32 $0x13B00  }
0x4f: {  	[tilespmem:s1], [sflag:$0x9] =	stream.strided.gather [hbm4b:s30+s22], $0x50, s8, s22, $0x38;
	[tilespmem:$0x1A130] =	vst v63  }
0x50: {  	s16 =	rddreg [dreg:$0x12];
	s23 =	simm.s32 $0x13B50  }
0x51: {  	[tilespmem:s23], [sflag:$0xA] =	stream.strided.gather [hbm4b:s16+s22], $0x50, s8, s22, $0x38;
	[tilespmem:$0x1A130] =	vst v63  }
0x52: {  	_ =	swait.ge [sflag:s24], $0x2710  }
0x53: {  	[sflag:s24] =	ssyncset.done $0x0  }
0x54: {  	s30 =	simm.s32 $0x13880;
	s26 =	rddreg [dreg:$0xa];
	[sflag:s24] =	ssyncadd.s32 $0xFFFFD8F0  }
0x55: {  	[tilespmem:s30], [sflag:$0x1] =	stream.strided.gather [hbm4b:s26+s22], $0x50, s8, s22, $0x38;
	[tilespmem:$0x1A130] =	vst v63  }
0x56: {  	s8 =	simm.s32 $0x0;
	[bflag:$0x0] =	sbarrier.arrive $0xFFFF  }
.LBB2_2:
0x57: {  	_ =	swait.ge [sflag:s24], $0x50  }
0x58: {  	[sflag:s24] =	ssyncset.done $0x0  }
0x59: {  	[sflag:s24] =	ssyncadd.s32 $0xFFFFFFB0  }
0x5a: {  	v1 =	vld [tilespmem:$0x13880]  }
0x5b: {  	v2 =	vld [tilespmem:$0x13890]  }
0x5c: {  	v3 =	vld [tilespmem:$0x13898];
	_ =	sdelay $0x2  }
0x5d: {  	v1 =	vadd.s32 v0, v1  }
0x5e: {  	[tilespmem:$0x13BA0] =	vst v1;
	v1 =	vadd.s32 v0, v2  }
0x5f: {  	p0 =	seq.s32 s8, $0x0;
	[tilespmem:$0x13BB0] =	vst v1;
	v1 =	vadd.s32 v0, v3  }
0x60: {  	s16 =	simm.s32 @!p0 $0x10;
	[tilespmem:$0x13BB8] =	vst v1  }
0x61: {  	_ =	swait.ge @!p0 [sflag:s16], $0x1400  }
0x62: {  	[sflag:s16] =	ssyncset.done @!p0 $0x0  }
0x63: {  	s2 =	simm.s32 $0x13BA0;
	[sflag:s16] =	ssyncadd.s32 @!p0 $0xFFFFEC00;
	s16 =	simm.s32 $0x2  }
0x64: {  	[tilespmem:s29], [sflag:$0xB] =	stream.indirect.gather [hbm4b:s0+s22], $0x80, s2, s22, $0xb8;
	[tilespmem:$0x1A130] =	vst v63  }
0x65: {  	_ =	swait.ge [sflag:s16], $0x50  }
0x66: {  	[sflag:s16] =	ssyncset.done $0x0  }
0x67: {  	[sflag:s16] =	ssyncadd.s32 $0xFFFFFFB0  }
0x68: {  	v1 =	vld [tilespmem:$0x138D0]  }
0x69: {  	v2 =	vld [tilespmem:$0x138E0]  }
0x6a: {  	v3 =	vld [tilespmem:$0x138E8];
	_ =	sdelay $0x2  }
0x6b: {  	v1 =	vadd.s32 v0, v1  }
0x6c: {  	[tilespmem:$0x13BC8] =	vst v1;
	v1 =	vadd.s32 v0, v2  }
0x6d: {  	[tilespmem:$0x13BD8] =	vst v1;
	v1 =	vadd.s32 v0, v3  }
0x6e: {  	s16 =	simm.s32 @!p0 $0x11;
	[tilespmem:$0x13BE0] =	vst v1  }
0x6f: {  	_ =	swait.ge @!p0 [sflag:s16], $0x1400  }
0x70: {  	s23 =	simm.s32 $0x13BC8;
	[sflag:s16] =	ssyncset.done @!p0 $0x0  }
0x71: {  	s1 =	simm.s32 $0x15130;
	s26 =	simm.s32 $0x3;
	[sflag:s16] =	ssyncadd.s32 @!p0 $0xFFFFEC00  }
0x72: {  	[tilespmem:s1], [sflag:$0xC] =	stream.indirect.gather [hbm4b:s0+s22], $0x80, s23, s22, $0xb8;
	[tilespmem:$0x1A130] =	vst v63  }
0x73: {  	_ =	swait.ge [sflag:s26], $0x50  }
0x74: {  	[sflag:s26] =	ssyncset.done $0x0  }
0x75: {  	[sflag:s26] =	ssyncadd.s32 $0xFFFFFFB0  }
0x76: {  	v1 =	vld [tilespmem:$0x13920]  }
0x77: {  	v2 =	vld [tilespmem:$0x13930]  }
0x78: {  	v3 =	vld [tilespmem:$0x13938];
	_ =	sdelay $0x2  }
0x79: {  	v1 =	vadd.s32 v0, v1  }
0x7a: {  	[tilespmem:$0x13BF0] =	vst v1;
	v1 =	vadd.s32 v0, v2  }
0x7b: {  	[tilespmem:$0x13C00] =	vst v1;
	v1 =	vadd.s32 v0, v3  }
0x7c: {  	s16 =	simm.s32 @!p0 $0x12;
	[tilespmem:$0x13C08] =	vst v1  }
0x7d: {  	_ =	swait.ge @!p0 [sflag:s16], $0x1400  }
0x7e: {  	[sflag:s16] =	ssyncset.done @!p0 $0x0  }
0x7f: {  	s30 =	simm.s32 $0x13BF0;
	s10 =	simm.s32 $0x4;
	[sflag:s16] =	ssyncadd.s32 @!p0 $0xFFFFEC00  }
0x80: {  	[tilespmem:s5], [sflag:$0xD] =	stream.indirect.gather [hbm4b:s0+s22], $0x80, s30, s22, $0xb8;
	[tilespmem:$0x1A130] =	vst v63  }
0x81: {  	_ =	swait.ge [sflag:s10], $0x50  }
0x82: {  	[sflag:s10] =	ssyncset.done $0x0  }
0x83: {  	[sflag:s10] =	ssyncadd.s32 $0xFFFFFFB0  }
0x84: {  	v1 =	vld [tilespmem:$0x13970]  }
0x85: {  	v2 =	vld [tilespmem:$0x13980]  }
0x86: {  	v3 =	vld [tilespmem:$0x13988];
	_ =	sdelay $0x2  }
0x87: {  	v1 =	vadd.s32 v0, v1  }
0x88: {  	[tilespmem:$0x13C18] =	vst v1;
	v1 =	vadd.s32 v0, v2  }
0x89: {  	[tilespmem:$0x13C28] =	vst v1;
	v1 =	vadd.s32 v0, v3  }
0x8a: {  	s16 =	simm.s32 @!p0 $0x13;
	[tilespmem:$0x13C30] =	vst v1  }
0x8b: {  	_ =	swait.ge @!p0 [sflag:s16], $0x1400  }
0x8c: {  	[sflag:s16] =	ssyncset.done @!p0 $0x0  }
0x8d: {  	[sflag:s16] =	ssyncadd.s32 @!p0 $0xFFFFEC00;
	s16 =	simm.s32 $0x13C18  }
0x8e: {  	[tilespmem:s7], [sflag:$0xE] =	stream.indirect.gather [hbm4b:s0+s22], $0x80, s16, s22, $0xb8;
	[tilespmem:$0x1A130] =	vst v63  }
0x8f: {  	_ =	swait.ge [sflag:s11], $0x50  }
0x90: {  	[sflag:s11] =	ssyncset.done $0x0  }
0x91: {  	[sflag:s11] =	ssyncadd.s32 $0xFFFFFFB0  }
0x92: {  	v1 =	vld [tilespmem:$0x139C0]  }
0x93: {  	v2 =	vld [tilespmem:$0x139D0]  }
0x94: {  	v3 =	vld [tilespmem:$0x139D8];
	_ =	sdelay $0x2  }
0x95: {  	v1 =	vadd.s32 v0, v1  }
0x96: {  	[tilespmem:$0x13C40] =	vst v1;
	v1 =	vadd.s32 v0, v2  }
0x97: {  	[tilespmem:$0x13C50] =	vst v1;
	v1 =	vadd.s32 v0, v3  }
0x98: {  	s16 =	simm.s32 @!p0 $0x14;
	[tilespmem:$0x13C58] =	vst v1  }
0x99: {  	_ =	swait.ge @!p0 [sflag:s16], $0x1400  }
0x9a: {  	[sflag:s16] =	ssyncset.done @!p0 $0x0  }
0x9b: {  	s23 =	simm.s32 $0x13C40;
	[sflag:s16] =	ssyncadd.s32 @!p0 $0xFFFFEC00  }
0x9c: {  	[tilespmem:s12], [sflag:$0xF] =	stream.indirect.gather [hbm4b:s0+s22], $0x80, s23, s22, $0xb8;
	[tilespmem:$0x1A130] =	vst v63  }
0x9d: {  	_ =	swait.ge [sflag:s13], $0x1400  }
0x9e: {  	[sflag:s13] =	ssyncset.done $0x0  }
0x9f: {  	s26 =	simm.s32 $0x138A8;
	s16 =	simm.s32 @p0 $0xC;
	[sflag:s13] =	ssyncadd.s32 $0xFFFFEC00  }
0xa0: {  	[spmem:s3] =	stream.indirect.scatter.add.f32 [tilespmem:s29], [sflag:$0x10], $0x80, s26, s22, $0xb8;
	[tilespmem:$0x1A130] =	vst v63  }
0xa1: {  	_ =	swait.ge @p0 [sflag:s16], $0x1400  }
0xa2: {  	s23 =	simm.s32 @p0 $0x15130;
	[sflag:s16] =	ssyncset.done @p0 $0x0  }
0xa3: {  	s26 =	simm.s32 @p0 $0x138F8;
	[sflag:s16] =	ssyncadd.s32 @p0 $0xFFFFEC00;
	s16 =	simm.s32 @p0 $0x28  }
0xa4: {  	[spmem:s3] =	stream.indirect.scatter.add.f32 @p0 [tilespmem:s23], [sflag:$0x11], $0x80, s26, s16, $0xb8;
	[tilespmem:$0x1A130] =	vst v63  }
0xa5: {  	s2 =	simm.s32 @!p0 $0x28;
	s23 =	sadd.s32 @!p0 s8, s20  }
0xa6: {  	s30 =	simm.s32 @!p0 $0x13A10;
	s10 =	simm.s32 @!p0 $0x27100;
	s26 =	sadd.s32 @!p0 $0x19, s23  }
0xa7: {  	[tilespmem:s30], [sflag:$0x6] =	stream.strided.gather @!p0 [hbm4b:s26+s2], $0x50, s10, s2, $0x38;
	[tilespmem:$0x1A130] =	vst v63  }
0xa8: {  	s26 =	simm.s32 @!p0 $0xC  }
0xa9: {  	_ =	swait.ge @!p0 [sflag:s26], $0x1400  }
0xaa: {  	[sflag:s26] =	ssyncset.done @!p0 $0x0  }
0xab: {  	s30 =	simm.s32 @!p0 $0x15130;
	[sflag:s26] =	ssyncadd.s32 @!p0 $0xFFFFEC00;
	s26 =	simm.s32 @!p0 $0x138F8  }
0xac: {  	[spmem:s3] =	stream.indirect.scatter.add.f32 @!p0 [tilespmem:s30], [sflag:$0x11], $0x80, s26, s2, $0xb8;
	[tilespmem:$0x1A130] =	vst v63  }
0xad: {  	s26 =	sadd.s32 @!p0 $0x1E, s23;
	s30 =	simm.s32 @!p0 $0x13A60  }
0xae: {  	[tilespmem:s30], [sflag:$0x7] =	stream.strided.gather @!p0 [hbm4b:s26+s2], $0x50, s10, s2, $0x38;
	[tilespmem:$0x1A130] =	vst v63  }
0xaf: {  	_ =	swait.ge [sflag:s15], $0x1400  }
0xb0: {  	[sflag:s15] =	ssyncset.done $0x0  }
0xb1: {  	s30 =	simm.s32 $0x13948;
	s26 =	simm.s32 @p0 $0xE;
	[sflag:s15] =	ssyncadd.s32 $0xFFFFEC00  }
0xb2: {  	[spmem:s3] =	stream.indirect.scatter.add.f32 [tilespmem:s5], [sflag:$0x12], $0x80, s30, s22, $0xb8;
	[tilespmem:$0x1A130] =	vst v63  }
0xb3: {  	_ =	swait.ge @p0 [sflag:s26], $0x1400  }
0xb4: {  	[sflag:s26] =	ssyncset.done @p0 $0x0  }
0xb5: {  	s30 =	simm.s32 @p0 $0x17930;
	[sflag:s26] =	ssyncadd.s32 @p0 $0xFFFFEC00;
	s26 =	simm.s32 @p0 $0x13998  }
0xb6: {  	[spmem:s3] =	stream.indirect.scatter.add.f32 @p0 [tilespmem:s30], [sflag:$0x13], $0x80, s26, s16, $0xb8;
	[tilespmem:$0x1A130] =	vst v63  }
0xb7: {  	s16 =	sadd.s32 @!p0 $0x23, s23;
	s26 =	simm.s32 @!p0 $0x13AB0  }
0xb8: {  	[tilespmem:s26], [sflag:$0x8] =	stream.strided.gather @!p0 [hbm4b:s16+s2], $0x50, s10, s2, $0x38;
	[tilespmem:$0x1A130] =	vst v63  }
0xb9: {  	s16 =	simm.s32 @!p0 $0xE  }
0xba: {  	_ =	swait.ge @!p0 [sflag:s16], $0x1400  }
0xbb: {  	[sflag:s16] =	ssyncset.done @!p0 $0x0  }
0xbc: {  	s26 =	simm.s32 @!p0 $0x17930;
	[sflag:s16] =	ssyncadd.s32 @!p0 $0xFFFFEC00;
	s16 =	simm.s32 @!p0 $0x13998  }
0xbd: {  	[spmem:s3] =	stream.indirect.scatter.add.f32 @!p0 [tilespmem:s26], [sflag:$0x13], $0x80, s16, s2, $0xb8;
	[tilespmem:$0x1A130] =	vst v63  }
0xbe: {  	s16 =	sadd.s32 @!p0 $0x28, s23;
	s26 =	simm.s32 @!p0 $0x13B00  }
0xbf: {  	[tilespmem:s26], [sflag:$0x9] =	stream.strided.gather @!p0 [hbm4b:s16+s2], $0x50, s10, s2, $0x38;
	[tilespmem:$0x1A130] =	vst v63  }
0xc0: {  	_ =	swait.ge [sflag:s17], $0x1400  }
0xc1: {  	[sflag:s17] =	ssyncset.done $0x0  }
0xc2: {  	s30 =	simm.s32 $0x139E8;
	[sflag:s17] =	ssyncadd.s32 $0xFFFFEC00  }
0xc3: {  	[spmem:s3] =	stream.indirect.scatter.add.f32 [tilespmem:s12], [sflag:$0x14], $0x80, s30, s22, $0xb8;
	[tilespmem:$0x1A130] =	vst v63  }
0xc4: {  	s16 =	sadd.s32 @!p0 $0x2D, s23;
	s23 =	simm.s32 @!p0 $0x13B50  }
0xc5: {  	[tilespmem:s23], [sflag:$0xA] =	stream.strided.gather @!p0 [hbm4b:s16+s2], $0x50, s10, s2, $0x38;
	[tilespmem:$0x1A130] =	vst v63  }
0xc6: {  	_ =	swait.ge [sflag:s19], $0x50  }
0xc7: {  	[sflag:s19] =	ssyncset.done $0x0  }
0xc8: {  	[sflag:s19] =	ssyncadd.s32 $0xFFFFFFB0  }
0xc9: {  	v1 =	vld [tilespmem:$0x13A10]  }
0xca: {  	v2 =	vld [tilespmem:$0x13A20]  }
0xcb: {  	v3 =	vld [tilespmem:$0x13A28];
	_ =	sdelay $0x2  }
0xcc: {  	v1 =	vadd.s32 v0, v1  }
0xcd: {  	[tilespmem:$0x13C68] =	vst v1;
	v1 =	vadd.s32 v0, v2  }
0xce: {  	[tilespmem:$0x13C78] =	vst v1;
	v1 =	vadd.s32 v0, v3  }
0xcf: {  	[tilespmem:$0x13C80] =	vst v1  }
0xd0: {  	_ =	swait.ge [sflag:s9], $0x1400  }
0xd1: {  	[sflag:s9] =	ssyncset.done $0x0  }
0xd2: {  	s16 =	simm.s32 $0x13C68;
	[sflag:s9] =	ssyncadd.s32 $0xFFFFEC00  }
0xd3: {  	[tilespmem:s29], [sflag:$0xB] =	stream.indirect.gather [hbm4b:s0+s22], $0x80, s16, s22, $0xb8;
	[tilespmem:$0x1A130] =	vst v63  }
0xd4: {  	_ =	swait.ge [sflag:s4], $0x50  }
0xd5: {  	[sflag:s4] =	ssyncset.done $0x0  }
0xd6: {  	[sflag:s4] =	ssyncadd.s32 $0xFFFFFFB0  }
0xd7: {  	v1 =	vld [tilespmem:$0x13A60]  }
0xd8: {  	v2 =	vld [tilespmem:$0x13A70]  }
0xd9: {  	v3 =	vld [tilespmem:$0x13A78];
	_ =	sdelay $0x2  }
0xda: {  	v1 =	vadd.s32 v0, v1  }
0xdb: {  	[tilespmem:$0x13C90] =	vst v1;
	v1 =	vadd.s32 v0, v2  }
0xdc: {  	[tilespmem:$0x13CA0] =	vst v1;
	v1 =	vadd.s32 v0, v3  }
0xdd: {  	[tilespmem:$0x13CA8] =	vst v1  }
0xde: {  	_ =	swait.ge [sflag:s28], $0x1400  }
0xdf: {  	[sflag:s28] =	ssyncset.done $0x0  }
0xe0: {  	s23 =	simm.s32 $0x13C90;
	[sflag:s28] =	ssyncadd.s32 $0xFFFFEC00  }
0xe1: {  	[tilespmem:s1], [sflag:$0xC] =	stream.indirect.gather [hbm4b:s0+s22], $0x80, s23, s22, $0xb8;
	[tilespmem:$0x1A130] =	vst v63  }
0xe2: {  	_ =	swait.ge [sflag:s31], $0x50  }
0xe3: {  	[sflag:s31] =	ssyncset.done $0x0  }
0xe4: {  	[sflag:s31] =	ssyncadd.s32 $0xFFFFFFB0  }
0xe5: {  	v1 =	vld [tilespmem:$0x13AB0]  }
0xe6: {  	v2 =	vld [tilespmem:$0x13AC0]  }
0xe7: {  	v3 =	vld [tilespmem:$0x13AC8];
	_ =	sdelay $0x2  }
0xe8: {  	v1 =	vadd.s32 v0, v1  }
0xe9: {  	[tilespmem:$0x13CB8] =	vst v1;
	v1 =	vadd.s32 v0, v2  }
0xea: {  	[tilespmem:$0x13CC8] =	vst v1;
	v1 =	vadd.s32 v0, v3  }
0xeb: {  	[tilespmem:$0x13CD0] =	vst v1  }
0xec: {  	_ =	swait.ge [sflag:s25], $0x1400  }
0xed: {  	[sflag:s25] =	ssyncset.done $0x0  }
0xee: {  	s26 =	simm.s32 $0x13CB8;
	[sflag:s25] =	ssyncadd.s32 $0xFFFFEC00  }
0xef: {  	[tilespmem:s5], [sflag:$0xD] =	stream.indirect.gather [hbm4b:s0+s22], $0x80, s26, s22, $0xb8;
	[tilespmem:$0x1A130] =	vst v63  }
0xf0: {  	_ =	swait.ge [sflag:s6], $0x50  }
0xf1: {  	[sflag:s6] =	ssyncset.done $0x0  }
0xf2: {  	[sflag:s6] =	ssyncadd.s32 $0xFFFFFFB0  }
0xf3: {  	v1 =	vld [tilespmem:$0x13B00]  }
0xf4: {  	v2 =	vld [tilespmem:$0x13B10]  }
0xf5: {  	v3 =	vld [tilespmem:$0x13B18];
	_ =	sdelay $0x2  }
0xf6: {  	v1 =	vadd.s32 v0, v1  }
0xf7: {  	[tilespmem:$0x13CE0] =	vst v1;
	v1 =	vadd.s32 v0, v2  }
0xf8: {  	[tilespmem:$0x13CF0] =	vst v1;
	v1 =	vadd.s32 v0, v3  }
0xf9: {  	[tilespmem:$0x13CF8] =	vst v1  }
0xfa: {  	_ =	swait.ge [sflag:s14], $0x1400  }
0xfb: {  	[sflag:s14] =	ssyncset.done $0x0  }
0xfc: {  	s30 =	simm.s32 $0x13CE0;
	[sflag:s14] =	ssyncadd.s32 $0xFFFFEC00  }
0xfd: {  	[tilespmem:s7], [sflag:$0xE] =	stream.indirect.gather [hbm4b:s0+s22], $0x80, s30, s22, $0xb8;
	[tilespmem:$0x1A130] =	vst v63  }
0xfe: {  	_ =	swait.ge [sflag:s18], $0x50  }
0xff: {  	[sflag:s18] =	ssyncset.done $0x0  }
0x100: {  	[sflag:s18] =	ssyncadd.s32 $0xFFFFFFB0  }
0x101: {  	v1 =	vld [tilespmem:$0x13B50]  }
0x102: {  	v2 =	vld [tilespmem:$0x13B60]  }
0x103: {  	v3 =	vld [tilespmem:$0x13B68];
	_ =	sdelay $0x2  }
0x104: {  	v1 =	vadd.s32 v0, v1  }
0x105: {  	[tilespmem:$0x13D08] =	vst v1;
	v1 =	vadd.s32 v0, v2  }
0x106: {  	[tilespmem:$0x13D18] =	vst v1;
	v1 =	vadd.s32 v0, v3  }
0x107: {  	[tilespmem:$0x13D20] =	vst v1  }
0x108: {  	_ =	swait.ge [sflag:s21], $0x1400  }
0x109: {  	[sflag:s21] =	ssyncset.done $0x0  }
0x10a: {  	s2 =	simm.s32 $0x13D08;
	[sflag:s21] =	ssyncadd.s32 $0xFFFFEC00  }
0x10b: {  	[tilespmem:s12], [sflag:$0xF] =	stream.indirect.gather [hbm4b:s0+s22], $0x80, s2, s22, $0xb8;
	[tilespmem:$0x1A130] =	vst v63  }
0x10c: {  	_ =	swait.ge [sflag:s13], $0x1400  }
0x10d: {  	p0 =	seq.s32 s8, $0x4B0;
	[sflag:s13] =	ssyncset.done $0x0  }
0x10e: {  	s10 =	simm.s32 $0x13A38;
	s2 =	simm.s32 @p0 $0xC;
	[sflag:s13] =	ssyncadd.s32 $0xFFFFEC00  }
0x10f: {  	[spmem:s3] =	stream.indirect.scatter.add.f32 [tilespmem:s29], [sflag:$0x10], $0x80, s10, s22, $0xb8;
	[tilespmem:$0x1A130] =	vst v63  }
0x110: {  	_ =	swait.ge @p0 [sflag:s2], $0x1400  }
0x111: {  	s16 =	simm.s32 @p0 $0x15130;
	[sflag:s2] =	ssyncset.done @p0 $0x0  }
0x112: {  	s10 =	simm.s32 @p0 $0x13A88;
	[sflag:s2] =	ssyncadd.s32 @p0 $0xFFFFEC00;
	s2 =	simm.s32 @p0 $0x28  }
0x113: {  	[spmem:s3] =	stream.indirect.scatter.add.f32 @p0 [tilespmem:s16], [sflag:$0x11], $0x80, s10, s2, $0xb8;
	[tilespmem:$0x1A130] =	vst v63  }
0x114: {  	s23 =	simm.s32 @!p0 $0x28;
	s10 =	sadd.s32 @!p0 s8, s20  }
0x115: {  	s26 =	simm.s32 @!p0 $0x27100;
	s30 =	simm.s32 @!p0 $0x13880;
	s16 =	sadd.s32 @!p0 $0x32, s10  }
0x116: {  	[tilespmem:s30], [sflag:$0x1] =	stream.strided.gather @!p0 [hbm4b:s16+s23], $0x50, s26, s23, $0x38;
	[tilespmem:$0x1A130] =	vst v63  }
0x117: {  	s16 =	simm.s32 @!p0 $0xC  }
0x118: {  	_ =	swait.ge @!p0 [sflag:s16], $0x1400  }
0x119: {  	[sflag:s16] =	ssyncset.done @!p0 $0x0  }
0x11a: {  	s30 =	simm.s32 @!p0 $0x15130;
	[sflag:s16] =	ssyncadd.s32 @!p0 $0xFFFFEC00;
	s16 =	simm.s32 @!p0 $0x13A88  }
0x11b: {  	[spmem:s3] =	stream.indirect.scatter.add.f32 @!p0 [tilespmem:s30], [sflag:$0x11], $0x80, s16, s23, $0xb8;
	[tilespmem:$0x1A130] =	vst v63  }
0x11c: {  	s16 =	sadd.s32 @!p0 $0x37, s10;
	s30 =	simm.s32 @!p0 $0x138D0  }
0x11d: {  	[tilespmem:s30], [sflag:$0x2] =	stream.strided.gather @!p0 [hbm4b:s16+s23], $0x50, s26, s23, $0x38;
	[tilespmem:$0x1A130] =	vst v63  }
0x11e: {  	_ =	swait.ge [sflag:s15], $0x1400  }
0x11f: {  	[sflag:s15] =	ssyncset.done $0x0  }
0x120: {  	s16 =	simm.s32 $0x13AD8;
	[sflag:s15] =	ssyncadd.s32 $0xFFFFEC00  }
0x121: {  	[spmem:s3] =	stream.indirect.scatter.add.f32 [tilespmem:s5], [sflag:$0x12], $0x80, s16, s22, $0xb8;
	[tilespmem:$0x1A130] =	vst v63  }
0x122: {  	s16 =	simm.s32 @p0 $0xE  }
0x123: {  	_ =	swait.ge @p0 [sflag:s16], $0x1400  }
0x124: {  	[sflag:s16] =	ssyncset.done @p0 $0x0  }
0x125: {  	s30 =	simm.s32 @p0 $0x17930;
	[sflag:s16] =	ssyncadd.s32 @p0 $0xFFFFEC00;
	s16 =	simm.s32 @p0 $0x13B28  }
0x126: {  	[spmem:s3] =	stream.indirect.scatter.add.f32 @p0 [tilespmem:s30], [sflag:$0x13], $0x80, s16, s2, $0xb8;
	[tilespmem:$0x1A130] =	vst v63  }
0x127: {  	s2 =	sadd.s32 @!p0 $0x3C, s10;
	s16 =	simm.s32 @!p0 $0x13920  }
0x128: {  	[tilespmem:s16], [sflag:$0x3] =	stream.strided.gather @!p0 [hbm4b:s2+s23], $0x50, s26, s23, $0x38;
	[tilespmem:$0x1A130] =	vst v63  }
0x129: {  	s2 =	simm.s32 @!p0 $0xE  }
0x12a: {  	_ =	swait.ge @!p0 [sflag:s2], $0x1400  }
0x12b: {  	[sflag:s2] =	ssyncset.done @!p0 $0x0  }
0x12c: {  	s16 =	simm.s32 @!p0 $0x17930;
	[sflag:s2] =	ssyncadd.s32 @!p0 $0xFFFFEC00;
	s2 =	simm.s32 @!p0 $0x13B28  }
0x12d: {  	[spmem:s3] =	stream.indirect.scatter.add.f32 @!p0 [tilespmem:s16], [sflag:$0x13], $0x80, s2, s23, $0xb8;
	[tilespmem:$0x1A130] =	vst v63  }
0x12e: {  	s2 =	sadd.s32 @!p0 $0x41, s10;
	s10 =	simm.s32 @!p0 $0x13970  }
0x12f: {  	[tilespmem:s10], [sflag:$0x4] =	stream.strided.gather @!p0 [hbm4b:s2+s23], $0x50, s26, s23, $0x38;
	[tilespmem:$0x1A130] =	vst v63  }
.Ltmp2:
0x130: {  	_ = 	snop;
	(pc) =	sbr.rel @p0 .LBB2_4-.Ltmp2, $4  }
0x131: {  	_ =	swait.ge [sflag:s17], $0x1400  }
0x132: {  	[sflag:s17] =	ssyncset.done $0x0  }
0x133: {  	s30 =	simm.s32 $0x13B78;
	[sflag:s17] =	ssyncadd.s32 $0xFFFFEC00  }
0x134: {  	[spmem:s3] =	stream.indirect.scatter.add.f32 [tilespmem:s12], [sflag:$0x14], $0x80, s30, s22, $0xb8;
	[tilespmem:$0x1A130] =	vst v63  }
.Ltmp3:
0x135: {  	(pc) =	sbr.rel .LBB2_2-.Ltmp3, $4  }
0x136: {  	_ = 	snop  }
0x137: {  	s2 =	sadd.s32 s8, s20;
	s10 =	simm.s32 $0x27100  }
0x138: {  	s16 =	simm.s32 $0x139C0;
	s8 =	sadd.s32 $0x32, s8;
	s2 =	sadd.s32 $0x46, s2  }
0x139: {  	[tilespmem:s16], [sflag:$0x5] =	stream.strided.gather [hbm4b:s2+s22], $0x50, s10, s22, $0x38;
	[tilespmem:$0x1A130] =	vst v63  }
.LBB2_5:
0x13a: {  	_ =	sfence.sel $0x180000  }
0x13b: {  	[bflag:$0x0] =	sbarrier.arrive $0xFFFF  }
0x13c: {  	_ =	strace $0x9000004A  }
0x13d: {  	s0 =	stileid.u32;
	[bflag:$0x2] =	sbarrier.arrive $0xFFFF  }
0x13e: {  	p0 =	sne.s32 s0, $0x0;
	s0 =	rddreg [dreg:$0x4]  }
0x13f: {  	s0 =	sadd.s32 @!p0 $0x100000, s0  }
0x140: {  	[sflag:s0] =	ssyncadd.tile.s32 @!p0 $0x1;
	_ =	shalt  }
.Lfunc_end2:
_tile_overlayer_lowered:
.L_overlay_start_2:
0x141: {  	(tag) =	ssettag $0x2  }
0x142: {  	s0 =	rddreg [dreg:$0x0];
	s2 =	stileid.u32  }
0x143: {  	s1 =	rddreg [dreg:$0x1];
	p0 =	sne.s32 s2, $0x0  }
0x144: {  	s3 =	rddreg [dreg:$0x2];
	[bflag:$0x3] =	sbarrier.arrive $0xFFFF;
	s2 =	simm.s32 @!p0 $0x1C15  }
0x145: {  	[timem:s3], [sflag:s2] =	dma.local @!p0 [hbm:s0], s1  }
0x146: {  	s0 =	simm.s32 @!p0 $0x15  }
0x147: {  	_ =	swait.ge @!p0 [sflag:s0], s1  }
0x148: {  	s1 =	ssub.s32 @!p0 $0x0, s1;
	[sflag:s0] =	ssyncset.done @!p0 $0x0  }
0x149: {  	[sflag:s0] =	ssyncadd.s32 @!p0 s1  }
0x14a: {  	[bflag:$0x3] =	sbarrier.arrive $0xFFFF  }
0x14b: {  	_ =	shalt  }

// kernel: kernel.16.cloned.1.call-start
scs
__scs_entry_jumppad:
0x0: {  	(pc) =	sbr.rel $0x88, $3  }
0x1: {  	(tag) =	ssettag $0x0;
	lr =	simm.s32 $0x1  }
0x2: {  	[smem:$0x3F97] =	sst lr;
	_ =	strace $0xD0000000  }
0x3: {  	_ = 	snop  }
0x4: {  	_ = 	snop  }
0x5: {  	_ = 	snop  }
0x6: {  	_ = 	snop  }
0x7: {  	_ = 	snop  }
__scs_overlays_trampoline_lowered:
0x8: {  	[smem:$0x3FA6] =	sst s0  }
0x9: {  	[smem:$0x3FA7] =	sst s1  }
0xa: {  	[smem:$0x3FA8] =	sst s2  }
0xb: {  	[smem:$0x3FA9] =	sst s3  }
0xc: {  	[smem:$0x3FAA] =	sst s4  }
0xd: {  	[smem:$0x3FAB] =	sst s5  }
0xe: {  	[smem:$0x3FAC] =	sst s6  }
0xf: {  	[smem:$0x3FAD] =	sst s7  }
0x10: {  	[smem:$0x3FAE] =	sst s8  }
0x11: {  	[smem:$0x3FAF] =	sst s9;
	s0 =	simm.s32 @!p0 $0x0  }
0x12: {  	s1 =	sld [smem:$0x3F95];
	s0 =	simm.s32 @p0 $0x1  }
0x13: {  	[smem:$0x3FB0] =	sst s0;
	s0 =	simm.s32 @!p1 $0x0  }
0x14: {  	s2 =	sld [smem:$0x3F94];
	s0 =	simm.s32 @p1 $0x1  }
0x15: {  	[smem:$0x3FB1] =	sst s0;
	s0 =	simm.s32 @!p2 $0x0  }
0x16: {  	s3 =	sld [smem:$0x3FDB];
	s0 =	simm.s32 @p2 $0x1  }
0x17: {  	s4 =	simm.s32 $0x1BF5;
	[smem:$0x3FB3] =	sst s0  }
0x18: {  	s0 =	sld [smem:$0x3F96];
	_ =	swait.ge [sflag:s4], $0x0  }
0x19: {  	s7 =	sld [smem:$0x3F97]  }
0x1a: {  	s8 =	sadd.s32 $0xFFFFE003, lr  }
0x1b: {  	s9 =	sadd.s32 $0xFFFFFEF7, lr;
	s5 =	simm.s32 $0xFFFFFFFF;
	p2 =	slt.u32 s8, $0xFFFFF086  }
0x1c: {  	p1 =	slt.u32 s9, $0xF7A;
	s5 =	simm.s32 @!p2 $0x0  }
0x1d: {  	s5 =	simm.s32 @p1 $0x1;
	p0 =	seq.s32 s7, s2  }
0x1e: {  	s7 =	smul.u32 @!p0 $0xF7A, s2;
	p2 =	seq.s32 @!p0 s5, $0x0  }
0x1f: {  	s9 =	smul.u32 $0xF7A, s1;
	s8 =	simm.s32 @!p0 $0x1BF5;
	p2 =	por !p2, p0  }
0x20: {  	[sflag:s8] =	ssyncset.s32 @!p0 $0xFFFFF086;
	s6 =	sadd.s32 @!p0 s3, s7;
	s7 =	simm.s32 @!p0 $0x108  }
0x21: {  	s3 =	sadd.s32 s3, s9;
	s6 =	sadd.s32 @!p0 $0x88, s6;
	s7 =	simm.s32 @p2 $0x1082  }
0x22: {  	[simem:s7], [sflag:s8] =	dma.local @!p0 [hbm:s6], $0xF7A  }
0x23: {  	s9 =	sor.u32 $0xD0000000, s2;
	s6 =	simm.s32 $0x108;
	_ =	swait.ge @!p0 [sflag:s8], $0x0  }
0x24: {  	s3 =	sadd.s32 $0x88, s3;
	s6 =	simm.s32 @!p1 $0x1082;
	[sflag:s4] =	ssyncset.s32 $0xFFFFF086  }
0x25: {  	[simem:s6], [sflag:s4] =	dma.local [hbm:s3], $0xF7A  }
0x26: {  	[smem:$0x3F97] =	sst s1;
	(tag) =	ssettag s2;
	_ =	strace s9  }
0x27: {  	s1 =	sld [smem:$0x3FA7]  }
0x28: {  	s2 =	sld [smem:$0x3FA8]  }
0x29: {  	s4 =	sld [smem:$0x3FAA]  }
0x2a: {  	p0 =	seq.s32 s5, $0x0;
	s5 =	sld [smem:$0x3FAB]  }
0x2b: {  	s6 =	sld [smem:$0x3FAC]  }
0x2c: {  	s7 =	sld [smem:$0x3FAD]  }
0x2d: {  	s3 =	simm.s32 $0x108;
	s8 =	sld [smem:$0x3FAE]  }
0x2e: {  	s3 =	simm.s32 @!p0 $0x1082;
	s9 =	sld [smem:$0x3FAF]  }
0x2f: {  	lr =	sadd.s32 s0, s3;
	s0 =	sld [smem:$0x3FA6]  }
0x30: {  	s3 =	sld [smem:$0x3FA9]  }
0x31: {  	[smem:$0x3FB2] =	sst s10  }
0x32: {  	s10 =	sld [smem:$0x3FB0];
	_ =	sdelay $0x3  }
0x33: {  	p0 =	seq.s32 s10, $0x1;
	s10 =	sld [smem:$0x3FB2];
	_ =	sdelay $0x3  }
0x34: {  	[smem:$0x3FB2] =	sst s10  }
0x35: {  	s10 =	sld [smem:$0x3FB1];
	_ =	sdelay $0x3  }
0x36: {  	p1 =	seq.s32 s10, $0x1;
	s10 =	sld [smem:$0x3FB2];
	_ =	sdelay $0x3  }
0x37: {  	[smem:$0x3FB2] =	sst s10  }
0x38: {  	s10 =	sld [smem:$0x3FB3]  }
0x39: {  	_ = 	snop;
	(pc) =	sbr.ind lr, $3  }
0x3a: {  	_ = 	snop  }
0x3b: {  	_ = 	snop  }
0x3c: {  	p2 =	seq.s32 s10, $0x1;
	s10 =	sld [smem:$0x3FB2]  }
0x3d: {  	_ =	shalt  }
0x3e: {  	_ =	shalt  }
0x3f: {  	_ =	shalt  }
0x40: {  	_ =	shalt  }
0x41: {  	_ =	shalt  }
0x42: {  	_ =	shalt  }
0x43: {  	_ =	shalt  }
0x44: {  	_ =	shalt  }
0x45: {  	_ =	shalt  }
0x46: {  	_ =	shalt  }
0x47: {  	_ =	shalt  }
0x48: {  	_ =	shalt  }
0x49: {  	_ =	shalt  }
0x4a: {  	_ =	shalt  }
0x4b: {  	_ =	shalt  }
0x4c: {  	_ =	shalt  }
0x4d: {  	_ =	shalt  }
0x4e: {  	_ =	shalt  }
0x4f: {  	_ =	shalt  }
0x50: {  	_ =	shalt  }
0x51: {  	_ =	shalt  }
0x52: {  	_ =	shalt  }
0x53: {  	_ =	shalt  }
0x54: {  	_ =	shalt  }
0x55: {  	_ =	shalt  }
0x56: {  	_ =	shalt  }
0x57: {  	_ =	shalt  }
0x58: {  	_ =	shalt  }
0x59: {  	_ =	shalt  }
0x5a: {  	_ =	shalt  }
0x5b: {  	_ =	shalt  }
0x5c: {  	_ =	shalt  }
0x5d: {  	_ =	shalt  }
0x5e: {  	_ =	shalt  }
0x5f: {  	_ =	shalt  }
0x60: {  	_ =	shalt  }
0x61: {  	_ =	shalt  }
0x62: {  	_ =	shalt  }
0x63: {  	_ =	shalt  }
0x64: {  	_ =	shalt  }
0x65: {  	_ =	shalt  }
0x66: {  	_ =	shalt  }
0x67: {  	_ =	shalt  }
0x68: {  	_ =	shalt  }
0x69: {  	_ =	shalt  }
0x6a: {  	_ =	shalt  }
0x6b: {  	_ =	shalt  }
0x6c: {  	_ =	shalt  }
0x6d: {  	_ =	shalt  }
0x6e: {  	_ =	shalt  }
0x6f: {  	_ =	shalt  }
0x70: {  	_ =	shalt  }
0x71: {  	_ =	shalt  }
0x72: {  	_ =	shalt  }
0x73: {  	_ =	shalt  }
0x74: {  	_ =	shalt  }
0x75: {  	_ =	shalt  }
0x76: {  	_ =	shalt  }
0x77: {  	_ =	shalt  }
0x78: {  	_ =	shalt  }
0x79: {  	_ =	shalt  }
0x7a: {  	_ =	shalt  }
0x7b: {  	_ =	shalt  }
0x7c: {  	_ =	shalt  }
0x7d: {  	_ =	shalt  }
0x7e: {  	_ =	shalt  }
0x7f: {  	_ =	shalt  }
0x80: {  	_ =	shalt  }
0x81: {  	_ =	shalt  }
0x82: {  	_ =	shalt  }
0x83: {  	_ =	shalt  }
0x84: {  	_ =	shalt  }
0x85: {  	_ =	shalt  }
0x86: {  	_ =	shalt  }
0x87: {  	_ =	shalt  }
.Lfunc_end0:
.L_simem_size_0:
called_computation.2_lowered:
.L_overlay_start_0:
0x88: {  	s2 =	sld [smem:$0x3FD9]  }
0x89: {  	s3 =	sld [smem:$0x3FFE];
	_ =	sdelay $0x1  }
0x8a: {  	s1 =	srdreg.scid  }
0x8b: {  	s0 =	sand.u32 $0x1, s1  }
0x8c: {  	s14 =	sshll.u32 s0, $0xA;
	s2 =	sadd.s32 s3, s2  }
0x8d: {  	s2 =	sadd.s32 s2, s14  }
0x8e: {  	[smem:$0x3FBE] =	sst s2  }
0x8f: {  	_ = 	snop  }
0x90: {  	s2 =	sld [smem:$0x3FD0];
	_ =	sdelay $0x2  }
0x91: {  	s15 =	simm.s32 $0xA;
	s4 =	simm.s32 $0x10  }
0x92: {  	[smem:s4], [sflag:s15] =	dma.local [hbm:s2], $0x1  }
0x93: {  	_ =	swait.eq [sflag:s15], $0x1  }
0x94: {  	[sflag:s15] =	ssyncset.done $0x0  }
0x95: {  	s16 =	sld [smem:$0x10];
	[sflag:s15] =	ssyncadd.s32 $0xFFFFFFFF  }
0x96: {  	s17 =	sld [smem:$0x11];
	(tm) =	ssettm $0x1  }
0x97: {  	s18 =	sld [smem:$0x3FFB];
	_ =	sdelay $0x3  }
0x98: {  	_ =	strace s18  }
0x99: {  	s4 =	sld [smem:$0x3FFC];
	_ =	sdelay $0x3  }
0x9a: {  	_ =	strace s4  }
0x9b: {  	s4 =	sld [smem:$0x3FFD];
	_ =	sdelay $0x3  }
0x9c: {  	_ =	strace s4  }
0x9d: {  	_ =	strace $0x8FFFFFFF  }
0x9e: {  	s19 =	sld [smem:$0x3FDB];
	_ =	sdelay $0x1  }
0x9f: {  	s5 =	simm.s32 $_scs_section_size  }
0xa0: {  	s6 =	simm.s32 $_size__tile_overlayer_lowered;
	s7 =	simm.s32 $_tile_overlayer_lowered  }
0xa1: {  	s22 =	simm.s32 $0x1BFF;
	s21 =	sshll.u32 s7, $0x1;
	s4 =	sadd.s32 s5, s19  }
0xa2: {  	s8 =	simm.s32 $0x0;
	s20 =	sshll.u32 s6, $0x1;
	s6 =	sadd.s32 s21, s4  }
0xa3: {  	[timem:s8], [sflag:s22] =	dma.local [hbm:s6], s20  }
0xa4: {  	_ =	swait.ge [sflag:s22], s20  }
0xa5: {  	s5 =	ssub.s32 $0x0, s20;
	[sflag:s22] =	ssyncset.done $0x0  }
0xa6: {  	[sflag:s22] =	ssyncadd.s32 s5;
	_ =	sdelay $0x1  }
0xa7: {  	s23 =	simm.s32 $0x1B8B  }
0xa8: {  	_ =	swait.ge [sflag:s23], $0x1  }
0xa9: {  	[sflag:s23] =	ssyncset.done $0x0  }
0xaa: {  	s25 =	simm.s32 $0x1B8E;
	s24 =	sld [smem:$0x3FFE];
	[sflag:s23] =	ssyncadd.s32 $0xFFFFFFFF  }
0xab: {  	s26 =	simm.s32 $execute0_lowered;
	[smem:$0x3FD2] =	sst s25  }
0xac: {  	s6 =	sshll.u32 s26, $0x1;
	_ =	strace $0x8000004C;
	[dreg:$0x1] =	wrdreg $0xFFFFFFFF  }
0xad: {  	s28 =	simm.s32 $_size_execute0_lowered;
	s4 =	sadd.s32 s4, s6;
	[dreg:$0x0] =	wrdreg $0x0  }
0xae: {  	s6 =	sshll.u32 s28, $0x1;
	[dreg:$0x2] =	wrdreg s4  }
0xaf: {  	[dreg:$0x3] =	wrdreg s6  }
0xb0: {  	[dreg:$0x4] =	wrdreg $0xC0  }
0xb1: {  	_ =	task [dreg:s8], $0x5FFFF  }
0xb2: {  	[dreg:$0x1] =	wrdreg $0xFFFFFFFF  }
0xb3: {  	[dreg:$0x0] =	wrdreg $0x60  }
0xb4: {  	[dreg:$0x2] =	wrdreg s17  }
0xb5: {  	[dreg:$0x3] =	wrdreg s16  }
0xb6: {  	[dreg:$0x4] =	wrdreg s24  }
0xb7: {  	[dreg:$0x5] =	wrdreg $0x0  }
0xb8: {  	[dreg:$0x6] =	wrdreg $0x9  }
0xb9: {  	_ =	task.clear_ibuf [dreg:s8], $0x7FFFF;
	_ =	strace $0x9000004C  }
0xba: {  	s29 =	simm.s32 $0x9;
	_ =	strace $0x8000004E  }
0xbb: {  	_ =	swait.ge [sflag:s29], $0x1  }
0xbc: {  	[sflag:s29] =	ssyncadd.s32 $0xFFFFFFFF  }
0xbd: {  	_ =	strace $0x9000004E  }
0xbe: {  	_ =	sfence  }
0xbf: {  	s30 =	sld [smem:$0x0];
	_ =	sdelay $0x2  }
0xc0: {  	s31 =	sshll.u32 s1, $0xD;
	s1 =	sshrl.u32 s1, $0x2  }
0xc1: {  	s3 =	sand.u32 $0x4000, s31;
	s1 =	sadd.s32 s1, s30  }
0xc2: {  	s0 =	sor.u32 s3, s0;
	s1 =	sshll.u32 s1, $0x11  }
0xc3: {  	s0 =	sor.u32 s1, s0  }
0xc4: {  	s0 =	sadd.s32 $0x8F2B, s0  }
0xc5: {  	[sflag:s0] =	ssyncadd.remote.s32 $0x1  }
0xc6: {  	_ =	sfence.sel $0xFFFF  }
0xc7: {  	[dreg:$0x0] =	wrdreg $0xFFFFFFFF;
	(pc) =	sbr.abs _section_cstart, $3  }
0xc8: {  	[dreg:$0x1] =	wrdreg $0xFFFFFFFF  }
0xc9: {  	_ =	task.clear_ibuf [dreg:s8], $0x2FFFF;
	_ =	strace $0x9FFFFFFF  }
0xca: {  	(tm) =	ssettm $0x7FFFFFFF  }
0xcb: {  	_ =	shalt  }
tec
execute0_lowered:
.L_overlay_start_1:
0x0: {  	(tag) =	ssettag $0x1  }
0x1: {  	s0 =	rddreg [dreg:$0x0]  }
0x2: {  	s1 =	rddreg [dreg:$0x1]  }
0x3: {  	s2 =	srdreg.scid;
	s4 =	rddreg [dreg:$0x2]  }
0x4: {  	s10 =	stileid.u32;
	s3 =	rddreg [dreg:$0x3];
	s16 =	simm.s32 $0x0  }
0x5: {  	s29 =	simm.s32 $0x13D30;
	s13 =	simm.s32 $0xB;
	s5 =	smul.u32 $0x271, s10  }
0x6: {  	s28 =	simm.s32 $0x11;
	s31 =	simm.s32 $0x8;
	s6 =	smul.u32 $0x4E200, s10  }
0x7: {  	s14 =	simm.s32 $0x13;
	s2 =	sand.u32 $0x1, s2;
	s9 =	smul.u32 $0x2710, s10  }
0x8: {  	[smem:$0x7FF] =	sst s16;
	s15 =	sshll.u32 s10, $0x6;
	s30 =	smul.u32 $0x4E2, s10  }
0x9: {  	s8 =	smul.u32 $0x2710, s2;
	_ =	strace $0x8000004D;
	s2 =	ssub.s32 $0x2, s2  }
0xa: {  	[dreg:$0x7] =	wrdreg s15;
	s7 =	sshrl.u32 s2, $0x1;
	s6 =	sshrl.u32 s6, $0x2  }
0xb: {  	s17 =	sadd.s32 $0x28, s9;
	s18 =	sshrl.u32 s9, $0x3;
	s19 =	sadd.s32 $0x78, s9  }
0xc: {  	s20 =	sadd.s32 $0xC8, s9;
	s22 =	sadd.s32 $0x118, s9;
	s25 =	sadd.s32 $0x168, s9  }
0xd: {  	s9 =	simm.s32 $0x10;
	s5 =	sadd.s32 s5, s8;
	s2 =	ssub.s32 s2, s7  }
0xe: {  	s6 =	sadd.s32 s6, s3;
	s7 =	sor.u32 $0x1C01, s15;
	s11 =	sadd.s32 s1, s18  }
0xf: {  	s21 =	sshrl.u32 s20, $0x3;
	s23 =	sshrl.u32 s22, $0x3;
	s20 =	sadd.s32 s30, s1  }
0x10: {  	s22 =	simm.s32 $0x28;
	s15 =	simm.s32 $0xD;
	[dreg:$0x8] =	wrdreg s7  }
0x11: {  	s18 =	simm.s32 $0xA;
	s7 =	sadd.s32 $0xA, s11;
	[dreg:$0xa] =	wrdreg s11  }
0x12: {  	s5 =	sshll.u32 s5, $0x4;
	s12 =	sadd.s32 $0x14, s11;
	[dreg:$0xb] =	wrdreg s7  }
0x13: {  	s24 =	sadd.s32 $0x1E, s11;
	s26 =	sadd.s32 $0x28, s11;
	[dreg:$0xd] =	wrdreg s12  }
0x14: {  	s2 =	smax.u32 s2, $0x1;
	s10 =	sshrl.u32 s6, $0x3;
	[dreg:$0xf] =	wrdreg s24  }
0x15: {  	s11 =	simm.s32 $0x5;
	s6 =	simm.s32 $0x9;
	[dreg:$0x11] =	wrdreg s26  }
0x16: {  	s4 =	sadd.s32 s5, s4;
	s5 =	sadd.s32 s0, s5;
	[dreg:$0x14] =	wrdreg s2  }
0x17: {  	s24 =	simm.s32 $0x1;
	[dreg:$0x6] =	wrdreg s5;
	s5 =	sshrl.u32 s17, $0x3  }
0x18: {  	s12 =	simm.s32 $0x18D30;
	[dreg:$0x15] =	wrdreg s10;
	s5 =	sadd.s32 s1, s5  }
0x19: {  	s4 =	sadd.s32 $0x51800, s4;
	[dreg:$0x9] =	wrdreg s5;
	s5 =	sshrl.u32 s19, $0x3  }
0x1a: {  	s7 =	simm.s32 $0x17930;
	[dreg:$0x13] =	wrdreg s4;
	s5 =	sadd.s32 s1, s5  }
.Ltmp0:
0x1b: {  	[dreg:$0xc] =	wrdreg s5;
	s5 =	sadd.s32 s1, s21;
	(pc) =	sbr.rel .LBB2_1-.Ltmp0, $4  }
0x1c: {  	s17 =	simm.s32 $0xF;
	[dreg:$0xe] =	wrdreg s5;
	s5 =	sadd.s32 s1, s23  }
0x1d: {  	s4 =	simm.s32 $0x7;
	[dreg:$0x10] =	wrdreg s5;
	s5 =	sshrl.u32 s25, $0x3  }
0x1e: {  	s19 =	simm.s32 $0x6;
	s21 =	simm.s32 $0x14;
	s5 =	sadd.s32 s1, s5  }
0x1f: {  	v0 =	vmov s8;
	s25 =	simm.s32 $0x12;
	[dreg:$0x12] =	wrdreg s5;
	s5 =	simm.s32 $0x16530  }
.LBB2_4:
0x20: {  	_ =	swait.ge [sflag:s9], $0x1400  }
0x21: {  	[sflag:s9] =	ssyncset.done $0x0  }
0x22: {  	[sflag:s9] =	ssyncadd.s32 $0xFFFFEC00  }
0x23: {  	_ =	swait.ge [sflag:s28], $0x1400  }
0x24: {  	[sflag:s28] =	ssyncset.done $0x0  }
0x25: {  	[sflag:s28] =	ssyncadd.s32 $0xFFFFEC00  }
0x26: {  	_ =	swait.ge [sflag:s25], $0x1400  }
0x27: {  	[sflag:s25] =	ssyncset.done $0x0  }
0x28: {  	[sflag:s25] =	ssyncadd.s32 $0xFFFFEC00  }
0x29: {  	_ =	swait.ge [sflag:s14], $0x1400  }
0x2a: {  	[sflag:s14] =	ssyncset.done $0x0  }
0x2b: {  	[sflag:s14] =	ssyncadd.s32 $0xFFFFEC00  }
0x2c: {  	_ =	swait.ge [sflag:s21], $0x1400  }
0x2d: {  	[sflag:s21] =	ssyncset.done $0x0  }
0x2e: {  	[sflag:s21] =	ssyncadd.s32 $0xFFFFEC00  }
0x2f: {  	[bflag:$0x0] =	sbarrier.arrive $0xFFFF  }
0x30: {  	s2 =	rddreg [dreg:$0x7]  }
0x31: {  	s8 =	rddreg [dreg:$0x13]  }
0x32: {  	s1 =	simm.s32 $0x15;
	s10 =	rddreg [dreg:$0x15];
	s2 =	sor.u32 $0x1C15, s2  }
0x33: {  	[hbm:s8], [sflag:s2] =	dma.local [spmem:s10], $0x2710  }
0x34: {  	_ =	swait.ge [sflag:s1], $0x2710  }
0x35: {  	s16 =	rddreg [dreg:$0x5]  }
0x36: {  	s30 =	rddreg [dreg:$0x14];
	s16 =	sadd.s32 $0x1, s16  }
0x37: {  	p0 =	sne.s32 s16, s30  }
.Ltmp1:
0x38: {  	_ = 	snop;
	(pc) =	sbr.rel @!p0 .LBB2_5-.Ltmp1, $3  }
0x39: {  	_ =	sdelay $0x1  }
0x3a: {  	[sflag:s1] =	ssyncset.done $0x0  }
0x3b: {  	[sflag:s1] =	ssyncadd.s32 $0xFFFFD8F0  }
.LBB2_1:
0x3c: {  	[dreg:$0x5] =	wrdreg s16  }
0x3d: {  	s2 =	rddreg [dreg:$0x6]  }
0x3e: {  	s8 =	rddreg [dreg:$0x8]  }
0x3f: {  	[spmem:s10], [sflag:s8] =	dma.local [hbm:s2], $0x2710  }
0x40: {  	s26 =	simm.s32 $0x138D0;
	s8 =	simm.s32 $0x27100;
	s2 =	rddreg [dreg:$0x9]  }
0x41: {  	[tilespmem:s26], [sflag:$0x2] =	stream.strided.gather [hbm4b:s2+s22], $0x50, s8, s22, $0x38;
	[tilespmem:$0x1A130] =	vst v63  }
0x42: {  	s1 =	simm.s32 $0x13920;
	s30 =	rddreg [dreg:$0xb]  }
0x43: {  	[tilespmem:s1], [sflag:$0x3] =	stream.strided.gather [hbm4b:s30+s22], $0x50, s8, s22, $0x38;
	[tilespmem:$0x1A130] =	vst v63  }
0x44: {  	s16 =	simm.s32 $0x13970;
	s10 =	rddreg [dreg:$0xc]  }
0x45: {  	[tilespmem:s16], [sflag:$0x4] =	stream.strided.gather [hbm4b:s10+s22], $0x50, s8, s22, $0x38;
	[tilespmem:$0x1A130] =	vst v63  }
0x46: {  	s23 =	rddreg [dreg:$0xd];
	s26 =	simm.s32 $0x139C0  }
0x47: {  	[tilespmem:s26], [sflag:$0x5] =	stream.strided.gather [hbm4b:s23+s22], $0x50, s8, s22, $0x38;
	[tilespmem:$0x1A130] =	vst v63  }
0x48: {  	s30 =	rddreg [dreg:$0xe];
	s1 =	simm.s32 $0x13A10  }
0x49: {  	[tilespmem:s1], [sflag:$0x6] =	stream.strided.gather [hbm4b:s30+s22], $0x50, s8, s22, $0x38;
	[tilespmem:$0x1A130] =	vst v63  }
0x4a: {  	s10 =	rddreg [dreg:$0xf];
	s16 =	simm.s32 $0x13A60  }
0x4b: {  	[tilespmem:s16], [sflag:$0x7] =	stream.strided.gather [hbm4b:s10+s22], $0x50, s8, s22, $0x38;
	[tilespmem:$0x1A130] =	vst v63  }
0x4c: {  	s23 =	rddreg [dreg:$0x10];
	s26 =	simm.s32 $0x13AB0  }
0x4d: {  	[tilespmem:s26], [sflag:$0x8] =	stream.strided.gather [hbm4b:s23+s22], $0x50, s8, s22, $0x38;
	[tilespmem:$0x1A130] =	vst v63  }
0x4e: {  	s30 =	rddreg [dreg:$0x11];
	s1 =	simm.s32 $0x13B00  }
0x4f: {  	[tilespmem:s1], [sflag:$0x9] =	stream.strided.gather [hbm4b:s30+s22], $0x50, s8, s22, $0x38;
	[tilespmem:$0x1A130] =	vst v63  }
0x50: {  	s16 =	rddreg [dreg:$0x12];
	s23 =	simm.s32 $0x13B50  }
0x51: {  	[tilespmem:s23], [sflag:$0xA] =	stream.strided.gather [hbm4b:s16+s22], $0x50, s8, s22, $0x38;
	[tilespmem:$0x1A130] =	vst v63  }
0x52: {  	_ =	swait.ge [sflag:s24], $0x2710  }
0x53: {  	[sflag:s24] =	ssyncset.done $0x0  }
0x54: {  	s30 =	simm.s32 $0x13880;
	s26 =	rddreg [dreg:$0xa];
	[sflag:s24] =	ssyncadd.s32 $0xFFFFD8F0  }
0x55: {  	[tilespmem:s30], [sflag:$0x1] =	stream.strided.gather [hbm4b:s26+s22], $0x50, s8, s22, $0x38;
	[tilespmem:$0x1A130] =	vst v63  }
0x56: {  	s8 =	simm.s32 $0x0;
	[bflag:$0x0] =	sbarrier.arrive $0xFFFF  }
.LBB2_2:
0x57: {  	_ =	swait.ge [sflag:s24], $0x50  }
0x58: {  	[sflag:s24] =	ssyncset.done $0x0  }
0x59: {  	[sflag:s24] =	ssyncadd.s32 $0xFFFFFFB0  }
0x5a: {  	v1 =	vld [tilespmem:$0x13880]  }
0x5b: {  	v2 =	vld [tilespmem:$0x13890]  }
0x5c: {  	v3 =	vld [tilespmem:$0x13898];
	_ =	sdelay $0x2  }
0x5d: {  	v1 =	vadd.s32 v0, v1  }
0x5e: {  	[tilespmem:$0x13BA0] =	vst v1;
	v1 =	vadd.s32 v0, v2  }
0x5f: {  	p0 =	seq.s32 s8, $0x0;
	[tilespmem:$0x13BB0] =	vst v1;
	v1 =	vadd.s32 v0, v3  }
0x60: {  	s16 =	simm.s32 @!p0 $0x10;
	[tilespmem:$0x13BB8] =	vst v1  }
0x61: {  	_ =	swait.ge @!p0 [sflag:s16], $0x1400  }
0x62: {  	[sflag:s16] =	ssyncset.done @!p0 $0x0  }
0x63: {  	s2 =	simm.s32 $0x13BA0;
	[sflag:s16] =	ssyncadd.s32 @!p0 $0xFFFFEC00;
	s16 =	simm.s32 $0x2  }
0x64: {  	[tilespmem:s29], [sflag:$0xB] =	stream.indirect.gather [hbm4b:s0+s22], $0x80, s2, s22, $0xb8;
	[tilespmem:$0x1A130] =	vst v63  }
0x65: {  	_ =	swait.ge [sflag:s16], $0x50  }
0x66: {  	[sflag:s16] =	ssyncset.done $0x0  }
0x67: {  	[sflag:s16] =	ssyncadd.s32 $0xFFFFFFB0  }
0x68: {  	v1 =	vld [tilespmem:$0x138D0]  }
0x69: {  	v2 =	vld [tilespmem:$0x138E0]  }
0x6a: {  	v3 =	vld [tilespmem:$0x138E8];
	_ =	sdelay $0x2  }
0x6b: {  	v1 =	vadd.s32 v0, v1  }
0x6c: {  	[tilespmem:$0x13BC8] =	vst v1;
	v1 =	vadd.s32 v0, v2  }
0x6d: {  	[tilespmem:$0x13BD8] =	vst v1;
	v1 =	vadd.s32 v0, v3  }
0x6e: {  	s16 =	simm.s32 @!p0 $0x11;
	[tilespmem:$0x13BE0] =	vst v1  }
0x6f: {  	_ =	swait.ge @!p0 [sflag:s16], $0x1400  }
0x70: {  	s23 =	simm.s32 $0x13BC8;
	[sflag:s16] =	ssyncset.done @!p0 $0x0  }
0x71: {  	s1 =	simm.s32 $0x15130;
	s26 =	simm.s32 $0x3;
	[sflag:s16] =	ssyncadd.s32 @!p0 $0xFFFFEC00  }
0x72: {  	[tilespmem:s1], [sflag:$0xC] =	stream.indirect.gather [hbm4b:s0+s22], $0x80, s23, s22, $0xb8;
	[tilespmem:$0x1A130] =	vst v63  }
0x73: {  	_ =	swait.ge [sflag:s26], $0x50  }
0x74: {  	[sflag:s26] =	ssyncset.done $0x0  }
0x75: {  	[sflag:s26] =	ssyncadd.s32 $0xFFFFFFB0  }
0x76: {  	v1 =	vld [tilespmem:$0x13920]  }
0x77: {  	v2 =	vld [tilespmem:$0x13930]  }
0x78: {  	v3 =	vld [tilespmem:$0x13938];
	_ =	sdelay $0x2  }
0x79: {  	v1 =	vadd.s32 v0, v1  }
0x7a: {  	[tilespmem:$0x13BF0] =	vst v1;
	v1 =	vadd.s32 v0, v2  }
0x7b: {  	[tilespmem:$0x13C00] =	vst v1;
	v1 =	vadd.s32 v0, v3  }
0x7c: {  	s16 =	simm.s32 @!p0 $0x12;
	[tilespmem:$0x13C08] =	vst v1  }
0x7d: {  	_ =	swait.ge @!p0 [sflag:s16], $0x1400  }
0x7e: {  	[sflag:s16] =	ssyncset.done @!p0 $0x0  }
0x7f: {  	s30 =	simm.s32 $0x13BF0;
	s10 =	simm.s32 $0x4;
	[sflag:s16] =	ssyncadd.s32 @!p0 $0xFFFFEC00  }
0x80: {  	[tilespmem:s5], [sflag:$0xD] =	stream.indirect.gather [hbm4b:s0+s22], $0x80, s30, s22, $0xb8;
	[tilespmem:$0x1A130] =	vst v63  }
0x81: {  	_ =	swait.ge [sflag:s10], $0x50  }
0x82: {  	[sflag:s10] =	ssyncset.done $0x0  }
0x83: {  	[sflag:s10] =	ssyncadd.s32 $0xFFFFFFB0  }
0x84: {  	v1 =	vld [tilespmem:$0x13970]  }
0x85: {  	v2 =	vld [tilespmem:$0x13980]  }
0x86: {  	v3 =	vld [tilespmem:$0x13988];
	_ =	sdelay $0x2  }
0x87: {  	v1 =	vadd.s32 v0, v1  }
0x88: {  	[tilespmem:$0x13C18] =	vst v1;
	v1 =	vadd.s32 v0, v2  }
0x89: {  	[tilespmem:$0x13C28] =	vst v1;
	v1 =	vadd.s32 v0, v3  }
0x8a: {  	s16 =	simm.s32 @!p0 $0x13;
	[tilespmem:$0x13C30] =	vst v1  }
0x8b: {  	_ =	swait.ge @!p0 [sflag:s16], $0x1400  }
0x8c: {  	[sflag:s16] =	ssyncset.done @!p0 $0x0  }
0x8d: {  	[sflag:s16] =	ssyncadd.s32 @!p0 $0xFFFFEC00;
	s16 =	simm.s32 $0x13C18  }
0x8e: {  	[tilespmem:s7], [sflag:$0xE] =	stream.indirect.gather [hbm4b:s0+s22], $0x80, s16, s22, $0xb8;
	[tilespmem:$0x1A130] =	vst v63  }
0x8f: {  	_ =	swait.ge [sflag:s11], $0x50  }
0x90: {  	[sflag:s11] =	ssyncset.done $0x0  }
0x91: {  	[sflag:s11] =	ssyncadd.s32 $0xFFFFFFB0  }
0x92: {  	v1 =	vld [tilespmem:$0x139C0]  }
0x93: {  	v2 =	vld [tilespmem:$0x139D0]  }
0x94: {  	v3 =	vld [tilespmem:$0x139D8];
	_ =	sdelay $0x2  }
0x95: {  	v1 =	vadd.s32 v0, v1  }
0x96: {  	[tilespmem:$0x13C40] =	vst v1;
	v1 =	vadd.s32 v0, v2  }
0x97: {  	[tilespmem:$0x13C50] =	vst v1;
	v1 =	vadd.s32 v0, v3  }
0x98: {  	s16 =	simm.s32 @!p0 $0x14;
	[tilespmem:$0x13C58] =	vst v1  }
0x99: {  	_ =	swait.ge @!p0 [sflag:s16], $0x1400  }
0x9a: {  	[sflag:s16] =	ssyncset.done @!p0 $0x0  }
0x9b: {  	s23 =	simm.s32 $0x13C40;
	[sflag:s16] =	ssyncadd.s32 @!p0 $0xFFFFEC00  }
0x9c: {  	[tilespmem:s12], [sflag:$0xF] =	stream.indirect.gather [hbm4b:s0+s22], $0x80, s23, s22, $0xb8;
	[tilespmem:$0x1A130] =	vst v63  }
0x9d: {  	_ =	swait.ge [sflag:s13], $0x1400  }
0x9e: {  	[sflag:s13] =	ssyncset.done $0x0  }
0x9f: {  	s26 =	simm.s32 $0x138A8;
	s16 =	simm.s32 @p0 $0xC;
	[sflag:s13] =	ssyncadd.s32 $0xFFFFEC00  }
0xa0: {  	[spmem:s3] =	stream.indirect.scatter.add.f32 [tilespmem:s29], [sflag:$0x10], $0x80, s26, s22, $0xb8;
	[tilespmem:$0x1A130] =	vst v63  }
0xa1: {  	_ =	swait.ge @p0 [sflag:s16], $0x1400  }
0xa2: {  	s23 =	simm.s32 @p0 $0x15130;
	[sflag:s16] =	ssyncset.done @p0 $0x0  }
0xa3: {  	s26 =	simm.s32 @p0 $0x138F8;
	[sflag:s16] =	ssyncadd.s32 @p0 $0xFFFFEC00;
	s16 =	simm.s32 @p0 $0x28  }
0xa4: {  	[spmem:s3] =	stream.indirect.scatter.add.f32 @p0 [tilespmem:s23], [sflag:$0x11], $0x80, s26, s16, $0xb8;
	[tilespmem:$0x1A130] =	vst v63  }
0xa5: {  	s2 =	simm.s32 @!p0 $0x28;
	s23 =	sadd.s32 @!p0 s8, s20  }
0xa6: {  	s30 =	simm.s32 @!p0 $0x13A10;
	s10 =	simm.s32 @!p0 $0x27100;
	s26 =	sadd.s32 @!p0 $0x19, s23  }
0xa7: {  	[tilespmem:s30], [sflag:$0x6] =	stream.strided.gather @!p0 [hbm4b:s26+s2], $0x50, s10, s2, $0x38;
	[tilespmem:$0x1A130] =	vst v63  }
0xa8: {  	s26 =	simm.s32 @!p0 $0xC  }
0xa9: {  	_ =	swait.ge @!p0 [sflag:s26], $0x1400  }
0xaa: {  	[sflag:s26] =	ssyncset.done @!p0 $0x0  }
0xab: {  	s30 =	simm.s32 @!p0 $0x15130;
	[sflag:s26] =	ssyncadd.s32 @!p0 $0xFFFFEC00;
	s26 =	simm.s32 @!p0 $0x138F8  }
0xac: {  	[spmem:s3] =	stream.indirect.scatter.add.f32 @!p0 [tilespmem:s30], [sflag:$0x11], $0x80, s26, s2, $0xb8;
	[tilespmem:$0x1A130] =	vst v63  }
0xad: {  	s26 =	sadd.s32 @!p0 $0x1E, s23;
	s30 =	simm.s32 @!p0 $0x13A60  }
0xae: {  	[tilespmem:s30], [sflag:$0x7] =	stream.strided.gather @!p0 [hbm4b:s26+s2], $0x50, s10, s2, $0x38;
	[tilespmem:$0x1A130] =	vst v63  }
0xaf: {  	_ =	swait.ge [sflag:s15], $0x1400  }
0xb0: {  	[sflag:s15] =	ssyncset.done $0x0  }
0xb1: {  	s30 =	simm.s32 $0x13948;
	s26 =	simm.s32 @p0 $0xE;
	[sflag:s15] =	ssyncadd.s32 $0xFFFFEC00  }
0xb2: {  	[spmem:s3] =	stream.indirect.scatter.add.f32 [tilespmem:s5], [sflag:$0x12], $0x80, s30, s22, $0xb8;
	[tilespmem:$0x1A130] =	vst v63  }
0xb3: {  	_ =	swait.ge @p0 [sflag:s26], $0x1400  }
0xb4: {  	[sflag:s26] =	ssyncset.done @p0 $0x0  }
0xb5: {  	s30 =	simm.s32 @p0 $0x17930;
	[sflag:s26] =	ssyncadd.s32 @p0 $0xFFFFEC00;
	s26 =	simm.s32 @p0 $0x13998  }
0xb6: {  	[spmem:s3] =	stream.indirect.scatter.add.f32 @p0 [tilespmem:s30], [sflag:$0x13], $0x80, s26, s16, $0xb8;
	[tilespmem:$0x1A130] =	vst v63  }
0xb7: {  	s16 =	sadd.s32 @!p0 $0x23, s23;
	s26 =	simm.s32 @!p0 $0x13AB0  }
0xb8: {  	[tilespmem:s26], [sflag:$0x8] =	stream.strided.gather @!p0 [hbm4b:s16+s2], $0x50, s10, s2, $0x38;
	[tilespmem:$0x1A130] =	vst v63  }
0xb9: {  	s16 =	simm.s32 @!p0 $0xE  }
0xba: {  	_ =	swait.ge @!p0 [sflag:s16], $0x1400  }
0xbb: {  	[sflag:s16] =	ssyncset.done @!p0 $0x0  }
0xbc: {  	s26 =	simm.s32 @!p0 $0x17930;
	[sflag:s16] =	ssyncadd.s32 @!p0 $0xFFFFEC00;
	s16 =	simm.s32 @!p0 $0x13998  }
0xbd: {  	[spmem:s3] =	stream.indirect.scatter.add.f32 @!p0 [tilespmem:s26], [sflag:$0x13], $0x80, s16, s2, $0xb8;
	[tilespmem:$0x1A130] =	vst v63  }
0xbe: {  	s16 =	sadd.s32 @!p0 $0x28, s23;
	s26 =	simm.s32 @!p0 $0x13B00  }
0xbf: {  	[tilespmem:s26], [sflag:$0x9] =	stream.strided.gather @!p0 [hbm4b:s16+s2], $0x50, s10, s2, $0x38;
	[tilespmem:$0x1A130] =	vst v63  }
0xc0: {  	_ =	swait.ge [sflag:s17], $0x1400  }
0xc1: {  	[sflag:s17] =	ssyncset.done $0x0  }
0xc2: {  	s30 =	simm.s32 $0x139E8;
	[sflag:s17] =	ssyncadd.s32 $0xFFFFEC00  }
0xc3: {  	[spmem:s3] =	stream.indirect.scatter.add.f32 [tilespmem:s12], [sflag:$0x14], $0x80, s30, s22, $0xb8;
	[tilespmem:$0x1A130] =	vst v63  }
0xc4: {  	s16 =	sadd.s32 @!p0 $0x2D, s23;
	s23 =	simm.s32 @!p0 $0x13B50  }
0xc5: {  	[tilespmem:s23], [sflag:$0xA] =	stream.strided.gather @!p0 [hbm4b:s16+s2], $0x50, s10, s2, $0x38;
	[tilespmem:$0x1A130] =	vst v63  }
0xc6: {  	_ =	swait.ge [sflag:s19], $0x50  }
0xc7: {  	[sflag:s19] =	ssyncset.done $0x0  }
0xc8: {  	[sflag:s19] =	ssyncadd.s32 $0xFFFFFFB0  }
0xc9: {  	v1 =	vld [tilespmem:$0x13A10]  }
0xca: {  	v2 =	vld [tilespmem:$0x13A20]  }
0xcb: {  	v3 =	vld [tilespmem:$0x13A28];
	_ =	sdelay $0x2  }
0xcc: {  	v1 =	vadd.s32 v0, v1  }
0xcd: {  	[tilespmem:$0x13C68] =	vst v1;
	v1 =	vadd.s32 v0, v2  }
0xce: {  	[tilespmem:$0x13C78] =	vst v1;
	v1 =	vadd.s32 v0, v3  }
0xcf: {  	[tilespmem:$0x13C80] =	vst v1  }
0xd0: {  	_ =	swait.ge [sflag:s9], $0x1400  }
0xd1: {  	[sflag:s9] =	ssyncset.done $0x0  }
0xd2: {  	s16 =	simm.s32 $0x13C68;
	[sflag:s9] =	ssyncadd.s32 $0xFFFFEC00  }
0xd3: {  	[tilespmem:s29], [sflag:$0xB] =	stream.indirect.gather [hbm4b:s0+s22], $0x80, s16, s22, $0xb8;
	[tilespmem:$0x1A130] =	vst v63  }
0xd4: {  	_ =	swait.ge [sflag:s4], $0x50  }
0xd5: {  	[sflag:s4] =	ssyncset.done $0x0  }
0xd6: {  	[sflag:s4] =	ssyncadd.s32 $0xFFFFFFB0  }
0xd7: {  	v1 =	vld [tilespmem:$0x13A60]  }
0xd8: {  	v2 =	vld [tilespmem:$0x13A70]  }
0xd9: {  	v3 =	vld [tilespmem:$0x13A78];
	_ =	sdelay $0x2  }
0xda: {  	v1 =	vadd.s32 v0, v1  }
0xdb: {  	[tilespmem:$0x13C90] =	vst v1;
	v1 =	vadd.s32 v0, v2  }
0xdc: {  	[tilespmem:$0x13CA0] =	vst v1;
	v1 =	vadd.s32 v0, v3  }
0xdd: {  	[tilespmem:$0x13CA8] =	vst v1  }
0xde: {  	_ =	swait.ge [sflag:s28], $0x1400  }
0xdf: {  	[sflag:s28] =	ssyncset.done $0x0  }
0xe0: {  	s23 =	simm.s32 $0x13C90;
	[sflag:s28] =	ssyncadd.s32 $0xFFFFEC00  }
0xe1: {  	[tilespmem:s1], [sflag:$0xC] =	stream.indirect.gather [hbm4b:s0+s22], $0x80, s23, s22, $0xb8;
	[tilespmem:$0x1A130] =	vst v63  }
0xe2: {  	_ =	swait.ge [sflag:s31], $0x50  }
0xe3: {  	[sflag:s31] =	ssyncset.done $0x0  }
0xe4: {  	[sflag:s31] =	ssyncadd.s32 $0xFFFFFFB0  }
0xe5: {  	v1 =	vld [tilespmem:$0x13AB0]  }
0xe6: {  	v2 =	vld [tilespmem:$0x13AC0]  }
0xe7: {  	v3 =	vld [tilespmem:$0x13AC8];
	_ =	sdelay $0x2  }
0xe8: {  	v1 =	vadd.s32 v0, v1  }
0xe9: {  	[tilespmem:$0x13CB8] =	vst v1;
	v1 =	vadd.s32 v0, v2  }
0xea: {  	[tilespmem:$0x13CC8] =	vst v1;
	v1 =	vadd.s32 v0, v3  }
0xeb: {  	[tilespmem:$0x13CD0] =	vst v1  }
0xec: {  	_ =	swait.ge [sflag:s25], $0x1400  }
0xed: {  	[sflag:s25] =	ssyncset.done $0x0  }
0xee: {  	s26 =	simm.s32 $0x13CB8;
	[sflag:s25] =	ssyncadd.s32 $0xFFFFEC00  }
0xef: {  	[tilespmem:s5], [sflag:$0xD] =	stream.indirect.gather [hbm4b:s0+s22], $0x80, s26, s22, $0xb8;
	[tilespmem:$0x1A130] =	vst v63  }
0xf0: {  	_ =	swait.ge [sflag:s6], $0x50  }
0xf1: {  	[sflag:s6] =	ssyncset.done $0x0  }
0xf2: {  	[sflag:s6] =	ssyncadd.s32 $0xFFFFFFB0  }
0xf3: {  	v1 =	vld [tilespmem:$0x13B00]  }
0xf4: {  	v2 =	vld [tilespmem:$0x13B10]  }
0xf5: {  	v3 =	vld [tilespmem:$0x13B18];
	_ =	sdelay $0x2  }
0xf6: {  	v1 =	vadd.s32 v0, v1  }
0xf7: {  	[tilespmem:$0x13CE0] =	vst v1;
	v1 =	vadd.s32 v0, v2  }
0xf8: {  	[tilespmem:$0x13CF0] =	vst v1;
	v1 =	vadd.s32 v0, v3  }
0xf9: {  	[tilespmem:$0x13CF8] =	vst v1  }
0xfa: {  	_ =	swait.ge [sflag:s14], $0x1400  }
0xfb: {  	[sflag:s14] =	ssyncset.done $0x0  }
0xfc: {  	s30 =	simm.s32 $0x13CE0;
	[sflag:s14] =	ssyncadd.s32 $0xFFFFEC00  }
0xfd: {  	[tilespmem:s7], [sflag:$0xE] =	stream.indirect.gather [hbm4b:s0+s22], $0x80, s30, s22, $0xb8;
	[tilespmem:$0x1A130] =	vst v63  }
0xfe: {  	_ =	swait.ge [sflag:s18], $0x50  }
0xff: {  	[sflag:s18] =	ssyncset.done $0x0  }
0x100: {  	[sflag:s18] =	ssyncadd.s32 $0xFFFFFFB0  }
0x101: {  	v1 =	vld [tilespmem:$0x13B50]  }
0x102: {  	v2 =	vld [tilespmem:$0x13B60]  }
0x103: {  	v3 =	vld [tilespmem:$0x13B68];
	_ =	sdelay $0x2  }
0x104: {  	v1 =	vadd.s32 v0, v1  }
0x105: {  	[tilespmem:$0x13D08] =	vst v1;
	v1 =	vadd.s32 v0, v2  }
0x106: {  	[tilespmem:$0x13D18] =	vst v1;
	v1 =	vadd.s32 v0, v3  }
0x107: {  	[tilespmem:$0x13D20] =	vst v1  }
0x108: {  	_ =	swait.ge [sflag:s21], $0x1400  }
0x109: {  	[sflag:s21] =	ssyncset.done $0x0  }
0x10a: {  	s2 =	simm.s32 $0x13D08;
	[sflag:s21] =	ssyncadd.s32 $0xFFFFEC00  }
0x10b: {  	[tilespmem:s12], [sflag:$0xF] =	stream.indirect.gather [hbm4b:s0+s22], $0x80, s2, s22, $0xb8;
	[tilespmem:$0x1A130] =	vst v63  }
0x10c: {  	_ =	swait.ge [sflag:s13], $0x1400  }
0x10d: {  	p0 =	seq.s32 s8, $0x4B0;
	[sflag:s13] =	ssyncset.done $0x0  }
0x10e: {  	s10 =	simm.s32 $0x13A38;
	s2 =	simm.s32 @p0 $0xC;
	[sflag:s13] =	ssyncadd.s32 $0xFFFFEC00  }
0x10f: {  	[spmem:s3] =	stream.indirect.scatter.add.f32 [tilespmem:s29], [sflag:$0x10], $0x80, s10, s22, $0xb8;
	[tilespmem:$0x1A130] =	vst v63  }
0x110: {  	_ =	swait.ge @p0 [sflag:s2], $0x1400  }
0x111: {  	s16 =	simm.s32 @p0 $0x15130;
	[sflag:s2] =	ssyncset.done @p0 $0x0  }
0x112: {  	s10 =	simm.s32 @p0 $0x13A88;
	[sflag:s2] =	ssyncadd.s32 @p0 $0xFFFFEC00;
	s2 =	simm.s32 @p0 $0x28  }
0x113: {  	[spmem:s3] =	stream.indirect.scatter.add.f32 @p0 [tilespmem:s16], [sflag:$0x11], $0x80, s10, s2, $0xb8;
	[tilespmem:$0x1A130] =	vst v63  }
0x114: {  	s23 =	simm.s32 @!p0 $0x28;
	s10 =	sadd.s32 @!p0 s8, s20  }
0x115: {  	s26 =	simm.s32 @!p0 $0x27100;
	s30 =	simm.s32 @!p0 $0x13880;
	s16 =	sadd.s32 @!p0 $0x32, s10  }
0x116: {  	[tilespmem:s30], [sflag:$0x1] =	stream.strided.gather @!p0 [hbm4b:s16+s23], $0x50, s26, s23, $0x38;
	[tilespmem:$0x1A130] =	vst v63  }
0x117: {  	s16 =	simm.s32 @!p0 $0xC  }
0x118: {  	_ =	swait.ge @!p0 [sflag:s16], $0x1400  }
0x119: {  	[sflag:s16] =	ssyncset.done @!p0 $0x0  }
0x11a: {  	s30 =	simm.s32 @!p0 $0x15130;
	[sflag:s16] =	ssyncadd.s32 @!p0 $0xFFFFEC00;
	s16 =	simm.s32 @!p0 $0x13A88  }
0x11b: {  	[spmem:s3] =	stream.indirect.scatter.add.f32 @!p0 [tilespmem:s30], [sflag:$0x11], $0x80, s16, s23, $0xb8;
	[tilespmem:$0x1A130] =	vst v63  }
0x11c: {  	s16 =	sadd.s32 @!p0 $0x37, s10;
	s30 =	simm.s32 @!p0 $0x138D0  }
0x11d: {  	[tilespmem:s30], [sflag:$0x2] =	stream.strided.gather @!p0 [hbm4b:s16+s23], $0x50, s26, s23, $0x38;
	[tilespmem:$0x1A130] =	vst v63  }
0x11e: {  	_ =	swait.ge [sflag:s15], $0x1400  }
0x11f: {  	[sflag:s15] =	ssyncset.done $0x0  }
0x120: {  	s16 =	simm.s32 $0x13AD8;
	[sflag:s15] =	ssyncadd.s32 $0xFFFFEC00  }
0x121: {  	[spmem:s3] =	stream.indirect.scatter.add.f32 [tilespmem:s5], [sflag:$0x12], $0x80, s16, s22, $0xb8;
	[tilespmem:$0x1A130] =	vst v63  }
0x122: {  	s16 =	simm.s32 @p0 $0xE  }
0x123: {  	_ =	swait.ge @p0 [sflag:s16], $0x1400  }
0x124: {  	[sflag:s16] =	ssyncset.done @p0 $0x0  }
0x125: {  	s30 =	simm.s32 @p0 $0x17930;
	[sflag:s16] =	ssyncadd.s32 @p0 $0xFFFFEC00;
	s16 =	simm.s32 @p0 $0x13B28  }
0x126: {  	[spmem:s3] =	stream.indirect.scatter.add.f32 @p0 [tilespmem:s30], [sflag:$0x13], $0x80, s16, s2, $0xb8;
	[tilespmem:$0x1A130] =	vst v63  }
0x127: {  	s2 =	sadd.s32 @!p0 $0x3C, s10;
	s16 =	simm.s32 @!p0 $0x13920  }
0x128: {  	[tilespmem:s16], [sflag:$0x3] =	stream.strided.gather @!p0 [hbm4b:s2+s23], $0x50, s26, s23, $0x38;
	[tilespmem:$0x1A130] =	vst v63  }
0x129: {  	s2 =	simm.s32 @!p0 $0xE  }
0x12a: {  	_ =	swait.ge @!p0 [sflag:s2], $0x1400  }
0x12b: {  	[sflag:s2] =	ssyncset.done @!p0 $0x0  }
0x12c: {  	s16 =	simm.s32 @!p0 $0x17930;
	[sflag:s2] =	ssyncadd.s32 @!p0 $0xFFFFEC00;
	s2 =	simm.s32 @!p0 $0x13B28  }
0x12d: {  	[spmem:s3] =	stream.indirect.scatter.add.f32 @!p0 [tilespmem:s16], [sflag:$0x13], $0x80, s2, s23, $0xb8;
	[tilespmem:$0x1A130] =	vst v63  }
0x12e: {  	s2 =	sadd.s32 @!p0 $0x41, s10;
	s10 =	simm.s32 @!p0 $0x13970  }
0x12f: {  	[tilespmem:s10], [sflag:$0x4] =	stream.strided.gather @!p0 [hbm4b:s2+s23], $0x50, s26, s23, $0x38;
	[tilespmem:$0x1A130] =	vst v63  }
.Ltmp2:
0x130: {  	_ = 	snop;
	(pc) =	sbr.rel @p0 .LBB2_4-.Ltmp2, $4  }
0x131: {  	_ =	swait.ge [sflag:s17], $0x1400  }
0x132: {  	[sflag:s17] =	ssyncset.done $0x0  }
0x133: {  	s30 =	simm.s32 $0x13B78;
	[sflag:s17] =	ssyncadd.s32 $0xFFFFEC00  }
0x134: {  	[spmem:s3] =	stream.indirect.scatter.add.f32 [tilespmem:s12], [sflag:$0x14], $0x80, s30, s22, $0xb8;
	[tilespmem:$0x1A130] =	vst v63  }
.Ltmp3:
0x135: {  	(pc) =	sbr.rel .LBB2_2-.Ltmp3, $4  }
0x136: {  	_ = 	snop  }
0x137: {  	s2 =	sadd.s32 s8, s20;
	s10 =	simm.s32 $0x27100  }
0x138: {  	s16 =	simm.s32 $0x139C0;
	s8 =	sadd.s32 $0x32, s8;
	s2 =	sadd.s32 $0x46, s2  }
0x139: {  	[tilespmem:s16], [sflag:$0x5] =	stream.strided.gather [hbm4b:s2+s22], $0x50, s10, s22, $0x38;
	[tilespmem:$0x1A130] =	vst v63  }
.LBB2_5:
0x13a: {  	_ =	sfence.sel $0x180000  }
0x13b: {  	[bflag:$0x0] =	sbarrier.arrive $0xFFFF  }
0x13c: {  	_ =	strace $0x9000004D  }
0x13d: {  	s0 =	stileid.u32;
	[bflag:$0x2] =	sbarrier.arrive $0xFFFF  }
0x13e: {  	p0 =	sne.s32 s0, $0x0;
	s0 =	rddreg [dreg:$0x4]  }
0x13f: {  	s0 =	sadd.s32 @!p0 $0x100000, s0  }
0x140: {  	[sflag:s0] =	ssyncadd.tile.s32 @!p0 $0x1;
	_ =	shalt  }
.Lfunc_end2:
_tile_overlayer_lowered:
.L_overlay_start_2:
0x141: {  	(tag) =	ssettag $0x2  }
0x142: {  	s0 =	rddreg [dreg:$0x0];
	s2 =	stileid.u32  }
0x143: {  	s1 =	rddreg [dreg:$0x1];
	p0 =	sne.s32 s2, $0x0  }
0x144: {  	s3 =	rddreg [dreg:$0x2];
	[bflag:$0x3] =	sbarrier.arrive $0xFFFF;
	s2 =	simm.s32 @!p0 $0x1C15  }
0x145: {  	[timem:s3], [sflag:s2] =	dma.local @!p0 [hbm:s0], s1  }
0x146: {  	s0 =	simm.s32 @!p0 $0x15  }
0x147: {  	_ =	swait.ge @!p0 [sflag:s0], s1  }
0x148: {  	s1 =	ssub.s32 @!p0 $0x0, s1;
	[sflag:s0] =	ssyncset.done @!p0 $0x0  }
0x149: {  	[sflag:s0] =	ssyncadd.s32 @!p0 s1  }
0x14a: {  	[bflag:$0x3] =	sbarrier.arrive $0xFFFF  }
0x14b: {  	_ =	shalt  }

// kernel: kernel.19.cloned.1.call-start
scs
__scs_entry_jumppad:
0x0: {  	(pc) =	sbr.rel $0x88, $3  }
0x1: {  	(tag) =	ssettag $0x0;
	lr =	simm.s32 $0x1  }
0x2: {  	[smem:$0x3F97] =	sst lr;
	_ =	strace $0xD0000000  }
0x3: {  	_ = 	snop  }
0x4: {  	_ = 	snop  }
0x5: {  	_ = 	snop  }
0x6: {  	_ = 	snop  }
0x7: {  	_ = 	snop  }
__scs_overlays_trampoline_lowered:
0x8: {  	[smem:$0x3FA6] =	sst s0  }
0x9: {  	[smem:$0x3FA7] =	sst s1  }
0xa: {  	[smem:$0x3FA8] =	sst s2  }
0xb: {  	[smem:$0x3FA9] =	sst s3  }
0xc: {  	[smem:$0x3FAA] =	sst s4  }
0xd: {  	[smem:$0x3FAB] =	sst s5  }
0xe: {  	[smem:$0x3FAC] =	sst s6  }
0xf: {  	[smem:$0x3FAD] =	sst s7  }
0x10: {  	[smem:$0x3FAE] =	sst s8  }
0x11: {  	[smem:$0x3FAF] =	sst s9;
	s0 =	simm.s32 @!p0 $0x0  }
0x12: {  	s1 =	sld [smem:$0x3F95];
	s0 =	simm.s32 @p0 $0x1  }
0x13: {  	[smem:$0x3FB0] =	sst s0;
	s0 =	simm.s32 @!p1 $0x0  }
0x14: {  	s2 =	sld [smem:$0x3F94];
	s0 =	simm.s32 @p1 $0x1  }
0x15: {  	[smem:$0x3FB1] =	sst s0;
	s0 =	simm.s32 @!p2 $0x0  }
0x16: {  	s3 =	sld [smem:$0x3FDB];
	s0 =	simm.s32 @p2 $0x1  }
0x17: {  	s4 =	simm.s32 $0x1BF5;
	[smem:$0x3FB3] =	sst s0  }
0x18: {  	s0 =	sld [smem:$0x3F96];
	_ =	swait.ge [sflag:s4], $0x0  }
0x19: {  	s7 =	sld [smem:$0x3F97]  }
0x1a: {  	s8 =	sadd.s32 $0xFFFFE003, lr  }
0x1b: {  	s9 =	sadd.s32 $0xFFFFFEF7, lr;
	s5 =	simm.s32 $0xFFFFFFFF;
	p2 =	slt.u32 s8, $0xFFFFF086  }
0x1c: {  	p1 =	slt.u32 s9, $0xF7A;
	s5 =	simm.s32 @!p2 $0x0  }
0x1d: {  	s5 =	simm.s32 @p1 $0x1;
	p0 =	seq.s32 s7, s2  }
0x1e: {  	s7 =	smul.u32 @!p0 $0xF7A, s2;
	p2 =	seq.s32 @!p0 s5, $0x0  }
0x1f: {  	s9 =	smul.u32 $0xF7A, s1;
	s8 =	simm.s32 @!p0 $0x1BF5;
	p2 =	por !p2, p0  }
0x20: {  	[sflag:s8] =	ssyncset.s32 @!p0 $0xFFFFF086;
	s6 =	sadd.s32 @!p0 s3, s7;
	s7 =	simm.s32 @!p0 $0x108  }
0x21: {  	s3 =	sadd.s32 s3, s9;
	s6 =	sadd.s32 @!p0 $0x88, s6;
	s7 =	simm.s32 @p2 $0x1082  }
0x22: {  	[simem:s7], [sflag:s8] =	dma.local @!p0 [hbm:s6], $0xF7A  }
0x23: {  	s9 =	sor.u32 $0xD0000000, s2;
	s6 =	simm.s32 $0x108;
	_ =	swait.ge @!p0 [sflag:s8], $0x0  }
0x24: {  	s3 =	sadd.s32 $0x88, s3;
	s6 =	simm.s32 @!p1 $0x1082;
	[sflag:s4] =	ssyncset.s32 $0xFFFFF086  }
0x25: {  	[simem:s6], [sflag:s4] =	dma.local [hbm:s3], $0xF7A  }
0x26: {  	[smem:$0x3F97] =	sst s1;
	(tag) =	ssettag s2;
	_ =	strace s9  }
0x27: {  	s1 =	sld [smem:$0x3FA7]  }
0x28: {  	s2 =	sld [smem:$0x3FA8]  }
0x29: {  	s4 =	sld [smem:$0x3FAA]  }
0x2a: {  	p0 =	seq.s32 s5, $0x0;
	s5 =	sld [smem:$0x3FAB]  }
0x2b: {  	s6 =	sld [smem:$0x3FAC]  }
0x2c: {  	s7 =	sld [smem:$0x3FAD]  }
0x2d: {  	s3 =	simm.s32 $0x108;
	s8 =	sld [smem:$0x3FAE]  }
0x2e: {  	s3 =	simm.s32 @!p0 $0x1082;
	s9 =	sld [smem:$0x3FAF]  }
0x2f: {  	lr =	sadd.s32 s0, s3;
	s0 =	sld [smem:$0x3FA6]  }
0x30: {  	s3 =	sld [smem:$0x3FA9]  }
0x31: {  	[smem:$0x3FB2] =	sst s10  }
0x32: {  	s10 =	sld [smem:$0x3FB0];
	_ =	sdelay $0x3  }
0x33: {  	p0 =	seq.s32 s10, $0x1;
	s10 =	sld [smem:$0x3FB2];
	_ =	sdelay $0x3  }
0x34: {  	[smem:$0x3FB2] =	sst s10  }
0x35: {  	s10 =	sld [smem:$0x3FB1];
	_ =	sdelay $0x3  }
0x36: {  	p1 =	seq.s32 s10, $0x1;
	s10 =	sld [smem:$0x3FB2];
	_ =	sdelay $0x3  }
0x37: {  	[smem:$0x3FB2] =	sst s10  }
0x38: {  	s10 =	sld [smem:$0x3FB3]  }
0x39: {  	_ = 	snop;
	(pc) =	sbr.ind lr, $3  }
0x3a: {  	_ = 	snop  }
0x3b: {  	_ = 	snop  }
0x3c: {  	p2 =	seq.s32 s10, $0x1;
	s10 =	sld [smem:$0x3FB2]  }
0x3d: {  	_ =	shalt  }
0x3e: {  	_ =	shalt  }
0x3f: {  	_ =	shalt  }
0x40: {  	_ =	shalt  }
0x41: {  	_ =	shalt  }
0x42: {  	_ =	shalt  }
0x43: {  	_ =	shalt  }
0x44: {  	_ =	shalt  }
0x45: {  	_ =	shalt  }
0x46: {  	_ =	shalt  }
0x47: {  	_ =	shalt  }
0x48: {  	_ =	shalt  }
0x49: {  	_ =	shalt  }
0x4a: {  	_ =	shalt  }
0x4b: {  	_ =	shalt  }
0x4c: {  	_ =	shalt  }
0x4d: {  	_ =	shalt  }
0x4e: {  	_ =	shalt  }
0x4f: {  	_ =	shalt  }
0x50: {  	_ =	shalt  }
0x51: {  	_ =	shalt  }
0x52: {  	_ =	shalt  }
0x53: {  	_ =	shalt  }
0x54: {  	_ =	shalt  }
0x55: {  	_ =	shalt  }
0x56: {  	_ =	shalt  }
0x57: {  	_ =	shalt  }
0x58: {  	_ =	shalt  }
0x59: {  	_ =	shalt  }
0x5a: {  	_ =	shalt  }
0x5b: {  	_ =	shalt  }
0x5c: {  	_ =	shalt  }
0x5d: {  	_ =	shalt  }
0x5e: {  	_ =	shalt  }
0x5f: {  	_ =	shalt  }
0x60: {  	_ =	shalt  }
0x61: {  	_ =	shalt  }
0x62: {  	_ =	shalt  }
0x63: {  	_ =	shalt  }
0x64: {  	_ =	shalt  }
0x65: {  	_ =	shalt  }
0x66: {  	_ =	shalt  }
0x67: {  	_ =	shalt  }
0x68: {  	_ =	shalt  }
0x69: {  	_ =	shalt  }
0x6a: {  	_ =	shalt  }
0x6b: {  	_ =	shalt  }
0x6c: {  	_ =	shalt  }
0x6d: {  	_ =	shalt  }
0x6e: {  	_ =	shalt  }
0x6f: {  	_ =	shalt  }
0x70: {  	_ =	shalt  }
0x71: {  	_ =	shalt  }
0x72: {  	_ =	shalt  }
0x73: {  	_ =	shalt  }
0x74: {  	_ =	shalt  }
0x75: {  	_ =	shalt  }
0x76: {  	_ =	shalt  }
0x77: {  	_ =	shalt  }
0x78: {  	_ =	shalt  }
0x79: {  	_ =	shalt  }
0x7a: {  	_ =	shalt  }
0x7b: {  	_ =	shalt  }
0x7c: {  	_ =	shalt  }
0x7d: {  	_ =	shalt  }
0x7e: {  	_ =	shalt  }
0x7f: {  	_ =	shalt  }
0x80: {  	_ =	shalt  }
0x81: {  	_ =	shalt  }
0x82: {  	_ =	shalt  }
0x83: {  	_ =	shalt  }
0x84: {  	_ =	shalt  }
0x85: {  	_ =	shalt  }
0x86: {  	_ =	shalt  }
0x87: {  	_ =	shalt  }
.Lfunc_end0:
.L_simem_size_0:
called_computation.3_lowered:
.L_overlay_start_0:
0x88: {  	s2 =	sld [smem:$0x3FD9]  }
0x89: {  	s3 =	sld [smem:$0x3FFE];
	_ =	sdelay $0x1  }
0x8a: {  	s1 =	srdreg.scid  }
0x8b: {  	s0 =	sand.u32 $0x1, s1  }
0x8c: {  	s14 =	sshll.u32 s0, $0xA;
	s2 =	sadd.s32 s3, s2  }
0x8d: {  	s2 =	sadd.s32 s2, s14  }
0x8e: {  	[smem:$0x3FBE] =	sst s2  }
0x8f: {  	_ = 	snop  }
0x90: {  	s2 =	sld [smem:$0x3FD0];
	_ =	sdelay $0x2  }
0x91: {  	s15 =	simm.s32 $0xA;
	s4 =	simm.s32 $0x10  }
0x92: {  	[smem:s4], [sflag:s15] =	dma.local [hbm:s2], $0x1  }
0x93: {  	_ =	swait.eq [sflag:s15], $0x1  }
0x94: {  	[sflag:s15] =	ssyncset.done $0x0  }
0x95: {  	s16 =	sld [smem:$0x10];
	[sflag:s15] =	ssyncadd.s32 $0xFFFFFFFF  }
0x96: {  	s17 =	sld [smem:$0x11];
	(tm) =	ssettm $0x1  }
0x97: {  	s18 =	sld [smem:$0x3FFB];
	_ =	sdelay $0x3  }
0x98: {  	_ =	strace s18  }
0x99: {  	s4 =	sld [smem:$0x3FFC];
	_ =	sdelay $0x3  }
0x9a: {  	_ =	strace s4  }
0x9b: {  	s4 =	sld [smem:$0x3FFD];
	_ =	sdelay $0x3  }
0x9c: {  	_ =	strace s4  }
0x9d: {  	_ =	strace $0x8FFFFFFF  }
0x9e: {  	s19 =	sld [smem:$0x3FDB];
	_ =	sdelay $0x1  }
0x9f: {  	s5 =	simm.s32 $_scs_section_size  }
0xa0: {  	s6 =	simm.s32 $_size__tile_overlayer_lowered;
	s7 =	simm.s32 $_tile_overlayer_lowered  }
0xa1: {  	s22 =	simm.s32 $0x1BFF;
	s21 =	sshll.u32 s7, $0x1;
	s4 =	sadd.s32 s5, s19  }
0xa2: {  	s8 =	simm.s32 $0x0;
	s20 =	sshll.u32 s6, $0x1;
	s6 =	sadd.s32 s21, s4  }
0xa3: {  	[timem:s8], [sflag:s22] =	dma.local [hbm:s6], s20  }
0xa4: {  	_ =	swait.ge [sflag:s22], s20  }
0xa5: {  	s5 =	ssub.s32 $0x0, s20;
	[sflag:s22] =	ssyncset.done $0x0  }
0xa6: {  	[sflag:s22] =	ssyncadd.s32 s5;
	_ =	sdelay $0x1  }
0xa7: {  	s23 =	simm.s32 $0x1B8B  }
0xa8: {  	_ =	swait.ge [sflag:s23], $0x1  }
0xa9: {  	[sflag:s23] =	ssyncset.done $0x0  }
0xaa: {  	s25 =	simm.s32 $0x1B8E;
	s24 =	sld [smem:$0x3FFE];
	[sflag:s23] =	ssyncadd.s32 $0xFFFFFFFF  }
0xab: {  	s26 =	simm.s32 $execute0_lowered;
	[smem:$0x3FD2] =	sst s25  }
0xac: {  	s6 =	sshll.u32 s26, $0x1;
	_ =	strace $0x8000004F;
	[dreg:$0x1] =	wrdreg $0xFFFFFFFF  }
0xad: {  	s28 =	simm.s32 $_size_execute0_lowered;
	s4 =	sadd.s32 s4, s6;
	[dreg:$0x0] =	wrdreg $0x0  }
0xae: {  	s6 =	sshll.u32 s28, $0x1;
	[dreg:$0x2] =	wrdreg s4  }
0xaf: {  	[dreg:$0x3] =	wrdreg s6  }
0xb0: {  	[dreg:$0x4] =	wrdreg $0xC0  }
0xb1: {  	_ =	task [dreg:s8], $0x5FFFF  }
0xb2: {  	[dreg:$0x1] =	wrdreg $0xFFFFFFFF  }
0xb3: {  	[dreg:$0x0] =	wrdreg $0x60  }
0xb4: {  	[dreg:$0x2] =	wrdreg s17  }
0xb5: {  	[dreg:$0x3] =	wrdreg s16  }
0xb6: {  	[dreg:$0x4] =	wrdreg s24  }
0xb7: {  	[dreg:$0x5] =	wrdreg $0x0  }
0xb8: {  	[dreg:$0x6] =	wrdreg $0x9  }
0xb9: {  	_ =	task.clear_ibuf [dreg:s8], $0x7FFFF;
	_ =	strace $0x9000004F  }
0xba: {  	s29 =	simm.s32 $0x9;
	_ =	strace $0x80000051  }
0xbb: {  	_ =	swait.ge [sflag:s29], $0x1  }
0xbc: {  	[sflag:s29] =	ssyncadd.s32 $0xFFFFFFFF  }
0xbd: {  	_ =	strace $0x90000051  }
0xbe: {  	_ =	sfence  }
0xbf: {  	s30 =	sld [smem:$0x0];
	_ =	sdelay $0x2  }
0xc0: {  	s31 =	sshll.u32 s1, $0xD;
	s1 =	sshrl.u32 s1, $0x2  }
0xc1: {  	s3 =	sand.u32 $0x4000, s31;
	s1 =	sadd.s32 s1, s30  }
0xc2: {  	s0 =	sor.u32 s3, s0;
	s1 =	sshll.u32 s1, $0x11  }
0xc3: {  	s0 =	sor.u32 s1, s0  }
0xc4: {  	s0 =	sadd.s32 $0x8F2B, s0  }
0xc5: {  	[sflag:s0] =	ssyncadd.remote.s32 $0x1  }
0xc6: {  	_ =	sfence.sel $0xFFFF  }
0xc7: {  	[dreg:$0x0] =	wrdreg $0xFFFFFFFF;
	(pc) =	sbr.abs _section_cstart, $3  }
0xc8: {  	[dreg:$0x1] =	wrdreg $0xFFFFFFFF  }
0xc9: {  	_ =	task.clear_ibuf [dreg:s8], $0x2FFFF;
	_ =	strace $0x9FFFFFFF  }
0xca: {  	(tm) =	ssettm $0x7FFFFFFF  }
0xcb: {  	_ =	shalt  }
tec
execute0_lowered:
.L_overlay_start_1:
0x0: {  	(tag) =	ssettag $0x1  }
0x1: {  	s0 =	rddreg [dreg:$0x0]  }
0x2: {  	s1 =	rddreg [dreg:$0x1]  }
0x3: {  	s2 =	srdreg.scid;
	s4 =	rddreg [dreg:$0x2]  }
0x4: {  	s10 =	stileid.u32;
	s3 =	rddreg [dreg:$0x3];
	s16 =	simm.s32 $0x0  }
0x5: {  	s29 =	simm.s32 $0x13D30;
	s13 =	simm.s32 $0xB;
	s5 =	smul.u32 $0x271, s10  }
0x6: {  	s28 =	simm.s32 $0x11;
	s31 =	simm.s32 $0x8;
	s6 =	smul.u32 $0x4E200, s10  }
0x7: {  	s14 =	simm.s32 $0x13;
	s2 =	sand.u32 $0x1, s2;
	s9 =	smul.u32 $0x2710, s10  }
0x8: {  	[smem:$0x7FF] =	sst s16;
	s15 =	sshll.u32 s10, $0x6;
	s30 =	smul.u32 $0x4E2, s10  }
0x9: {  	s8 =	smul.u32 $0x2710, s2;
	_ =	strace $0x80000050;
	s2 =	ssub.s32 $0x2, s2  }
0xa: {  	[dreg:$0x7] =	wrdreg s15;
	s7 =	sshrl.u32 s2, $0x1;
	s6 =	sshrl.u32 s6, $0x2  }
0xb: {  	s17 =	sadd.s32 $0x28, s9;
	s18 =	sshrl.u32 s9, $0x3;
	s19 =	sadd.s32 $0x78, s9  }
0xc: {  	s20 =	sadd.s32 $0xC8, s9;
	s22 =	sadd.s32 $0x118, s9;
	s25 =	sadd.s32 $0x168, s9  }
0xd: {  	s9 =	simm.s32 $0x10;
	s5 =	sadd.s32 s5, s8;
	s2 =	ssub.s32 s2, s7  }
0xe: {  	s6 =	sadd.s32 s6, s3;
	s7 =	sor.u32 $0x1C01, s15;
	s11 =	sadd.s32 s1, s18  }
0xf: {  	s21 =	sshrl.u32 s20, $0x3;
	s23 =	sshrl.u32 s22, $0x3;
	s20 =	sadd.s32 s30, s1  }
0x10: {  	s22 =	simm.s32 $0x28;
	s15 =	simm.s32 $0xD;
	[dreg:$0x8] =	wrdreg s7  }
0x11: {  	s18 =	simm.s32 $0xA;
	s7 =	sadd.s32 $0xA, s11;
	[dreg:$0xa] =	wrdreg s11  }
0x12: {  	s5 =	sshll.u32 s5, $0x4;
	s12 =	sadd.s32 $0x14, s11;
	[dreg:$0xb] =	wrdreg s7  }
0x13: {  	s24 =	sadd.s32 $0x1E, s11;
	s26 =	sadd.s32 $0x28, s11;
	[dreg:$0xd] =	wrdreg s12  }
0x14: {  	s2 =	smax.u32 s2, $0x1;
	s10 =	sshrl.u32 s6, $0x3;
	[dreg:$0xf] =	wrdreg s24  }
0x15: {  	s11 =	simm.s32 $0x5;
	s6 =	simm.s32 $0x9;
	[dreg:$0x11] =	wrdreg s26  }
0x16: {  	s4 =	sadd.s32 s5, s4;
	s5 =	sadd.s32 s0, s5;
	[dreg:$0x14] =	wrdreg s2  }
0x17: {  	s24 =	simm.s32 $0x1;
	[dreg:$0x6] =	wrdreg s5;
	s5 =	sshrl.u32 s17, $0x3  }
0x18: {  	s12 =	simm.s32 $0x18D30;
	[dreg:$0x15] =	wrdreg s10;
	s5 =	sadd.s32 s1, s5  }
0x19: {  	s4 =	sadd.s32 $0x51800, s4;
	[dreg:$0x9] =	wrdreg s5;
	s5 =	sshrl.u32 s19, $0x3  }
0x1a: {  	s7 =	simm.s32 $0x17930;
	[dreg:$0x13] =	wrdreg s4;
	s5 =	sadd.s32 s1, s5  }
.Ltmp0:
0x1b: {  	[dreg:$0xc] =	wrdreg s5;
	s5 =	sadd.s32 s1, s21;
	(pc) =	sbr.rel .LBB2_1-.Ltmp0, $4  }
0x1c: {  	s17 =	simm.s32 $0xF;
	[dreg:$0xe] =	wrdreg s5;
	s5 =	sadd.s32 s1, s23  }
0x1d: {  	s4 =	simm.s32 $0x7;
	[dreg:$0x10] =	wrdreg s5;
	s5 =	sshrl.u32 s25, $0x3  }
0x1e: {  	s19 =	simm.s32 $0x6;
	s21 =	simm.s32 $0x14;
	s5 =	sadd.s32 s1, s5  }
0x1f: {  	v0 =	vmov s8;
	s25 =	simm.s32 $0x12;
	[dreg:$0x12] =	wrdreg s5;
	s5 =	simm.s32 $0x16530  }
.LBB2_4:
0x20: {  	_ =	swait.ge [sflag:s9], $0x1400  }
0x21: {  	[sflag:s9] =	ssyncset.done $0x0  }
0x22: {  	[sflag:s9] =	ssyncadd.s32 $0xFFFFEC00  }
0x23: {  	_ =	swait.ge [sflag:s28], $0x1400  }
0x24: {  	[sflag:s28] =	ssyncset.done $0x0  }
0x25: {  	[sflag:s28] =	ssyncadd.s32 $0xFFFFEC00  }
0x26: {  	_ =	swait.ge [sflag:s25], $0x1400  }
0x27: {  	[sflag:s25] =	ssyncset.done $0x0  }
0x28: {  	[sflag:s25] =	ssyncadd.s32 $0xFFFFEC00  }
0x29: {  	_ =	swait.ge [sflag:s14], $0x1400  }
0x2a: {  	[sflag:s14] =	ssyncset.done $0x0  }
0x2b: {  	[sflag:s14] =	ssyncadd.s32 $0xFFFFEC00  }
0x2c: {  	_ =	swait.ge [sflag:s21], $0x1400  }
0x2d: {  	[sflag:s21] =	ssyncset.done $0x0  }
0x2e: {  	[sflag:s21] =	ssyncadd.s32 $0xFFFFEC00  }
0x2f: {  	[bflag:$0x0] =	sbarrier.arrive $0xFFFF  }
0x30: {  	s2 =	rddreg [dreg:$0x7]  }
0x31: {  	s8 =	rddreg [dreg:$0x13]  }
0x32: {  	s1 =	simm.s32 $0x15;
	s10 =	rddreg [dreg:$0x15];
	s2 =	sor.u32 $0x1C15, s2  }
0x33: {  	[hbm:s8], [sflag:s2] =	dma.local [spmem:s10], $0x2710  }
0x34: {  	_ =	swait.ge [sflag:s1], $0x2710  }
0x35: {  	s16 =	rddreg [dreg:$0x5]  }
0x36: {  	s30 =	rddreg [dreg:$0x14];
	s16 =	sadd.s32 $0x1, s16  }
0x37: {  	p0 =	sne.s32 s16, s30  }
.Ltmp1:
0x38: {  	_ = 	snop;
	(pc) =	sbr.rel @!p0 .LBB2_5-.Ltmp1, $3  }
0x39: {  	_ =	sdelay $0x1  }
0x3a: {  	[sflag:s1] =	ssyncset.done $0x0  }
0x3b: {  	[sflag:s1] =	ssyncadd.s32 $0xFFFFD8F0  }
.LBB2_1:
0x3c: {  	[dreg:$0x5] =	wrdreg s16  }
0x3d: {  	s2 =	rddreg [dreg:$0x6]  }
0x3e: {  	s8 =	rddreg [dreg:$0x8]  }
0x3f: {  	[spmem:s10], [sflag:s8] =	dma.local [hbm:s2], $0x2710  }
0x40: {  	s26 =	simm.s32 $0x138D0;
	s8 =	simm.s32 $0x27100;
	s2 =	rddreg [dreg:$0x9]  }
0x41: {  	[tilespmem:s26], [sflag:$0x2] =	stream.strided.gather [hbm4b:s2+s22], $0x50, s8, s22, $0x38;
	[tilespmem:$0x1A130] =	vst v63  }
0x42: {  	s1 =	simm.s32 $0x13920;
	s30 =	rddreg [dreg:$0xb]  }
0x43: {  	[tilespmem:s1], [sflag:$0x3] =	stream.strided.gather [hbm4b:s30+s22], $0x50, s8, s22, $0x38;
	[tilespmem:$0x1A130] =	vst v63  }
0x44: {  	s16 =	simm.s32 $0x13970;
	s10 =	rddreg [dreg:$0xc]  }
0x45: {  	[tilespmem:s16], [sflag:$0x4] =	stream.strided.gather [hbm4b:s10+s22], $0x50, s8, s22, $0x38;
	[tilespmem:$0x1A130] =	vst v63  }
0x46: {  	s23 =	rddreg [dreg:$0xd];
	s26 =	simm.s32 $0x139C0  }
0x47: {  	[tilespmem:s26], [sflag:$0x5] =	stream.strided.gather [hbm4b:s23+s22], $0x50, s8, s22, $0x38;
	[tilespmem:$0x1A130] =	vst v63  }
0x48: {  	s30 =	rddreg [dreg:$0xe];
	s1 =	simm.s32 $0x13A10  }
0x49: {  	[tilespmem:s1], [sflag:$0x6] =	stream.strided.gather [hbm4b:s30+s22], $0x50, s8, s22, $0x38;
	[tilespmem:$0x1A130] =	vst v63  }
0x4a: {  	s10 =	rddreg [dreg:$0xf];
	s16 =	simm.s32 $0x13A60  }
0x4b: {  	[tilespmem:s16], [sflag:$0x7] =	stream.strided.gather [hbm4b:s10+s22], $0x50, s8, s22, $0x38;
	[tilespmem:$0x1A130] =	vst v63  }
0x4c: {  	s23 =	rddreg [dreg:$0x10];
	s26 =	simm.s32 $0x13AB0  }
0x4d: {  	[tilespmem:s26], [sflag:$0x8] =	stream.strided.gather [hbm4b:s23+s22], $0x50, s8, s22, $0x38;
	[tilespmem:$0x1A130] =	vst v63  }
0x4e: {  	s30 =	rddreg [dreg:$0x11];
	s1 =	simm.s32 $0x13B00  }
0x4f: {  	[tilespmem:s1], [sflag:$0x9] =	stream.strided.gather [hbm4b:s30+s22], $0x50, s8, s22, $0x38;
	[tilespmem:$0x1A130] =	vst v63  }
0x50: {  	s16 =	rddreg [dreg:$0x12];
	s23 =	simm.s32 $0x13B50  }
0x51: {  	[tilespmem:s23], [sflag:$0xA] =	stream.strided.gather [hbm4b:s16+s22], $0x50, s8, s22, $0x38;
	[tilespmem:$0x1A130] =	vst v63  }
0x52: {  	_ =	swait.ge [sflag:s24], $0x2710  }
0x53: {  	[sflag:s24] =	ssyncset.done $0x0  }
0x54: {  	s30 =	simm.s32 $0x13880;
	s26 =	rddreg [dreg:$0xa];
	[sflag:s24] =	ssyncadd.s32 $0xFFFFD8F0  }
0x55: {  	[tilespmem:s30], [sflag:$0x1] =	stream.strided.gather [hbm4b:s26+s22], $0x50, s8, s22, $0x38;
	[tilespmem:$0x1A130] =	vst v63  }
0x56: {  	s8 =	simm.s32 $0x0;
	[bflag:$0x0] =	sbarrier.arrive $0xFFFF  }
.LBB2_2:
0x57: {  	_ =	swait.ge [sflag:s24], $0x50  }
0x58: {  	[sflag:s24] =	ssyncset.done $0x0  }
0x59: {  	[sflag:s24] =	ssyncadd.s32 $0xFFFFFFB0  }
0x5a: {  	v1 =	vld [tilespmem:$0x13880]  }
0x5b: {  	v2 =	vld [tilespmem:$0x13890]  }
0x5c: {  	v3 =	vld [tilespmem:$0x13898];
	_ =	sdelay $0x2  }
0x5d: {  	v1 =	vadd.s32 v0, v1  }
0x5e: {  	[tilespmem:$0x13BA0] =	vst v1;
	v1 =	vadd.s32 v0, v2  }
0x5f: {  	p0 =	seq.s32 s8, $0x0;
	[tilespmem:$0x13BB0] =	vst v1;
	v1 =	vadd.s32 v0, v3  }
0x60: {  	s16 =	simm.s32 @!p0 $0x10;
	[tilespmem:$0x13BB8] =	vst v1  }
0x61: {  	_ =	swait.ge @!p0 [sflag:s16], $0x1400  }
0x62: {  	[sflag:s16] =	ssyncset.done @!p0 $0x0  }
0x63: {  	s2 =	simm.s32 $0x13BA0;
	[sflag:s16] =	ssyncadd.s32 @!p0 $0xFFFFEC00;
	s16 =	simm.s32 $0x2  }
0x64: {  	[tilespmem:s29], [sflag:$0xB] =	stream.indirect.gather [hbm4b:s0+s22], $0x80, s2, s22, $0xb8;
	[tilespmem:$0x1A130] =	vst v63  }
0x65: {  	_ =	swait.ge [sflag:s16], $0x50  }
0x66: {  	[sflag:s16] =	ssyncset.done $0x0  }
0x67: {  	[sflag:s16] =	ssyncadd.s32 $0xFFFFFFB0  }
0x68: {  	v1 =	vld [tilespmem:$0x138D0]  }
0x69: {  	v2 =	vld [tilespmem:$0x138E0]  }
0x6a: {  	v3 =	vld [tilespmem:$0x138E8];
	_ =	sdelay $0x2  }
0x6b: {  	v1 =	vadd.s32 v0, v1  }
0x6c: {  	[tilespmem:$0x13BC8] =	vst v1;
	v1 =	vadd.s32 v0, v2  }
0x6d: {  	[tilespmem:$0x13BD8] =	vst v1;
	v1 =	vadd.s32 v0, v3  }
0x6e: {  	s16 =	simm.s32 @!p0 $0x11;
	[tilespmem:$0x13BE0] =	vst v1  }
0x6f: {  	_ =	swait.ge @!p0 [sflag:s16], $0x1400  }
0x70: {  	s23 =	simm.s32 $0x13BC8;
	[sflag:s16] =	ssyncset.done @!p0 $0x0  }
0x71: {  	s1 =	simm.s32 $0x15130;
	s26 =	simm.s32 $0x3;
	[sflag:s16] =	ssyncadd.s32 @!p0 $0xFFFFEC00  }
0x72: {  	[tilespmem:s1], [sflag:$0xC] =	stream.indirect.gather [hbm4b:s0+s22], $0x80, s23, s22, $0xb8;
	[tilespmem:$0x1A130] =	vst v63  }
0x73: {  	_ =	swait.ge [sflag:s26], $0x50  }
0x74: {  	[sflag:s26] =	ssyncset.done $0x0  }
0x75: {  	[sflag:s26] =	ssyncadd.s32 $0xFFFFFFB0  }
0x76: {  	v1 =	vld [tilespmem:$0x13920]  }
0x77: {  	v2 =	vld [tilespmem:$0x13930]  }
0x78: {  	v3 =	vld [tilespmem:$0x13938];
	_ =	sdelay $0x2  }
0x79: {  	v1 =	vadd.s32 v0, v1  }
0x7a: {  	[tilespmem:$0x13BF0] =	vst v1;
	v1 =	vadd.s32 v0, v2  }
0x7b: {  	[tilespmem:$0x13C00] =	vst v1;
	v1 =	vadd.s32 v0, v3  }
0x7c: {  	s16 =	simm.s32 @!p0 $0x12;
	[tilespmem:$0x13C08] =	vst v1  }
0x7d: {  	_ =	swait.ge @!p0 [sflag:s16], $0x1400  }
0x7e: {  	[sflag:s16] =	ssyncset.done @!p0 $0x0  }
0x7f: {  	s30 =	simm.s32 $0x13BF0;
	s10 =	simm.s32 $0x4;
	[sflag:s16] =	ssyncadd.s32 @!p0 $0xFFFFEC00  }
0x80: {  	[tilespmem:s5], [sflag:$0xD] =	stream.indirect.gather [hbm4b:s0+s22], $0x80, s30, s22, $0xb8;
	[tilespmem:$0x1A130] =	vst v63  }
0x81: {  	_ =	swait.ge [sflag:s10], $0x50  }
0x82: {  	[sflag:s10] =	ssyncset.done $0x0  }
0x83: {  	[sflag:s10] =	ssyncadd.s32 $0xFFFFFFB0  }
0x84: {  	v1 =	vld [tilespmem:$0x13970]  }
0x85: {  	v2 =	vld [tilespmem:$0x13980]  }
0x86: {  	v3 =	vld [tilespmem:$0x13988];
	_ =	sdelay $0x2  }
0x87: {  	v1 =	vadd.s32 v0, v1  }
0x88: {  	[tilespmem:$0x13C18] =	vst v1;
	v1 =	vadd.s32 v0, v2  }
0x89: {  	[tilespmem:$0x13C28] =	vst v1;
	v1 =	vadd.s32 v0, v3  }
0x8a: {  	s16 =	simm.s32 @!p0 $0x13;
	[tilespmem:$0x13C30] =	vst v1  }
0x8b: {  	_ =	swait.ge @!p0 [sflag:s16], $0x1400  }
0x8c: {  	[sflag:s16] =	ssyncset.done @!p0 $0x0  }
0x8d: {  	[sflag:s16] =	ssyncadd.s32 @!p0 $0xFFFFEC00;
	s16 =	simm.s32 $0x13C18  }
0x8e: {  	[tilespmem:s7], [sflag:$0xE] =	stream.indirect.gather [hbm4b:s0+s22], $0x80, s16, s22, $0xb8;
	[tilespmem:$0x1A130] =	vst v63  }
0x8f: {  	_ =	swait.ge [sflag:s11], $0x50  }
0x90: {  	[sflag:s11] =	ssyncset.done $0x0  }
0x91: {  	[sflag:s11] =	ssyncadd.s32 $0xFFFFFFB0  }
0x92: {  	v1 =	vld [tilespmem:$0x139C0]  }
0x93: {  	v2 =	vld [tilespmem:$0x139D0]  }
0x94: {  	v3 =	vld [tilespmem:$0x139D8];
	_ =	sdelay $0x2  }
0x95: {  	v1 =	vadd.s32 v0, v1  }
0x96: {  	[tilespmem:$0x13C40] =	vst v1;
	v1 =	vadd.s32 v0, v2  }
0x97: {  	[tilespmem:$0x13C50] =	vst v1;
	v1 =	vadd.s32 v0, v3  }
0x98: {  	s16 =	simm.s32 @!p0 $0x14;
	[tilespmem:$0x13C58] =	vst v1  }
0x99: {  	_ =	swait.ge @!p0 [sflag:s16], $0x1400  }
0x9a: {  	[sflag:s16] =	ssyncset.done @!p0 $0x0  }
0x9b: {  	s23 =	simm.s32 $0x13C40;
	[sflag:s16] =	ssyncadd.s32 @!p0 $0xFFFFEC00  }
0x9c: {  	[tilespmem:s12], [sflag:$0xF] =	stream.indirect.gather [hbm4b:s0+s22], $0x80, s23, s22, $0xb8;
	[tilespmem:$0x1A130] =	vst v63  }
0x9d: {  	_ =	swait.ge [sflag:s13], $0x1400  }
0x9e: {  	[sflag:s13] =	ssyncset.done $0x0  }
0x9f: {  	s26 =	simm.s32 $0x138A8;
	s16 =	simm.s32 @p0 $0xC;
	[sflag:s13] =	ssyncadd.s32 $0xFFFFEC00  }
0xa0: {  	[spmem:s3] =	stream.indirect.scatter.add.f32 [tilespmem:s29], [sflag:$0x10], $0x80, s26, s22, $0xb8;
	[tilespmem:$0x1A130] =	vst v63  }
0xa1: {  	_ =	swait.ge @p0 [sflag:s16], $0x1400  }
0xa2: {  	s23 =	simm.s32 @p0 $0x15130;
	[sflag:s16] =	ssyncset.done @p0 $0x0  }
0xa3: {  	s26 =	simm.s32 @p0 $0x138F8;
	[sflag:s16] =	ssyncadd.s32 @p0 $0xFFFFEC00;
	s16 =	simm.s32 @p0 $0x28  }
0xa4: {  	[spmem:s3] =	stream.indirect.scatter.add.f32 @p0 [tilespmem:s23], [sflag:$0x11], $0x80, s26, s16, $0xb8;
	[tilespmem:$0x1A130] =	vst v63  }
0xa5: {  	s2 =	simm.s32 @!p0 $0x28;
	s23 =	sadd.s32 @!p0 s8, s20  }
0xa6: {  	s30 =	simm.s32 @!p0 $0x13A10;
	s10 =	simm.s32 @!p0 $0x27100;
	s26 =	sadd.s32 @!p0 $0x19, s23  }
0xa7: {  	[tilespmem:s30], [sflag:$0x6] =	stream.strided.gather @!p0 [hbm4b:s26+s2], $0x50, s10, s2, $0x38;
	[tilespmem:$0x1A130] =	vst v63  }
0xa8: {  	s26 =	simm.s32 @!p0 $0xC  }
0xa9: {  	_ =	swait.ge @!p0 [sflag:s26], $0x1400  }
0xaa: {  	[sflag:s26] =	ssyncset.done @!p0 $0x0  }
0xab: {  	s30 =	simm.s32 @!p0 $0x15130;
	[sflag:s26] =	ssyncadd.s32 @!p0 $0xFFFFEC00;
	s26 =	simm.s32 @!p0 $0x138F8  }
0xac: {  	[spmem:s3] =	stream.indirect.scatter.add.f32 @!p0 [tilespmem:s30], [sflag:$0x11], $0x80, s26, s2, $0xb8;
	[tilespmem:$0x1A130] =	vst v63  }
0xad: {  	s26 =	sadd.s32 @!p0 $0x1E, s23;
	s30 =	simm.s32 @!p0 $0x13A60  }
0xae: {  	[tilespmem:s30], [sflag:$0x7] =	stream.strided.gather @!p0 [hbm4b:s26+s2], $0x50, s10, s2, $0x38;
	[tilespmem:$0x1A130] =	vst v63  }
0xaf: {  	_ =	swait.ge [sflag:s15], $0x1400  }
0xb0: {  	[sflag:s15] =	ssyncset.done $0x0  }
0xb1: {  	s30 =	simm.s32 $0x13948;
	s26 =	simm.s32 @p0 $0xE;
	[sflag:s15] =	ssyncadd.s32 $0xFFFFEC00  }
0xb2: {  	[spmem:s3] =	stream.indirect.scatter.add.f32 [tilespmem:s5], [sflag:$0x12], $0x80, s30, s22, $0xb8;
	[tilespmem:$0x1A130] =	vst v63  }
0xb3: {  	_ =	swait.ge @p0 [sflag:s26], $0x1400  }
0xb4: {  	[sflag:s26] =	ssyncset.done @p0 $0x0  }
0xb5: {  	s30 =	simm.s32 @p0 $0x17930;
	[sflag:s26] =	ssyncadd.s32 @p0 $0xFFFFEC00;
	s26 =	simm.s32 @p0 $0x13998  }
0xb6: {  	[spmem:s3] =	stream.indirect.scatter.add.f32 @p0 [tilespmem:s30], [sflag:$0x13], $0x80, s26, s16, $0xb8;
	[tilespmem:$0x1A130] =	vst v63  }
0xb7: {  	s16 =	sadd.s32 @!p0 $0x23, s23;
	s26 =	simm.s32 @!p0 $0x13AB0  }
0xb8: {  	[tilespmem:s26], [sflag:$0x8] =	stream.strided.gather @!p0 [hbm4b:s16+s2], $0x50, s10, s2, $0x38;
	[tilespmem:$0x1A130] =	vst v63  }
0xb9: {  	s16 =	simm.s32 @!p0 $0xE  }
0xba: {  	_ =	swait.ge @!p0 [sflag:s16], $0x1400  }
0xbb: {  	[sflag:s16] =	ssyncset.done @!p0 $0x0  }
0xbc: {  	s26 =	simm.s32 @!p0 $0x17930;
	[sflag:s16] =	ssyncadd.s32 @!p0 $0xFFFFEC00;
	s16 =	simm.s32 @!p0 $0x13998  }
0xbd: {  	[spmem:s3] =	stream.indirect.scatter.add.f32 @!p0 [tilespmem:s26], [sflag:$0x13], $0x80, s16, s2, $0xb8;
	[tilespmem:$0x1A130] =	vst v63  }
0xbe: {  	s16 =	sadd.s32 @!p0 $0x28, s23;
	s26 =	simm.s32 @!p0 $0x13B00  }
0xbf: {  	[tilespmem:s26], [sflag:$0x9] =	stream.strided.gather @!p0 [hbm4b:s16+s2], $0x50, s10, s2, $0x38;
	[tilespmem:$0x1A130] =	vst v63  }
0xc0: {  	_ =	swait.ge [sflag:s17], $0x1400  }
0xc1: {  	[sflag:s17] =	ssyncset.done $0x0  }
0xc2: {  	s30 =	simm.s32 $0x139E8;
	[sflag:s17] =	ssyncadd.s32 $0xFFFFEC00  }
0xc3: {  	[spmem:s3] =	stream.indirect.scatter.add.f32 [tilespmem:s12], [sflag:$0x14], $0x80, s30, s22, $0xb8;
	[tilespmem:$0x1A130] =	vst v63  }
0xc4: {  	s16 =	sadd.s32 @!p0 $0x2D, s23;
	s23 =	simm.s32 @!p0 $0x13B50  }
0xc5: {  	[tilespmem:s23], [sflag:$0xA] =	stream.strided.gather @!p0 [hbm4b:s16+s2], $0x50, s10, s2, $0x38;
	[tilespmem:$0x1A130] =	vst v63  }
0xc6: {  	_ =	swait.ge [sflag:s19], $0x50  }
0xc7: {  	[sflag:s19] =	ssyncset.done $0x0  }
0xc8: {  	[sflag:s19] =	ssyncadd.s32 $0xFFFFFFB0  }
0xc9: {  	v1 =	vld [tilespmem:$0x13A10]  }
0xca: {  	v2 =	vld [tilespmem:$0x13A20]  }
0xcb: {  	v3 =	vld [tilespmem:$0x13A28];
	_ =	sdelay $0x2  }
0xcc: {  	v1 =	vadd.s32 v0, v1  }
0xcd: {  	[tilespmem:$0x13C68] =	vst v1;
	v1 =	vadd.s32 v0, v2  }
0xce: {  	[tilespmem:$0x13C78] =	vst v1;
	v1 =	vadd.s32 v0, v3  }
0xcf: {  	[tilespmem:$0x13C80] =	vst v1  }
0xd0: {  	_ =	swait.ge [sflag:s9], $0x1400  }
0xd1: {  	[sflag:s9] =	ssyncset.done $0x0  }
0xd2: {  	s16 =	simm.s32 $0x13C68;
	[sflag:s9] =	ssyncadd.s32 $0xFFFFEC00  }
0xd3: {  	[tilespmem:s29], [sflag:$0xB] =	stream.indirect.gather [hbm4b:s0+s22], $0x80, s16, s22, $0xb8;
	[tilespmem:$0x1A130] =	vst v63  }
0xd4: {  	_ =	swait.ge [sflag:s4], $0x50  }
0xd5: {  	[sflag:s4] =	ssyncset.done $0x0  }
0xd6: {  	[sflag:s4] =	ssyncadd.s32 $0xFFFFFFB0  }
0xd7: {  	v1 =	vld [tilespmem:$0x13A60]  }
0xd8: {  	v2 =	vld [tilespmem:$0x13A70]  }
0xd9: {  	v3 =	vld [tilespmem:$0x13A78];
	_ =	sdelay $0x2  }
0xda: {  	v1 =	vadd.s32 v0, v1  }
0xdb: {  	[tilespmem:$0x13C90] =	vst v1;
	v1 =	vadd.s32 v0, v2  }
0xdc: {  	[tilespmem:$0x13CA0] =	vst v1;
	v1 =	vadd.s32 v0, v3  }
0xdd: {  	[tilespmem:$0x13CA8] =	vst v1  }
0xde: {  	_ =	swait.ge [sflag:s28], $0x1400  }
0xdf: {  	[sflag:s28] =	ssyncset.done $0x0  }
0xe0: {  	s23 =	simm.s32 $0x13C90;
	[sflag:s28] =	ssyncadd.s32 $0xFFFFEC00  }
0xe1: {  	[tilespmem:s1], [sflag:$0xC] =	stream.indirect.gather [hbm4b:s0+s22], $0x80, s23, s22, $0xb8;
	[tilespmem:$0x1A130] =	vst v63  }
0xe2: {  	_ =	swait.ge [sflag:s31], $0x50  }
0xe3: {  	[sflag:s31] =	ssyncset.done $0x0  }
0xe4: {  	[sflag:s31] =	ssyncadd.s32 $0xFFFFFFB0  }
0xe5: {  	v1 =	vld [tilespmem:$0x13AB0]  }
0xe6: {  	v2 =	vld [tilespmem:$0x13AC0]  }
0xe7: {  	v3 =	vld [tilespmem:$0x13AC8];
	_ =	sdelay $0x2  }
0xe8: {  	v1 =	vadd.s32 v0, v1  }
0xe9: {  	[tilespmem:$0x13CB8] =	vst v1;
	v1 =	vadd.s32 v0, v2  }
0xea: {  	[tilespmem:$0x13CC8] =	vst v1;
	v1 =	vadd.s32 v0, v3  }
0xeb: {  	[tilespmem:$0x13CD0] =	vst v1  }
0xec: {  	_ =	swait.ge [sflag:s25], $0x1400  }
0xed: {  	[sflag:s25] =	ssyncset.done $0x0  }
0xee: {  	s26 =	simm.s32 $0x13CB8;
	[sflag:s25] =	ssyncadd.s32 $0xFFFFEC00  }
0xef: {  	[tilespmem:s5], [sflag:$0xD] =	stream.indirect.gather [hbm4b:s0+s22], $0x80, s26, s22, $0xb8;
	[tilespmem:$0x1A130] =	vst v63  }
0xf0: {  	_ =	swait.ge [sflag:s6], $0x50  }
0xf1: {  	[sflag:s6] =	ssyncset.done $0x0  }
0xf2: {  	[sflag:s6] =	ssyncadd.s32 $0xFFFFFFB0  }
0xf3: {  	v1 =	vld [tilespmem:$0x13B00]  }
0xf4: {  	v2 =	vld [tilespmem:$0x13B10]  }
0xf5: {  	v3 =	vld [tilespmem:$0x13B18];
	_ =	sdelay $0x2  }
0xf6: {  	v1 =	vadd.s32 v0, v1  }
0xf7: {  	[tilespmem:$0x13CE0] =	vst v1;
	v1 =	vadd.s32 v0, v2  }
0xf8: {  	[tilespmem:$0x13CF0] =	vst v1;
	v1 =	vadd.s32 v0, v3  }
0xf9: {  	[tilespmem:$0x13CF8] =	vst v1  }
0xfa: {  	_ =	swait.ge [sflag:s14], $0x1400  }
0xfb: {  	[sflag:s14] =	ssyncset.done $0x0  }
0xfc: {  	s30 =	simm.s32 $0x13CE0;
	[sflag:s14] =	ssyncadd.s32 $0xFFFFEC00  }
0xfd: {  	[tilespmem:s7], [sflag:$0xE] =	stream.indirect.gather [hbm4b:s0+s22], $0x80, s30, s22, $0xb8;
	[tilespmem:$0x1A130] =	vst v63  }
0xfe: {  	_ =	swait.ge [sflag:s18], $0x50  }
0xff: {  	[sflag:s18] =	ssyncset.done $0x0  }
0x100: {  	[sflag:s18] =	ssyncadd.s32 $0xFFFFFFB0  }
0x101: {  	v1 =	vld [tilespmem:$0x13B50]  }
0x102: {  	v2 =	vld [tilespmem:$0x13B60]  }
0x103: {  	v3 =	vld [tilespmem:$0x13B68];
	_ =	sdelay $0x2  }
0x104: {  	v1 =	vadd.s32 v0, v1  }
0x105: {  	[tilespmem:$0x13D08] =	vst v1;
	v1 =	vadd.s32 v0, v2  }
0x106: {  	[tilespmem:$0x13D18] =	vst v1;
	v1 =	vadd.s32 v0, v3  }
0x107: {  	[tilespmem:$0x13D20] =	vst v1  }
0x108: {  	_ =	swait.ge [sflag:s21], $0x1400  }
0x109: {  	[sflag:s21] =	ssyncset.done $0x0  }
0x10a: {  	s2 =	simm.s32 $0x13D08;
	[sflag:s21] =	ssyncadd.s32 $0xFFFFEC00  }
0x10b: {  	[tilespmem:s12], [sflag:$0xF] =	stream.indirect.gather [hbm4b:s0+s22], $0x80, s2, s22, $0xb8;
	[tilespmem:$0x1A130] =	vst v63  }
0x10c: {  	_ =	swait.ge [sflag:s13], $0x1400  }
0x10d: {  	p0 =	seq.s32 s8, $0x4B0;
	[sflag:s13] =	ssyncset.done $0x0  }
0x10e: {  	s10 =	simm.s32 $0x13A38;
	s2 =	simm.s32 @p0 $0xC;
	[sflag:s13] =	ssyncadd.s32 $0xFFFFEC00  }
0x10f: {  	[spmem:s3] =	stream.indirect.scatter.add.f32 [tilespmem:s29], [sflag:$0x10], $0x80, s10, s22, $0xb8;
	[tilespmem:$0x1A130] =	vst v63  }
0x110: {  	_ =	swait.ge @p0 [sflag:s2], $0x1400  }
0x111: {  	s16 =	simm.s32 @p0 $0x15130;
	[sflag:s2] =	ssyncset.done @p0 $0x0  }
0x112: {  	s10 =	simm.s32 @p0 $0x13A88;
	[sflag:s2] =	ssyncadd.s32 @p0 $0xFFFFEC00;
	s2 =	simm.s32 @p0 $0x28  }
0x113: {  	[spmem:s3] =	stream.indirect.scatter.add.f32 @p0 [tilespmem:s16], [sflag:$0x11], $0x80, s10, s2, $0xb8;
	[tilespmem:$0x1A130] =	vst v63  }
0x114: {  	s23 =	simm.s32 @!p0 $0x28;
	s10 =	sadd.s32 @!p0 s8, s20  }
0x115: {  	s26 =	simm.s32 @!p0 $0x27100;
	s30 =	simm.s32 @!p0 $0x13880;
	s16 =	sadd.s32 @!p0 $0x32, s10  }
0x116: {  	[tilespmem:s30], [sflag:$0x1] =	stream.strided.gather @!p0 [hbm4b:s16+s23], $0x50, s26, s23, $0x38;
	[tilespmem:$0x1A130] =	vst v63  }
0x117: {  	s16 =	simm.s32 @!p0 $0xC  }
0x118: {  	_ =	swait.ge @!p0 [sflag:s16], $0x1400  }
0x119: {  	[sflag:s16] =	ssyncset.done @!p0 $0x0  }
0x11a: {  	s30 =	simm.s32 @!p0 $0x15130;
	[sflag:s16] =	ssyncadd.s32 @!p0 $0xFFFFEC00;
	s16 =	simm.s32 @!p0 $0x13A88  }
0x11b: {  	[spmem:s3] =	stream.indirect.scatter.add.f32 @!p0 [tilespmem:s30], [sflag:$0x11], $0x80, s16, s23, $0xb8;
	[tilespmem:$0x1A130] =	vst v63  }
0x11c: {  	s16 =	sadd.s32 @!p0 $0x37, s10;
	s30 =	simm.s32 @!p0 $0x138D0  }
0x11d: {  	[tilespmem:s30], [sflag:$0x2] =	stream.strided.gather @!p0 [hbm4b:s16+s23], $0x50, s26, s23, $0x38;
	[tilespmem:$0x1A130] =	vst v63  }
0x11e: {  	_ =	swait.ge [sflag:s15], $0x1400  }
0x11f: {  	[sflag:s15] =	ssyncset.done $0x0  }
0x120: {  	s16 =	simm.s32 $0x13AD8;
	[sflag:s15] =	ssyncadd.s32 $0xFFFFEC00  }
0x121: {  	[spmem:s3] =	stream.indirect.scatter.add.f32 [tilespmem:s5], [sflag:$0x12], $0x80, s16, s22, $0xb8;
	[tilespmem:$0x1A130] =	vst v63  }
0x122: {  	s16 =	simm.s32 @p0 $0xE  }
0x123: {  	_ =	swait.ge @p0 [sflag:s16], $0x1400  }
0x124: {  	[sflag:s16] =	ssyncset.done @p0 $0x0  }
0x125: {  	s30 =	simm.s32 @p0 $0x17930;
	[sflag:s16] =	ssyncadd.s32 @p0 $0xFFFFEC00;
	s16 =	simm.s32 @p0 $0x13B28  }
0x126: {  	[spmem:s3] =	stream.indirect.scatter.add.f32 @p0 [tilespmem:s30], [sflag:$0x13], $0x80, s16, s2, $0xb8;
	[tilespmem:$0x1A130] =	vst v63  }
0x127: {  	s2 =	sadd.s32 @!p0 $0x3C, s10;
	s16 =	simm.s32 @!p0 $0x13920  }
0x128: {  	[tilespmem:s16], [sflag:$0x3] =	stream.strided.gather @!p0 [hbm4b:s2+s23], $0x50, s26, s23, $0x38;
	[tilespmem:$0x1A130] =	vst v63  }
0x129: {  	s2 =	simm.s32 @!p0 $0xE  }
0x12a: {  	_ =	swait.ge @!p0 [sflag:s2], $0x1400  }
0x12b: {  	[sflag:s2] =	ssyncset.done @!p0 $0x0  }
0x12c: {  	s16 =	simm.s32 @!p0 $0x17930;
	[sflag:s2] =	ssyncadd.s32 @!p0 $0xFFFFEC00;
	s2 =	simm.s32 @!p0 $0x13B28  }
0x12d: {  	[spmem:s3] =	stream.indirect.scatter.add.f32 @!p0 [tilespmem:s16], [sflag:$0x13], $0x80, s2, s23, $0xb8;
	[tilespmem:$0x1A130] =	vst v63  }
0x12e: {  	s2 =	sadd.s32 @!p0 $0x41, s10;
	s10 =	simm.s32 @!p0 $0x13970  }
0x12f: {  	[tilespmem:s10], [sflag:$0x4] =	stream.strided.gather @!p0 [hbm4b:s2+s23], $0x50, s26, s23, $0x38;
	[tilespmem:$0x1A130] =	vst v63  }
.Ltmp2:
0x130: {  	_ = 	snop;
	(pc) =	sbr.rel @p0 .LBB2_4-.Ltmp2, $4  }
0x131: {  	_ =	swait.ge [sflag:s17], $0x1400  }
0x132: {  	[sflag:s17] =	ssyncset.done $0x0  }
0x133: {  	s30 =	simm.s32 $0x13B78;
	[sflag:s17] =	ssyncadd.s32 $0xFFFFEC00  }
0x134: {  	[spmem:s3] =	stream.indirect.scatter.add.f32 [tilespmem:s12], [sflag:$0x14], $0x80, s30, s22, $0xb8;
	[tilespmem:$0x1A130] =	vst v63  }
.Ltmp3:
0x135: {  	(pc) =	sbr.rel .LBB2_2-.Ltmp3, $4  }
0x136: {  	_ = 	snop  }
0x137: {  	s2 =	sadd.s32 s8, s20;
	s10 =	simm.s32 $0x27100  }
0x138: {  	s16 =	simm.s32 $0x139C0;
	s8 =	sadd.s32 $0x32, s8;
	s2 =	sadd.s32 $0x46, s2  }
0x139: {  	[tilespmem:s16], [sflag:$0x5] =	stream.strided.gather [hbm4b:s2+s22], $0x50, s10, s22, $0x38;
	[tilespmem:$0x1A130] =	vst v63  }
.LBB2_5:
0x13a: {  	_ =	sfence.sel $0x180000  }
0x13b: {  	[bflag:$0x0] =	sbarrier.arrive $0xFFFF  }
0x13c: {  	_ =	strace $0x90000050  }
0x13d: {  	s0 =	stileid.u32;
	[bflag:$0x2] =	sbarrier.arrive $0xFFFF  }
0x13e: {  	p0 =	sne.s32 s0, $0x0;
	s0 =	rddreg [dreg:$0x4]  }
0x13f: {  	s0 =	sadd.s32 @!p0 $0x100000, s0  }
0x140: {  	[sflag:s0] =	ssyncadd.tile.s32 @!p0 $0x1;
	_ =	shalt  }
.Lfunc_end2:
_tile_overlayer_lowered:
.L_overlay_start_2:
0x141: {  	(tag) =	ssettag $0x2  }
0x142: {  	s0 =	rddreg [dreg:$0x0];
	s2 =	stileid.u32  }
0x143: {  	s1 =	rddreg [dreg:$0x1];
	p0 =	sne.s32 s2, $0x0  }
0x144: {  	s3 =	rddreg [dreg:$0x2];
	[bflag:$0x3] =	sbarrier.arrive $0xFFFF;
	s2 =	simm.s32 @!p0 $0x1C15  }
0x145: {  	[timem:s3], [sflag:s2] =	dma.local @!p0 [hbm:s0], s1  }
0x146: {  	s0 =	simm.s32 @!p0 $0x15  }
0x147: {  	_ =	swait.ge @!p0 [sflag:s0], s1  }
0x148: {  	s1 =	ssub.s32 @!p0 $0x0, s1;
	[sflag:s0] =	ssyncset.done @!p0 $0x0  }
0x149: {  	[sflag:s0] =	ssyncadd.s32 @!p0 s1  }
0x14a: {  	[bflag:$0x3] =	sbarrier.arrive $0xFFFF  }
0x14b: {  	_ =	shalt  }

</sc_bundles>
